<compile_context>
chip_gen: v7x
topology: tpu7x:2x2x1
jax: 0.10.2.dev20260603
libtpu: 0.0.44.dev20260713+nightly
codegen_flags: <defaults>
</compile_context>

<pallas_src>
import jax
import jax.numpy as jnp
from jax import lax
from jax.experimental import pallas as pl
from jax.experimental.pallas import tpu as pltpu
from jax.experimental.pallas import tpu_sc as plsc

B = 16384
NUM = 13
CAT = 26
V = 100000
D = 64

NC = 2
NS = 16
NW = NC * NS

R_TOTAL = CAT * D

SEG = 33408
B1 = SEG
B2 = 2 * SEG
L2 = 33152
T0 = B2 + L2
TL = V - T0


def _sc_body(rbase, rpw, tab_hbm, catx_hbm, out_hbm,
             idx_v, segA, segB, tail_v, obE, obO, rsA, rsB, ts, wsE, wsO):
    npair = rpw // 2
    c = lax.axis_index("c")
    s = lax.axis_index("s")
    wid = s * NC + c
    r0 = rbase + wid * rpw

    def prefetch(row, start, length, buf, sem):
        pltpu.async_copy(tab_hbm.at[row].at[pl.ds(start, length)],
                         buf.at[pl.ds(0, length)], sem)

    def wait_seg(row, start, length, buf, sem):
        pltpu.make_async_copy(tab_hbm.at[row].at[pl.ds(start, length)],
                              buf.at[pl.ds(0, length)], sem).wait()

    def gather_pass(s_id, seg_ref, ob):
        def grp(g, _):
            for u in range(8):
                o = g * 128 + u * 16
                idx16 = idx_v[pl.ds(o, 16)]
                if s_id == 0:
                    m = idx16 < SEG
                    ob[pl.ds(o, 16)] = plsc.load_gather(seg_ref, [idx16],
                                                        mask=m)
                elif s_id == 1:
                    rel = idx16 - B1
                    m = (rel >= 0) & (rel < SEG)
                    v = plsc.load_gather(seg_ref, [rel], mask=m)
                    ob[pl.ds(o, 16)] = jnp.where(m, v, ob[pl.ds(o, 16)])
                else:
                    rel = idx16 - B2
                    m = (rel >= 0) & (rel < L2)
                    v = plsc.load_gather(seg_ref, [rel], mask=m)
                    trel = idx16 - T0
                    tm = trel >= 0
                    tv = plsc.load_gather(tail_v, [trel], mask=tm)
                    cur = jnp.where(m, v, ob[pl.ds(o, 16)])
                    ob[pl.ds(o, 16)] = jnp.where(tm, tv, cur)
            return 0

        lax.fori_loop(0, B // 128, grp, 0)

    def load_idx(row, j_prev):
        j = lax.shift_right_logical(row, 6)

        @pl.when(j != j_prev)
        def _():
            pltpu.sync_copy(catx_hbm.at[j], idx_v)

        return j

    prefetch(r0, 0, SEG, segA, rsA)

    def pair(k, j_prev):
        re = r0 + 2 * k
        ro = re + 1

        @pl.when(k >= 1)
        def _():
            pltpu.make_async_copy(obE, out_hbm.at[re - rbase - 2], wsE).wait()
            pltpu.make_async_copy(obO, out_hbm.at[ro - rbase - 2], wsO).wait()

        j1 = load_idx(re, j_prev)
        prefetch(re, T0, TL, tail_v, ts)
        wait_seg(re, 0, SEG, segA, rsA)
        prefetch(re, B1, SEG, segB, rsB)
        gather_pass(0, segA, obE)
        wait_seg(re, B1, SEG, segB, rsB)
        prefetch(re, B2, L2, segA, rsA)
        gather_pass(1, segB, obE)
        wait_seg(re, B2, L2, segA, rsA)
        prefetch(ro, 0, SEG, segB, rsB)
        wait_seg(re, T0, TL, tail_v, ts)
        gather_pass(2, segA, obE)
        pltpu.async_copy(obE, out_hbm.at[re - rbase], wsE)

        j2 = load_idx(ro, j1)
        prefetch(ro, T0, TL, tail_v, ts)
        wait_seg(ro, 0, SEG, segB, rsB)
        prefetch(ro, B1, SEG, segA, rsA)
        gather_pass(0, segB, obO)
        wait_seg(ro, B1, SEG, segA, rsA)
        prefetch(ro, B2, L2, segB, rsB)
        gather_pass(1, segA, obO)
        wait_seg(ro, B2, L2, segB, rsB)

        @pl.when(k < npair - 1)
        def _():
            prefetch(ro + 1, 0, SEG, segA, rsA)

        wait_seg(ro, T0, TL, tail_v, ts)
        gather_pass(2, segB, obO)
        pltpu.async_copy(obO, out_hbm.at[ro - rbase], wsO)
        return j2

    lax.fori_loop(0, npair, pair, jnp.int32(-1))

    pltpu.make_async_copy(obE, out_hbm.at[r0 - rbase + rpw - 2], wsE).wait()
    pltpu.make_async_copy(obO, out_hbm.at[r0 - rbase + rpw - 1], wsO).wait()


def _sc_gather(rbase, rc, tab_t, cat_x_t):
    rpw = rc // NW
    mesh = plsc.VectorSubcoreMesh(core_axis_name="c", subcore_axis_name="s")
    return pl.kernel(
        lambda *refs: _sc_body(rbase, rpw, *refs),
        out_type=jax.ShapeDtypeStruct((rc, B), jnp.float32),
        mesh=mesh,
        scratch_types=[
            pltpu.VMEM((B,), jnp.int32),
            pltpu.VMEM((SEG,), jnp.float32),
            pltpu.VMEM((SEG,), jnp.float32),
            pltpu.VMEM((TL,), jnp.float32),
            pltpu.VMEM((B,), jnp.float32),
            pltpu.VMEM((B,), jnp.float32),
            pltpu.SemaphoreType.DMA,
            pltpu.SemaphoreType.DMA,
            pltpu.SemaphoreType.DMA,
            pltpu.SemaphoreType.DMA,
            pltpu.SemaphoreType.DMA,
        ],
        compiler_params=pltpu.CompilerParams(use_tc_tiling_on_sc=True,
                                             needs_layout_passes=False),
    )(tab_t, cat_x_t)


def _tc1_body(numx_ref, staged_ref, wn_ref, bn_ref, nw_ref, cw_ref, fp_ref,
              g_ref, be_ref, out_ref):
    x = numx_ref[...]
    wn = wn_ref[...] * nw_ref[...]
    bn = bn_ref[...] * nw_ref[...]
    ntok = wn[:, :, None] * x[:, None, :] + bn[:, :, None]
    ctok = staged_ref[...].reshape(F1, D, -1) * cw_ref[...][:, :, None]
    tok = jnp.concatenate([ntok, ctok], axis=0) + fp_ref[...][:, :, None]
    mean = jnp.mean(tok, axis=1, keepdims=True)
    cen = tok - mean
    var = jnp.mean(cen * cen, axis=1, keepdims=True)
    y = cen * lax.rsqrt(var + 1e-5)
    out_ref[...] = (y * g_ref[...][None, :, None]
                    + be_ref[...][None, :, None])


def _tc2_body(part_ref, staged_ref, cw_ref, fp_ref, g_ref, be_ref,
              out_ref):
    del part_ref
    tok = (staged_ref[...].reshape(F2, D, -1) * cw_ref[...][:, :, None]
           + fp_ref[...][:, :, None])
    mean = jnp.mean(tok, axis=1, keepdims=True)
    cen = tok - mean
    var = jnp.mean(cen * cen, axis=1, keepdims=True)
    y = cen * lax.rsqrt(var + 1e-5)
    out_ref[...] = (y * g_ref[...][None, :, None]
                    + be_ref[...][None, :, None])


TB = 512
NF = NUM + CAT
F1 = 25
F2 = CAT - F1


@jax.jit
def _fused(tab_t, cat_x_t, num_x_t, W_num, b_num, num_w, cat_w, feat_pos,
           gamma, beta):
    staged0 = _sc_gather(0, F1 * D, tab_t, cat_x_t)
    staged1 = _sc_gather(F1 * D, F2 * D, tab_t, cat_x_t)
    grid = (B // TB,)

    part = pl.pallas_call(
        _tc1_body,
        grid=grid,
        in_specs=[
            pl.BlockSpec((NUM, TB), lambda i: (0, i)),
            pl.BlockSpec((F1 * D, TB), lambda i: (0, i)),
            pl.BlockSpec((NUM, D), lambda i: (0, 0)),
            pl.BlockSpec((NUM, D), lambda i: (0, 0)),
            pl.BlockSpec((NUM, 1), lambda i: (0, 0)),
            pl.BlockSpec((F1, 1), lambda i: (0, 0)),
            pl.BlockSpec((NUM + F1, D), lambda i: (0, 0)),
            pl.BlockSpec((D,), lambda i: (0,)),
            pl.BlockSpec((D,), lambda i: (0,)),
        ],
        out_specs=pl.BlockSpec((NUM + F1, D, TB), lambda i: (0, 0, i)),
        out_shape=jax.ShapeDtypeStruct((NF, D, B), jnp.float32),
    )(num_x_t, staged0, W_num, b_num, num_w, cat_w[:F1],
      feat_pos[:NUM + F1], gamma, beta)

    out_t = pl.pallas_call(
        _tc2_body,
        grid=grid,
        in_specs=[
            pl.BlockSpec(memory_space=pl.ANY),
            pl.BlockSpec((F2 * D, TB), lambda i: (0, i)),
            pl.BlockSpec((F2, 1), lambda i: (0, 0)),
            pl.BlockSpec((F2, D), lambda i: (0, 0)),
            pl.BlockSpec((D,), lambda i: (0,)),
            pl.BlockSpec((D,), lambda i: (0,)),
        ],
        out_specs=pl.BlockSpec((F2, D, TB),
                               lambda i: ((NUM + F1) // F2, 0, i)),
        out_shape=jax.ShapeDtypeStruct((NF, D, B), jnp.float32),
        input_output_aliases={0: 0},
    )(part, staged1, cat_w[F1:], feat_pos[NUM + F1:], gamma, beta)
    return jnp.transpose(out_t, (2, 0, 1))


def kernel(num_x, cat_x, W_num, b_num, num_w, cat_tables, cat_w, feat_pos,
           gamma, beta):
    tab_t = jnp.transpose(cat_tables, (0, 2, 1)).reshape(R_TOTAL, V)
    cat_x_t = jnp.transpose(cat_x, (1, 0))
    num_x_t = jnp.transpose(num_x, (1, 0))
    return _fused(tab_t, cat_x_t, num_x_t, W_num, b_num, num_w, cat_w,
                  feat_pos, gamma, beta)

# --- scband reference (transcript-rebuilt; emitter-appended) ---
"""Pipeline reference for scband-feature-tokenizer-30743375905025 (READ-ONLY COPY).

The authoritative reference and input builder live on the scoring server;
editing this copy changes nothing except your own understanding.
"""

import jax, jax.numpy as jnp
import numpy as np

B = 16384
NUM = 13
CAT = 26
V = 100000
D = 64

def setup_inputs(seed: int = 0) -> dict:
    key = jax.random.key(seed)
    ks = jax.random.split(key, 8)
    num_x = jax.random.normal(ks[0], (B, NUM), dtype=jnp.float32)
    cat_x = jax.random.randint(ks[1], (B, CAT), 0, V, dtype=jnp.int32)
    W_num = jax.random.normal(ks[2], (NUM, D), dtype=jnp.float32) * 0.02
    b_num = jnp.zeros((NUM, D), dtype=jnp.float32)
    num_w = jnp.ones((NUM, 1), dtype=jnp.float32)
    cat_tables = jax.random.normal(ks[3], (CAT, V, D), dtype=jnp.float32) * 0.02
    cat_w = jnp.ones((CAT, 1), dtype=jnp.float32)
    feat_pos = jax.random.normal(ks[4], (NUM + CAT, D), dtype=jnp.float32)
    gamma = jnp.ones((D,), dtype=jnp.float32)
    beta = jnp.zeros((D,), dtype=jnp.float32)
    return {"num_x": num_x, "cat_x": cat_x, "W_num": W_num, "b_num": b_num,
            "num_w": num_w, "cat_tables": cat_tables, "cat_w": cat_w,
            "feat_pos": feat_pos, "gamma": gamma, "beta": beta}

def reference(num_x, cat_x, W_num, b_num, num_w, cat_tables, cat_w, feat_pos, gamma, beta):
    # numeric tokens: per-feature Linear(1, D) -> x_i * W_i + b_i, scaled by numeric_weights[i]
    num_tok = num_x[:, :, None] * W_num[None, :, :] + b_num[None, :, :]  # [B, NUM, D]
    num_tok = num_tok * num_w[None, :, :]
    # categorical tokens: per-field embedding lookup, scaled by cat_weights[i]
    field_idx = jnp.arange(CAT, dtype=jnp.int32)
    cat_tok = cat_tables[field_idx[None, :], cat_x]  # [B, CAT, D] gather
    cat_tok = cat_tok * cat_w[None, :, :]
    tokens = jnp.concatenate([num_tok, cat_tok], axis=1)  # [B, NUM+CAT, D]
    tokens = tokens + feat_pos[None, :, :]
    mean = jnp.mean(tokens, axis=-1, keepdims=True)
    var = jnp.var(tokens, axis=-1, keepdims=True)
    tokens = (tokens - mean) / jnp.sqrt(var + 1e-5)
    tokens = tokens * gamma + beta
    return tokens

if __name__ == "__main__":
    import jax
    _d = setup_inputs()
    print(jax.jit(kernel)(*tuple(_d.values())))

</pallas_src>

<mosaic_0001>
#map = affine_map<(d0, d1) -> (0, 0)>
module attributes {stable_mosaic.version = 14 : i64} {
  func.func @_lambda_(%arg0: i32, %arg1: i32, %arg2: memref<1664x100000xf32, #tpu.memory_space<hbm>>, %arg3: memref<26x16384xi32, #tpu.memory_space<hbm>>, %arg4: memref<1600x16384xf32, #tpu.memory_space<hbm>>, %arg5: memref<16384xi32, #tpu.memory_space<vmem>>, %arg6: memref<33408xf32, #tpu.memory_space<vmem>>, %arg7: memref<33408xf32, #tpu.memory_space<vmem>>, %arg8: memref<32xf32, #tpu.memory_space<vmem>>, %arg9: memref<16384xf32, #tpu.memory_space<vmem>>, %arg10: memref<16384xf32, #tpu.memory_space<vmem>>, %arg11: memref<!tpu.dma_semaphore, #tpu.memory_space<semaphore_mem>>, %arg12: memref<!tpu.dma_semaphore, #tpu.memory_space<semaphore_mem>>, %arg13: memref<!tpu.dma_semaphore, #tpu.memory_space<semaphore_mem>>, %arg14: memref<!tpu.dma_semaphore, #tpu.memory_space<semaphore_mem>>, %arg15: memref<!tpu.dma_semaphore, #tpu.memory_space<semaphore_mem>>) attributes {dimension_semantics = [#tpu.dimension_semantics<core_parallel>, #tpu.dimension_semantics<subcore_parallel>], iteration_bounds = array<i64: 2, 16>, scalar_prefetch = 0 : i64, scratch_operands = 11 : i64, tpu.core_type = #tpu.core_type<sc_vector_subcore>, window_params = [{transform_indices = #map}, {transform_indices = #map}, {transform_indices = #map}]} {
    %mul3A = arith.constant 2 : i32
    %mul3A_0 = arith.muli %arg1, %mul3A : i32
    %add3A = arith.addi %mul3A_0, %arg0 : i32
    %mul3A_1 = arith.constant 50 : i32
    %mul3A_2 = arith.muli %add3A, %mul3A_1 : i32
    %add3A_3 = arith.constant 0 : i32
    %add3A_4 = arith.addi %add3A_3, %mul3A_2 : i32
    %dma_start3A = arith.constant 0 : i32
    %dma_start3A_5 = tpu.memref_slice %arg6[%dma_start3A] : memref<33408xf32, #tpu.memory_space<vmem>> -> memref<33408xf32, #tpu.memory_space<vmem>>
    %dma_start3A_6 = arith.constant 0 : i32
    %dma_start3A_7 = tpu.memref_slice %arg2[%add3A_4, %dma_start3A_6] : memref<1664x100000xf32, #tpu.memory_space<hbm>> -> memref<1x100000xf32, #tpu.memory_space<hbm>>
    %dma_start3A_8 = tpu.memref_squeeze %dma_start3A_7 : memref<1x100000xf32, #tpu.memory_space<hbm>> -> memref<100000xf32, #tpu.memory_space<hbm>>
    %dma_start3A_9 = arith.constant 0 : i32
    %dma_start3A_10 = tpu.memref_slice %dma_start3A_8[%dma_start3A_9] : memref<100000xf32, #tpu.memory_space<hbm>> -> memref<33408xf32, #tpu.memory_space<hbm>>
    %dma_start3A_11 = arith.constant 0 : i32
    %dma_start3A_12 = tpu.memref_slice %arg6[%dma_start3A_11] : memref<33408xf32, #tpu.memory_space<vmem>> -> memref<33408xf32, #tpu.memory_space<vmem>>
    %dma_start3A_13 = arith.constant 0 : i32
    %dma_start3A_14 = tpu.memref_slice %arg2[%add3A_4, %dma_start3A_13] : memref<1664x100000xf32, #tpu.memory_space<hbm>> -> memref<1x100000xf32, #tpu.memory_space<hbm>>
    %dma_start3A_15 = tpu.memref_squeeze %dma_start3A_14 : memref<1x100000xf32, #tpu.memory_space<hbm>> -> memref<100000xf32, #tpu.memory_space<hbm>>
    %dma_start3A_16 = arith.constant 0 : i32
    %dma_start3A_17 = tpu.memref_slice %dma_start3A_15[%dma_start3A_16] : memref<100000xf32, #tpu.memory_space<hbm>> -> memref<33408xf32, #tpu.memory_space<hbm>>
    tpu.enqueue_dma source(%dma_start3A_17 : memref<33408xf32, #tpu.memory_space<hbm>>) target(%dma_start3A_12 : memref<33408xf32, #tpu.memory_space<vmem>>) target_semaphore(%arg11 : memref<!tpu.dma_semaphore, #tpu.memory_space<semaphore_mem>>)
    %scan3A = arith.constant -1 : i32
    %scan3A_18 = arith.constant 0 : i32
    %scan3A_19 = arith.constant 25 : i32
    %scan3A_20 = arith.addi %scan3A_18, %scan3A_19 : i32
    %scan3A_21 = arith.constant 1 : i32
    %scan3A_22 = scf.for %scan3A_46 = %scan3A_18 to %scan3A_20 step %scan3A_21 iter_args(%scan3A_47 = %scan3A) -> (i32)  : i32 {
      %mul3A_48 = arith.constant 2 : i32
      %mul3A_49 = arith.muli %mul3A_48, %scan3A_46 : i32
      %add3A_50 = arith.addi %add3A_4, %mul3A_49 : i32
      %add3A_51 = arith.constant 1 : i32
      %add3A_52 = arith.addi %add3A_50, %add3A_51 : i32
      %ge3A = arith.constant 1 : i32
      %ge3A_53 = arith.cmpi sge, %scan3A_46, %ge3A : i32
      %convert_element_type3A = arith.extui %ge3A_53 : i1 to i32
      %cond3A = arith.constant 0 : i32
      %cond3A_54 = arith.cmpi ne, %convert_element_type3A, %cond3A : i32
      scf.if %cond3A_54 {
        %sub3A_337 = arith.constant 0 : i32
        %sub3A_338 = arith.subi %add3A_50, %sub3A_337 : i32
        %sub3A_339 = arith.constant 2 : i32
        %sub3A_340 = arith.subi %sub3A_338, %sub3A_339 : i32
        %dma_wait3A_341 = arith.constant 0 : i32
        %dma_wait3A_342 = tpu.memref_slice %arg4[%sub3A_340, %dma_wait3A_341] : memref<1600x16384xf32, #tpu.memory_space<hbm>> -> memref<1x16384xf32, #tpu.memory_space<hbm>>
        %dma_wait3A_343 = tpu.memref_squeeze %dma_wait3A_342 : memref<1x16384xf32, #tpu.memory_space<hbm>> -> memref<16384xf32, #tpu.memory_space<hbm>>
        %dma_wait3A_344 = arith.constant 0 : i32
        %dma_wait3A_345 = tpu.memref_slice %arg4[%sub3A_340, %dma_wait3A_344] : memref<1600x16384xf32, #tpu.memory_space<hbm>> -> memref<1x16384xf32, #tpu.memory_space<hbm>>
        %dma_wait3A_346 = tpu.memref_squeeze %dma_wait3A_345 : memref<1x16384xf32, #tpu.memory_space<hbm>> -> memref<16384xf32, #tpu.memory_space<hbm>>
        tpu.wait_dma2 semaphore(%arg14 : memref<!tpu.dma_semaphore, #tpu.memory_space<semaphore_mem>>) src(%arg9 : memref<16384xf32, #tpu.memory_space<vmem>>) dst(%dma_wait3A_346 : memref<16384xf32, #tpu.memory_space<hbm>>)
        %sub3A_347 = arith.constant 0 : i32
        %sub3A_348 = arith.subi %add3A_52, %sub3A_347 : i32
        %sub3A_349 = arith.constant 2 : i32
        %sub3A_350 = arith.subi %sub3A_348, %sub3A_349 : i32
        %dma_wait3A_351 = arith.constant 0 : i32
        %dma_wait3A_352 = tpu.memref_slice %arg4[%sub3A_350, %dma_wait3A_351] : memref<1600x16384xf32, #tpu.memory_space<hbm>> -> memref<1x16384xf32, #tpu.memory_space<hbm>>
        %dma_wait3A_353 = tpu.memref_squeeze %dma_wait3A_352 : memref<1x16384xf32, #tpu.memory_space<hbm>> -> memref<16384xf32, #tpu.memory_space<hbm>>
        %dma_wait3A_354 = arith.constant 0 : i32
        %dma_wait3A_355 = tpu.memref_slice %arg4[%sub3A_350, %dma_wait3A_354] : memref<1600x16384xf32, #tpu.memory_space<hbm>> -> memref<1x16384xf32, #tpu.memory_space<hbm>>
        %dma_wait3A_356 = tpu.memref_squeeze %dma_wait3A_355 : memref<1x16384xf32, #tpu.memory_space<hbm>> -> memref<16384xf32, #tpu.memory_space<hbm>>
        tpu.wait_dma2 semaphore(%arg15 : memref<!tpu.dma_semaphore, #tpu.memory_space<semaphore_mem>>) src(%arg10 : memref<16384xf32, #tpu.memory_space<vmem>>) dst(%dma_wait3A_356 : memref<16384xf32, #tpu.memory_space<hbm>>)
      } else {
      }
      %shift_right_logical3A = arith.constant 6 : i32
      %shift_right_logical3A_55 = arith.shrui %add3A_50, %shift_right_logical3A : i32
      %ne3A = arith.cmpi ne, %shift_right_logical3A_55, %scan3A_47 : i32
      %convert_element_type3A_56 = arith.extui %ne3A : i1 to i32
      %cond3A_57 = arith.constant 0 : i32
      %cond3A_58 = arith.cmpi ne, %convert_element_type3A_56, %cond3A_57 : i32
      scf.if %cond3A_58 {
        "tpu.region"() ({
          %run_scoped3A = tpu.sem_alloc : memref<!tpu.dma_semaphore, #tpu.memory_space<semaphore_mem>>
          %dma_start3A_337 = arith.constant 0 : i32
          %dma_start3A_338 = tpu.memref_slice %arg3[%shift_right_logical3A_55, %dma_start3A_337] : memref<26x16384xi32, #tpu.memory_space<hbm>> -> memref<1x16384xi32, #tpu.memory_space<hbm>>
          %dma_start3A_339 = tpu.memref_squeeze %dma_start3A_338 : memref<1x16384xi32, #tpu.memory_space<hbm>> -> memref<16384xi32, #tpu.memory_space<hbm>>
          %dma_start3A_340 = arith.constant 0 : i32
          %dma_start3A_341 = tpu.memref_slice %arg3[%shift_right_logical3A_55, %dma_start3A_340] : memref<26x16384xi32, #tpu.memory_space<hbm>> -> memref<1x16384xi32, #tpu.memory_space<hbm>>
          %dma_start3A_342 = tpu.memref_squeeze %dma_start3A_341 : memref<1x16384xi32, #tpu.memory_space<hbm>> -> memref<16384xi32, #tpu.memory_space<hbm>>
          tpu.enqueue_dma source(%dma_start3A_342 : memref<16384xi32, #tpu.memory_space<hbm>>) target(%arg5 : memref<16384xi32, #tpu.memory_space<vmem>>) target_semaphore(%run_scoped3A : memref<!tpu.dma_semaphore, #tpu.memory_space<semaphore_mem>>)
          %dma_wait3A_343 = arith.constant 0 : i32
          %dma_wait3A_344 = tpu.memref_slice %arg3[%shift_right_logical3A_55, %dma_wait3A_343] : memref<26x16384xi32, #tpu.memory_space<hbm>> -> memref<1x16384xi32, #tpu.memory_space<hbm>>
          %dma_wait3A_345 = tpu.memref_squeeze %dma_wait3A_344 : memref<1x16384xi32, #tpu.memory_space<hbm>> -> memref<16384xi32, #tpu.memory_space<hbm>>
          %dma_wait3A_346 = arith.constant 0 : i32
          %dma_wait3A_347 = tpu.memref_slice %arg3[%shift_right_logical3A_55, %dma_wait3A_346] : memref<26x16384xi32, #tpu.memory_space<hbm>> -> memref<1x16384xi32, #tpu.memory_space<hbm>>
          %dma_wait3A_348 = tpu.memref_squeeze %dma_wait3A_347 : memref<1x16384xi32, #tpu.memory_space<hbm>> -> memref<16384xi32, #tpu.memory_space<hbm>>
          tpu.wait_dma2 semaphore(%run_scoped3A : memref<!tpu.dma_semaphore, #tpu.memory_space<semaphore_mem>>) src(%dma_wait3A_348 : memref<16384xi32, #tpu.memory_space<hbm>>) dst(%arg5 : memref<16384xi32, #tpu.memory_space<vmem>>)
          tpu.yield
        }) : () -> ()
      } else {
      }
      %dma_start3A_59 = arith.constant 0 : i32
      %dma_start3A_60 = tpu.memref_slice %arg8[%dma_start3A_59] : memref<32xf32, #tpu.memory_space<vmem>> -> memref<32xf32, #tpu.memory_space<vmem>>
      %dma_start3A_61 = arith.constant 0 : i32
      %dma_start3A_62 = tpu.memref_slice %arg2[%add3A_50, %dma_start3A_61] : memref<1664x100000xf32, #tpu.memory_space<hbm>> -> memref<1x100000xf32, #tpu.memory_space<hbm>>
      %dma_start3A_63 = tpu.memref_squeeze %dma_start3A_62 : memref<1x100000xf32, #tpu.memory_space<hbm>> -> memref<100000xf32, #tpu.memory_space<hbm>>
      %dma_start3A_64 = arith.constant 99968 : i32
      %dma_start3A_65 = tpu.memref_slice %dma_start3A_63[%dma_start3A_64] : memref<100000xf32, #tpu.memory_space<hbm>> -> memref<32xf32, #tpu.memory_space<hbm>>
      %dma_start3A_66 = arith.constant 0 : i32
      %dma_start3A_67 = tpu.memref_slice %arg8[%dma_start3A_66] : memref<32xf32, #tpu.memory_space<vmem>> -> memref<32xf32, #tpu.memory_space<vmem>>
      %dma_start3A_68 = arith.constant 0 : i32
      %dma_start3A_69 = tpu.memref_slice %arg2[%add3A_50, %dma_start3A_68] : memref<1664x100000xf32, #tpu.memory_space<hbm>> -> memref<1x100000xf32, #tpu.memory_space<hbm>>
      %dma_start3A_70 = tpu.memref_squeeze %dma_start3A_69 : memref<1x100000xf32, #tpu.memory_space<hbm>> -> memref<100000xf32, #tpu.memory_space<hbm>>
      %dma_start3A_71 = arith.constant 99968 : i32
      %dma_start3A_72 = tpu.memref_slice %dma_start3A_70[%dma_start3A_71] : memref<100000xf32, #tpu.memory_space<hbm>> -> memref<32xf32, #tpu.memory_space<hbm>>
      tpu.enqueue_dma source(%dma_start3A_72 : memref<32xf32, #tpu.memory_space<hbm>>) target(%dma_start3A_67 : memref<32xf32, #tpu.memory_space<vmem>>) target_semaphore(%arg13 : memref<!tpu.dma_semaphore, #tpu.memory_space<semaphore_mem>>)
      %dma_wait3A_73 = arith.constant 0 : i32
      %dma_wait3A_74 = tpu.memref_slice %arg6[%dma_wait3A_73] : memref<33408xf32, #tpu.memory_space<vmem>> -> memref<33408xf32, #tpu.memory_space<vmem>>
      %dma_wait3A_75 = arith.constant 0 : i32
      %dma_wait3A_76 = tpu.memref_slice %arg2[%add3A_50, %dma_wait3A_75] : memref<1664x100000xf32, #tpu.memory_space<hbm>> -> memref<1x100000xf32, #tpu.memory_space<hbm>>
      %dma_wait3A_77 = tpu.memref_squeeze %dma_wait3A_76 : memref<1x100000xf32, #tpu.memory_space<hbm>> -> memref<100000xf32, #tpu.memory_space<hbm>>
      %dma_wait3A_78 = arith.constant 0 : i32
      %dma_wait3A_79 = tpu.memref_slice %dma_wait3A_77[%dma_wait3A_78] : memref<100000xf32, #tpu.memory_space<hbm>> -> memref<33408xf32, #tpu.memory_space<hbm>>
      %dma_wait3A_80 = arith.constant 0 : i32
      %dma_wait3A_81 = tpu.memref_slice %arg6[%dma_wait3A_80] : memref<33408xf32, #tpu.memory_space<vmem>> -> memref<33408xf32, #tpu.memory_space<vmem>>
      %dma_wait3A_82 = arith.constant 0 : i32
      %dma_wait3A_83 = tpu.memref_slice %arg2[%add3A_50, %dma_wait3A_82] : memref<1664x100000xf32, #tpu.memory_space<hbm>> -> memref<1x100000xf32, #tpu.memory_space<hbm>>
      %dma_wait3A_84 = tpu.memref_squeeze %dma_wait3A_83 : memref<1x100000xf32, #tpu.memory_space<hbm>> -> memref<100000xf32, #tpu.memory_space<hbm>>
      %dma_wait3A_85 = arith.constant 0 : i32
      %dma_wait3A_86 = tpu.memref_slice %dma_wait3A_84[%dma_wait3A_85] : memref<100000xf32, #tpu.memory_space<hbm>> -> memref<33408xf32, #tpu.memory_space<hbm>>
      tpu.wait_dma2 semaphore(%arg11 : memref<!tpu.dma_semaphore, #tpu.memory_space<semaphore_mem>>) src(%dma_wait3A_86 : memref<33408xf32, #tpu.memory_space<hbm>>) dst(%dma_wait3A_81 : memref<33408xf32, #tpu.memory_space<vmem>>)
      %dma_start3A_87 = arith.constant 0 : i32
      %dma_start3A_88 = tpu.memref_slice %arg7[%dma_start3A_87] : memref<33408xf32, #tpu.memory_space<vmem>> -> memref<33408xf32, #tpu.memory_space<vmem>>
      %dma_start3A_89 = arith.constant 0 : i32
      %dma_start3A_90 = tpu.memref_slice %arg2[%add3A_50, %dma_start3A_89] : memref<1664x100000xf32, #tpu.memory_space<hbm>> -> memref<1x100000xf32, #tpu.memory_space<hbm>>
      %dma_start3A_91 = tpu.memref_squeeze %dma_start3A_90 : memref<1x100000xf32, #tpu.memory_space<hbm>> -> memref<100000xf32, #tpu.memory_space<hbm>>
      %dma_start3A_92 = arith.constant 33408 : i32
      %dma_start3A_93 = tpu.memref_slice %dma_start3A_91[%dma_start3A_92] : memref<100000xf32, #tpu.memory_space<hbm>> -> memref<33408xf32, #tpu.memory_space<hbm>>
      %dma_start3A_94 = arith.constant 0 : i32
      %dma_start3A_95 = tpu.memref_slice %arg7[%dma_start3A_94] : memref<33408xf32, #tpu.memory_space<vmem>> -> memref<33408xf32, #tpu.memory_space<vmem>>
      %dma_start3A_96 = arith.constant 0 : i32
      %dma_start3A_97 = tpu.memref_slice %arg2[%add3A_50, %dma_start3A_96] : memref<1664x100000xf32, #tpu.memory_space<hbm>> -> memref<1x100000xf32, #tpu.memory_space<hbm>>
      %dma_start3A_98 = tpu.memref_squeeze %dma_start3A_97 : memref<1x100000xf32, #tpu.memory_space<hbm>> -> memref<100000xf32, #tpu.memory_space<hbm>>
      %dma_start3A_99 = arith.constant 33408 : i32
      %dma_start3A_100 = tpu.memref_slice %dma_start3A_98[%dma_start3A_99] : memref<100000xf32, #tpu.memory_space<hbm>> -> memref<33408xf32, #tpu.memory_space<hbm>>
      tpu.enqueue_dma source(%dma_start3A_100 : memref<33408xf32, #tpu.memory_space<hbm>>) target(%dma_start3A_95 : memref<33408xf32, #tpu.memory_space<vmem>>) target_semaphore(%arg12 : memref<!tpu.dma_semaphore, #tpu.memory_space<semaphore_mem>>)
      %scan3A_101 = arith.constant 0 : i32
      %scan3A_102 = arith.constant 0 : i32
      %scan3A_103 = arith.constant 128 : i32
      %scan3A_104 = arith.addi %scan3A_102, %scan3A_103 : i32
      %scan3A_105 = arith.constant 1 : i32
      %scan3A_106 = scf.for %scan3A_337 = %scan3A_102 to %scan3A_104 step %scan3A_105 iter_args(%scan3A_338 = %scan3A_101) -> (i32)  : i32 {
        %mul3A_339 = arith.constant 128 : i32
        %mul3A_340 = arith.muli %scan3A_337, %mul3A_339 : i32
        %add3A_341 = arith.constant 0 : i32
        %add3A_342 = arith.addi %mul3A_340, %add3A_341 : i32
        %get3A = arith.index_cast %add3A_342 : i32 to index
        %get3A_343 = tpu.vector_load %arg5[%get3A] {strides = array<i32>} : memref<16384xi32, #tpu.memory_space<vmem>>, vector<16xi32>,
        %lt3A_344 = arith.constant 33408 : i32
        %lt3A_345 = vector.broadcast %lt3A_344 : i32 to vector<16xi32>
        %lt3A_346 = arith.cmpi slt, %get3A_343, %lt3A_345 : vector<16xi32>
        %gather3A = tpu.vector_load_idx %arg6[%get3A_343] masked %lt3A_346 : memref<33408xf32, #tpu.memory_space<vmem>>[vector<16xi32>], vector<16xf32>, vector<16xi1>
        %swap3A = arith.index_cast %add3A_342 : i32 to index
        %swap3A_347 = tpu.vector_load %arg9[%swap3A] {strides = array<i32>} : memref<16384xf32, #tpu.memory_space<vmem>>, vector<16xf32>,
        tpu.vector_store %arg9[%swap3A], %gather3A {strides = array<i32>} : memref<16384xf32, #tpu.memory_space<vmem>>, vector<16xf32>,
        %mul3A_348 = arith.constant 128 : i32
        %mul3A_349 = arith.muli %scan3A_337, %mul3A_348 : i32
        %add3A_350 = arith.constant 16 : i32
        %add3A_351 = arith.addi %mul3A_349, %add3A_350 : i32
        %get3A_352 = arith.index_cast %add3A_351 : i32 to index
        %get3A_353 = tpu.vector_load %arg5[%get3A_352] {strides = array<i32>} : memref<16384xi32, #tpu.memory_space<vmem>>, vector<16xi32>,
        %lt3A_354 = arith.constant 33408 : i32
        %lt3A_355 = vector.broadcast %lt3A_354 : i32 to vector<16xi32>
        %lt3A_356 = arith.cmpi slt, %get3A_353, %lt3A_355 : vector<16xi32>
        %gather3A_357 = tpu.vector_load_idx %arg6[%get3A_353] masked %lt3A_356 : memref<33408xf32, #tpu.memory_space<vmem>>[vector<16xi32>], vector<16xf32>, vector<16xi1>
        %swap3A_358 = arith.index_cast %add3A_351 : i32 to index
        %swap3A_359 = tpu.vector_load %arg9[%swap3A_358] {strides = array<i32>} : memref<16384xf32, #tpu.memory_space<vmem>>, vector<16xf32>,
        tpu.vector_store %arg9[%swap3A_358], %gather3A_357 {strides = array<i32>} : memref<16384xf32, #tpu.memory_space<vmem>>, vector<16xf32>,
        %mul3A_360 = arith.constant 128 : i32
        %mul3A_361 = arith.muli %scan3A_337, %mul3A_360 : i32
        %add3A_362 = arith.constant 32 : i32
        %add3A_363 = arith.addi %mul3A_361, %add3A_362 : i32
        %get3A_364 = arith.index_cast %add3A_363 : i32 to index
        %get3A_365 = tpu.vector_load %arg5[%get3A_364] {strides = array<i32>} : memref<16384xi32, #tpu.memory_space<vmem>>, vector<16xi32>,
        %lt3A_366 = arith.constant 33408 : i32
        %lt3A_367 = vector.broadcast %lt3A_366 : i32 to vector<16xi32>
        %lt3A_368 = arith.cmpi slt, %get3A_365, %lt3A_367 : vector<16xi32>
        %gather3A_369 = tpu.vector_load_idx %arg6[%get3A_365] masked %lt3A_368 : memref<33408xf32, #tpu.memory_space<vmem>>[vector<16xi32>], vector<16xf32>, vector<16xi1>
        %swap3A_370 = arith.index_cast %add3A_363 : i32 to index
        %swap3A_371 = tpu.vector_load %arg9[%swap3A_370] {strides = array<i32>} : memref<16384xf32, #tpu.memory_space<vmem>>, vector<16xf32>,
        tpu.vector_store %arg9[%swap3A_370], %gather3A_369 {strides = array<i32>} : memref<16384xf32, #tpu.memory_space<vmem>>, vector<16xf32>,
        %mul3A_372 = arith.constant 128 : i32
        %mul3A_373 = arith.muli %scan3A_337, %mul3A_372 : i32
        %add3A_374 = arith.constant 48 : i32
        %add3A_375 = arith.addi %mul3A_373, %add3A_374 : i32
        %get3A_376 = arith.index_cast %add3A_375 : i32 to index
        %get3A_377 = tpu.vector_load %arg5[%get3A_376] {strides = array<i32>} : memref<16384xi32, #tpu.memory_space<vmem>>, vector<16xi32>,
        %lt3A_378 = arith.constant 33408 : i32
        %lt3A_379 = vector.broadcast %lt3A_378 : i32 to vector<16xi32>
        %lt3A_380 = arith.cmpi slt, %get3A_377, %lt3A_379 : vector<16xi32>
        %gather3A_381 = tpu.vector_load_idx %arg6[%get3A_377] masked %lt3A_380 : memref<33408xf32, #tpu.memory_space<vmem>>[vector<16xi32>], vector<16xf32>, vector<16xi1>
        %swap3A_382 = arith.index_cast %add3A_375 : i32 to index
        %swap3A_383 = tpu.vector_load %arg9[%swap3A_382] {strides = array<i32>} : memref<16384xf32, #tpu.memory_space<vmem>>, vector<16xf32>,
        tpu.vector_store %arg9[%swap3A_382], %gather3A_381 {strides = array<i32>} : memref<16384xf32, #tpu.memory_space<vmem>>, vector<16xf32>,
        %mul3A_384 = arith.constant 128 : i32
        %mul3A_385 = arith.muli %scan3A_337, %mul3A_384 : i32
        %add3A_386 = arith.constant 64 : i32
        %add3A_387 = arith.addi %mul3A_385, %add3A_386 : i32
        %get3A_388 = arith.index_cast %add3A_387 : i32 to index
        %get3A_389 = tpu.vector_load %arg5[%get3A_388] {strides = array<i32>} : memref<16384xi32, #tpu.memory_space<vmem>>, vector<16xi32>,
        %lt3A_390 = arith.constant 33408 : i32
        %lt3A_391 = vector.broadcast %lt3A_390 : i32 to vector<16xi32>
        %lt3A_392 = arith.cmpi slt, %get3A_389, %lt3A_391 : vector<16xi32>
        %gather3A_393 = tpu.vector_load_idx %arg6[%get3A_389] masked %lt3A_392 : memref<33408xf32, #tpu.memory_space<vmem>>[vector<16xi32>], vector<16xf32>, vector<16xi1>
        %swap3A_394 = arith.index_cast %add3A_387 : i32 to index
        %swap3A_395 = tpu.vector_load %arg9[%swap3A_394] {strides = array<i32>} : memref<16384xf32, #tpu.memory_space<vmem>>, vector<16xf32>,
        tpu.vector_store %arg9[%swap3A_394], %gather3A_393 {strides = array<i32>} : memref<16384xf32, #tpu.memory_space<vmem>>, vector<16xf32>,
        %mul3A_396 = arith.constant 128 : i32
        %mul3A_397 = arith.muli %scan3A_337, %mul3A_396 : i32
        %add3A_398 = arith.constant 80 : i32
        %add3A_399 = arith.addi %mul3A_397, %add3A_398 : i32
        %get3A_400 = arith.index_cast %add3A_399 : i32 to index
        %get3A_401 = tpu.vector_load %arg5[%get3A_400] {strides = array<i32>} : memref<16384xi32, #tpu.memory_space<vmem>>, vector<16xi32>,
        %lt3A_402 = arith.constant 33408 : i32
        %lt3A_403 = vector.broadcast %lt3A_402 : i32 to vector<16xi32>
        %lt3A_404 = arith.cmpi slt, %get3A_401, %lt3A_403 : vector<16xi32>
        %gather3A_405 = tpu.vector_load_idx %arg6[%get3A_401] masked %lt3A_404 : memref<33408xf32, #tpu.memory_space<vmem>>[vector<16xi32>], vector<16xf32>, vector<16xi1>
        %swap3A_406 = arith.index_cast %add3A_399 : i32 to index
        %swap3A_407 = tpu.vector_load %arg9[%swap3A_406] {strides = array<i32>} : memref<16384xf32, #tpu.memory_space<vmem>>, vector<16xf32>,
        tpu.vector_store %arg9[%swap3A_406], %gather3A_405 {strides = array<i32>} : memref<16384xf32, #tpu.memory_space<vmem>>, vector<16xf32>,
        %mul3A_408 = arith.constant 128 : i32
        %mul3A_409 = arith.muli %scan3A_337, %mul3A_408 : i32
        %add3A_410 = arith.constant 96 : i32
        %add3A_411 = arith.addi %mul3A_409, %add3A_410 : i32
        %get3A_412 = arith.index_cast %add3A_411 : i32 to index
        %get3A_413 = tpu.vector_load %arg5[%get3A_412] {strides = array<i32>} : memref<16384xi32, #tpu.memory_space<vmem>>, vector<16xi32>,
        %lt3A_414 = arith.constant 33408 : i32
        %lt3A_415 = vector.broadcast %lt3A_414 : i32 to vector<16xi32>
        %lt3A_416 = arith.cmpi slt, %get3A_413, %lt3A_415 : vector<16xi32>
        %gather3A_417 = tpu.vector_load_idx %arg6[%get3A_413] masked %lt3A_416 : memref<33408xf32, #tpu.memory_space<vmem>>[vector<16xi32>], vector<16xf32>, vector<16xi1>
        %swap3A_418 = arith.index_cast %add3A_411 : i32 to index
        %swap3A_419 = tpu.vector_load %arg9[%swap3A_418] {strides = array<i32>} : memref<16384xf32, #tpu.memory_space<vmem>>, vector<16xf32>,
        tpu.vector_store %arg9[%swap3A_418], %gather3A_417 {strides = array<i32>} : memref<16384xf32, #tpu.memory_space<vmem>>, vector<16xf32>,
        %mul3A_420 = arith.constant 128 : i32
        %mul3A_421 = arith.muli %scan3A_337, %mul3A_420 : i32
        %add3A_422 = arith.constant 112 : i32
        %add3A_423 = arith.addi %mul3A_421, %add3A_422 : i32
        %get3A_424 = arith.index_cast %add3A_423 : i32 to index
        %get3A_425 = tpu.vector_load %arg5[%get3A_424] {strides = array<i32>} : memref<16384xi32, #tpu.memory_space<vmem>>, vector<16xi32>,
        %lt3A_426 = arith.constant 33408 : i32
        %lt3A_427 = vector.broadcast %lt3A_426 : i32 to vector<16xi32>
        %lt3A_428 = arith.cmpi slt, %get3A_425, %lt3A_427 : vector<16xi32>
        %gather3A_429 = tpu.vector_load_idx %arg6[%get3A_425] masked %lt3A_428 : memref<33408xf32, #tpu.memory_space<vmem>>[vector<16xi32>], vector<16xf32>, vector<16xi1>
        %swap3A_430 = arith.index_cast %add3A_423 : i32 to index
        %swap3A_431 = tpu.vector_load %arg9[%swap3A_430] {strides = array<i32>} : memref<16384xf32, #tpu.memory_space<vmem>>, vector<16xf32>,
        tpu.vector_store %arg9[%swap3A_430], %gather3A_429 {strides = array<i32>} : memref<16384xf32, #tpu.memory_space<vmem>>, vector<16xf32>,
        %scan3A_432 = arith.constant 0 : i32
        scf.yield %scan3A_432 : i32
      }
      %scan3A_107 = arith.constant 128 : i32
      %dma_wait3A_108 = arith.constant 0 : i32
      %dma_wait3A_109 = tpu.memref_slice %arg7[%dma_wait3A_108] : memref<33408xf32, #tpu.memory_space<vmem>> -> memref<33408xf32, #tpu.memory_space<vmem>>
      %dma_wait3A_110 = arith.constant 0 : i32
      %dma_wait3A_111 = tpu.memref_slice %arg2[%add3A_50, %dma_wait3A_110] : memref<1664x100000xf32, #tpu.memory_space<hbm>> -> memref<1x100000xf32, #tpu.memory_space<hbm>>
      %dma_wait3A_112 = tpu.memref_squeeze %dma_wait3A_111 : memref<1x100000xf32, #tpu.memory_space<hbm>> -> memref<100000xf32, #tpu.memory_space<hbm>>
      %dma_wait3A_113 = arith.constant 33408 : i32
      %dma_wait3A_114 = tpu.memref_slice %dma_wait3A_112[%dma_wait3A_113] : memref<100000xf32, #tpu.memory_space<hbm>> -> memref<33408xf32, #tpu.memory_space<hbm>>
      %dma_wait3A_115 = arith.constant 0 : i32
      %dma_wait3A_116 = tpu.memref_slice %arg7[%dma_wait3A_115] : memref<33408xf32, #tpu.memory_space<vmem>> -> memref<33408xf32, #tpu.memory_space<vmem>>
      %dma_wait3A_117 = arith.constant 0 : i32
      %dma_wait3A_118 = tpu.memref_slice %arg2[%add3A_50, %dma_wait3A_117] : memref<1664x100000xf32, #tpu.memory_space<hbm>> -> memref<1x100000xf32, #tpu.memory_space<hbm>>
      %dma_wait3A_119 = tpu.memref_squeeze %dma_wait3A_118 : memref<1x100000xf32, #tpu.memory_space<hbm>> -> memref<100000xf32, #tpu.memory_space<hbm>>
      %dma_wait3A_120 = arith.constant 33408 : i32
      %dma_wait3A_121 = tpu.memref_slice %dma_wait3A_119[%dma_wait3A_120] : memref<100000xf32, #tpu.memory_space<hbm>> -> memref<33408xf32, #tpu.memory_space<hbm>>
      tpu.wait_dma2 semaphore(%arg12 : memref<!tpu.dma_semaphore, #tpu.memory_space<semaphore_mem>>) src(%dma_wait3A_121 : memref<33408xf32, #tpu.memory_space<hbm>>) dst(%dma_wait3A_116 : memref<33408xf32, #tpu.memory_space<vmem>>)
      %dma_start3A_122 = arith.constant 0 : i32
      %dma_start3A_123 = tpu.memref_slice %arg6[%dma_start3A_122] : memref<33408xf32, #tpu.memory_space<vmem>> -> memref<33152xf32, #tpu.memory_space<vmem>>
      %dma_start3A_124 = arith.constant 0 : i32
      %dma_start3A_125 = tpu.memref_slice %arg2[%add3A_50, %dma_start3A_124] : memref<1664x100000xf32, #tpu.memory_space<hbm>> -> memref<1x100000xf32, #tpu.memory_space<hbm>>
      %dma_start3A_126 = tpu.memref_squeeze %dma_start3A_125 : memref<1x100000xf32, #tpu.memory_space<hbm>> -> memref<100000xf32, #tpu.memory_space<hbm>>
      %dma_start3A_127 = arith.constant 66816 : i32
      %dma_start3A_128 = tpu.memref_slice %dma_start3A_126[%dma_start3A_127] : memref<100000xf32, #tpu.memory_space<hbm>> -> memref<33152xf32, #tpu.memory_space<hbm>>
      %dma_start3A_129 = arith.constant 0 : i32
      %dma_start3A_130 = tpu.memref_slice %arg6[%dma_start3A_129] : memref<33408xf32, #tpu.memory_space<vmem>> -> memref<33152xf32, #tpu.memory_space<vmem>>
      %dma_start3A_131 = arith.constant 0 : i32
      %dma_start3A_132 = tpu.memref_slice %arg2[%add3A_50, %dma_start3A_131] : memref<1664x100000xf32, #tpu.memory_space<hbm>> -> memref<1x100000xf32, #tpu.memory_space<hbm>>
      %dma_start3A_133 = tpu.memref_squeeze %dma_start3A_132 : memref<1x100000xf32, #tpu.memory_space<hbm>> -> memref<100000xf32, #tpu.memory_space<hbm>>
      %dma_start3A_134 = arith.constant 66816 : i32
      %dma_start3A_135 = tpu.memref_slice %dma_start3A_133[%dma_start3A_134] : memref<100000xf32, #tpu.memory_space<hbm>> -> memref<33152xf32, #tpu.memory_space<hbm>>
      tpu.enqueue_dma source(%dma_start3A_135 : memref<33152xf32, #tpu.memory_space<hbm>>) target(%dma_start3A_130 : memref<33152xf32, #tpu.memory_space<vmem>>) target_semaphore(%arg11 : memref<!tpu.dma_semaphore, #tpu.memory_space<semaphore_mem>>)
      %scan3A_136 = arith.constant 0 : i32
      %scan3A_137 = arith.constant 0 : i32
      %scan3A_138 = arith.constant 128 : i32
      %scan3A_139 = arith.addi %scan3A_137, %scan3A_138 : i32
      %scan3A_140 = arith.constant 1 : i32
      %scan3A_141 = scf.for %scan3A_337 = %scan3A_137 to %scan3A_139 step %scan3A_140 iter_args(%scan3A_338 = %scan3A_136) -> (i32)  : i32 {
        %mul3A_339 = arith.constant 128 : i32
        %mul3A_340 = arith.muli %scan3A_337, %mul3A_339 : i32
        %add3A_341 = arith.constant 0 : i32
        %add3A_342 = arith.addi %mul3A_340, %add3A_341 : i32
        %get3A = arith.index_cast %add3A_342 : i32 to index
        %get3A_343 = tpu.vector_load %arg5[%get3A] {strides = array<i32>} : memref<16384xi32, #tpu.memory_space<vmem>>, vector<16xi32>,
        %sub3A_344 = arith.constant 33408 : i32
        %sub3A_345 = vector.broadcast %sub3A_344 : i32 to vector<16xi32>
        %sub3A_346 = arith.subi %get3A_343, %sub3A_345 : vector<16xi32>
        %ge3A_347 = arith.constant 0 : i32
        %ge3A_348 = vector.broadcast %ge3A_347 : i32 to vector<16xi32>
        %ge3A_349 = arith.cmpi sge, %sub3A_346, %ge3A_348 : vector<16xi32>
        %lt3A_350 = arith.constant 33408 : i32
        %lt3A_351 = vector.broadcast %lt3A_350 : i32 to vector<16xi32>
        %lt3A_352 = arith.cmpi slt, %sub3A_346, %lt3A_351 : vector<16xi32>
        %and3A = arith.andi %ge3A_349, %lt3A_352 : vector<16xi1>
        %gather3A = tpu.vector_load_idx %arg7[%sub3A_346] masked %and3A : memref<33408xf32, #tpu.memory_space<vmem>>[vector<16xi32>], vector<16xf32>, vector<16xi1>
        %get3A_353 = arith.index_cast %add3A_342 : i32 to index
        %get3A_354 = tpu.vector_load %arg9[%get3A_353] {strides = array<i32>} : memref<16384xf32, #tpu.memory_space<vmem>>, vector<16xf32>,
        %select_n3A = arith.select %and3A, %gather3A, %get3A_354 : vector<16xi1>, vector<16xf32>
        %swap3A = arith.index_cast %add3A_342 : i32 to index
        %swap3A_355 = tpu.vector_load %arg9[%swap3A] {strides = array<i32>} : memref<16384xf32, #tpu.memory_space<vmem>>, vector<16xf32>,
        tpu.vector_store %arg9[%swap3A], %select_n3A {strides = array<i32>} : memref<16384xf32, #tpu.memory_space<vmem>>, vector<16xf32>,
        %mul3A_356 = arith.constant 128 : i32
        %mul3A_357 = arith.muli %scan3A_337, %mul3A_356 : i32
        %add3A_358 = arith.constant 16 : i32
        %add3A_359 = arith.addi %mul3A_357, %add3A_358 : i32
        %get3A_360 = arith.index_cast %add3A_359 : i32 to index
        %get3A_361 = tpu.vector_load %arg5[%get3A_360] {strides = array<i32>} : memref<16384xi32, #tpu.memory_space<vmem>>, vector<16xi32>,
        %sub3A_362 = arith.constant 33408 : i32
        %sub3A_363 = vector.broadcast %sub3A_362 : i32 to vector<16xi32>
        %sub3A_364 = arith.subi %get3A_361, %sub3A_363 : vector<16xi32>
        %ge3A_365 = arith.constant 0 : i32
        %ge3A_366 = vector.broadcast %ge3A_365 : i32 to vector<16xi32>
        %ge3A_367 = arith.cmpi sge, %sub3A_364, %ge3A_366 : vector<16xi32>
        %lt3A_368 = arith.constant 33408 : i32
        %lt3A_369 = vector.broadcast %lt3A_368 : i32 to vector<16xi32>
        %lt3A_370 = arith.cmpi slt, %sub3A_364, %lt3A_369 : vector<16xi32>
        %and3A_371 = arith.andi %ge3A_367, %lt3A_370 : vector<16xi1>
        %gather3A_372 = tpu.vector_load_idx %arg7[%sub3A_364] masked %and3A_371 : memref<33408xf32, #tpu.memory_space<vmem>>[vector<16xi32>], vector<16xf32>, vector<16xi1>
        %get3A_373 = arith.index_cast %add3A_359 : i32 to index
        %get3A_374 = tpu.vector_load %arg9[%get3A_373] {strides = array<i32>} : memref<16384xf32, #tpu.memory_space<vmem>>, vector<16xf32>,
        %select_n3A_375 = arith.select %and3A_371, %gather3A_372, %get3A_374 : vector<16xi1>, vector<16xf32>
        %swap3A_376 = arith.index_cast %add3A_359 : i32 to index
        %swap3A_377 = tpu.vector_load %arg9[%swap3A_376] {strides = array<i32>} : memref<16384xf32, #tpu.memory_space<vmem>>, vector<16xf32>,
        tpu.vector_store %arg9[%swap3A_376], %select_n3A_375 {strides = array<i32>} : memref<16384xf32, #tpu.memory_space<vmem>>, vector<16xf32>,
        %mul3A_378 = arith.constant 128 : i32
        %mul3A_379 = arith.muli %scan3A_337, %mul3A_378 : i32
        %add3A_380 = arith.constant 32 : i32
        %add3A_381 = arith.addi %mul3A_379, %add3A_380 : i32
        %get3A_382 = arith.index_cast %add3A_381 : i32 to index
        %get3A_383 = tpu.vector_load %arg5[%get3A_382] {strides = array<i32>} : memref<16384xi32, #tpu.memory_space<vmem>>, vector<16xi32>,
        %sub3A_384 = arith.constant 33408 : i32
        %sub3A_385 = vector.broadcast %sub3A_384 : i32 to vector<16xi32>
        %sub3A_386 = arith.subi %get3A_383, %sub3A_385 : vector<16xi32>
        %ge3A_387 = arith.constant 0 : i32
        %ge3A_388 = vector.broadcast %ge3A_387 : i32 to vector<16xi32>
        %ge3A_389 = arith.cmpi sge, %sub3A_386, %ge3A_388 : vector<16xi32>
        %lt3A_390 = arith.constant 33408 : i32
        %lt3A_391 = vector.broadcast %lt3A_390 : i32 to vector<16xi32>
        %lt3A_392 = arith.cmpi slt, %sub3A_386, %lt3A_391 : vector<16xi32>
        %and3A_393 = arith.andi %ge3A_389, %lt3A_392 : vector<16xi1>
        %gather3A_394 = tpu.vector_load_idx %arg7[%sub3A_386] masked %and3A_393 : memref<33408xf32, #tpu.memory_space<vmem>>[vector<16xi32>], vector<16xf32>, vector<16xi1>
        %get3A_395 = arith.index_cast %add3A_381 : i32 to index
        %get3A_396 = tpu.vector_load %arg9[%get3A_395] {strides = array<i32>} : memref<16384xf32, #tpu.memory_space<vmem>>, vector<16xf32>,
        %select_n3A_397 = arith.select %and3A_393, %gather3A_394, %get3A_396 : vector<16xi1>, vector<16xf32>
        %swap3A_398 = arith.index_cast %add3A_381 : i32 to index
        %swap3A_399 = tpu.vector_load %arg9[%swap3A_398] {strides = array<i32>} : memref<16384xf32, #tpu.memory_space<vmem>>, vector<16xf32>,
        tpu.vector_store %arg9[%swap3A_398], %select_n3A_397 {strides = array<i32>} : memref<16384xf32, #tpu.memory_space<vmem>>, vector<16xf32>,
        %mul3A_400 = arith.constant 128 : i32
        %mul3A_401 = arith.muli %scan3A_337, %mul3A_400 : i32
        %add3A_402 = arith.constant 48 : i32
        %add3A_403 = arith.addi %mul3A_401, %add3A_402 : i32
        %get3A_404 = arith.index_cast %add3A_403 : i32 to index
        %get3A_405 = tpu.vector_load %arg5[%get3A_404] {strides = array<i32>} : memref<16384xi32, #tpu.memory_space<vmem>>, vector<16xi32>,
        %sub3A_406 = arith.constant 33408 : i32
        %sub3A_407 = vector.broadcast %sub3A_406 : i32 to vector<16xi32>
        %sub3A_408 = arith.subi %get3A_405, %sub3A_407 : vector<16xi32>
        %ge3A_409 = arith.constant 0 : i32
        %ge3A_410 = vector.broadcast %ge3A_409 : i32 to vector<16xi32>
        %ge3A_411 = arith.cmpi sge, %sub3A_408, %ge3A_410 : vector<16xi32>
        %lt3A_412 = arith.constant 33408 : i32
        %lt3A_413 = vector.broadcast %lt3A_412 : i32 to vector<16xi32>
        %lt3A_414 = arith.cmpi slt, %sub3A_408, %lt3A_413 : vector<16xi32>
        %and3A_415 = arith.andi %ge3A_411, %lt3A_414 : vector<16xi1>
        %gather3A_416 = tpu.vector_load_idx %arg7[%sub3A_408] masked %and3A_415 : memref<33408xf32, #tpu.memory_space<vmem>>[vector<16xi32>], vector<16xf32>, vector<16xi1>
        %get3A_417 = arith.index_cast %add3A_403 : i32 to index
        %get3A_418 = tpu.vector_load %arg9[%get3A_417] {strides = array<i32>} : memref<16384xf32, #tpu.memory_space<vmem>>, vector<16xf32>,
        %select_n3A_419 = arith.select %and3A_415, %gather3A_416, %get3A_418 : vector<16xi1>, vector<16xf32>
        %swap3A_420 = arith.index_cast %add3A_403 : i32 to index
        %swap3A_421 = tpu.vector_load %arg9[%swap3A_420] {strides = array<i32>} : memref<16384xf32, #tpu.memory_space<vmem>>, vector<16xf32>,
        tpu.vector_store %arg9[%swap3A_420], %select_n3A_419 {strides = array<i32>} : memref<16384xf32, #tpu.memory_space<vmem>>, vector<16xf32>,
        %mul3A_422 = arith.constant 128 : i32
        %mul3A_423 = arith.muli %scan3A_337, %mul3A_422 : i32
        %add3A_424 = arith.constant 64 : i32
        %add3A_425 = arith.addi %mul3A_423, %add3A_424 : i32
        %get3A_426 = arith.index_cast %add3A_425 : i32 to index
        %get3A_427 = tpu.vector_load %arg5[%get3A_426] {strides = array<i32>} : memref<16384xi32, #tpu.memory_space<vmem>>, vector<16xi32>,
        %sub3A_428 = arith.constant 33408 : i32
        %sub3A_429 = vector.broadcast %sub3A_428 : i32 to vector<16xi32>
        %sub3A_430 = arith.subi %get3A_427, %sub3A_429 : vector<16xi32>
        %ge3A_431 = arith.constant 0 : i32
        %ge3A_432 = vector.broadcast %ge3A_431 : i32 to vector<16xi32>
        %ge3A_433 = arith.cmpi sge, %sub3A_430, %ge3A_432 : vector<16xi32>
        %lt3A_434 = arith.constant 33408 : i32
        %lt3A_435 = vector.broadcast %lt3A_434 : i32 to vector<16xi32>
        %lt3A_436 = arith.cmpi slt, %sub3A_430, %lt3A_435 : vector<16xi32>
        %and3A_437 = arith.andi %ge3A_433, %lt3A_436 : vector<16xi1>
        %gather3A_438 = tpu.vector_load_idx %arg7[%sub3A_430] masked %and3A_437 : memref<33408xf32, #tpu.memory_space<vmem>>[vector<16xi32>], vector<16xf32>, vector<16xi1>
        %get3A_439 = arith.index_cast %add3A_425 : i32 to index
        %get3A_440 = tpu.vector_load %arg9[%get3A_439] {strides = array<i32>} : memref<16384xf32, #tpu.memory_space<vmem>>, vector<16xf32>,
        %select_n3A_441 = arith.select %and3A_437, %gather3A_438, %get3A_440 : vector<16xi1>, vector<16xf32>
        %swap3A_442 = arith.index_cast %add3A_425 : i32 to index
        %swap3A_443 = tpu.vector_load %arg9[%swap3A_442] {strides = array<i32>} : memref<16384xf32, #tpu.memory_space<vmem>>, vector<16xf32>,
        tpu.vector_store %arg9[%swap3A_442], %select_n3A_441 {strides = array<i32>} : memref<16384xf32, #tpu.memory_space<vmem>>, vector<16xf32>,
        %mul3A_444 = arith.constant 128 : i32
        %mul3A_445 = arith.muli %scan3A_337, %mul3A_444 : i32
        %add3A_446 = arith.constant 80 : i32
        %add3A_447 = arith.addi %mul3A_445, %add3A_446 : i32
        %get3A_448 = arith.index_cast %add3A_447 : i32 to index
        %get3A_449 = tpu.vector_load %arg5[%get3A_448] {strides = array<i32>} : memref<16384xi32, #tpu.memory_space<vmem>>, vector<16xi32>,
        %sub3A_450 = arith.constant 33408 : i32
        %sub3A_451 = vector.broadcast %sub3A_450 : i32 to vector<16xi32>
        %sub3A_452 = arith.subi %get3A_449, %sub3A_451 : vector<16xi32>
        %ge3A_453 = arith.constant 0 : i32
        %ge3A_454 = vector.broadcast %ge3A_453 : i32 to vector<16xi32>
        %ge3A_455 = arith.cmpi sge, %sub3A_452, %ge3A_454 : vector<16xi32>
        %lt3A_456 = arith.constant 33408 : i32
        %lt3A_457 = vector.broadcast %lt3A_456 : i32 to vector<16xi32>
        %lt3A_458 = arith.cmpi slt, %sub3A_452, %lt3A_457 : vector<16xi32>
        %and3A_459 = arith.andi %ge3A_455, %lt3A_458 : vector<16xi1>
        %gather3A_460 = tpu.vector_load_idx %arg7[%sub3A_452] masked %and3A_459 : memref<33408xf32, #tpu.memory_space<vmem>>[vector<16xi32>], vector<16xf32>, vector<16xi1>
        %get3A_461 = arith.index_cast %add3A_447 : i32 to index
        %get3A_462 = tpu.vector_load %arg9[%get3A_461] {strides = array<i32>} : memref<16384xf32, #tpu.memory_space<vmem>>, vector<16xf32>,
        %select_n3A_463 = arith.select %and3A_459, %gather3A_460, %get3A_462 : vector<16xi1>, vector<16xf32>
        %swap3A_464 = arith.index_cast %add3A_447 : i32 to index
        %swap3A_465 = tpu.vector_load %arg9[%swap3A_464] {strides = array<i32>} : memref<16384xf32, #tpu.memory_space<vmem>>, vector<16xf32>,
        tpu.vector_store %arg9[%swap3A_464], %select_n3A_463 {strides = array<i32>} : memref<16384xf32, #tpu.memory_space<vmem>>, vector<16xf32>,
        %mul3A_466 = arith.constant 128 : i32
        %mul3A_467 = arith.muli %scan3A_337, %mul3A_466 : i32
        %add3A_468 = arith.constant 96 : i32
        %add3A_469 = arith.addi %mul3A_467, %add3A_468 : i32
        %get3A_470 = arith.index_cast %add3A_469 : i32 to index
        %get3A_471 = tpu.vector_load %arg5[%get3A_470] {strides = array<i32>} : memref<16384xi32, #tpu.memory_space<vmem>>, vector<16xi32>,
        %sub3A_472 = arith.constant 33408 : i32
        %sub3A_473 = vector.broadcast %sub3A_472 : i32 to vector<16xi32>
        %sub3A_474 = arith.subi %get3A_471, %sub3A_473 : vector<16xi32>
        %ge3A_475 = arith.constant 0 : i32
        %ge3A_476 = vector.broadcast %ge3A_475 : i32 to vector<16xi32>
        %ge3A_477 = arith.cmpi sge, %sub3A_474, %ge3A_476 : vector<16xi32>
        %lt3A_478 = arith.constant 33408 : i32
        %lt3A_479 = vector.broadcast %lt3A_478 : i32 to vector<16xi32>
        %lt3A_480 = arith.cmpi slt, %sub3A_474, %lt3A_479 : vector<16xi32>
        %and3A_481 = arith.andi %ge3A_477, %lt3A_480 : vector<16xi1>
        %gather3A_482 = tpu.vector_load_idx %arg7[%sub3A_474] masked %and3A_481 : memref<33408xf32, #tpu.memory_space<vmem>>[vector<16xi32>], vector<16xf32>, vector<16xi1>
        %get3A_483 = arith.index_cast %add3A_469 : i32 to index
        %get3A_484 = tpu.vector_load %arg9[%get3A_483] {strides = array<i32>} : memref<16384xf32, #tpu.memory_space<vmem>>, vector<16xf32>,
        %select_n3A_485 = arith.select %and3A_481, %gather3A_482, %get3A_484 : vector<16xi1>, vector<16xf32>
        %swap3A_486 = arith.index_cast %add3A_469 : i32 to index
        %swap3A_487 = tpu.vector_load %arg9[%swap3A_486] {strides = array<i32>} : memref<16384xf32, #tpu.memory_space<vmem>>, vector<16xf32>,
        tpu.vector_store %arg9[%swap3A_486], %select_n3A_485 {strides = array<i32>} : memref<16384xf32, #tpu.memory_space<vmem>>, vector<16xf32>,
        %mul3A_488 = arith.constant 128 : i32
        %mul3A_489 = arith.muli %scan3A_337, %mul3A_488 : i32
        %add3A_490 = arith.constant 112 : i32
        %add3A_491 = arith.addi %mul3A_489, %add3A_490 : i32
        %get3A_492 = arith.index_cast %add3A_491 : i32 to index
        %get3A_493 = tpu.vector_load %arg5[%get3A_492] {strides = array<i32>} : memref<16384xi32, #tpu.memory_space<vmem>>, vector<16xi32>,
        %sub3A_494 = arith.constant 33408 : i32
        %sub3A_495 = vector.broadcast %sub3A_494 : i32 to vector<16xi32>
        %sub3A_496 = arith.subi %get3A_493, %sub3A_495 : vector<16xi32>
        %ge3A_497 = arith.constant 0 : i32
        %ge3A_498 = vector.broadcast %ge3A_497 : i32 to vector<16xi32>
        %ge3A_499 = arith.cmpi sge, %sub3A_496, %ge3A_498 : vector<16xi32>
        %lt3A_500 = arith.constant 33408 : i32
        %lt3A_501 = vector.broadcast %lt3A_500 : i32 to vector<16xi32>
        %lt3A_502 = arith.cmpi slt, %sub3A_496, %lt3A_501 : vector<16xi32>
        %and3A_503 = arith.andi %ge3A_499, %lt3A_502 : vector<16xi1>
        %gather3A_504 = tpu.vector_load_idx %arg7[%sub3A_496] masked %and3A_503 : memref<33408xf32, #tpu.memory_space<vmem>>[vector<16xi32>], vector<16xf32>, vector<16xi1>
        %get3A_505 = arith.index_cast %add3A_491 : i32 to index
        %get3A_506 = tpu.vector_load %arg9[%get3A_505] {strides = array<i32>} : memref<16384xf32, #tpu.memory_space<vmem>>, vector<16xf32>,
        %select_n3A_507 = arith.select %and3A_503, %gather3A_504, %get3A_506 : vector<16xi1>, vector<16xf32>
        %swap3A_508 = arith.index_cast %add3A_491 : i32 to index
        %swap3A_509 = tpu.vector_load %arg9[%swap3A_508] {strides = array<i32>} : memref<16384xf32, #tpu.memory_space<vmem>>, vector<16xf32>,
        tpu.vector_store %arg9[%swap3A_508], %select_n3A_507 {strides = array<i32>} : memref<16384xf32, #tpu.memory_space<vmem>>, vector<16xf32>,
        %scan3A_510 = arith.constant 0 : i32
        scf.yield %scan3A_510 : i32
      }
      %scan3A_142 = arith.constant 128 : i32
      %dma_wait3A_143 = arith.constant 0 : i32
      %dma_wait3A_144 = tpu.memref_slice %arg6[%dma_wait3A_143] : memref<33408xf32, #tpu.memory_space<vmem>> -> memref<33152xf32, #tpu.memory_space<vmem>>
      %dma_wait3A_145 = arith.constant 0 : i32
      %dma_wait3A_146 = tpu.memref_slice %arg2[%add3A_50, %dma_wait3A_145] : memref<1664x100000xf32, #tpu.memory_space<hbm>> -> memref<1x100000xf32, #tpu.memory_space<hbm>>
      %dma_wait3A_147 = tpu.memref_squeeze %dma_wait3A_146 : memref<1x100000xf32, #tpu.memory_space<hbm>> -> memref<100000xf32, #tpu.memory_space<hbm>>
      %dma_wait3A_148 = arith.constant 66816 : i32
      %dma_wait3A_149 = tpu.memref_slice %dma_wait3A_147[%dma_wait3A_148] : memref<100000xf32, #tpu.memory_space<hbm>> -> memref<33152xf32, #tpu.memory_space<hbm>>
      %dma_wait3A_150 = arith.constant 0 : i32
      %dma_wait3A_151 = tpu.memref_slice %arg6[%dma_wait3A_150] : memref<33408xf32, #tpu.memory_space<vmem>> -> memref<33152xf32, #tpu.memory_space<vmem>>
      %dma_wait3A_152 = arith.constant 0 : i32
      %dma_wait3A_153 = tpu.memref_slice %arg2[%add3A_50, %dma_wait3A_152] : memref<1664x100000xf32, #tpu.memory_space<hbm>> -> memref<1x100000xf32, #tpu.memory_space<hbm>>
      %dma_wait3A_154 = tpu.memref_squeeze %dma_wait3A_153 : memref<1x100000xf32, #tpu.memory_space<hbm>> -> memref<100000xf32, #tpu.memory_space<hbm>>
      %dma_wait3A_155 = arith.constant 66816 : i32
      %dma_wait3A_156 = tpu.memref_slice %dma_wait3A_154[%dma_wait3A_155] : memref<100000xf32, #tpu.memory_space<hbm>> -> memref<33152xf32, #tpu.memory_space<hbm>>
      tpu.wait_dma2 semaphore(%arg11 : memref<!tpu.dma_semaphore, #tpu.memory_space<semaphore_mem>>) src(%dma_wait3A_156 : memref<33152xf32, #tpu.memory_space<hbm>>) dst(%dma_wait3A_151 : memref<33152xf32, #tpu.memory_space<vmem>>)
      %dma_start3A_157 = arith.constant 0 : i32
      %dma_start3A_158 = tpu.memref_slice %arg7[%dma_start3A_157] : memref<33408xf32, #tpu.memory_space<vmem>> -> memref<33408xf32, #tpu.memory_space<vmem>>
      %dma_start3A_159 = arith.constant 0 : i32
      %dma_start3A_160 = tpu.memref_slice %arg2[%add3A_52, %dma_start3A_159] : memref<1664x100000xf32, #tpu.memory_space<hbm>> -> memref<1x100000xf32, #tpu.memory_space<hbm>>
      %dma_start3A_161 = tpu.memref_squeeze %dma_start3A_160 : memref<1x100000xf32, #tpu.memory_space<hbm>> -> memref<100000xf32, #tpu.memory_space<hbm>>
      %dma_start3A_162 = arith.constant 0 : i32
      %dma_start3A_163 = tpu.memref_slice %dma_start3A_161[%dma_start3A_162] : memref<100000xf32, #tpu.memory_space<hbm>> -> memref<33408xf32, #tpu.memory_space<hbm>>
      %dma_start3A_164 = arith.constant 0 : i32
      %dma_start3A_165 = tpu.memref_slice %arg7[%dma_start3A_164] : memref<33408xf32, #tpu.memory_space<vmem>> -> memref<33408xf32, #tpu.memory_space<vmem>>
      %dma_start3A_166 = arith.constant 0 : i32
      %dma_start3A_167 = tpu.memref_slice %arg2[%add3A_52, %dma_start3A_166] : memref<1664x100000xf32, #tpu.memory_space<hbm>> -> memref<1x100000xf32, #tpu.memory_space<hbm>>
      %dma_start3A_168 = tpu.memref_squeeze %dma_start3A_167 : memref<1x100000xf32, #tpu.memory_space<hbm>> -> memref<100000xf32, #tpu.memory_space<hbm>>
      %dma_start3A_169 = arith.constant 0 : i32
      %dma_start3A_170 = tpu.memref_slice %dma_start3A_168[%dma_start3A_169] : memref<100000xf32, #tpu.memory_space<hbm>> -> memref<33408xf32, #tpu.memory_space<hbm>>
      tpu.enqueue_dma source(%dma_start3A_170 : memref<33408xf32, #tpu.memory_space<hbm>>) target(%dma_start3A_165 : memref<33408xf32, #tpu.memory_space<vmem>>) target_semaphore(%arg12 : memref<!tpu.dma_semaphore, #tpu.memory_space<semaphore_mem>>)
      %dma_wait3A_171 = arith.constant 0 : i32
      %dma_wait3A_172 = tpu.memref_slice %arg8[%dma_wait3A_171] : memref<32xf32, #tpu.memory_space<vmem>> -> memref<32xf32, #tpu.memory_space<vmem>>
      %dma_wait3A_173 = arith.constant 0 : i32
      %dma_wait3A_174 = tpu.memref_slice %arg2[%add3A_50, %dma_wait3A_173] : memref<1664x100000xf32, #tpu.memory_space<hbm>> -> memref<1x100000xf32, #tpu.memory_space<hbm>>
      %dma_wait3A_175 = tpu.memref_squeeze %dma_wait3A_174 : memref<1x100000xf32, #tpu.memory_space<hbm>> -> memref<100000xf32, #tpu.memory_space<hbm>>
      %dma_wait3A_176 = arith.constant 99968 : i32
      %dma_wait3A_177 = tpu.memref_slice %dma_wait3A_175[%dma_wait3A_176] : memref<100000xf32, #tpu.memory_space<hbm>> -> memref<32xf32, #tpu.memory_space<hbm>>
      %dma_wait3A_178 = arith.constant 0 : i32
      %dma_wait3A_179 = tpu.memref_slice %arg8[%dma_wait3A_178] : memref<32xf32, #tpu.memory_space<vmem>> -> memref<32xf32, #tpu.memory_space<vmem>>
      %dma_wait3A_180 = arith.constant 0 : i32
      %dma_wait3A_181 = tpu.memref_slice %arg2[%add3A_50, %dma_wait3A_180] : memref<1664x100000xf32, #tpu.memory_space<hbm>> -> memref<1x100000xf32, #tpu.memory_space<hbm>>
      %dma_wait3A_182 = tpu.memref_squeeze %dma_wait3A_181 : memref<1x100000xf32, #tpu.memory_space<hbm>> -> memref<100000xf32, #tpu.memory_space<hbm>>
      %dma_wait3A_183 = arith.constant 99968 : i32
      %dma_wait3A_184 = tpu.memref_slice %dma_wait3A_182[%dma_wait3A_183] : memref<100000xf32, #tpu.memory_space<hbm>> -> memref<32xf32, #tpu.memory_space<hbm>>
      tpu.wait_dma2 semaphore(%arg13 : memref<!tpu.dma_semaphore, #tpu.memory_space<semaphore_mem>>) src(%dma_wait3A_184 : memref<32xf32, #tpu.memory_space<hbm>>) dst(%dma_wait3A_179 : memref<32xf32, #tpu.memory_space<vmem>>)
      %scan3A_185 = arith.constant 0 : i32
      %scan3A_186 = arith.constant 0 : i32
      %scan3A_187 = arith.constant 128 : i32
      %scan3A_188 = arith.addi %scan3A_186, %scan3A_187 : i32
      %scan3A_189 = arith.constant 1 : i32
      %scan3A_190 = scf.for %scan3A_337 = %scan3A_186 to %scan3A_188 step %scan3A_189 iter_args(%scan3A_338 = %scan3A_185) -> (i32)  : i32 {
        %mul3A_339 = arith.constant 128 : i32
        %mul3A_340 = arith.muli %scan3A_337, %mul3A_339 : i32
        %add3A_341 = arith.constant 0 : i32
        %add3A_342 = arith.addi %mul3A_340, %add3A_341 : i32
        %get3A = arith.index_cast %add3A_342 : i32 to index
        %get3A_343 = tpu.vector_load %arg5[%get3A] {strides = array<i32>} : memref<16384xi32, #tpu.memory_space<vmem>>, vector<16xi32>,
        %sub3A_344 = arith.constant 66816 : i32
        %sub3A_345 = vector.broadcast %sub3A_344 : i32 to vector<16xi32>
        %sub3A_346 = arith.subi %get3A_343, %sub3A_345 : vector<16xi32>
        %ge3A_347 = arith.constant 0 : i32
        %ge3A_348 = vector.broadcast %ge3A_347 : i32 to vector<16xi32>
        %ge3A_349 = arith.cmpi sge, %sub3A_346, %ge3A_348 : vector<16xi32>
        %lt3A_350 = arith.constant 33152 : i32
        %lt3A_351 = vector.broadcast %lt3A_350 : i32 to vector<16xi32>
        %lt3A_352 = arith.cmpi slt, %sub3A_346, %lt3A_351 : vector<16xi32>
        %and3A = arith.andi %ge3A_349, %lt3A_352 : vector<16xi1>
        %gather3A = tpu.vector_load_idx %arg6[%sub3A_346] masked %and3A : memref<33408xf32, #tpu.memory_space<vmem>>[vector<16xi32>], vector<16xf32>, vector<16xi1>
        %sub3A_353 = arith.constant 99968 : i32
        %sub3A_354 = vector.broadcast %sub3A_353 : i32 to vector<16xi32>
        %sub3A_355 = arith.subi %get3A_343, %sub3A_354 : vector<16xi32>
        %ge3A_356 = arith.constant 0 : i32
        %ge3A_357 = vector.broadcast %ge3A_356 : i32 to vector<16xi32>
        %ge3A_358 = arith.cmpi sge, %sub3A_355, %ge3A_357 : vector<16xi32>
        %gather3A_359 = tpu.vector_load_idx %arg8[%sub3A_355] masked %ge3A_358 : memref<32xf32, #tpu.memory_space<vmem>>[vector<16xi32>], vector<16xf32>, vector<16xi1>
        %get3A_360 = arith.index_cast %add3A_342 : i32 to index
        %get3A_361 = tpu.vector_load %arg9[%get3A_360] {strides = array<i32>} : memref<16384xf32, #tpu.memory_space<vmem>>, vector<16xf32>,
        %select_n3A = arith.select %and3A, %gather3A, %get3A_361 : vector<16xi1>, vector<16xf32>
        %select_n3A_362 = arith.select %ge3A_358, %gather3A_359, %select_n3A : vector<16xi1>, vector<16xf32>
        %swap3A = arith.index_cast %add3A_342 : i32 to index
        %swap3A_363 = tpu.vector_load %arg9[%swap3A] {strides = array<i32>} : memref<16384xf32, #tpu.memory_space<vmem>>, vector<16xf32>,
        tpu.vector_store %arg9[%swap3A], %select_n3A_362 {strides = array<i32>} : memref<16384xf32, #tpu.memory_space<vmem>>, vector<16xf32>,
        %mul3A_364 = arith.constant 128 : i32
        %mul3A_365 = arith.muli %scan3A_337, %mul3A_364 : i32
        %add3A_366 = arith.constant 16 : i32
        %add3A_367 = arith.addi %mul3A_365, %add3A_366 : i32
        %get3A_368 = arith.index_cast %add3A_367 : i32 to index
        %get3A_369 = tpu.vector_load %arg5[%get3A_368] {strides = array<i32>} : memref<16384xi32, #tpu.memory_space<vmem>>, vector<16xi32>,
        %sub3A_370 = arith.constant 66816 : i32
        %sub3A_371 = vector.broadcast %sub3A_370 : i32 to vector<16xi32>
        %sub3A_372 = arith.subi %get3A_369, %sub3A_371 : vector<16xi32>
        %ge3A_373 = arith.constant 0 : i32
        %ge3A_374 = vector.broadcast %ge3A_373 : i32 to vector<16xi32>
        %ge3A_375 = arith.cmpi sge, %sub3A_372, %ge3A_374 : vector<16xi32>
        %lt3A_376 = arith.constant 33152 : i32
        %lt3A_377 = vector.broadcast %lt3A_376 : i32 to vector<16xi32>
        %lt3A_378 = arith.cmpi slt, %sub3A_372, %lt3A_377 : vector<16xi32>
        %and3A_379 = arith.andi %ge3A_375, %lt3A_378 : vector<16xi1>
        %gather3A_380 = tpu.vector_load_idx %arg6[%sub3A_372] masked %and3A_379 : memref<33408xf32, #tpu.memory_space<vmem>>[vector<16xi32>], vector<16xf32>, vector<16xi1>
        %sub3A_381 = arith.constant 99968 : i32
        %sub3A_382 = vector.broadcast %sub3A_381 : i32 to vector<16xi32>
        %sub3A_383 = arith.subi %get3A_369, %sub3A_382 : vector<16xi32>
        %ge3A_384 = arith.constant 0 : i32
        %ge3A_385 = vector.broadcast %ge3A_384 : i32 to vector<16xi32>
        %ge3A_386 = arith.cmpi sge, %sub3A_383, %ge3A_385 : vector<16xi32>
        %gather3A_387 = tpu.vector_load_idx %arg8[%sub3A_383] masked %ge3A_386 : memref<32xf32, #tpu.memory_space<vmem>>[vector<16xi32>], vector<16xf32>, vector<16xi1>
        %get3A_388 = arith.index_cast %add3A_367 : i32 to index
        %get3A_389 = tpu.vector_load %arg9[%get3A_388] {strides = array<i32>} : memref<16384xf32, #tpu.memory_space<vmem>>, vector<16xf32>,
        %select_n3A_390 = arith.select %and3A_379, %gather3A_380, %get3A_389 : vector<16xi1>, vector<16xf32>
        %select_n3A_391 = arith.select %ge3A_386, %gather3A_387, %select_n3A_390 : vector<16xi1>, vector<16xf32>
        %swap3A_392 = arith.index_cast %add3A_367 : i32 to index
        %swap3A_393 = tpu.vector_load %arg9[%swap3A_392] {strides = array<i32>} : memref<16384xf32, #tpu.memory_space<vmem>>, vector<16xf32>,
        tpu.vector_store %arg9[%swap3A_392], %select_n3A_391 {strides = array<i32>} : memref<16384xf32, #tpu.memory_space<vmem>>, vector<16xf32>,
        %mul3A_394 = arith.constant 128 : i32
        %mul3A_395 = arith.muli %scan3A_337, %mul3A_394 : i32
        %add3A_396 = arith.constant 32 : i32
        %add3A_397 = arith.addi %mul3A_395, %add3A_396 : i32
        %get3A_398 = arith.index_cast %add3A_397 : i32 to index
        %get3A_399 = tpu.vector_load %arg5[%get3A_398] {strides = array<i32>} : memref<16384xi32, #tpu.memory_space<vmem>>, vector<16xi32>,
        %sub3A_400 = arith.constant 66816 : i32
        %sub3A_401 = vector.broadcast %sub3A_400 : i32 to vector<16xi32>
        %sub3A_402 = arith.subi %get3A_399, %sub3A_401 : vector<16xi32>
        %ge3A_403 = arith.constant 0 : i32
        %ge3A_404 = vector.broadcast %ge3A_403 : i32 to vector<16xi32>
        %ge3A_405 = arith.cmpi sge, %sub3A_402, %ge3A_404 : vector<16xi32>
        %lt3A_406 = arith.constant 33152 : i32
        %lt3A_407 = vector.broadcast %lt3A_406 : i32 to vector<16xi32>
        %lt3A_408 = arith.cmpi slt, %sub3A_402, %lt3A_407 : vector<16xi32>
        %and3A_409 = arith.andi %ge3A_405, %lt3A_408 : vector<16xi1>
        %gather3A_410 = tpu.vector_load_idx %arg6[%sub3A_402] masked %and3A_409 : memref<33408xf32, #tpu.memory_space<vmem>>[vector<16xi32>], vector<16xf32>, vector<16xi1>
        %sub3A_411 = arith.constant 99968 : i32
        %sub3A_412 = vector.broadcast %sub3A_411 : i32 to vector<16xi32>
        %sub3A_413 = arith.subi %get3A_399, %sub3A_412 : vector<16xi32>
        %ge3A_414 = arith.constant 0 : i32
        %ge3A_415 = vector.broadcast %ge3A_414 : i32 to vector<16xi32>
        %ge3A_416 = arith.cmpi sge, %sub3A_413, %ge3A_415 : vector<16xi32>
        %gather3A_417 = tpu.vector_load_idx %arg8[%sub3A_413] masked %ge3A_416 : memref<32xf32, #tpu.memory_space<vmem>>[vector<16xi32>], vector<16xf32>, vector<16xi1>
        %get3A_418 = arith.index_cast %add3A_397 : i32 to index
        %get3A_419 = tpu.vector_load %arg9[%get3A_418] {strides = array<i32>} : memref<16384xf32, #tpu.memory_space<vmem>>, vector<16xf32>,
        %select_n3A_420 = arith.select %and3A_409, %gather3A_410, %get3A_419 : vector<16xi1>, vector<16xf32>
        %select_n3A_421 = arith.select %ge3A_416, %gather3A_417, %select_n3A_420 : vector<16xi1>, vector<16xf32>
        %swap3A_422 = arith.index_cast %add3A_397 : i32 to index
        %swap3A_423 = tpu.vector_load %arg9[%swap3A_422] {strides = array<i32>} : memref<16384xf32, #tpu.memory_space<vmem>>, vector<16xf32>,
        tpu.vector_store %arg9[%swap3A_422], %select_n3A_421 {strides = array<i32>} : memref<16384xf32, #tpu.memory_space<vmem>>, vector<16xf32>,
        %mul3A_424 = arith.constant 128 : i32
        %mul3A_425 = arith.muli %scan3A_337, %mul3A_424 : i32
        %add3A_426 = arith.constant 48 : i32
        %add3A_427 = arith.addi %mul3A_425, %add3A_426 : i32
        %get3A_428 = arith.index_cast %add3A_427 : i32 to index
        %get3A_429 = tpu.vector_load %arg5[%get3A_428] {strides = array<i32>} : memref<16384xi32, #tpu.memory_space<vmem>>, vector<16xi32>,
        %sub3A_430 = arith.constant 66816 : i32
        %sub3A_431 = vector.broadcast %sub3A_430 : i32 to vector<16xi32>
        %sub3A_432 = arith.subi %get3A_429, %sub3A_431 : vector<16xi32>
        %ge3A_433 = arith.constant 0 : i32
        %ge3A_434 = vector.broadcast %ge3A_433 : i32 to vector<16xi32>
        %ge3A_435 = arith.cmpi sge, %sub3A_432, %ge3A_434 : vector<16xi32>
        %lt3A_436 = arith.constant 33152 : i32
        %lt3A_437 = vector.broadcast %lt3A_436 : i32 to vector<16xi32>
        %lt3A_438 = arith.cmpi slt, %sub3A_432, %lt3A_437 : vector<16xi32>
        %and3A_439 = arith.andi %ge3A_435, %lt3A_438 : vector<16xi1>
        %gather3A_440 = tpu.vector_load_idx %arg6[%sub3A_432] masked %and3A_439 : memref<33408xf32, #tpu.memory_space<vmem>>[vector<16xi32>], vector<16xf32>, vector<16xi1>
        %sub3A_441 = arith.constant 99968 : i32
        %sub3A_442 = vector.broadcast %sub3A_441 : i32 to vector<16xi32>
        %sub3A_443 = arith.subi %get3A_429, %sub3A_442 : vector<16xi32>
        %ge3A_444 = arith.constant 0 : i32
        %ge3A_445 = vector.broadcast %ge3A_444 : i32 to vector<16xi32>
        %ge3A_446 = arith.cmpi sge, %sub3A_443, %ge3A_445 : vector<16xi32>
        %gather3A_447 = tpu.vector_load_idx %arg8[%sub3A_443] masked %ge3A_446 : memref<32xf32, #tpu.memory_space<vmem>>[vector<16xi32>], vector<16xf32>, vector<16xi1>
        %get3A_448 = arith.index_cast %add3A_427 : i32 to index
        %get3A_449 = tpu.vector_load %arg9[%get3A_448] {strides = array<i32>} : memref<16384xf32, #tpu.memory_space<vmem>>, vector<16xf32>,
        %select_n3A_450 = arith.select %and3A_439, %gather3A_440, %get3A_449 : vector<16xi1>, vector<16xf32>
        %select_n3A_451 = arith.select %ge3A_446, %gather3A_447, %select_n3A_450 : vector<16xi1>, vector<16xf32>
        %swap3A_452 = arith.index_cast %add3A_427 : i32 to index
        %swap3A_453 = tpu.vector_load %arg9[%swap3A_452] {strides = array<i32>} : memref<16384xf32, #tpu.memory_space<vmem>>, vector<16xf32>,
        tpu.vector_store %arg9[%swap3A_452], %select_n3A_451 {strides = array<i32>} : memref<16384xf32, #tpu.memory_space<vmem>>, vector<16xf32>,
        %mul3A_454 = arith.constant 128 : i32
        %mul3A_455 = arith.muli %scan3A_337, %mul3A_454 : i32
        %add3A_456 = arith.constant 64 : i32
        %add3A_457 = arith.addi %mul3A_455, %add3A_456 : i32
        %get3A_458 = arith.index_cast %add3A_457 : i32 to index
        %get3A_459 = tpu.vector_load %arg5[%get3A_458] {strides = array<i32>} : memref<16384xi32, #tpu.memory_space<vmem>>, vector<16xi32>,
        %sub3A_460 = arith.constant 66816 : i32
        %sub3A_461 = vector.broadcast %sub3A_460 : i32 to vector<16xi32>
        %sub3A_462 = arith.subi %get3A_459, %sub3A_461 : vector<16xi32>
        %ge3A_463 = arith.constant 0 : i32
        %ge3A_464 = vector.broadcast %ge3A_463 : i32 to vector<16xi32>
        %ge3A_465 = arith.cmpi sge, %sub3A_462, %ge3A_464 : vector<16xi32>
        %lt3A_466 = arith.constant 33152 : i32
        %lt3A_467 = vector.broadcast %lt3A_466 : i32 to vector<16xi32>
        %lt3A_468 = arith.cmpi slt, %sub3A_462, %lt3A_467 : vector<16xi32>
        %and3A_469 = arith.andi %ge3A_465, %lt3A_468 : vector<16xi1>
        %gather3A_470 = tpu.vector_load_idx %arg6[%sub3A_462] masked %and3A_469 : memref<33408xf32, #tpu.memory_space<vmem>>[vector<16xi32>], vector<16xf32>, vector<16xi1>
        %sub3A_471 = arith.constant 99968 : i32
        %sub3A_472 = vector.broadcast %sub3A_471 : i32 to vector<16xi32>
        %sub3A_473 = arith.subi %get3A_459, %sub3A_472 : vector<16xi32>
        %ge3A_474 = arith.constant 0 : i32
        %ge3A_475 = vector.broadcast %ge3A_474 : i32 to vector<16xi32>
        %ge3A_476 = arith.cmpi sge, %sub3A_473, %ge3A_475 : vector<16xi32>
        %gather3A_477 = tpu.vector_load_idx %arg8[%sub3A_473] masked %ge3A_476 : memref<32xf32, #tpu.memory_space<vmem>>[vector<16xi32>], vector<16xf32>, vector<16xi1>
        %get3A_478 = arith.index_cast %add3A_457 : i32 to index
        %get3A_479 = tpu.vector_load %arg9[%get3A_478] {strides = array<i32>} : memref<16384xf32, #tpu.memory_space<vmem>>, vector<16xf32>,
        %select_n3A_480 = arith.select %and3A_469, %gather3A_470, %get3A_479 : vector<16xi1>, vector<16xf32>
        %select_n3A_481 = arith.select %ge3A_476, %gather3A_477, %select_n3A_480 : vector<16xi1>, vector<16xf32>
        %swap3A_482 = arith.index_cast %add3A_457 : i32 to index
        %swap3A_483 = tpu.vector_load %arg9[%swap3A_482] {strides = array<i32>} : memref<16384xf32, #tpu.memory_space<vmem>>, vector<16xf32>,
        tpu.vector_store %arg9[%swap3A_482], %select_n3A_481 {strides = array<i32>} : memref<16384xf32, #tpu.memory_space<vmem>>, vector<16xf32>,
        %mul3A_484 = arith.constant 128 : i32
        %mul3A_485 = arith.muli %scan3A_337, %mul3A_484 : i32
        %add3A_486 = arith.constant 80 : i32
        %add3A_487 = arith.addi %mul3A_485, %add3A_486 : i32
        %get3A_488 = arith.index_cast %add3A_487 : i32 to index
        %get3A_489 = tpu.vector_load %arg5[%get3A_488] {strides = array<i32>} : memref<16384xi32, #tpu.memory_space<vmem>>, vector<16xi32>,
        %sub3A_490 = arith.constant 66816 : i32
        %sub3A_491 = vector.broadcast %sub3A_490 : i32 to vector<16xi32>
        %sub3A_492 = arith.subi %get3A_489, %sub3A_491 : vector<16xi32>
        %ge3A_493 = arith.constant 0 : i32
        %ge3A_494 = vector.broadcast %ge3A_493 : i32 to vector<16xi32>
        %ge3A_495 = arith.cmpi sge, %sub3A_492, %ge3A_494 : vector<16xi32>
        %lt3A_496 = arith.constant 33152 : i32
        %lt3A_497 = vector.broadcast %lt3A_496 : i32 to vector<16xi32>
        %lt3A_498 = arith.cmpi slt, %sub3A_492, %lt3A_497 : vector<16xi32>
        %and3A_499 = arith.andi %ge3A_495, %lt3A_498 : vector<16xi1>
        %gather3A_500 = tpu.vector_load_idx %arg6[%sub3A_492] masked %and3A_499 : memref<33408xf32, #tpu.memory_space<vmem>>[vector<16xi32>], vector<16xf32>, vector<16xi1>
        %sub3A_501 = arith.constant 99968 : i32
        %sub3A_502 = vector.broadcast %sub3A_501 : i32 to vector<16xi32>
        %sub3A_503 = arith.subi %get3A_489, %sub3A_502 : vector<16xi32>
        %ge3A_504 = arith.constant 0 : i32
        %ge3A_505 = vector.broadcast %ge3A_504 : i32 to vector<16xi32>
        %ge3A_506 = arith.cmpi sge, %sub3A_503, %ge3A_505 : vector<16xi32>
        %gather3A_507 = tpu.vector_load_idx %arg8[%sub3A_503] masked %ge3A_506 : memref<32xf32, #tpu.memory_space<vmem>>[vector<16xi32>], vector<16xf32>, vector<16xi1>
        %get3A_508 = arith.index_cast %add3A_487 : i32 to index
        %get3A_509 = tpu.vector_load %arg9[%get3A_508] {strides = array<i32>} : memref<16384xf32, #tpu.memory_space<vmem>>, vector<16xf32>,
        %select_n3A_510 = arith.select %and3A_499, %gather3A_500, %get3A_509 : vector<16xi1>, vector<16xf32>
        %select_n3A_511 = arith.select %ge3A_506, %gather3A_507, %select_n3A_510 : vector<16xi1>, vector<16xf32>
        %swap3A_512 = arith.index_cast %add3A_487 : i32 to index
        %swap3A_513 = tpu.vector_load %arg9[%swap3A_512] {strides = array<i32>} : memref<16384xf32, #tpu.memory_space<vmem>>, vector<16xf32>,
        tpu.vector_store %arg9[%swap3A_512], %select_n3A_511 {strides = array<i32>} : memref<16384xf32, #tpu.memory_space<vmem>>, vector<16xf32>,
        %mul3A_514 = arith.constant 128 : i32
        %mul3A_515 = arith.muli %scan3A_337, %mul3A_514 : i32
        %add3A_516 = arith.constant 96 : i32
        %add3A_517 = arith.addi %mul3A_515, %add3A_516 : i32
        %get3A_518 = arith.index_cast %add3A_517 : i32 to index
        %get3A_519 = tpu.vector_load %arg5[%get3A_518] {strides = array<i32>} : memref<16384xi32, #tpu.memory_space<vmem>>, vector<16xi32>,
        %sub3A_520 = arith.constant 66816 : i32
        %sub3A_521 = vector.broadcast %sub3A_520 : i32 to vector<16xi32>
        %sub3A_522 = arith.subi %get3A_519, %sub3A_521 : vector<16xi32>
        %ge3A_523 = arith.constant 0 : i32
        %ge3A_524 = vector.broadcast %ge3A_523 : i32 to vector<16xi32>
        %ge3A_525 = arith.cmpi sge, %sub3A_522, %ge3A_524 : vector<16xi32>
        %lt3A_526 = arith.constant 33152 : i32
        %lt3A_527 = vector.broadcast %lt3A_526 : i32 to vector<16xi32>
        %lt3A_528 = arith.cmpi slt, %sub3A_522, %lt3A_527 : vector<16xi32>
        %and3A_529 = arith.andi %ge3A_525, %lt3A_528 : vector<16xi1>
        %gather3A_530 = tpu.vector_load_idx %arg6[%sub3A_522] masked %and3A_529 : memref<33408xf32, #tpu.memory_space<vmem>>[vector<16xi32>], vector<16xf32>, vector<16xi1>
        %sub3A_531 = arith.constant 99968 : i32
        %sub3A_532 = vector.broadcast %sub3A_531 : i32 to vector<16xi32>
        %sub3A_533 = arith.subi %get3A_519, %sub3A_532 : vector<16xi32>
        %ge3A_534 = arith.constant 0 : i32
        %ge3A_535 = vector.broadcast %ge3A_534 : i32 to vector<16xi32>
        %ge3A_536 = arith.cmpi sge, %sub3A_533, %ge3A_535 : vector<16xi32>
        %gather3A_537 = tpu.vector_load_idx %arg8[%sub3A_533] masked %ge3A_536 : memref<32xf32, #tpu.memory_space<vmem>>[vector<16xi32>], vector<16xf32>, vector<16xi1>
        %get3A_538 = arith.index_cast %add3A_517 : i32 to index
        %get3A_539 = tpu.vector_load %arg9[%get3A_538] {strides = array<i32>} : memref<16384xf32, #tpu.memory_space<vmem>>, vector<16xf32>,
        %select_n3A_540 = arith.select %and3A_529, %gather3A_530, %get3A_539 : vector<16xi1>, vector<16xf32>
        %select_n3A_541 = arith.select %ge3A_536, %gather3A_537, %select_n3A_540 : vector<16xi1>, vector<16xf32>
        %swap3A_542 = arith.index_cast %add3A_517 : i32 to index
        %swap3A_543 = tpu.vector_load %arg9[%swap3A_542] {strides = array<i32>} : memref<16384xf32, #tpu.memory_space<vmem>>, vector<16xf32>,
        tpu.vector_store %arg9[%swap3A_542], %select_n3A_541 {strides = array<i32>} : memref<16384xf32, #tpu.memory_space<vmem>>, vector<16xf32>,
        %mul3A_544 = arith.constant 128 : i32
        %mul3A_545 = arith.muli %scan3A_337, %mul3A_544 : i32
        %add3A_546 = arith.constant 112 : i32
        %add3A_547 = arith.addi %mul3A_545, %add3A_546 : i32
        %get3A_548 = arith.index_cast %add3A_547 : i32 to index
        %get3A_549 = tpu.vector_load %arg5[%get3A_548] {strides = array<i32>} : memref<16384xi32, #tpu.memory_space<vmem>>, vector<16xi32>,
        %sub3A_550 = arith.constant 66816 : i32
        %sub3A_551 = vector.broadcast %sub3A_550 : i32 to vector<16xi32>
        %sub3A_552 = arith.subi %get3A_549, %sub3A_551 : vector<16xi32>
        %ge3A_553 = arith.constant 0 : i32
        %ge3A_554 = vector.broadcast %ge3A_553 : i32 to vector<16xi32>
        %ge3A_555 = arith.cmpi sge, %sub3A_552, %ge3A_554 : vector<16xi32>
        %lt3A_556 = arith.constant 33152 : i32
        %lt3A_557 = vector.broadcast %lt3A_556 : i32 to vector<16xi32>
        %lt3A_558 = arith.cmpi slt, %sub3A_552, %lt3A_557 : vector<16xi32>
        %and3A_559 = arith.andi %ge3A_555, %lt3A_558 : vector<16xi1>
        %gather3A_560 = tpu.vector_load_idx %arg6[%sub3A_552] masked %and3A_559 : memref<33408xf32, #tpu.memory_space<vmem>>[vector<16xi32>], vector<16xf32>, vector<16xi1>
        %sub3A_561 = arith.constant 99968 : i32
        %sub3A_562 = vector.broadcast %sub3A_561 : i32 to vector<16xi32>
        %sub3A_563 = arith.subi %get3A_549, %sub3A_562 : vector<16xi32>
        %ge3A_564 = arith.constant 0 : i32
        %ge3A_565 = vector.broadcast %ge3A_564 : i32 to vector<16xi32>
        %ge3A_566 = arith.cmpi sge, %sub3A_563, %ge3A_565 : vector<16xi32>
        %gather3A_567 = tpu.vector_load_idx %arg8[%sub3A_563] masked %ge3A_566 : memref<32xf32, #tpu.memory_space<vmem>>[vector<16xi32>], vector<16xf32>, vector<16xi1>
        %get3A_568 = arith.index_cast %add3A_547 : i32 to index
        %get3A_569 = tpu.vector_load %arg9[%get3A_568] {strides = array<i32>} : memref<16384xf32, #tpu.memory_space<vmem>>, vector<16xf32>,
        %select_n3A_570 = arith.select %and3A_559, %gather3A_560, %get3A_569 : vector<16xi1>, vector<16xf32>
        %select_n3A_571 = arith.select %ge3A_566, %gather3A_567, %select_n3A_570 : vector<16xi1>, vector<16xf32>
        %swap3A_572 = arith.index_cast %add3A_547 : i32 to index
        %swap3A_573 = tpu.vector_load %arg9[%swap3A_572] {strides = array<i32>} : memref<16384xf32, #tpu.memory_space<vmem>>, vector<16xf32>,
        tpu.vector_store %arg9[%swap3A_572], %select_n3A_571 {strides = array<i32>} : memref<16384xf32, #tpu.memory_space<vmem>>, vector<16xf32>,
        %scan3A_574 = arith.constant 0 : i32
        scf.yield %scan3A_574 : i32
      }
      %scan3A_191 = arith.constant 128 : i32
      %sub3A_192 = arith.constant 0 : i32
      %sub3A_193 = arith.subi %add3A_50, %sub3A_192 : i32
      %dma_start3A_194 = arith.constant 0 : i32
      %dma_start3A_195 = tpu.memref_slice %arg4[%sub3A_193, %dma_start3A_194] : memref<1600x16384xf32, #tpu.memory_space<hbm>> -> memref<1x16384xf32, #tpu.memory_space<hbm>>
      %dma_start3A_196 = tpu.memref_squeeze %dma_start3A_195 : memref<1x16384xf32, #tpu.memory_space<hbm>> -> memref<16384xf32, #tpu.memory_space<hbm>>
      %dma_start3A_197 = arith.constant 0 : i32
      %dma_start3A_198 = tpu.memref_slice %arg4[%sub3A_193, %dma_start3A_197] : memref<1600x16384xf32, #tpu.memory_space<hbm>> -> memref<1x16384xf32, #tpu.memory_space<hbm>>
      %dma_start3A_199 = tpu.memref_squeeze %dma_start3A_198 : memref<1x16384xf32, #tpu.memory_space<hbm>> -> memref<16384xf32, #tpu.memory_space<hbm>>
      tpu.enqueue_dma source(%arg9 : memref<16384xf32, #tpu.memory_space<vmem>>) target(%dma_start3A_199 : memref<16384xf32, #tpu.memory_space<hbm>>) target_semaphore(%arg14 : memref<!tpu.dma_semaphore, #tpu.memory_space<semaphore_mem>>)
      %shift_right_logical3A_200 = arith.constant 6 : i32
      %shift_right_logical3A_201 = arith.shrui %add3A_52, %shift_right_logical3A_200 : i32
      %ne3A_202 = arith.cmpi ne, %shift_right_logical3A_201, %shift_right_logical3A_55 : i32
      %convert_element_type3A_203 = arith.extui %ne3A_202 : i1 to i32
      %cond3A_204 = arith.constant 0 : i32
      %cond3A_205 = arith.cmpi ne, %convert_element_type3A_203, %cond3A_204 : i32
      scf.if %cond3A_205 {
        "tpu.region"() ({
          %run_scoped3A = tpu.sem_alloc : memref<!tpu.dma_semaphore, #tpu.memory_space<semaphore_mem>>
          %dma_start3A_337 = arith.constant 0 : i32
          %dma_start3A_338 = tpu.memref_slice %arg3[%shift_right_logical3A_201, %dma_start3A_337] : memref<26x16384xi32, #tpu.memory_space<hbm>> -> memref<1x16384xi32, #tpu.memory_space<hbm>>
          %dma_start3A_339 = tpu.memref_squeeze %dma_start3A_338 : memref<1x16384xi32, #tpu.memory_space<hbm>> -> memref<16384xi32, #tpu.memory_space<hbm>>
          %dma_start3A_340 = arith.constant 0 : i32
          %dma_start3A_341 = tpu.memref_slice %arg3[%shift_right_logical3A_201, %dma_start3A_340] : memref<26x16384xi32, #tpu.memory_space<hbm>> -> memref<1x16384xi32, #tpu.memory_space<hbm>>
          %dma_start3A_342 = tpu.memref_squeeze %dma_start3A_341 : memref<1x16384xi32, #tpu.memory_space<hbm>> -> memref<16384xi32, #tpu.memory_space<hbm>>
          tpu.enqueue_dma source(%dma_start3A_342 : memref<16384xi32, #tpu.memory_space<hbm>>) target(%arg5 : memref<16384xi32, #tpu.memory_space<vmem>>) target_semaphore(%run_scoped3A : memref<!tpu.dma_semaphore, #tpu.memory_space<semaphore_mem>>)
          %dma_wait3A_343 = arith.constant 0 : i32
          %dma_wait3A_344 = tpu.memref_slice %arg3[%shift_right_logical3A_201, %dma_wait3A_343] : memref<26x16384xi32, #tpu.memory_space<hbm>> -> memref<1x16384xi32, #tpu.memory_space<hbm>>
          %dma_wait3A_345 = tpu.memref_squeeze %dma_wait3A_344 : memref<1x16384xi32, #tpu.memory_space<hbm>> -> memref<16384xi32, #tpu.memory_space<hbm>>
          %dma_wait3A_346 = arith.constant 0 : i32
          %dma_wait3A_347 = tpu.memref_slice %arg3[%shift_right_logical3A_201, %dma_wait3A_346] : memref<26x16384xi32, #tpu.memory_space<hbm>> -> memref<1x16384xi32, #tpu.memory_space<hbm>>
          %dma_wait3A_348 = tpu.memref_squeeze %dma_wait3A_347 : memref<1x16384xi32, #tpu.memory_space<hbm>> -> memref<16384xi32, #tpu.memory_space<hbm>>
          tpu.wait_dma2 semaphore(%run_scoped3A : memref<!tpu.dma_semaphore, #tpu.memory_space<semaphore_mem>>) src(%dma_wait3A_348 : memref<16384xi32, #tpu.memory_space<hbm>>) dst(%arg5 : memref<16384xi32, #tpu.memory_space<vmem>>)
          tpu.yield
        }) : () -> ()
      } else {
      }
      %dma_start3A_206 = arith.constant 0 : i32
      %dma_start3A_207 = tpu.memref_slice %arg8[%dma_start3A_206] : memref<32xf32, #tpu.memory_space<vmem>> -> memref<32xf32, #tpu.memory_space<vmem>>
      %dma_start3A_208 = arith.constant 0 : i32
      %dma_start3A_209 = tpu.memref_slice %arg2[%add3A_52, %dma_start3A_208] : memref<1664x100000xf32, #tpu.memory_space<hbm>> -> memref<1x100000xf32, #tpu.memory_space<hbm>>
      %dma_start3A_210 = tpu.memref_squeeze %dma_start3A_209 : memref<1x100000xf32, #tpu.memory_space<hbm>> -> memref<100000xf32, #tpu.memory_space<hbm>>
      %dma_start3A_211 = arith.constant 99968 : i32
      %dma_start3A_212 = tpu.memref_slice %dma_start3A_210[%dma_start3A_211] : memref<100000xf32, #tpu.memory_space<hbm>> -> memref<32xf32, #tpu.memory_space<hbm>>
      %dma_start3A_213 = arith.constant 0 : i32
      %dma_start3A_214 = tpu.memref_slice %arg8[%dma_start3A_213] : memref<32xf32, #tpu.memory_space<vmem>> -> memref<32xf32, #tpu.memory_space<vmem>>
      %dma_start3A_215 = arith.constant 0 : i32
      %dma_start3A_216 = tpu.memref_slice %arg2[%add3A_52, %dma_start3A_215] : memref<1664x100000xf32, #tpu.memory_space<hbm>> -> memref<1x100000xf32, #tpu.memory_space<hbm>>
      %dma_start3A_217 = tpu.memref_squeeze %dma_start3A_216 : memref<1x100000xf32, #tpu.memory_space<hbm>> -> memref<100000xf32, #tpu.memory_space<hbm>>
      %dma_start3A_218 = arith.constant 99968 : i32
      %dma_start3A_219 = tpu.memref_slice %dma_start3A_217[%dma_start3A_218] : memref<100000xf32, #tpu.memory_space<hbm>> -> memref<32xf32, #tpu.memory_space<hbm>>
      tpu.enqueue_dma source(%dma_start3A_219 : memref<32xf32, #tpu.memory_space<hbm>>) target(%dma_start3A_214 : memref<32xf32, #tpu.memory_space<vmem>>) target_semaphore(%arg13 : memref<!tpu.dma_semaphore, #tpu.memory_space<semaphore_mem>>)
      %dma_wait3A_220 = arith.constant 0 : i32
      %dma_wait3A_221 = tpu.memref_slice %arg7[%dma_wait3A_220] : memref<33408xf32, #tpu.memory_space<vmem>> -> memref<33408xf32, #tpu.memory_space<vmem>>
      %dma_wait3A_222 = arith.constant 0 : i32
      %dma_wait3A_223 = tpu.memref_slice %arg2[%add3A_52, %dma_wait3A_222] : memref<1664x100000xf32, #tpu.memory_space<hbm>> -> memref<1x100000xf32, #tpu.memory_space<hbm>>
      %dma_wait3A_224 = tpu.memref_squeeze %dma_wait3A_223 : memref<1x100000xf32, #tpu.memory_space<hbm>> -> memref<100000xf32, #tpu.memory_space<hbm>>
      %dma_wait3A_225 = arith.constant 0 : i32
      %dma_wait3A_226 = tpu.memref_slice %dma_wait3A_224[%dma_wait3A_225] : memref<100000xf32, #tpu.memory_space<hbm>> -> memref<33408xf32, #tpu.memory_space<hbm>>
      %dma_wait3A_227 = arith.constant 0 : i32
      %dma_wait3A_228 = tpu.memref_slice %arg7[%dma_wait3A_227] : memref<33408xf32, #tpu.memory_space<vmem>> -> memref<33408xf32, #tpu.memory_space<vmem>>
      %dma_wait3A_229 = arith.constant 0 : i32
      %dma_wait3A_230 = tpu.memref_slice %arg2[%add3A_52, %dma_wait3A_229] : memref<1664x100000xf32, #tpu.memory_space<hbm>> -> memref<1x100000xf32, #tpu.memory_space<hbm>>
      %dma_wait3A_231 = tpu.memref_squeeze %dma_wait3A_230 : memref<1x100000xf32, #tpu.memory_space<hbm>> -> memref<100000xf32, #tpu.memory_space<hbm>>
      %dma_wait3A_232 = arith.constant 0 : i32
      %dma_wait3A_233 = tpu.memref_slice %dma_wait3A_231[%dma_wait3A_232] : memref<100000xf32, #tpu.memory_space<hbm>> -> memref<33408xf32, #tpu.memory_space<hbm>>
      tpu.wait_dma2 semaphore(%arg12 : memref<!tpu.dma_semaphore, #tpu.memory_space<semaphore_mem>>) src(%dma_wait3A_233 : memref<33408xf32, #tpu.memory_space<hbm>>) dst(%dma_wait3A_228 : memref<33408xf32, #tpu.memory_space<vmem>>)
      %dma_start3A_234 = arith.constant 0 : i32
      %dma_start3A_235 = tpu.memref_slice %arg6[%dma_start3A_234] : memref<33408xf32, #tpu.memory_space<vmem>> -> memref<33408xf32, #tpu.memory_space<vmem>>
      %dma_start3A_236 = arith.constant 0 : i32
      %dma_start3A_237 = tpu.memref_slice %arg2[%add3A_52, %dma_start3A_236] : memref<1664x100000xf32, #tpu.memory_space<hbm>> -> memref<1x100000xf32, #tpu.memory_space<hbm>>
      %dma_start3A_238 = tpu.memref_squeeze %dma_start3A_237 : memref<1x100000xf32, #tpu.memory_space<hbm>> -> memref<100000xf32, #tpu.memory_space<hbm>>
      %dma_start3A_239 = arith.constant 33408 : i32
      %dma_start3A_240 = tpu.memref_slice %dma_start3A_238[%dma_start3A_239] : memref<100000xf32, #tpu.memory_space<hbm>> -> memref<33408xf32, #tpu.memory_space<hbm>>
      %dma_start3A_241 = arith.constant 0 : i32
      %dma_start3A_242 = tpu.memref_slice %arg6[%dma_start3A_241] : memref<33408xf32, #tpu.memory_space<vmem>> -> memref<33408xf32, #tpu.memory_space<vmem>>
      %dma_start3A_243 = arith.constant 0 : i32
      %dma_start3A_244 = tpu.memref_slice %arg2[%add3A_52, %dma_start3A_243] : memref<1664x100000xf32, #tpu.memory_space<hbm>> -> memref<1x100000xf32, #tpu.memory_space<hbm>>
      %dma_start3A_245 = tpu.memref_squeeze %dma_start3A_244 : memref<1x100000xf32, #tpu.memory_space<hbm>> -> memref<100000xf32, #tpu.memory_space<hbm>>
      %dma_start3A_246 = arith.constant 33408 : i32
      %dma_start3A_247 = tpu.memref_slice %dma_start3A_245[%dma_start3A_246] : memref<100000xf32, #tpu.memory_space<hbm>> -> memref<33408xf32, #tpu.memory_space<hbm>>
      tpu.enqueue_dma source(%dma_start3A_247 : memref<33408xf32, #tpu.memory_space<hbm>>) target(%dma_start3A_242 : memref<33408xf32, #tpu.memory_space<vmem>>) target_semaphore(%arg11 : memref<!tpu.dma_semaphore, #tpu.memory_space<semaphore_mem>>)
      %scan3A_248 = arith.constant 0 : i32
      %scan3A_249 = arith.constant 0 : i32
      %scan3A_250 = arith.constant 128 : i32
      %scan3A_251 = arith.addi %scan3A_249, %scan3A_250 : i32
      %scan3A_252 = arith.constant 1 : i32
      %scan3A_253 = scf.for %scan3A_337 = %scan3A_249 to %scan3A_251 step %scan3A_252 iter_args(%scan3A_338 = %scan3A_248) -> (i32)  : i32 {
        %mul3A_339 = arith.constant 128 : i32
        %mul3A_340 = arith.muli %scan3A_337, %mul3A_339 : i32
        %add3A_341 = arith.constant 0 : i32
        %add3A_342 = arith.addi %mul3A_340, %add3A_341 : i32
        %get3A = arith.index_cast %add3A_342 : i32 to index
        %get3A_343 = tpu.vector_load %arg5[%get3A] {strides = array<i32>} : memref<16384xi32, #tpu.memory_space<vmem>>, vector<16xi32>,
        %lt3A_344 = arith.constant 33408 : i32
        %lt3A_345 = vector.broadcast %lt3A_344 : i32 to vector<16xi32>
        %lt3A_346 = arith.cmpi slt, %get3A_343, %lt3A_345 : vector<16xi32>
        %gather3A = tpu.vector_load_idx %arg7[%get3A_343] masked %lt3A_346 : memref<33408xf32, #tpu.memory_space<vmem>>[vector<16xi32>], vector<16xf32>, vector<16xi1>
        %swap3A = arith.index_cast %add3A_342 : i32 to index
        %swap3A_347 = tpu.vector_load %arg10[%swap3A] {strides = array<i32>} : memref<16384xf32, #tpu.memory_space<vmem>>, vector<16xf32>,
        tpu.vector_store %arg10[%swap3A], %gather3A {strides = array<i32>} : memref<16384xf32, #tpu.memory_space<vmem>>, vector<16xf32>,
        %mul3A_348 = arith.constant 128 : i32
        %mul3A_349 = arith.muli %scan3A_337, %mul3A_348 : i32
        %add3A_350 = arith.constant 16 : i32
        %add3A_351 = arith.addi %mul3A_349, %add3A_350 : i32
        %get3A_352 = arith.index_cast %add3A_351 : i32 to index
        %get3A_353 = tpu.vector_load %arg5[%get3A_352] {strides = array<i32>} : memref<16384xi32, #tpu.memory_space<vmem>>, vector<16xi32>,
        %lt3A_354 = arith.constant 33408 : i32
        %lt3A_355 = vector.broadcast %lt3A_354 : i32 to vector<16xi32>
        %lt3A_356 = arith.cmpi slt, %get3A_353, %lt3A_355 : vector<16xi32>
        %gather3A_357 = tpu.vector_load_idx %arg7[%get3A_353] masked %lt3A_356 : memref<33408xf32, #tpu.memory_space<vmem>>[vector<16xi32>], vector<16xf32>, vector<16xi1>
        %swap3A_358 = arith.index_cast %add3A_351 : i32 to index
        %swap3A_359 = tpu.vector_load %arg10[%swap3A_358] {strides = array<i32>} : memref<16384xf32, #tpu.memory_space<vmem>>, vector<16xf32>,
        tpu.vector_store %arg10[%swap3A_358], %gather3A_357 {strides = array<i32>} : memref<16384xf32, #tpu.memory_space<vmem>>, vector<16xf32>,
        %mul3A_360 = arith.constant 128 : i32
        %mul3A_361 = arith.muli %scan3A_337, %mul3A_360 : i32
        %add3A_362 = arith.constant 32 : i32
        %add3A_363 = arith.addi %mul3A_361, %add3A_362 : i32
        %get3A_364 = arith.index_cast %add3A_363 : i32 to index
        %get3A_365 = tpu.vector_load %arg5[%get3A_364] {strides = array<i32>} : memref<16384xi32, #tpu.memory_space<vmem>>, vector<16xi32>,
        %lt3A_366 = arith.constant 33408 : i32
        %lt3A_367 = vector.broadcast %lt3A_366 : i32 to vector<16xi32>
        %lt3A_368 = arith.cmpi slt, %get3A_365, %lt3A_367 : vector<16xi32>
        %gather3A_369 = tpu.vector_load_idx %arg7[%get3A_365] masked %lt3A_368 : memref<33408xf32, #tpu.memory_space<vmem>>[vector<16xi32>], vector<16xf32>, vector<16xi1>
        %swap3A_370 = arith.index_cast %add3A_363 : i32 to index
        %swap3A_371 = tpu.vector_load %arg10[%swap3A_370] {strides = array<i32>} : memref<16384xf32, #tpu.memory_space<vmem>>, vector<16xf32>,
        tpu.vector_store %arg10[%swap3A_370], %gather3A_369 {strides = array<i32>} : memref<16384xf32, #tpu.memory_space<vmem>>, vector<16xf32>,
        %mul3A_372 = arith.constant 128 : i32
        %mul3A_373 = arith.muli %scan3A_337, %mul3A_372 : i32
        %add3A_374 = arith.constant 48 : i32
        %add3A_375 = arith.addi %mul3A_373, %add3A_374 : i32
        %get3A_376 = arith.index_cast %add3A_375 : i32 to index
        %get3A_377 = tpu.vector_load %arg5[%get3A_376] {strides = array<i32>} : memref<16384xi32, #tpu.memory_space<vmem>>, vector<16xi32>,
        %lt3A_378 = arith.constant 33408 : i32
        %lt3A_379 = vector.broadcast %lt3A_378 : i32 to vector<16xi32>
        %lt3A_380 = arith.cmpi slt, %get3A_377, %lt3A_379 : vector<16xi32>
        %gather3A_381 = tpu.vector_load_idx %arg7[%get3A_377] masked %lt3A_380 : memref<33408xf32, #tpu.memory_space<vmem>>[vector<16xi32>], vector<16xf32>, vector<16xi1>
        %swap3A_382 = arith.index_cast %add3A_375 : i32 to index
        %swap3A_383 = tpu.vector_load %arg10[%swap3A_382] {strides = array<i32>} : memref<16384xf32, #tpu.memory_space<vmem>>, vector<16xf32>,
        tpu.vector_store %arg10[%swap3A_382], %gather3A_381 {strides = array<i32>} : memref<16384xf32, #tpu.memory_space<vmem>>, vector<16xf32>,
        %mul3A_384 = arith.constant 128 : i32
        %mul3A_385 = arith.muli %scan3A_337, %mul3A_384 : i32
        %add3A_386 = arith.constant 64 : i32
        %add3A_387 = arith.addi %mul3A_385, %add3A_386 : i32
        %get3A_388 = arith.index_cast %add3A_387 : i32 to index
        %get3A_389 = tpu.vector_load %arg5[%get3A_388] {strides = array<i32>} : memref<16384xi32, #tpu.memory_space<vmem>>, vector<16xi32>,
        %lt3A_390 = arith.constant 33408 : i32
        %lt3A_391 = vector.broadcast %lt3A_390 : i32 to vector<16xi32>
        %lt3A_392 = arith.cmpi slt, %get3A_389, %lt3A_391 : vector<16xi32>
        %gather3A_393 = tpu.vector_load_idx %arg7[%get3A_389] masked %lt3A_392 : memref<33408xf32, #tpu.memory_space<vmem>>[vector<16xi32>], vector<16xf32>, vector<16xi1>
        %swap3A_394 = arith.index_cast %add3A_387 : i32 to index
        %swap3A_395 = tpu.vector_load %arg10[%swap3A_394] {strides = array<i32>} : memref<16384xf32, #tpu.memory_space<vmem>>, vector<16xf32>,
        tpu.vector_store %arg10[%swap3A_394], %gather3A_393 {strides = array<i32>} : memref<16384xf32, #tpu.memory_space<vmem>>, vector<16xf32>,
        %mul3A_396 = arith.constant 128 : i32
        %mul3A_397 = arith.muli %scan3A_337, %mul3A_396 : i32
        %add3A_398 = arith.constant 80 : i32
        %add3A_399 = arith.addi %mul3A_397, %add3A_398 : i32
        %get3A_400 = arith.index_cast %add3A_399 : i32 to index
        %get3A_401 = tpu.vector_load %arg5[%get3A_400] {strides = array<i32>} : memref<16384xi32, #tpu.memory_space<vmem>>, vector<16xi32>,
        %lt3A_402 = arith.constant 33408 : i32
        %lt3A_403 = vector.broadcast %lt3A_402 : i32 to vector<16xi32>
        %lt3A_404 = arith.cmpi slt, %get3A_401, %lt3A_403 : vector<16xi32>
        %gather3A_405 = tpu.vector_load_idx %arg7[%get3A_401] masked %lt3A_404 : memref<33408xf32, #tpu.memory_space<vmem>>[vector<16xi32>], vector<16xf32>, vector<16xi1>
        %swap3A_406 = arith.index_cast %add3A_399 : i32 to index
        %swap3A_407 = tpu.vector_load %arg10[%swap3A_406] {strides = array<i32>} : memref<16384xf32, #tpu.memory_space<vmem>>, vector<16xf32>,
        tpu.vector_store %arg10[%swap3A_406], %gather3A_405 {strides = array<i32>} : memref<16384xf32, #tpu.memory_space<vmem>>, vector<16xf32>,
        %mul3A_408 = arith.constant 128 : i32
        %mul3A_409 = arith.muli %scan3A_337, %mul3A_408 : i32
        %add3A_410 = arith.constant 96 : i32
        %add3A_411 = arith.addi %mul3A_409, %add3A_410 : i32
        %get3A_412 = arith.index_cast %add3A_411 : i32 to index
        %get3A_413 = tpu.vector_load %arg5[%get3A_412] {strides = array<i32>} : memref<16384xi32, #tpu.memory_space<vmem>>, vector<16xi32>,
        %lt3A_414 = arith.constant 33408 : i32
        %lt3A_415 = vector.broadcast %lt3A_414 : i32 to vector<16xi32>
        %lt3A_416 = arith.cmpi slt, %get3A_413, %lt3A_415 : vector<16xi32>
        %gather3A_417 = tpu.vector_load_idx %arg7[%get3A_413] masked %lt3A_416 : memref<33408xf32, #tpu.memory_space<vmem>>[vector<16xi32>], vector<16xf32>, vector<16xi1>
        %swap3A_418 = arith.index_cast %add3A_411 : i32 to index
        %swap3A_419 = tpu.vector_load %arg10[%swap3A_418] {strides = array<i32>} : memref<16384xf32, #tpu.memory_space<vmem>>, vector<16xf32>,
        tpu.vector_store %arg10[%swap3A_418], %gather3A_417 {strides = array<i32>} : memref<16384xf32, #tpu.memory_space<vmem>>, vector<16xf32>,
        %mul3A_420 = arith.constant 128 : i32
        %mul3A_421 = arith.muli %scan3A_337, %mul3A_420 : i32
        %add3A_422 = arith.constant 112 : i32
        %add3A_423 = arith.addi %mul3A_421, %add3A_422 : i32
        %get3A_424 = arith.index_cast %add3A_423 : i32 to index
        %get3A_425 = tpu.vector_load %arg5[%get3A_424] {strides = array<i32>} : memref<16384xi32, #tpu.memory_space<vmem>>, vector<16xi32>,
        %lt3A_426 = arith.constant 33408 : i32
        %lt3A_427 = vector.broadcast %lt3A_426 : i32 to vector<16xi32>
        %lt3A_428 = arith.cmpi slt, %get3A_425, %lt3A_427 : vector<16xi32>
        %gather3A_429 = tpu.vector_load_idx %arg7[%get3A_425] masked %lt3A_428 : memref<33408xf32, #tpu.memory_space<vmem>>[vector<16xi32>], vector<16xf32>, vector<16xi1>
        %swap3A_430 = arith.index_cast %add3A_423 : i32 to index
        %swap3A_431 = tpu.vector_load %arg10[%swap3A_430] {strides = array<i32>} : memref<16384xf32, #tpu.memory_space<vmem>>, vector<16xf32>,
        tpu.vector_store %arg10[%swap3A_430], %gather3A_429 {strides = array<i32>} : memref<16384xf32, #tpu.memory_space<vmem>>, vector<16xf32>,
        %scan3A_432 = arith.constant 0 : i32
        scf.yield %scan3A_432 : i32
      }
      %scan3A_254 = arith.constant 128 : i32
      %dma_wait3A_255 = arith.constant 0 : i32
      %dma_wait3A_256 = tpu.memref_slice %arg6[%dma_wait3A_255] : memref<33408xf32, #tpu.memory_space<vmem>> -> memref<33408xf32, #tpu.memory_space<vmem>>
      %dma_wait3A_257 = arith.constant 0 : i32
      %dma_wait3A_258 = tpu.memref_slice %arg2[%add3A_52, %dma_wait3A_257] : memref<1664x100000xf32, #tpu.memory_space<hbm>> -> memref<1x100000xf32, #tpu.memory_space<hbm>>
      %dma_wait3A_259 = tpu.memref_squeeze %dma_wait3A_258 : memref<1x100000xf32, #tpu.memory_space<hbm>> -> memref<100000xf32, #tpu.memory_space<hbm>>
      %dma_wait3A_260 = arith.constant 33408 : i32
      %dma_wait3A_261 = tpu.memref_slice %dma_wait3A_259[%dma_wait3A_260] : memref<100000xf32, #tpu.memory_space<hbm>> -> memref<33408xf32, #tpu.memory_space<hbm>>
      %dma_wait3A_262 = arith.constant 0 : i32
      %dma_wait3A_263 = tpu.memref_slice %arg6[%dma_wait3A_262] : memref<33408xf32, #tpu.memory_space<vmem>> -> memref<33408xf32, #tpu.memory_space<vmem>>
      %dma_wait3A_264 = arith.constant 0 : i32
      %dma_wait3A_265 = tpu.memref_slice %arg2[%add3A_52, %dma_wait3A_264] : memref<1664x100000xf32, #tpu.memory_space<hbm>> -> memref<1x100000xf32, #tpu.memory_space<hbm>>
      %dma_wait3A_266 = tpu.memref_squeeze %dma_wait3A_265 : memref<1x100000xf32, #tpu.memory_space<hbm>> -> memref<100000xf32, #tpu.memory_space<hbm>>
      %dma_wait3A_267 = arith.constant 33408 : i32
      %dma_wait3A_268 = tpu.memref_slice %dma_wait3A_266[%dma_wait3A_267] : memref<100000xf32, #tpu.memory_space<hbm>> -> memref<33408xf32, #tpu.memory_space<hbm>>
      tpu.wait_dma2 semaphore(%arg11 : memref<!tpu.dma_semaphore, #tpu.memory_space<semaphore_mem>>) src(%dma_wait3A_268 : memref<33408xf32, #tpu.memory_space<hbm>>) dst(%dma_wait3A_263 : memref<33408xf32, #tpu.memory_space<vmem>>)
      %dma_start3A_269 = arith.constant 0 : i32
      %dma_start3A_270 = tpu.memref_slice %arg7[%dma_start3A_269] : memref<33408xf32, #tpu.memory_space<vmem>> -> memref<33152xf32, #tpu.memory_space<vmem>>
      %dma_start3A_271 = arith.constant 0 : i32
      %dma_start3A_272 = tpu.memref_slice %arg2[%add3A_52, %dma_start3A_271] : memref<1664x100000xf32, #tpu.memory_space<hbm>> -> memref<1x100000xf32, #tpu.memory_space<hbm>>
      %dma_start3A_273 = tpu.memref_squeeze %dma_start3A_272 : memref<1x100000xf32, #tpu.memory_space<hbm>> -> memref<100000xf32, #tpu.memory_space<hbm>>
      %dma_start3A_274 = arith.constant 66816 : i32
      %dma_start3A_275 = tpu.memref_slice %dma_start3A_273[%dma_start3A_274] : memref<100000xf32, #tpu.memory_space<hbm>> -> memref<33152xf32, #tpu.memory_space<hbm>>
      %dma_start3A_276 = arith.constant 0 : i32
      %dma_start3A_277 = tpu.memref_slice %arg7[%dma_start3A_276] : memref<33408xf32, #tpu.memory_space<vmem>> -> memref<33152xf32, #tpu.memory_space<vmem>>
      %dma_start3A_278 = arith.constant 0 : i32
      %dma_start3A_279 = tpu.memref_slice %arg2[%add3A_52, %dma_start3A_278] : memref<1664x100000xf32, #tpu.memory_space<hbm>> -> memref<1x100000xf32, #tpu.memory_space<hbm>>
      %dma_start3A_280 = tpu.memref_squeeze %dma_start3A_279 : memref<1x100000xf32, #tpu.memory_space<hbm>> -> memref<100000xf32, #tpu.memory_space<hbm>>
      %dma_start3A_281 = arith.constant 66816 : i32
      %dma_start3A_282 = tpu.memref_slice %dma_start3A_280[%dma_start3A_281] : memref<100000xf32, #tpu.memory_space<hbm>> -> memref<33152xf32, #tpu.memory_space<hbm>>
      tpu.enqueue_dma source(%dma_start3A_282 : memref<33152xf32, #tpu.memory_space<hbm>>) target(%dma_start3A_277 : memref<33152xf32, #tpu.memory_space<vmem>>) target_semaphore(%arg12 : memref<!tpu.dma_semaphore, #tpu.memory_space<semaphore_mem>>)
      %scan3A_283 = arith.constant 0 : i32
      %scan3A_284 = arith.constant 0 : i32
      %scan3A_285 = arith.constant 128 : i32
      %scan3A_286 = arith.addi %scan3A_284, %scan3A_285 : i32
      %scan3A_287 = arith.constant 1 : i32
      %scan3A_288 = scf.for %scan3A_337 = %scan3A_284 to %scan3A_286 step %scan3A_287 iter_args(%scan3A_338 = %scan3A_283) -> (i32)  : i32 {
        %mul3A_339 = arith.constant 128 : i32
        %mul3A_340 = arith.muli %scan3A_337, %mul3A_339 : i32
        %add3A_341 = arith.constant 0 : i32
        %add3A_342 = arith.addi %mul3A_340, %add3A_341 : i32
        %get3A = arith.index_cast %add3A_342 : i32 to index
        %get3A_343 = tpu.vector_load %arg5[%get3A] {strides = array<i32>} : memref<16384xi32, #tpu.memory_space<vmem>>, vector<16xi32>,
        %sub3A_344 = arith.constant 33408 : i32
        %sub3A_345 = vector.broadcast %sub3A_344 : i32 to vector<16xi32>
        %sub3A_346 = arith.subi %get3A_343, %sub3A_345 : vector<16xi32>
        %ge3A_347 = arith.constant 0 : i32
        %ge3A_348 = vector.broadcast %ge3A_347 : i32 to vector<16xi32>
        %ge3A_349 = arith.cmpi sge, %sub3A_346, %ge3A_348 : vector<16xi32>
        %lt3A_350 = arith.constant 33408 : i32
        %lt3A_351 = vector.broadcast %lt3A_350 : i32 to vector<16xi32>
        %lt3A_352 = arith.cmpi slt, %sub3A_346, %lt3A_351 : vector<16xi32>
        %and3A = arith.andi %ge3A_349, %lt3A_352 : vector<16xi1>
        %gather3A = tpu.vector_load_idx %arg6[%sub3A_346] masked %and3A : memref<33408xf32, #tpu.memory_space<vmem>>[vector<16xi32>], vector<16xf32>, vector<16xi1>
        %get3A_353 = arith.index_cast %add3A_342 : i32 to index
        %get3A_354 = tpu.vector_load %arg10[%get3A_353] {strides = array<i32>} : memref<16384xf32, #tpu.memory_space<vmem>>, vector<16xf32>,
        %select_n3A = arith.select %and3A, %gather3A, %get3A_354 : vector<16xi1>, vector<16xf32>
        %swap3A = arith.index_cast %add3A_342 : i32 to index
        %swap3A_355 = tpu.vector_load %arg10[%swap3A] {strides = array<i32>} : memref<16384xf32, #tpu.memory_space<vmem>>, vector<16xf32>,
        tpu.vector_store %arg10[%swap3A], %select_n3A {strides = array<i32>} : memref<16384xf32, #tpu.memory_space<vmem>>, vector<16xf32>,
        %mul3A_356 = arith.constant 128 : i32
        %mul3A_357 = arith.muli %scan3A_337, %mul3A_356 : i32
        %add3A_358 = arith.constant 16 : i32
        %add3A_359 = arith.addi %mul3A_357, %add3A_358 : i32
        %get3A_360 = arith.index_cast %add3A_359 : i32 to index
        %get3A_361 = tpu.vector_load %arg5[%get3A_360] {strides = array<i32>} : memref<16384xi32, #tpu.memory_space<vmem>>, vector<16xi32>,
        %sub3A_362 = arith.constant 33408 : i32
        %sub3A_363 = vector.broadcast %sub3A_362 : i32 to vector<16xi32>
        %sub3A_364 = arith.subi %get3A_361, %sub3A_363 : vector<16xi32>
        %ge3A_365 = arith.constant 0 : i32
        %ge3A_366 = vector.broadcast %ge3A_365 : i32 to vector<16xi32>
        %ge3A_367 = arith.cmpi sge, %sub3A_364, %ge3A_366 : vector<16xi32>
        %lt3A_368 = arith.constant 33408 : i32
        %lt3A_369 = vector.broadcast %lt3A_368 : i32 to vector<16xi32>
        %lt3A_370 = arith.cmpi slt, %sub3A_364, %lt3A_369 : vector<16xi32>
        %and3A_371 = arith.andi %ge3A_367, %lt3A_370 : vector<16xi1>
        %gather3A_372 = tpu.vector_load_idx %arg6[%sub3A_364] masked %and3A_371 : memref<33408xf32, #tpu.memory_space<vmem>>[vector<16xi32>], vector<16xf32>, vector<16xi1>
        %get3A_373 = arith.index_cast %add3A_359 : i32 to index
        %get3A_374 = tpu.vector_load %arg10[%get3A_373] {strides = array<i32>} : memref<16384xf32, #tpu.memory_space<vmem>>, vector<16xf32>,
        %select_n3A_375 = arith.select %and3A_371, %gather3A_372, %get3A_374 : vector<16xi1>, vector<16xf32>
        %swap3A_376 = arith.index_cast %add3A_359 : i32 to index
        %swap3A_377 = tpu.vector_load %arg10[%swap3A_376] {strides = array<i32>} : memref<16384xf32, #tpu.memory_space<vmem>>, vector<16xf32>,
        tpu.vector_store %arg10[%swap3A_376], %select_n3A_375 {strides = array<i32>} : memref<16384xf32, #tpu.memory_space<vmem>>, vector<16xf32>,
        %mul3A_378 = arith.constant 128 : i32
        %mul3A_379 = arith.muli %scan3A_337, %mul3A_378 : i32
        %add3A_380 = arith.constant 32 : i32
        %add3A_381 = arith.addi %mul3A_379, %add3A_380 : i32
        %get3A_382 = arith.index_cast %add3A_381 : i32 to index
        %get3A_383 = tpu.vector_load %arg5[%get3A_382] {strides = array<i32>} : memref<16384xi32, #tpu.memory_space<vmem>>, vector<16xi32>,
        %sub3A_384 = arith.constant 33408 : i32
        %sub3A_385 = vector.broadcast %sub3A_384 : i32 to vector<16xi32>
        %sub3A_386 = arith.subi %get3A_383, %sub3A_385 : vector<16xi32>
        %ge3A_387 = arith.constant 0 : i32
        %ge3A_388 = vector.broadcast %ge3A_387 : i32 to vector<16xi32>
        %ge3A_389 = arith.cmpi sge, %sub3A_386, %ge3A_388 : vector<16xi32>
        %lt3A_390 = arith.constant 33408 : i32
        %lt3A_391 = vector.broadcast %lt3A_390 : i32 to vector<16xi32>
        %lt3A_392 = arith.cmpi slt, %sub3A_386, %lt3A_391 : vector<16xi32>
        %and3A_393 = arith.andi %ge3A_389, %lt3A_392 : vector<16xi1>
        %gather3A_394 = tpu.vector_load_idx %arg6[%sub3A_386] masked %and3A_393 : memref<33408xf32, #tpu.memory_space<vmem>>[vector<16xi32>], vector<16xf32>, vector<16xi1>
        %get3A_395 = arith.index_cast %add3A_381 : i32 to index
        %get3A_396 = tpu.vector_load %arg10[%get3A_395] {strides = array<i32>} : memref<16384xf32, #tpu.memory_space<vmem>>, vector<16xf32>,
        %select_n3A_397 = arith.select %and3A_393, %gather3A_394, %get3A_396 : vector<16xi1>, vector<16xf32>
        %swap3A_398 = arith.index_cast %add3A_381 : i32 to index
        %swap3A_399 = tpu.vector_load %arg10[%swap3A_398] {strides = array<i32>} : memref<16384xf32, #tpu.memory_space<vmem>>, vector<16xf32>,
        tpu.vector_store %arg10[%swap3A_398], %select_n3A_397 {strides = array<i32>} : memref<16384xf32, #tpu.memory_space<vmem>>, vector<16xf32>,
        %mul3A_400 = arith.constant 128 : i32
        %mul3A_401 = arith.muli %scan3A_337, %mul3A_400 : i32
        %add3A_402 = arith.constant 48 : i32
        %add3A_403 = arith.addi %mul3A_401, %add3A_402 : i32
        %get3A_404 = arith.index_cast %add3A_403 : i32 to index
        %get3A_405 = tpu.vector_load %arg5[%get3A_404] {strides = array<i32>} : memref<16384xi32, #tpu.memory_space<vmem>>, vector<16xi32>,
        %sub3A_406 = arith.constant 33408 : i32
        %sub3A_407 = vector.broadcast %sub3A_406 : i32 to vector<16xi32>
        %sub3A_408 = arith.subi %get3A_405, %sub3A_407 : vector<16xi32>
        %ge3A_409 = arith.constant 0 : i32
        %ge3A_410 = vector.broadcast %ge3A_409 : i32 to vector<16xi32>
        %ge3A_411 = arith.cmpi sge, %sub3A_408, %ge3A_410 : vector<16xi32>
        %lt3A_412 = arith.constant 33408 : i32
        %lt3A_413 = vector.broadcast %lt3A_412 : i32 to vector<16xi32>
        %lt3A_414 = arith.cmpi slt, %sub3A_408, %lt3A_413 : vector<16xi32>
        %and3A_415 = arith.andi %ge3A_411, %lt3A_414 : vector<16xi1>
        %gather3A_416 = tpu.vector_load_idx %arg6[%sub3A_408] masked %and3A_415 : memref<33408xf32, #tpu.memory_space<vmem>>[vector<16xi32>], vector<16xf32>, vector<16xi1>
        %get3A_417 = arith.index_cast %add3A_403 : i32 to index
        %get3A_418 = tpu.vector_load %arg10[%get3A_417] {strides = array<i32>} : memref<16384xf32, #tpu.memory_space<vmem>>, vector<16xf32>,
        %select_n3A_419 = arith.select %and3A_415, %gather3A_416, %get3A_418 : vector<16xi1>, vector<16xf32>
        %swap3A_420 = arith.index_cast %add3A_403 : i32 to index
        %swap3A_421 = tpu.vector_load %arg10[%swap3A_420] {strides = array<i32>} : memref<16384xf32, #tpu.memory_space<vmem>>, vector<16xf32>,
        tpu.vector_store %arg10[%swap3A_420], %select_n3A_419 {strides = array<i32>} : memref<16384xf32, #tpu.memory_space<vmem>>, vector<16xf32>,
        %mul3A_422 = arith.constant 128 : i32
        %mul3A_423 = arith.muli %scan3A_337, %mul3A_422 : i32
        %add3A_424 = arith.constant 64 : i32
        %add3A_425 = arith.addi %mul3A_423, %add3A_424 : i32
        %get3A_426 = arith.index_cast %add3A_425 : i32 to index
        %get3A_427 = tpu.vector_load %arg5[%get3A_426] {strides = array<i32>} : memref<16384xi32, #tpu.memory_space<vmem>>, vector<16xi32>,
        %sub3A_428 = arith.constant 33408 : i32
        %sub3A_429 = vector.broadcast %sub3A_428 : i32 to vector<16xi32>
        %sub3A_430 = arith.subi %get3A_427, %sub3A_429 : vector<16xi32>
        %ge3A_431 = arith.constant 0 : i32
        %ge3A_432 = vector.broadcast %ge3A_431 : i32 to vector<16xi32>
        %ge3A_433 = arith.cmpi sge, %sub3A_430, %ge3A_432 : vector<16xi32>
        %lt3A_434 = arith.constant 33408 : i32
        %lt3A_435 = vector.broadcast %lt3A_434 : i32 to vector<16xi32>
        %lt3A_436 = arith.cmpi slt, %sub3A_430, %lt3A_435 : vector<16xi32>
        %and3A_437 = arith.andi %ge3A_433, %lt3A_436 : vector<16xi1>
        %gather3A_438 = tpu.vector_load_idx %arg6[%sub3A_430] masked %and3A_437 : memref<33408xf32, #tpu.memory_space<vmem>>[vector<16xi32>], vector<16xf32>, vector<16xi1>
        %get3A_439 = arith.index_cast %add3A_425 : i32 to index
        %get3A_440 = tpu.vector_load %arg10[%get3A_439] {strides = array<i32>} : memref<16384xf32, #tpu.memory_space<vmem>>, vector<16xf32>,
        %select_n3A_441 = arith.select %and3A_437, %gather3A_438, %get3A_440 : vector<16xi1>, vector<16xf32>
        %swap3A_442 = arith.index_cast %add3A_425 : i32 to index
        %swap3A_443 = tpu.vector_load %arg10[%swap3A_442] {strides = array<i32>} : memref<16384xf32, #tpu.memory_space<vmem>>, vector<16xf32>,
        tpu.vector_store %arg10[%swap3A_442], %select_n3A_441 {strides = array<i32>} : memref<16384xf32, #tpu.memory_space<vmem>>, vector<16xf32>,
        %mul3A_444 = arith.constant 128 : i32
        %mul3A_445 = arith.muli %scan3A_337, %mul3A_444 : i32
        %add3A_446 = arith.constant 80 : i32
        %add3A_447 = arith.addi %mul3A_445, %add3A_446 : i32
        %get3A_448 = arith.index_cast %add3A_447 : i32 to index
        %get3A_449 = tpu.vector_load %arg5[%get3A_448] {strides = array<i32>} : memref<16384xi32, #tpu.memory_space<vmem>>, vector<16xi32>,
        %sub3A_450 = arith.constant 33408 : i32
        %sub3A_451 = vector.broadcast %sub3A_450 : i32 to vector<16xi32>
        %sub3A_452 = arith.subi %get3A_449, %sub3A_451 : vector<16xi32>
        %ge3A_453 = arith.constant 0 : i32
        %ge3A_454 = vector.broadcast %ge3A_453 : i32 to vector<16xi32>
        %ge3A_455 = arith.cmpi sge, %sub3A_452, %ge3A_454 : vector<16xi32>
        %lt3A_456 = arith.constant 33408 : i32
        %lt3A_457 = vector.broadcast %lt3A_456 : i32 to vector<16xi32>
        %lt3A_458 = arith.cmpi slt, %sub3A_452, %lt3A_457 : vector<16xi32>
        %and3A_459 = arith.andi %ge3A_455, %lt3A_458 : vector<16xi1>
        %gather3A_460 = tpu.vector_load_idx %arg6[%sub3A_452] masked %and3A_459 : memref<33408xf32, #tpu.memory_space<vmem>>[vector<16xi32>], vector<16xf32>, vector<16xi1>
        %get3A_461 = arith.index_cast %add3A_447 : i32 to index
        %get3A_462 = tpu.vector_load %arg10[%get3A_461] {strides = array<i32>} : memref<16384xf32, #tpu.memory_space<vmem>>, vector<16xf32>,
        %select_n3A_463 = arith.select %and3A_459, %gather3A_460, %get3A_462 : vector<16xi1>, vector<16xf32>
        %swap3A_464 = arith.index_cast %add3A_447 : i32 to index
        %swap3A_465 = tpu.vector_load %arg10[%swap3A_464] {strides = array<i32>} : memref<16384xf32, #tpu.memory_space<vmem>>, vector<16xf32>,
        tpu.vector_store %arg10[%swap3A_464], %select_n3A_463 {strides = array<i32>} : memref<16384xf32, #tpu.memory_space<vmem>>, vector<16xf32>,
        %mul3A_466 = arith.constant 128 : i32
        %mul3A_467 = arith.muli %scan3A_337, %mul3A_466 : i32
        %add3A_468 = arith.constant 96 : i32
        %add3A_469 = arith.addi %mul3A_467, %add3A_468 : i32
        %get3A_470 = arith.index_cast %add3A_469 : i32 to index
        %get3A_471 = tpu.vector_load %arg5[%get3A_470] {strides = array<i32>} : memref<16384xi32, #tpu.memory_space<vmem>>, vector<16xi32>,
        %sub3A_472 = arith.constant 33408 : i32
        %sub3A_473 = vector.broadcast %sub3A_472 : i32 to vector<16xi32>
        %sub3A_474 = arith.subi %get3A_471, %sub3A_473 : vector<16xi32>
        %ge3A_475 = arith.constant 0 : i32
        %ge3A_476 = vector.broadcast %ge3A_475 : i32 to vector<16xi32>
        %ge3A_477 = arith.cmpi sge, %sub3A_474, %ge3A_476 : vector<16xi32>
        %lt3A_478 = arith.constant 33408 : i32
        %lt3A_479 = vector.broadcast %lt3A_478 : i32 to vector<16xi32>
        %lt3A_480 = arith.cmpi slt, %sub3A_474, %lt3A_479 : vector<16xi32>
        %and3A_481 = arith.andi %ge3A_477, %lt3A_480 : vector<16xi1>
        %gather3A_482 = tpu.vector_load_idx %arg6[%sub3A_474] masked %and3A_481 : memref<33408xf32, #tpu.memory_space<vmem>>[vector<16xi32>], vector<16xf32>, vector<16xi1>
        %get3A_483 = arith.index_cast %add3A_469 : i32 to index
        %get3A_484 = tpu.vector_load %arg10[%get3A_483] {strides = array<i32>} : memref<16384xf32, #tpu.memory_space<vmem>>, vector<16xf32>,
        %select_n3A_485 = arith.select %and3A_481, %gather3A_482, %get3A_484 : vector<16xi1>, vector<16xf32>
        %swap3A_486 = arith.index_cast %add3A_469 : i32 to index
        %swap3A_487 = tpu.vector_load %arg10[%swap3A_486] {strides = array<i32>} : memref<16384xf32, #tpu.memory_space<vmem>>, vector<16xf32>,
        tpu.vector_store %arg10[%swap3A_486], %select_n3A_485 {strides = array<i32>} : memref<16384xf32, #tpu.memory_space<vmem>>, vector<16xf32>,
        %mul3A_488 = arith.constant 128 : i32
        %mul3A_489 = arith.muli %scan3A_337, %mul3A_488 : i32
        %add3A_490 = arith.constant 112 : i32
        %add3A_491 = arith.addi %mul3A_489, %add3A_490 : i32
        %get3A_492 = arith.index_cast %add3A_491 : i32 to index
        %get3A_493 = tpu.vector_load %arg5[%get3A_492] {strides = array<i32>} : memref<16384xi32, #tpu.memory_space<vmem>>, vector<16xi32>,
        %sub3A_494 = arith.constant 33408 : i32
        %sub3A_495 = vector.broadcast %sub3A_494 : i32 to vector<16xi32>
        %sub3A_496 = arith.subi %get3A_493, %sub3A_495 : vector<16xi32>
        %ge3A_497 = arith.constant 0 : i32
        %ge3A_498 = vector.broadcast %ge3A_497 : i32 to vector<16xi32>
        %ge3A_499 = arith.cmpi sge, %sub3A_496, %ge3A_498 : vector<16xi32>
        %lt3A_500 = arith.constant 33408 : i32
        %lt3A_501 = vector.broadcast %lt3A_500 : i32 to vector<16xi32>
        %lt3A_502 = arith.cmpi slt, %sub3A_496, %lt3A_501 : vector<16xi32>
        %and3A_503 = arith.andi %ge3A_499, %lt3A_502 : vector<16xi1>
        %gather3A_504 = tpu.vector_load_idx %arg6[%sub3A_496] masked %and3A_503 : memref<33408xf32, #tpu.memory_space<vmem>>[vector<16xi32>], vector<16xf32>, vector<16xi1>
        %get3A_505 = arith.index_cast %add3A_491 : i32 to index
        %get3A_506 = tpu.vector_load %arg10[%get3A_505] {strides = array<i32>} : memref<16384xf32, #tpu.memory_space<vmem>>, vector<16xf32>,
        %select_n3A_507 = arith.select %and3A_503, %gather3A_504, %get3A_506 : vector<16xi1>, vector<16xf32>
        %swap3A_508 = arith.index_cast %add3A_491 : i32 to index
        %swap3A_509 = tpu.vector_load %arg10[%swap3A_508] {strides = array<i32>} : memref<16384xf32, #tpu.memory_space<vmem>>, vector<16xf32>,
        tpu.vector_store %arg10[%swap3A_508], %select_n3A_507 {strides = array<i32>} : memref<16384xf32, #tpu.memory_space<vmem>>, vector<16xf32>,
        %scan3A_510 = arith.constant 0 : i32
        scf.yield %scan3A_510 : i32
      }
      %scan3A_289 = arith.constant 128 : i32
      %dma_wait3A_290 = arith.constant 0 : i32
      %dma_wait3A_291 = tpu.memref_slice %arg7[%dma_wait3A_290] : memref<33408xf32, #tpu.memory_space<vmem>> -> memref<33152xf32, #tpu.memory_space<vmem>>
      %dma_wait3A_292 = arith.constant 0 : i32
      %dma_wait3A_293 = tpu.memref_slice %arg2[%add3A_52, %dma_wait3A_292] : memref<1664x100000xf32, #tpu.memory_space<hbm>> -> memref<1x100000xf32, #tpu.memory_space<hbm>>
      %dma_wait3A_294 = tpu.memref_squeeze %dma_wait3A_293 : memref<1x100000xf32, #tpu.memory_space<hbm>> -> memref<100000xf32, #tpu.memory_space<hbm>>
      %dma_wait3A_295 = arith.constant 66816 : i32
      %dma_wait3A_296 = tpu.memref_slice %dma_wait3A_294[%dma_wait3A_295] : memref<100000xf32, #tpu.memory_space<hbm>> -> memref<33152xf32, #tpu.memory_space<hbm>>
      %dma_wait3A_297 = arith.constant 0 : i32
      %dma_wait3A_298 = tpu.memref_slice %arg7[%dma_wait3A_297] : memref<33408xf32, #tpu.memory_space<vmem>> -> memref<33152xf32, #tpu.memory_space<vmem>>
      %dma_wait3A_299 = arith.constant 0 : i32
      %dma_wait3A_300 = tpu.memref_slice %arg2[%add3A_52, %dma_wait3A_299] : memref<1664x100000xf32, #tpu.memory_space<hbm>> -> memref<1x100000xf32, #tpu.memory_space<hbm>>
      %dma_wait3A_301 = tpu.memref_squeeze %dma_wait3A_300 : memref<1x100000xf32, #tpu.memory_space<hbm>> -> memref<100000xf32, #tpu.memory_space<hbm>>
      %dma_wait3A_302 = arith.constant 66816 : i32
      %dma_wait3A_303 = tpu.memref_slice %dma_wait3A_301[%dma_wait3A_302] : memref<100000xf32, #tpu.memory_space<hbm>> -> memref<33152xf32, #tpu.memory_space<hbm>>
      tpu.wait_dma2 semaphore(%arg12 : memref<!tpu.dma_semaphore, #tpu.memory_space<semaphore_mem>>) src(%dma_wait3A_303 : memref<33152xf32, #tpu.memory_space<hbm>>) dst(%dma_wait3A_298 : memref<33152xf32, #tpu.memory_space<vmem>>)
      %lt3A = arith.constant 24 : i32
      %lt3A_304 = arith.cmpi slt, %scan3A_46, %lt3A : i32
      %convert_element_type3A_305 = arith.extui %lt3A_304 : i1 to i32
      %cond3A_306 = arith.constant 0 : i32
      %cond3A_307 = arith.cmpi ne, %convert_element_type3A_305, %cond3A_306 : i32
      scf.if %cond3A_307 {
        %add3A_337 = arith.constant 1 : i32
        %add3A_338 = arith.addi %add3A_52, %add3A_337 : i32
        %dma_start3A_339 = arith.constant 0 : i32
        %dma_start3A_340 = tpu.memref_slice %arg6[%dma_start3A_339] : memref<33408xf32, #tpu.memory_space<vmem>> -> memref<33408xf32, #tpu.memory_space<vmem>>
        %dma_start3A_341 = arith.constant 0 : i32
        %dma_start3A_342 = tpu.memref_slice %arg2[%add3A_338, %dma_start3A_341] : memref<1664x100000xf32, #tpu.memory_space<hbm>> -> memref<1x100000xf32, #tpu.memory_space<hbm>>
        %dma_start3A_343 = tpu.memref_squeeze %dma_start3A_342 : memref<1x100000xf32, #tpu.memory_space<hbm>> -> memref<100000xf32, #tpu.memory_space<hbm>>
        %dma_start3A_344 = arith.constant 0 : i32
        %dma_start3A_345 = tpu.memref_slice %dma_start3A_343[%dma_start3A_344] : memref<100000xf32, #tpu.memory_space<hbm>> -> memref<33408xf32, #tpu.memory_space<hbm>>
        %dma_start3A_346 = arith.constant 0 : i32
        %dma_start3A_347 = tpu.memref_slice %arg6[%dma_start3A_346] : memref<33408xf32, #tpu.memory_space<vmem>> -> memref<33408xf32, #tpu.memory_space<vmem>>
        %dma_start3A_348 = arith.constant 0 : i32
        %dma_start3A_349 = tpu.memref_slice %arg2[%add3A_338, %dma_start3A_348] : memref<1664x100000xf32, #tpu.memory_space<hbm>> -> memref<1x100000xf32, #tpu.memory_space<hbm>>
        %dma_start3A_350 = tpu.memref_squeeze %dma_start3A_349 : memref<1x100000xf32, #tpu.memory_space<hbm>> -> memref<100000xf32, #tpu.memory_space<hbm>>
        %dma_start3A_351 = arith.constant 0 : i32
        %dma_start3A_352 = tpu.memref_slice %dma_start3A_350[%dma_start3A_351] : memref<100000xf32, #tpu.memory_space<hbm>> -> memref<33408xf32, #tpu.memory_space<hbm>>
        tpu.enqueue_dma source(%dma_start3A_352 : memref<33408xf32, #tpu.memory_space<hbm>>) target(%dma_start3A_347 : memref<33408xf32, #tpu.memory_space<vmem>>) target_semaphore(%arg11 : memref<!tpu.dma_semaphore, #tpu.memory_space<semaphore_mem>>)
      } else {
      }
      %dma_wait3A_308 = arith.constant 0 : i32
      %dma_wait3A_309 = tpu.memref_slice %arg8[%dma_wait3A_308] : memref<32xf32, #tpu.memory_space<vmem>> -> memref<32xf32, #tpu.memory_space<vmem>>
      %dma_wait3A_310 = arith.constant 0 : i32
      %dma_wait3A_311 = tpu.memref_slice %arg2[%add3A_52, %dma_wait3A_310] : memref<1664x100000xf32, #tpu.memory_space<hbm>> -> memref<1x100000xf32, #tpu.memory_space<hbm>>
      %dma_wait3A_312 = tpu.memref_squeeze %dma_wait3A_311 : memref<1x100000xf32, #tpu.memory_space<hbm>> -> memref<100000xf32, #tpu.memory_space<hbm>>
      %dma_wait3A_313 = arith.constant 99968 : i32
      %dma_wait3A_314 = tpu.memref_slice %dma_wait3A_312[%dma_wait3A_313] : memref<100000xf32, #tpu.memory_space<hbm>> -> memref<32xf32, #tpu.memory_space<hbm>>
      %dma_wait3A_315 = arith.constant 0 : i32
      %dma_wait3A_316 = tpu.memref_slice %arg8[%dma_wait3A_315] : memref<32xf32, #tpu.memory_space<vmem>> -> memref<32xf32, #tpu.memory_space<vmem>>
      %dma_wait3A_317 = arith.constant 0 : i32
      %dma_wait3A_318 = tpu.memref_slice %arg2[%add3A_52, %dma_wait3A_317] : memref<1664x100000xf32, #tpu.memory_space<hbm>> -> memref<1x100000xf32, #tpu.memory_space<hbm>>
      %dma_wait3A_319 = tpu.memref_squeeze %dma_wait3A_318 : memref<1x100000xf32, #tpu.memory_space<hbm>> -> memref<100000xf32, #tpu.memory_space<hbm>>
      %dma_wait3A_320 = arith.constant 99968 : i32
      %dma_wait3A_321 = tpu.memref_slice %dma_wait3A_319[%dma_wait3A_320] : memref<100000xf32, #tpu.memory_space<hbm>> -> memref<32xf32, #tpu.memory_space<hbm>>
      tpu.wait_dma2 semaphore(%arg13 : memref<!tpu.dma_semaphore, #tpu.memory_space<semaphore_mem>>) src(%dma_wait3A_321 : memref<32xf32, #tpu.memory_space<hbm>>) dst(%dma_wait3A_316 : memref<32xf32, #tpu.memory_space<vmem>>)
      %scan3A_322 = arith.constant 0 : i32
      %scan3A_323 = arith.constant 0 : i32
      %scan3A_324 = arith.constant 128 : i32
      %scan3A_325 = arith.addi %scan3A_323, %scan3A_324 : i32
      %scan3A_326 = arith.constant 1 : i32
      %scan3A_327 = scf.for %scan3A_337 = %scan3A_323 to %scan3A_325 step %scan3A_326 iter_args(%scan3A_338 = %scan3A_322) -> (i32)  : i32 {
        %mul3A_339 = arith.constant 128 : i32
        %mul3A_340 = arith.muli %scan3A_337, %mul3A_339 : i32
        %add3A_341 = arith.constant 0 : i32
        %add3A_342 = arith.addi %mul3A_340, %add3A_341 : i32
        %get3A = arith.index_cast %add3A_342 : i32 to index
        %get3A_343 = tpu.vector_load %arg5[%get3A] {strides = array<i32>} : memref<16384xi32, #tpu.memory_space<vmem>>, vector<16xi32>,
        %sub3A_344 = arith.constant 66816 : i32
        %sub3A_345 = vector.broadcast %sub3A_344 : i32 to vector<16xi32>
        %sub3A_346 = arith.subi %get3A_343, %sub3A_345 : vector<16xi32>
        %ge3A_347 = arith.constant 0 : i32
        %ge3A_348 = vector.broadcast %ge3A_347 : i32 to vector<16xi32>
        %ge3A_349 = arith.cmpi sge, %sub3A_346, %ge3A_348 : vector<16xi32>
        %lt3A_350 = arith.constant 33152 : i32
        %lt3A_351 = vector.broadcast %lt3A_350 : i32 to vector<16xi32>
        %lt3A_352 = arith.cmpi slt, %sub3A_346, %lt3A_351 : vector<16xi32>
        %and3A = arith.andi %ge3A_349, %lt3A_352 : vector<16xi1>
        %gather3A = tpu.vector_load_idx %arg7[%sub3A_346] masked %and3A : memref<33408xf32, #tpu.memory_space<vmem>>[vector<16xi32>], vector<16xf32>, vector<16xi1>
        %sub3A_353 = arith.constant 99968 : i32
        %sub3A_354 = vector.broadcast %sub3A_353 : i32 to vector<16xi32>
        %sub3A_355 = arith.subi %get3A_343, %sub3A_354 : vector<16xi32>
        %ge3A_356 = arith.constant 0 : i32
        %ge3A_357 = vector.broadcast %ge3A_356 : i32 to vector<16xi32>
        %ge3A_358 = arith.cmpi sge, %sub3A_355, %ge3A_357 : vector<16xi32>
        %gather3A_359 = tpu.vector_load_idx %arg8[%sub3A_355] masked %ge3A_358 : memref<32xf32, #tpu.memory_space<vmem>>[vector<16xi32>], vector<16xf32>, vector<16xi1>
        %get3A_360 = arith.index_cast %add3A_342 : i32 to index
        %get3A_361 = tpu.vector_load %arg10[%get3A_360] {strides = array<i32>} : memref<16384xf32, #tpu.memory_space<vmem>>, vector<16xf32>,
        %select_n3A = arith.select %and3A, %gather3A, %get3A_361 : vector<16xi1>, vector<16xf32>
        %select_n3A_362 = arith.select %ge3A_358, %gather3A_359, %select_n3A : vector<16xi1>, vector<16xf32>
        %swap3A = arith.index_cast %add3A_342 : i32 to index
        %swap3A_363 = tpu.vector_load %arg10[%swap3A] {strides = array<i32>} : memref<16384xf32, #tpu.memory_space<vmem>>, vector<16xf32>,
        tpu.vector_store %arg10[%swap3A], %select_n3A_362 {strides = array<i32>} : memref<16384xf32, #tpu.memory_space<vmem>>, vector<16xf32>,
        %mul3A_364 = arith.constant 128 : i32
        %mul3A_365 = arith.muli %scan3A_337, %mul3A_364 : i32
        %add3A_366 = arith.constant 16 : i32
        %add3A_367 = arith.addi %mul3A_365, %add3A_366 : i32
        %get3A_368 = arith.index_cast %add3A_367 : i32 to index
        %get3A_369 = tpu.vector_load %arg5[%get3A_368] {strides = array<i32>} : memref<16384xi32, #tpu.memory_space<vmem>>, vector<16xi32>,
        %sub3A_370 = arith.constant 66816 : i32
        %sub3A_371 = vector.broadcast %sub3A_370 : i32 to vector<16xi32>
        %sub3A_372 = arith.subi %get3A_369, %sub3A_371 : vector<16xi32>
        %ge3A_373 = arith.constant 0 : i32
        %ge3A_374 = vector.broadcast %ge3A_373 : i32 to vector<16xi32>
        %ge3A_375 = arith.cmpi sge, %sub3A_372, %ge3A_374 : vector<16xi32>
        %lt3A_376 = arith.constant 33152 : i32
        %lt3A_377 = vector.broadcast %lt3A_376 : i32 to vector<16xi32>
        %lt3A_378 = arith.cmpi slt, %sub3A_372, %lt3A_377 : vector<16xi32>
        %and3A_379 = arith.andi %ge3A_375, %lt3A_378 : vector<16xi1>
        %gather3A_380 = tpu.vector_load_idx %arg7[%sub3A_372] masked %and3A_379 : memref<33408xf32, #tpu.memory_space<vmem>>[vector<16xi32>], vector<16xf32>, vector<16xi1>
        %sub3A_381 = arith.constant 99968 : i32
        %sub3A_382 = vector.broadcast %sub3A_381 : i32 to vector<16xi32>
        %sub3A_383 = arith.subi %get3A_369, %sub3A_382 : vector<16xi32>
        %ge3A_384 = arith.constant 0 : i32
        %ge3A_385 = vector.broadcast %ge3A_384 : i32 to vector<16xi32>
        %ge3A_386 = arith.cmpi sge, %sub3A_383, %ge3A_385 : vector<16xi32>
        %gather3A_387 = tpu.vector_load_idx %arg8[%sub3A_383] masked %ge3A_386 : memref<32xf32, #tpu.memory_space<vmem>>[vector<16xi32>], vector<16xf32>, vector<16xi1>
        %get3A_388 = arith.index_cast %add3A_367 : i32 to index
        %get3A_389 = tpu.vector_load %arg10[%get3A_388] {strides = array<i32>} : memref<16384xf32, #tpu.memory_space<vmem>>, vector<16xf32>,
        %select_n3A_390 = arith.select %and3A_379, %gather3A_380, %get3A_389 : vector<16xi1>, vector<16xf32>
        %select_n3A_391 = arith.select %ge3A_386, %gather3A_387, %select_n3A_390 : vector<16xi1>, vector<16xf32>
        %swap3A_392 = arith.index_cast %add3A_367 : i32 to index
        %swap3A_393 = tpu.vector_load %arg10[%swap3A_392] {strides = array<i32>} : memref<16384xf32, #tpu.memory_space<vmem>>, vector<16xf32>,
        tpu.vector_store %arg10[%swap3A_392], %select_n3A_391 {strides = array<i32>} : memref<16384xf32, #tpu.memory_space<vmem>>, vector<16xf32>,
        %mul3A_394 = arith.constant 128 : i32
        %mul3A_395 = arith.muli %scan3A_337, %mul3A_394 : i32
        %add3A_396 = arith.constant 32 : i32
        %add3A_397 = arith.addi %mul3A_395, %add3A_396 : i32
        %get3A_398 = arith.index_cast %add3A_397 : i32 to index
        %get3A_399 = tpu.vector_load %arg5[%get3A_398] {strides = array<i32>} : memref<16384xi32, #tpu.memory_space<vmem>>, vector<16xi32>,
        %sub3A_400 = arith.constant 66816 : i32
        %sub3A_401 = vector.broadcast %sub3A_400 : i32 to vector<16xi32>
        %sub3A_402 = arith.subi %get3A_399, %sub3A_401 : vector<16xi32>
        %ge3A_403 = arith.constant 0 : i32
        %ge3A_404 = vector.broadcast %ge3A_403 : i32 to vector<16xi32>
        %ge3A_405 = arith.cmpi sge, %sub3A_402, %ge3A_404 : vector<16xi32>
        %lt3A_406 = arith.constant 33152 : i32
        %lt3A_407 = vector.broadcast %lt3A_406 : i32 to vector<16xi32>
        %lt3A_408 = arith.cmpi slt, %sub3A_402, %lt3A_407 : vector<16xi32>
        %and3A_409 = arith.andi %ge3A_405, %lt3A_408 : vector<16xi1>
        %gather3A_410 = tpu.vector_load_idx %arg7[%sub3A_402] masked %and3A_409 : memref<33408xf32, #tpu.memory_space<vmem>>[vector<16xi32>], vector<16xf32>, vector<16xi1>
        %sub3A_411 = arith.constant 99968 : i32
        %sub3A_412 = vector.broadcast %sub3A_411 : i32 to vector<16xi32>
        %sub3A_413 = arith.subi %get3A_399, %sub3A_412 : vector<16xi32>
        %ge3A_414 = arith.constant 0 : i32
        %ge3A_415 = vector.broadcast %ge3A_414 : i32 to vector<16xi32>
        %ge3A_416 = arith.cmpi sge, %sub3A_413, %ge3A_415 : vector<16xi32>
        %gather3A_417 = tpu.vector_load_idx %arg8[%sub3A_413] masked %ge3A_416 : memref<32xf32, #tpu.memory_space<vmem>>[vector<16xi32>], vector<16xf32>, vector<16xi1>
        %get3A_418 = arith.index_cast %add3A_397 : i32 to index
        %get3A_419 = tpu.vector_load %arg10[%get3A_418] {strides = array<i32>} : memref<16384xf32, #tpu.memory_space<vmem>>, vector<16xf32>,
        %select_n3A_420 = arith.select %and3A_409, %gather3A_410, %get3A_419 : vector<16xi1>, vector<16xf32>
        %select_n3A_421 = arith.select %ge3A_416, %gather3A_417, %select_n3A_420 : vector<16xi1>, vector<16xf32>
        %swap3A_422 = arith.index_cast %add3A_397 : i32 to index
        %swap3A_423 = tpu.vector_load %arg10[%swap3A_422] {strides = array<i32>} : memref<16384xf32, #tpu.memory_space<vmem>>, vector<16xf32>,
        tpu.vector_store %arg10[%swap3A_422], %select_n3A_421 {strides = array<i32>} : memref<16384xf32, #tpu.memory_space<vmem>>, vector<16xf32>,
        %mul3A_424 = arith.constant 128 : i32
        %mul3A_425 = arith.muli %scan3A_337, %mul3A_424 : i32
        %add3A_426 = arith.constant 48 : i32
        %add3A_427 = arith.addi %mul3A_425, %add3A_426 : i32
        %get3A_428 = arith.index_cast %add3A_427 : i32 to index
        %get3A_429 = tpu.vector_load %arg5[%get3A_428] {strides = array<i32>} : memref<16384xi32, #tpu.memory_space<vmem>>, vector<16xi32>,
        %sub3A_430 = arith.constant 66816 : i32
        %sub3A_431 = vector.broadcast %sub3A_430 : i32 to vector<16xi32>
        %sub3A_432 = arith.subi %get3A_429, %sub3A_431 : vector<16xi32>
        %ge3A_433 = arith.constant 0 : i32
        %ge3A_434 = vector.broadcast %ge3A_433 : i32 to vector<16xi32>
        %ge3A_435 = arith.cmpi sge, %sub3A_432, %ge3A_434 : vector<16xi32>
        %lt3A_436 = arith.constant 33152 : i32
        %lt3A_437 = vector.broadcast %lt3A_436 : i32 to vector<16xi32>
        %lt3A_438 = arith.cmpi slt, %sub3A_432, %lt3A_437 : vector<16xi32>
        %and3A_439 = arith.andi %ge3A_435, %lt3A_438 : vector<16xi1>
        %gather3A_440 = tpu.vector_load_idx %arg7[%sub3A_432] masked %and3A_439 : memref<33408xf32, #tpu.memory_space<vmem>>[vector<16xi32>], vector<16xf32>, vector<16xi1>
        %sub3A_441 = arith.constant 99968 : i32
        %sub3A_442 = vector.broadcast %sub3A_441 : i32 to vector<16xi32>
        %sub3A_443 = arith.subi %get3A_429, %sub3A_442 : vector<16xi32>
        %ge3A_444 = arith.constant 0 : i32
        %ge3A_445 = vector.broadcast %ge3A_444 : i32 to vector<16xi32>
        %ge3A_446 = arith.cmpi sge, %sub3A_443, %ge3A_445 : vector<16xi32>
        %gather3A_447 = tpu.vector_load_idx %arg8[%sub3A_443] masked %ge3A_446 : memref<32xf32, #tpu.memory_space<vmem>>[vector<16xi32>], vector<16xf32>, vector<16xi1>
        %get3A_448 = arith.index_cast %add3A_427 : i32 to index
        %get3A_449 = tpu.vector_load %arg10[%get3A_448] {strides = array<i32>} : memref<16384xf32, #tpu.memory_space<vmem>>, vector<16xf32>,
        %select_n3A_450 = arith.select %and3A_439, %gather3A_440, %get3A_449 : vector<16xi1>, vector<16xf32>
        %select_n3A_451 = arith.select %ge3A_446, %gather3A_447, %select_n3A_450 : vector<16xi1>, vector<16xf32>
        %swap3A_452 = arith.index_cast %add3A_427 : i32 to index
        %swap3A_453 = tpu.vector_load %arg10[%swap3A_452] {strides = array<i32>} : memref<16384xf32, #tpu.memory_space<vmem>>, vector<16xf32>,
        tpu.vector_store %arg10[%swap3A_452], %select_n3A_451 {strides = array<i32>} : memref<16384xf32, #tpu.memory_space<vmem>>, vector<16xf32>,
        %mul3A_454 = arith.constant 128 : i32
        %mul3A_455 = arith.muli %scan3A_337, %mul3A_454 : i32
        %add3A_456 = arith.constant 64 : i32
        %add3A_457 = arith.addi %mul3A_455, %add3A_456 : i32
        %get3A_458 = arith.index_cast %add3A_457 : i32 to index
        %get3A_459 = tpu.vector_load %arg5[%get3A_458] {strides = array<i32>} : memref<16384xi32, #tpu.memory_space<vmem>>, vector<16xi32>,
        %sub3A_460 = arith.constant 66816 : i32
        %sub3A_461 = vector.broadcast %sub3A_460 : i32 to vector<16xi32>
        %sub3A_462 = arith.subi %get3A_459, %sub3A_461 : vector<16xi32>
        %ge3A_463 = arith.constant 0 : i32
        %ge3A_464 = vector.broadcast %ge3A_463 : i32 to vector<16xi32>
        %ge3A_465 = arith.cmpi sge, %sub3A_462, %ge3A_464 : vector<16xi32>
        %lt3A_466 = arith.constant 33152 : i32
        %lt3A_467 = vector.broadcast %lt3A_466 : i32 to vector<16xi32>
        %lt3A_468 = arith.cmpi slt, %sub3A_462, %lt3A_467 : vector<16xi32>
        %and3A_469 = arith.andi %ge3A_465, %lt3A_468 : vector<16xi1>
        %gather3A_470 = tpu.vector_load_idx %arg7[%sub3A_462] masked %and3A_469 : memref<33408xf32, #tpu.memory_space<vmem>>[vector<16xi32>], vector<16xf32>, vector<16xi1>
        %sub3A_471 = arith.constant 99968 : i32
        %sub3A_472 = vector.broadcast %sub3A_471 : i32 to vector<16xi32>
        %sub3A_473 = arith.subi %get3A_459, %sub3A_472 : vector<16xi32>
        %ge3A_474 = arith.constant 0 : i32
        %ge3A_475 = vector.broadcast %ge3A_474 : i32 to vector<16xi32>
        %ge3A_476 = arith.cmpi sge, %sub3A_473, %ge3A_475 : vector<16xi32>
        %gather3A_477 = tpu.vector_load_idx %arg8[%sub3A_473] masked %ge3A_476 : memref<32xf32, #tpu.memory_space<vmem>>[vector<16xi32>], vector<16xf32>, vector<16xi1>
        %get3A_478 = arith.index_cast %add3A_457 : i32 to index
        %get3A_479 = tpu.vector_load %arg10[%get3A_478] {strides = array<i32>} : memref<16384xf32, #tpu.memory_space<vmem>>, vector<16xf32>,
        %select_n3A_480 = arith.select %and3A_469, %gather3A_470, %get3A_479 : vector<16xi1>, vector<16xf32>
        %select_n3A_481 = arith.select %ge3A_476, %gather3A_477, %select_n3A_480 : vector<16xi1>, vector<16xf32>
        %swap3A_482 = arith.index_cast %add3A_457 : i32 to index
        %swap3A_483 = tpu.vector_load %arg10[%swap3A_482] {strides = array<i32>} : memref<16384xf32, #tpu.memory_space<vmem>>, vector<16xf32>,
        tpu.vector_store %arg10[%swap3A_482], %select_n3A_481 {strides = array<i32>} : memref<16384xf32, #tpu.memory_space<vmem>>, vector<16xf32>,
        %mul3A_484 = arith.constant 128 : i32
        %mul3A_485 = arith.muli %scan3A_337, %mul3A_484 : i32
        %add3A_486 = arith.constant 80 : i32
        %add3A_487 = arith.addi %mul3A_485, %add3A_486 : i32
        %get3A_488 = arith.index_cast %add3A_487 : i32 to index
        %get3A_489 = tpu.vector_load %arg5[%get3A_488] {strides = array<i32>} : memref<16384xi32, #tpu.memory_space<vmem>>, vector<16xi32>,
        %sub3A_490 = arith.constant 66816 : i32
        %sub3A_491 = vector.broadcast %sub3A_490 : i32 to vector<16xi32>
        %sub3A_492 = arith.subi %get3A_489, %sub3A_491 : vector<16xi32>
        %ge3A_493 = arith.constant 0 : i32
        %ge3A_494 = vector.broadcast %ge3A_493 : i32 to vector<16xi32>
        %ge3A_495 = arith.cmpi sge, %sub3A_492, %ge3A_494 : vector<16xi32>
        %lt3A_496 = arith.constant 33152 : i32
        %lt3A_497 = vector.broadcast %lt3A_496 : i32 to vector<16xi32>
        %lt3A_498 = arith.cmpi slt, %sub3A_492, %lt3A_497 : vector<16xi32>
        %and3A_499 = arith.andi %ge3A_495, %lt3A_498 : vector<16xi1>
        %gather3A_500 = tpu.vector_load_idx %arg7[%sub3A_492] masked %and3A_499 : memref<33408xf32, #tpu.memory_space<vmem>>[vector<16xi32>], vector<16xf32>, vector<16xi1>
        %sub3A_501 = arith.constant 99968 : i32
        %sub3A_502 = vector.broadcast %sub3A_501 : i32 to vector<16xi32>
        %sub3A_503 = arith.subi %get3A_489, %sub3A_502 : vector<16xi32>
        %ge3A_504 = arith.constant 0 : i32
        %ge3A_505 = vector.broadcast %ge3A_504 : i32 to vector<16xi32>
        %ge3A_506 = arith.cmpi sge, %sub3A_503, %ge3A_505 : vector<16xi32>
        %gather3A_507 = tpu.vector_load_idx %arg8[%sub3A_503] masked %ge3A_506 : memref<32xf32, #tpu.memory_space<vmem>>[vector<16xi32>], vector<16xf32>, vector<16xi1>
        %get3A_508 = arith.index_cast %add3A_487 : i32 to index
        %get3A_509 = tpu.vector_load %arg10[%get3A_508] {strides = array<i32>} : memref<16384xf32, #tpu.memory_space<vmem>>, vector<16xf32>,
        %select_n3A_510 = arith.select %and3A_499, %gather3A_500, %get3A_509 : vector<16xi1>, vector<16xf32>
        %select_n3A_511 = arith.select %ge3A_506, %gather3A_507, %select_n3A_510 : vector<16xi1>, vector<16xf32>
        %swap3A_512 = arith.index_cast %add3A_487 : i32 to index
        %swap3A_513 = tpu.vector_load %arg10[%swap3A_512] {strides = array<i32>} : memref<16384xf32, #tpu.memory_space<vmem>>, vector<16xf32>,
        tpu.vector_store %arg10[%swap3A_512], %select_n3A_511 {strides = array<i32>} : memref<16384xf32, #tpu.memory_space<vmem>>, vector<16xf32>,
        %mul3A_514 = arith.constant 128 : i32
        %mul3A_515 = arith.muli %scan3A_337, %mul3A_514 : i32
        %add3A_516 = arith.constant 96 : i32
        %add3A_517 = arith.addi %mul3A_515, %add3A_516 : i32
        %get3A_518 = arith.index_cast %add3A_517 : i32 to index
        %get3A_519 = tpu.vector_load %arg5[%get3A_518] {strides = array<i32>} : memref<16384xi32, #tpu.memory_space<vmem>>, vector<16xi32>,
        %sub3A_520 = arith.constant 66816 : i32
        %sub3A_521 = vector.broadcast %sub3A_520 : i32 to vector<16xi32>
        %sub3A_522 = arith.subi %get3A_519, %sub3A_521 : vector<16xi32>
        %ge3A_523 = arith.constant 0 : i32
        %ge3A_524 = vector.broadcast %ge3A_523 : i32 to vector<16xi32>
        %ge3A_525 = arith.cmpi sge, %sub3A_522, %ge3A_524 : vector<16xi32>
        %lt3A_526 = arith.constant 33152 : i32
        %lt3A_527 = vector.broadcast %lt3A_526 : i32 to vector<16xi32>
        %lt3A_528 = arith.cmpi slt, %sub3A_522, %lt3A_527 : vector<16xi32>
        %and3A_529 = arith.andi %ge3A_525, %lt3A_528 : vector<16xi1>
        %gather3A_530 = tpu.vector_load_idx %arg7[%sub3A_522] masked %and3A_529 : memref<33408xf32, #tpu.memory_space<vmem>>[vector<16xi32>], vector<16xf32>, vector<16xi1>
        %sub3A_531 = arith.constant 99968 : i32
        %sub3A_532 = vector.broadcast %sub3A_531 : i32 to vector<16xi32>
        %sub3A_533 = arith.subi %get3A_519, %sub3A_532 : vector<16xi32>
        %ge3A_534 = arith.constant 0 : i32
        %ge3A_535 = vector.broadcast %ge3A_534 : i32 to vector<16xi32>
        %ge3A_536 = arith.cmpi sge, %sub3A_533, %ge3A_535 : vector<16xi32>
        %gather3A_537 = tpu.vector_load_idx %arg8[%sub3A_533] masked %ge3A_536 : memref<32xf32, #tpu.memory_space<vmem>>[vector<16xi32>], vector<16xf32>, vector<16xi1>
        %get3A_538 = arith.index_cast %add3A_517 : i32 to index
        %get3A_539 = tpu.vector_load %arg10[%get3A_538] {strides = array<i32>} : memref<16384xf32, #tpu.memory_space<vmem>>, vector<16xf32>,
        %select_n3A_540 = arith.select %and3A_529, %gather3A_530, %get3A_539 : vector<16xi1>, vector<16xf32>
        %select_n3A_541 = arith.select %ge3A_536, %gather3A_537, %select_n3A_540 : vector<16xi1>, vector<16xf32>
        %swap3A_542 = arith.index_cast %add3A_517 : i32 to index
        %swap3A_543 = tpu.vector_load %arg10[%swap3A_542] {strides = array<i32>} : memref<16384xf32, #tpu.memory_space<vmem>>, vector<16xf32>,
        tpu.vector_store %arg10[%swap3A_542], %select_n3A_541 {strides = array<i32>} : memref<16384xf32, #tpu.memory_space<vmem>>, vector<16xf32>,
        %mul3A_544 = arith.constant 128 : i32
        %mul3A_545 = arith.muli %scan3A_337, %mul3A_544 : i32
        %add3A_546 = arith.constant 112 : i32
        %add3A_547 = arith.addi %mul3A_545, %add3A_546 : i32
        %get3A_548 = arith.index_cast %add3A_547 : i32 to index
        %get3A_549 = tpu.vector_load %arg5[%get3A_548] {strides = array<i32>} : memref<16384xi32, #tpu.memory_space<vmem>>, vector<16xi32>,
        %sub3A_550 = arith.constant 66816 : i32
        %sub3A_551 = vector.broadcast %sub3A_550 : i32 to vector<16xi32>
        %sub3A_552 = arith.subi %get3A_549, %sub3A_551 : vector<16xi32>
        %ge3A_553 = arith.constant 0 : i32
        %ge3A_554 = vector.broadcast %ge3A_553 : i32 to vector<16xi32>
        %ge3A_555 = arith.cmpi sge, %sub3A_552, %ge3A_554 : vector<16xi32>
        %lt3A_556 = arith.constant 33152 : i32
        %lt3A_557 = vector.broadcast %lt3A_556 : i32 to vector<16xi32>
        %lt3A_558 = arith.cmpi slt, %sub3A_552, %lt3A_557 : vector<16xi32>
        %and3A_559 = arith.andi %ge3A_555, %lt3A_558 : vector<16xi1>
        %gather3A_560 = tpu.vector_load_idx %arg7[%sub3A_552] masked %and3A_559 : memref<33408xf32, #tpu.memory_space<vmem>>[vector<16xi32>], vector<16xf32>, vector<16xi1>
        %sub3A_561 = arith.constant 99968 : i32
        %sub3A_562 = vector.broadcast %sub3A_561 : i32 to vector<16xi32>
        %sub3A_563 = arith.subi %get3A_549, %sub3A_562 : vector<16xi32>
        %ge3A_564 = arith.constant 0 : i32
        %ge3A_565 = vector.broadcast %ge3A_564 : i32 to vector<16xi32>
        %ge3A_566 = arith.cmpi sge, %sub3A_563, %ge3A_565 : vector<16xi32>
        %gather3A_567 = tpu.vector_load_idx %arg8[%sub3A_563] masked %ge3A_566 : memref<32xf32, #tpu.memory_space<vmem>>[vector<16xi32>], vector<16xf32>, vector<16xi1>
        %get3A_568 = arith.index_cast %add3A_547 : i32 to index
        %get3A_569 = tpu.vector_load %arg10[%get3A_568] {strides = array<i32>} : memref<16384xf32, #tpu.memory_space<vmem>>, vector<16xf32>,
        %select_n3A_570 = arith.select %and3A_559, %gather3A_560, %get3A_569 : vector<16xi1>, vector<16xf32>
        %select_n3A_571 = arith.select %ge3A_566, %gather3A_567, %select_n3A_570 : vector<16xi1>, vector<16xf32>
        %swap3A_572 = arith.index_cast %add3A_547 : i32 to index
        %swap3A_573 = tpu.vector_load %arg10[%swap3A_572] {strides = array<i32>} : memref<16384xf32, #tpu.memory_space<vmem>>, vector<16xf32>,
        tpu.vector_store %arg10[%swap3A_572], %select_n3A_571 {strides = array<i32>} : memref<16384xf32, #tpu.memory_space<vmem>>, vector<16xf32>,
        %scan3A_574 = arith.constant 0 : i32
        scf.yield %scan3A_574 : i32
      }
      %scan3A_328 = arith.constant 128 : i32
      %sub3A_329 = arith.constant 0 : i32
      %sub3A_330 = arith.subi %add3A_52, %sub3A_329 : i32
      %dma_start3A_331 = arith.constant 0 : i32
      %dma_start3A_332 = tpu.memref_slice %arg4[%sub3A_330, %dma_start3A_331] : memref<1600x16384xf32, #tpu.memory_space<hbm>> -> memref<1x16384xf32, #tpu.memory_space<hbm>>
      %dma_start3A_333 = tpu.memref_squeeze %dma_start3A_332 : memref<1x16384xf32, #tpu.memory_space<hbm>> -> memref<16384xf32, #tpu.memory_space<hbm>>
      %dma_start3A_334 = arith.constant 0 : i32
      %dma_start3A_335 = tpu.memref_slice %arg4[%sub3A_330, %dma_start3A_334] : memref<1600x16384xf32, #tpu.memory_space<hbm>> -> memref<1x16384xf32, #tpu.memory_space<hbm>>
      %dma_start3A_336 = tpu.memref_squeeze %dma_start3A_335 : memref<1x16384xf32, #tpu.memory_space<hbm>> -> memref<16384xf32, #tpu.memory_space<hbm>>
      tpu.enqueue_dma source(%arg10 : memref<16384xf32, #tpu.memory_space<vmem>>) target(%dma_start3A_336 : memref<16384xf32, #tpu.memory_space<hbm>>) target_semaphore(%arg15 : memref<!tpu.dma_semaphore, #tpu.memory_space<semaphore_mem>>)
      scf.yield %shift_right_logical3A_201 : i32
    }
    %scan3A_23 = arith.constant 25 : i32
    %sub3A = arith.constant 0 : i32
    %sub3A_24 = arith.subi %add3A_4, %sub3A : i32
    %add3A_25 = arith.constant 50 : i32
    %add3A_26 = arith.addi %sub3A_24, %add3A_25 : i32
    %sub3A_27 = arith.constant 2 : i32
    %sub3A_28 = arith.subi %add3A_26, %sub3A_27 : i32
    %dma_wait3A = arith.constant 0 : i32
    %dma_wait3A_29 = tpu.memref_slice %arg4[%sub3A_28, %dma_wait3A] : memref<1600x16384xf32, #tpu.memory_space<hbm>> -> memref<1x16384xf32, #tpu.memory_space<hbm>>
    %dma_wait3A_30 = tpu.memref_squeeze %dma_wait3A_29 : memref<1x16384xf32, #tpu.memory_space<hbm>> -> memref<16384xf32, #tpu.memory_space<hbm>>
    %dma_wait3A_31 = arith.constant 0 : i32
    %dma_wait3A_32 = tpu.memref_slice %arg4[%sub3A_28, %dma_wait3A_31] : memref<1600x16384xf32, #tpu.memory_space<hbm>> -> memref<1x16384xf32, #tpu.memory_space<hbm>>
    %dma_wait3A_33 = tpu.memref_squeeze %dma_wait3A_32 : memref<1x16384xf32, #tpu.memory_space<hbm>> -> memref<16384xf32, #tpu.memory_space<hbm>>
    tpu.wait_dma2 semaphore(%arg14 : memref<!tpu.dma_semaphore, #tpu.memory_space<semaphore_mem>>) src(%arg9 : memref<16384xf32, #tpu.memory_space<vmem>>) dst(%dma_wait3A_33 : memref<16384xf32, #tpu.memory_space<hbm>>)
    %sub3A_34 = arith.constant 0 : i32
    %sub3A_35 = arith.subi %add3A_4, %sub3A_34 : i32
    %add3A_36 = arith.constant 50 : i32
    %add3A_37 = arith.addi %sub3A_35, %add3A_36 : i32
    %sub3A_38 = arith.constant 1 : i32
    %sub3A_39 = arith.subi %add3A_37, %sub3A_38 : i32
    %dma_wait3A_40 = arith.constant 0 : i32
    %dma_wait3A_41 = tpu.memref_slice %arg4[%sub3A_39, %dma_wait3A_40] : memref<1600x16384xf32, #tpu.memory_space<hbm>> -> memref<1x16384xf32, #tpu.memory_space<hbm>>
    %dma_wait3A_42 = tpu.memref_squeeze %dma_wait3A_41 : memref<1x16384xf32, #tpu.memory_space<hbm>> -> memref<16384xf32, #tpu.memory_space<hbm>>
    %dma_wait3A_43 = arith.constant 0 : i32
    %dma_wait3A_44 = tpu.memref_slice %arg4[%sub3A_39, %dma_wait3A_43] : memref<1600x16384xf32, #tpu.memory_space<hbm>> -> memref<1x16384xf32, #tpu.memory_space<hbm>>
    %dma_wait3A_45 = tpu.memref_squeeze %dma_wait3A_44 : memref<1x16384xf32, #tpu.memory_space<hbm>> -> memref<16384xf32, #tpu.memory_space<hbm>>
    tpu.wait_dma2 semaphore(%arg15 : memref<!tpu.dma_semaphore, #tpu.memory_space<semaphore_mem>>) src(%arg10 : memref<16384xf32, #tpu.memory_space<vmem>>) dst(%dma_wait3A_45 : memref<16384xf32, #tpu.memory_space<hbm>>)
    return
  }
}

#map = affine_map<(d0, d1) -> (0, 0)>
module attributes {stable_mosaic.version = 14 : i64} {
  func.func @_lambda_(%arg0: i32, %arg1: i32, %arg2: memref<1664x100000xf32, #tpu.memory_space<hbm>>, %arg3: memref<26x16384xi32, #tpu.memory_space<hbm>>, %arg4: memref<64x16384xf32, #tpu.memory_space<hbm>>, %arg5: memref<16384xi32, #tpu.memory_space<vmem>>, %arg6: memref<33408xf32, #tpu.memory_space<vmem>>, %arg7: memref<33408xf32, #tpu.memory_space<vmem>>, %arg8: memref<32xf32, #tpu.memory_space<vmem>>, %arg9: memref<16384xf32, #tpu.memory_space<vmem>>, %arg10: memref<16384xf32, #tpu.memory_space<vmem>>, %arg11: memref<!tpu.dma_semaphore, #tpu.memory_space<semaphore_mem>>, %arg12: memref<!tpu.dma_semaphore, #tpu.memory_space<semaphore_mem>>, %arg13: memref<!tpu.dma_semaphore, #tpu.memory_space<semaphore_mem>>, %arg14: memref<!tpu.dma_semaphore, #tpu.memory_space<semaphore_mem>>, %arg15: memref<!tpu.dma_semaphore, #tpu.memory_space<semaphore_mem>>) attributes {dimension_semantics = [#tpu.dimension_semantics<core_parallel>, #tpu.dimension_semantics<subcore_parallel>], iteration_bounds = array<i64: 2, 16>, scalar_prefetch = 0 : i64, scratch_operands = 11 : i64, tpu.core_type = #tpu.core_type<sc_vector_subcore>, window_params = [{transform_indices = #map}, {transform_indices = #map}, {transform_indices = #map}]} {
    %mul3A = arith.constant 2 : i32
    %mul3A_0 = arith.muli %arg1, %mul3A : i32
    %add3A = arith.addi %mul3A_0, %arg0 : i32
    %mul3A_1 = arith.constant 2 : i32
    %mul3A_2 = arith.muli %add3A, %mul3A_1 : i32
    %add3A_3 = arith.constant 1600 : i32
    %add3A_4 = arith.addi %add3A_3, %mul3A_2 : i32
    %dma_start3A = arith.constant 0 : i32
    %dma_start3A_5 = tpu.memref_slice %arg6[%dma_start3A] : memref<33408xf32, #tpu.memory_space<vmem>> -> memref<33408xf32, #tpu.memory_space<vmem>>
    %dma_start3A_6 = arith.constant 0 : i32
    %dma_start3A_7 = tpu.memref_slice %arg2[%add3A_4, %dma_start3A_6] : memref<1664x100000xf32, #tpu.memory_space<hbm>> -> memref<1x100000xf32, #tpu.memory_space<hbm>>
    %dma_start3A_8 = tpu.memref_squeeze %dma_start3A_7 : memref<1x100000xf32, #tpu.memory_space<hbm>> -> memref<100000xf32, #tpu.memory_space<hbm>>
    %dma_start3A_9 = arith.constant 0 : i32
    %dma_start3A_10 = tpu.memref_slice %dma_start3A_8[%dma_start3A_9] : memref<100000xf32, #tpu.memory_space<hbm>> -> memref<33408xf32, #tpu.memory_space<hbm>>
    %dma_start3A_11 = arith.constant 0 : i32
    %dma_start3A_12 = tpu.memref_slice %arg6[%dma_start3A_11] : memref<33408xf32, #tpu.memory_space<vmem>> -> memref<33408xf32, #tpu.memory_space<vmem>>
    %dma_start3A_13 = arith.constant 0 : i32
    %dma_start3A_14 = tpu.memref_slice %arg2[%add3A_4, %dma_start3A_13] : memref<1664x100000xf32, #tpu.memory_space<hbm>> -> memref<1x100000xf32, #tpu.memory_space<hbm>>
    %dma_start3A_15 = tpu.memref_squeeze %dma_start3A_14 : memref<1x100000xf32, #tpu.memory_space<hbm>> -> memref<100000xf32, #tpu.memory_space<hbm>>
    %dma_start3A_16 = arith.constant 0 : i32
    %dma_start3A_17 = tpu.memref_slice %dma_start3A_15[%dma_start3A_16] : memref<100000xf32, #tpu.memory_space<hbm>> -> memref<33408xf32, #tpu.memory_space<hbm>>
    tpu.enqueue_dma source(%dma_start3A_17 : memref<33408xf32, #tpu.memory_space<hbm>>) target(%dma_start3A_12 : memref<33408xf32, #tpu.memory_space<vmem>>) target_semaphore(%arg11 : memref<!tpu.dma_semaphore, #tpu.memory_space<semaphore_mem>>)
    %scan3A = arith.constant -1 : i32
    %scan3A_18 = arith.constant 0 : i32
    %mul3A_19 = arith.constant 2 : i32
    %mul3A_20 = arith.muli %mul3A_19, %scan3A_18 : i32
    %add3A_21 = arith.addi %add3A_4, %mul3A_20 : i32
    %add3A_22 = arith.constant 1 : i32
    %add3A_23 = arith.addi %add3A_21, %add3A_22 : i32
    %ge3A = arith.constant 1 : i32
    %ge3A_24 = arith.cmpi sge, %scan3A_18, %ge3A : i32
    %convert_element_type3A = arith.extui %ge3A_24 : i1 to i32
    %cond3A = arith.constant 0 : i32
    %cond3A_25 = arith.cmpi ne, %convert_element_type3A, %cond3A : i32
    scf.if %cond3A_25 {
      %sub3A_331 = arith.constant 1600 : i32
      %sub3A_332 = arith.subi %add3A_21, %sub3A_331 : i32
      %sub3A_333 = arith.constant 2 : i32
      %sub3A_334 = arith.subi %sub3A_332, %sub3A_333 : i32
      %dma_wait3A_335 = arith.constant 0 : i32
      %dma_wait3A_336 = tpu.memref_slice %arg4[%sub3A_334, %dma_wait3A_335] : memref<64x16384xf32, #tpu.memory_space<hbm>> -> memref<1x16384xf32, #tpu.memory_space<hbm>>
      %dma_wait3A_337 = tpu.memref_squeeze %dma_wait3A_336 : memref<1x16384xf32, #tpu.memory_space<hbm>> -> memref<16384xf32, #tpu.memory_space<hbm>>
      %dma_wait3A_338 = arith.constant 0 : i32
      %dma_wait3A_339 = tpu.memref_slice %arg4[%sub3A_334, %dma_wait3A_338] : memref<64x16384xf32, #tpu.memory_space<hbm>> -> memref<1x16384xf32, #tpu.memory_space<hbm>>
      %dma_wait3A_340 = tpu.memref_squeeze %dma_wait3A_339 : memref<1x16384xf32, #tpu.memory_space<hbm>> -> memref<16384xf32, #tpu.memory_space<hbm>>
      tpu.wait_dma2 semaphore(%arg14 : memref<!tpu.dma_semaphore, #tpu.memory_space<semaphore_mem>>) src(%arg9 : memref<16384xf32, #tpu.memory_space<vmem>>) dst(%dma_wait3A_340 : memref<16384xf32, #tpu.memory_space<hbm>>)
      %sub3A_341 = arith.constant 1600 : i32
      %sub3A_342 = arith.subi %add3A_23, %sub3A_341 : i32
      %sub3A_343 = arith.constant 2 : i32
      %sub3A_344 = arith.subi %sub3A_342, %sub3A_343 : i32
      %dma_wait3A_345 = arith.constant 0 : i32
      %dma_wait3A_346 = tpu.memref_slice %arg4[%sub3A_344, %dma_wait3A_345] : memref<64x16384xf32, #tpu.memory_space<hbm>> -> memref<1x16384xf32, #tpu.memory_space<hbm>>
      %dma_wait3A_347 = tpu.memref_squeeze %dma_wait3A_346 : memref<1x16384xf32, #tpu.memory_space<hbm>> -> memref<16384xf32, #tpu.memory_space<hbm>>
      %dma_wait3A_348 = arith.constant 0 : i32
      %dma_wait3A_349 = tpu.memref_slice %arg4[%sub3A_344, %dma_wait3A_348] : memref<64x16384xf32, #tpu.memory_space<hbm>> -> memref<1x16384xf32, #tpu.memory_space<hbm>>
      %dma_wait3A_350 = tpu.memref_squeeze %dma_wait3A_349 : memref<1x16384xf32, #tpu.memory_space<hbm>> -> memref<16384xf32, #tpu.memory_space<hbm>>
      tpu.wait_dma2 semaphore(%arg15 : memref<!tpu.dma_semaphore, #tpu.memory_space<semaphore_mem>>) src(%arg10 : memref<16384xf32, #tpu.memory_space<vmem>>) dst(%dma_wait3A_350 : memref<16384xf32, #tpu.memory_space<hbm>>)
    } else {
    }
    %shift_right_logical3A = arith.constant 6 : i32
    %shift_right_logical3A_26 = arith.shrui %add3A_21, %shift_right_logical3A : i32
    %ne3A = arith.cmpi ne, %shift_right_logical3A_26, %scan3A : i32
    %convert_element_type3A_27 = arith.extui %ne3A : i1 to i32
    %cond3A_28 = arith.constant 0 : i32
    %cond3A_29 = arith.cmpi ne, %convert_element_type3A_27, %cond3A_28 : i32
    scf.if %cond3A_29 {
      "tpu.region"() ({
        %run_scoped3A = tpu.sem_alloc : memref<!tpu.dma_semaphore, #tpu.memory_space<semaphore_mem>>
        %dma_start3A_331 = arith.constant 0 : i32
        %dma_start3A_332 = tpu.memref_slice %arg3[%shift_right_logical3A_26, %dma_start3A_331] : memref<26x16384xi32, #tpu.memory_space<hbm>> -> memref<1x16384xi32, #tpu.memory_space<hbm>>
        %dma_start3A_333 = tpu.memref_squeeze %dma_start3A_332 : memref<1x16384xi32, #tpu.memory_space<hbm>> -> memref<16384xi32, #tpu.memory_space<hbm>>
        %dma_start3A_334 = arith.constant 0 : i32
        %dma_start3A_335 = tpu.memref_slice %arg3[%shift_right_logical3A_26, %dma_start3A_334] : memref<26x16384xi32, #tpu.memory_space<hbm>> -> memref<1x16384xi32, #tpu.memory_space<hbm>>
        %dma_start3A_336 = tpu.memref_squeeze %dma_start3A_335 : memref<1x16384xi32, #tpu.memory_space<hbm>> -> memref<16384xi32, #tpu.memory_space<hbm>>
        tpu.enqueue_dma source(%dma_start3A_336 : memref<16384xi32, #tpu.memory_space<hbm>>) target(%arg5 : memref<16384xi32, #tpu.memory_space<vmem>>) target_semaphore(%run_scoped3A : memref<!tpu.dma_semaphore, #tpu.memory_space<semaphore_mem>>)
        %dma_wait3A_337 = arith.constant 0 : i32
        %dma_wait3A_338 = tpu.memref_slice %arg3[%shift_right_logical3A_26, %dma_wait3A_337] : memref<26x16384xi32, #tpu.memory_space<hbm>> -> memref<1x16384xi32, #tpu.memory_space<hbm>>
        %dma_wait3A_339 = tpu.memref_squeeze %dma_wait3A_338 : memref<1x16384xi32, #tpu.memory_space<hbm>> -> memref<16384xi32, #tpu.memory_space<hbm>>
        %dma_wait3A_340 = arith.constant 0 : i32
        %dma_wait3A_341 = tpu.memref_slice %arg3[%shift_right_logical3A_26, %dma_wait3A_340] : memref<26x16384xi32, #tpu.memory_space<hbm>> -> memref<1x16384xi32, #tpu.memory_space<hbm>>
        %dma_wait3A_342 = tpu.memref_squeeze %dma_wait3A_341 : memref<1x16384xi32, #tpu.memory_space<hbm>> -> memref<16384xi32, #tpu.memory_space<hbm>>
        tpu.wait_dma2 semaphore(%run_scoped3A : memref<!tpu.dma_semaphore, #tpu.memory_space<semaphore_mem>>) src(%dma_wait3A_342 : memref<16384xi32, #tpu.memory_space<hbm>>) dst(%arg5 : memref<16384xi32, #tpu.memory_space<vmem>>)
        tpu.yield
      }) : () -> ()
    } else {
    }
    %dma_start3A_30 = arith.constant 0 : i32
    %dma_start3A_31 = tpu.memref_slice %arg8[%dma_start3A_30] : memref<32xf32, #tpu.memory_space<vmem>> -> memref<32xf32, #tpu.memory_space<vmem>>
    %dma_start3A_32 = arith.constant 0 : i32
    %dma_start3A_33 = tpu.memref_slice %arg2[%add3A_21, %dma_start3A_32] : memref<1664x100000xf32, #tpu.memory_space<hbm>> -> memref<1x100000xf32, #tpu.memory_space<hbm>>
    %dma_start3A_34 = tpu.memref_squeeze %dma_start3A_33 : memref<1x100000xf32, #tpu.memory_space<hbm>> -> memref<100000xf32, #tpu.memory_space<hbm>>
    %dma_start3A_35 = arith.constant 99968 : i32
    %dma_start3A_36 = tpu.memref_slice %dma_start3A_34[%dma_start3A_35] : memref<100000xf32, #tpu.memory_space<hbm>> -> memref<32xf32, #tpu.memory_space<hbm>>
    %dma_start3A_37 = arith.constant 0 : i32
    %dma_start3A_38 = tpu.memref_slice %arg8[%dma_start3A_37] : memref<32xf32, #tpu.memory_space<vmem>> -> memref<32xf32, #tpu.memory_space<vmem>>
    %dma_start3A_39 = arith.constant 0 : i32
    %dma_start3A_40 = tpu.memref_slice %arg2[%add3A_21, %dma_start3A_39] : memref<1664x100000xf32, #tpu.memory_space<hbm>> -> memref<1x100000xf32, #tpu.memory_space<hbm>>
    %dma_start3A_41 = tpu.memref_squeeze %dma_start3A_40 : memref<1x100000xf32, #tpu.memory_space<hbm>> -> memref<100000xf32, #tpu.memory_space<hbm>>
    %dma_start3A_42 = arith.constant 99968 : i32
    %dma_start3A_43 = tpu.memref_slice %dma_start3A_41[%dma_start3A_42] : memref<100000xf32, #tpu.memory_space<hbm>> -> memref<32xf32, #tpu.memory_space<hbm>>
    tpu.enqueue_dma source(%dma_start3A_43 : memref<32xf32, #tpu.memory_space<hbm>>) target(%dma_start3A_38 : memref<32xf32, #tpu.memory_space<vmem>>) target_semaphore(%arg13 : memref<!tpu.dma_semaphore, #tpu.memory_space<semaphore_mem>>)
    %dma_wait3A = arith.constant 0 : i32
    %dma_wait3A_44 = tpu.memref_slice %arg6[%dma_wait3A] : memref<33408xf32, #tpu.memory_space<vmem>> -> memref<33408xf32, #tpu.memory_space<vmem>>
    %dma_wait3A_45 = arith.constant 0 : i32
    %dma_wait3A_46 = tpu.memref_slice %arg2[%add3A_21, %dma_wait3A_45] : memref<1664x100000xf32, #tpu.memory_space<hbm>> -> memref<1x100000xf32, #tpu.memory_space<hbm>>
    %dma_wait3A_47 = tpu.memref_squeeze %dma_wait3A_46 : memref<1x100000xf32, #tpu.memory_space<hbm>> -> memref<100000xf32, #tpu.memory_space<hbm>>
    %dma_wait3A_48 = arith.constant 0 : i32
    %dma_wait3A_49 = tpu.memref_slice %dma_wait3A_47[%dma_wait3A_48] : memref<100000xf32, #tpu.memory_space<hbm>> -> memref<33408xf32, #tpu.memory_space<hbm>>
    %dma_wait3A_50 = arith.constant 0 : i32
    %dma_wait3A_51 = tpu.memref_slice %arg6[%dma_wait3A_50] : memref<33408xf32, #tpu.memory_space<vmem>> -> memref<33408xf32, #tpu.memory_space<vmem>>
    %dma_wait3A_52 = arith.constant 0 : i32
    %dma_wait3A_53 = tpu.memref_slice %arg2[%add3A_21, %dma_wait3A_52] : memref<1664x100000xf32, #tpu.memory_space<hbm>> -> memref<1x100000xf32, #tpu.memory_space<hbm>>
    %dma_wait3A_54 = tpu.memref_squeeze %dma_wait3A_53 : memref<1x100000xf32, #tpu.memory_space<hbm>> -> memref<100000xf32, #tpu.memory_space<hbm>>
    %dma_wait3A_55 = arith.constant 0 : i32
    %dma_wait3A_56 = tpu.memref_slice %dma_wait3A_54[%dma_wait3A_55] : memref<100000xf32, #tpu.memory_space<hbm>> -> memref<33408xf32, #tpu.memory_space<hbm>>
    tpu.wait_dma2 semaphore(%arg11 : memref<!tpu.dma_semaphore, #tpu.memory_space<semaphore_mem>>) src(%dma_wait3A_56 : memref<33408xf32, #tpu.memory_space<hbm>>) dst(%dma_wait3A_51 : memref<33408xf32, #tpu.memory_space<vmem>>)
    %dma_start3A_57 = arith.constant 0 : i32
    %dma_start3A_58 = tpu.memref_slice %arg7[%dma_start3A_57] : memref<33408xf32, #tpu.memory_space<vmem>> -> memref<33408xf32, #tpu.memory_space<vmem>>
    %dma_start3A_59 = arith.constant 0 : i32
    %dma_start3A_60 = tpu.memref_slice %arg2[%add3A_21, %dma_start3A_59] : memref<1664x100000xf32, #tpu.memory_space<hbm>> -> memref<1x100000xf32, #tpu.memory_space<hbm>>
    %dma_start3A_61 = tpu.memref_squeeze %dma_start3A_60 : memref<1x100000xf32, #tpu.memory_space<hbm>> -> memref<100000xf32, #tpu.memory_space<hbm>>
    %dma_start3A_62 = arith.constant 33408 : i32
    %dma_start3A_63 = tpu.memref_slice %dma_start3A_61[%dma_start3A_62] : memref<100000xf32, #tpu.memory_space<hbm>> -> memref<33408xf32, #tpu.memory_space<hbm>>
    %dma_start3A_64 = arith.constant 0 : i32
    %dma_start3A_65 = tpu.memref_slice %arg7[%dma_start3A_64] : memref<33408xf32, #tpu.memory_space<vmem>> -> memref<33408xf32, #tpu.memory_space<vmem>>
    %dma_start3A_66 = arith.constant 0 : i32
    %dma_start3A_67 = tpu.memref_slice %arg2[%add3A_21, %dma_start3A_66] : memref<1664x100000xf32, #tpu.memory_space<hbm>> -> memref<1x100000xf32, #tpu.memory_space<hbm>>
    %dma_start3A_68 = tpu.memref_squeeze %dma_start3A_67 : memref<1x100000xf32, #tpu.memory_space<hbm>> -> memref<100000xf32, #tpu.memory_space<hbm>>
    %dma_start3A_69 = arith.constant 33408 : i32
    %dma_start3A_70 = tpu.memref_slice %dma_start3A_68[%dma_start3A_69] : memref<100000xf32, #tpu.memory_space<hbm>> -> memref<33408xf32, #tpu.memory_space<hbm>>
    tpu.enqueue_dma source(%dma_start3A_70 : memref<33408xf32, #tpu.memory_space<hbm>>) target(%dma_start3A_65 : memref<33408xf32, #tpu.memory_space<vmem>>) target_semaphore(%arg12 : memref<!tpu.dma_semaphore, #tpu.memory_space<semaphore_mem>>)
    %scan3A_71 = arith.constant 0 : i32
    %scan3A_72 = arith.constant 0 : i32
    %scan3A_73 = arith.constant 128 : i32
    %scan3A_74 = arith.addi %scan3A_72, %scan3A_73 : i32
    %scan3A_75 = arith.constant 1 : i32
    %scan3A_76 = scf.for %scan3A_331 = %scan3A_72 to %scan3A_74 step %scan3A_75 iter_args(%scan3A_332 = %scan3A_71) -> (i32)  : i32 {
      %mul3A_333 = arith.constant 128 : i32
      %mul3A_334 = arith.muli %scan3A_331, %mul3A_333 : i32
      %add3A_335 = arith.constant 0 : i32
      %add3A_336 = arith.addi %mul3A_334, %add3A_335 : i32
      %get3A = arith.index_cast %add3A_336 : i32 to index
      %get3A_337 = tpu.vector_load %arg5[%get3A] {strides = array<i32>} : memref<16384xi32, #tpu.memory_space<vmem>>, vector<16xi32>,
      %lt3A_338 = arith.constant 33408 : i32
      %lt3A_339 = vector.broadcast %lt3A_338 : i32 to vector<16xi32>
      %lt3A_340 = arith.cmpi slt, %get3A_337, %lt3A_339 : vector<16xi32>
      %gather3A = tpu.vector_load_idx %arg6[%get3A_337] masked %lt3A_340 : memref<33408xf32, #tpu.memory_space<vmem>>[vector<16xi32>], vector<16xf32>, vector<16xi1>
      %swap3A = arith.index_cast %add3A_336 : i32 to index
      %swap3A_341 = tpu.vector_load %arg9[%swap3A] {strides = array<i32>} : memref<16384xf32, #tpu.memory_space<vmem>>, vector<16xf32>,
      tpu.vector_store %arg9[%swap3A], %gather3A {strides = array<i32>} : memref<16384xf32, #tpu.memory_space<vmem>>, vector<16xf32>,
      %mul3A_342 = arith.constant 128 : i32
      %mul3A_343 = arith.muli %scan3A_331, %mul3A_342 : i32
      %add3A_344 = arith.constant 16 : i32
      %add3A_345 = arith.addi %mul3A_343, %add3A_344 : i32
      %get3A_346 = arith.index_cast %add3A_345 : i32 to index
      %get3A_347 = tpu.vector_load %arg5[%get3A_346] {strides = array<i32>} : memref<16384xi32, #tpu.memory_space<vmem>>, vector<16xi32>,
      %lt3A_348 = arith.constant 33408 : i32
      %lt3A_349 = vector.broadcast %lt3A_348 : i32 to vector<16xi32>
      %lt3A_350 = arith.cmpi slt, %get3A_347, %lt3A_349 : vector<16xi32>
      %gather3A_351 = tpu.vector_load_idx %arg6[%get3A_347] masked %lt3A_350 : memref<33408xf32, #tpu.memory_space<vmem>>[vector<16xi32>], vector<16xf32>, vector<16xi1>
      %swap3A_352 = arith.index_cast %add3A_345 : i32 to index
      %swap3A_353 = tpu.vector_load %arg9[%swap3A_352] {strides = array<i32>} : memref<16384xf32, #tpu.memory_space<vmem>>, vector<16xf32>,
      tpu.vector_store %arg9[%swap3A_352], %gather3A_351 {strides = array<i32>} : memref<16384xf32, #tpu.memory_space<vmem>>, vector<16xf32>,
      %mul3A_354 = arith.constant 128 : i32
      %mul3A_355 = arith.muli %scan3A_331, %mul3A_354 : i32
      %add3A_356 = arith.constant 32 : i32
      %add3A_357 = arith.addi %mul3A_355, %add3A_356 : i32
      %get3A_358 = arith.index_cast %add3A_357 : i32 to index
      %get3A_359 = tpu.vector_load %arg5[%get3A_358] {strides = array<i32>} : memref<16384xi32, #tpu.memory_space<vmem>>, vector<16xi32>,
      %lt3A_360 = arith.constant 33408 : i32
      %lt3A_361 = vector.broadcast %lt3A_360 : i32 to vector<16xi32>
      %lt3A_362 = arith.cmpi slt, %get3A_359, %lt3A_361 : vector<16xi32>
      %gather3A_363 = tpu.vector_load_idx %arg6[%get3A_359] masked %lt3A_362 : memref<33408xf32, #tpu.memory_space<vmem>>[vector<16xi32>], vector<16xf32>, vector<16xi1>
      %swap3A_364 = arith.index_cast %add3A_357 : i32 to index
      %swap3A_365 = tpu.vector_load %arg9[%swap3A_364] {strides = array<i32>} : memref<16384xf32, #tpu.memory_space<vmem>>, vector<16xf32>,
      tpu.vector_store %arg9[%swap3A_364], %gather3A_363 {strides = array<i32>} : memref<16384xf32, #tpu.memory_space<vmem>>, vector<16xf32>,
      %mul3A_366 = arith.constant 128 : i32
      %mul3A_367 = arith.muli %scan3A_331, %mul3A_366 : i32
      %add3A_368 = arith.constant 48 : i32
      %add3A_369 = arith.addi %mul3A_367, %add3A_368 : i32
      %get3A_370 = arith.index_cast %add3A_369 : i32 to index
      %get3A_371 = tpu.vector_load %arg5[%get3A_370] {strides = array<i32>} : memref<16384xi32, #tpu.memory_space<vmem>>, vector<16xi32>,
      %lt3A_372 = arith.constant 33408 : i32
      %lt3A_373 = vector.broadcast %lt3A_372 : i32 to vector<16xi32>
      %lt3A_374 = arith.cmpi slt, %get3A_371, %lt3A_373 : vector<16xi32>
      %gather3A_375 = tpu.vector_load_idx %arg6[%get3A_371] masked %lt3A_374 : memref<33408xf32, #tpu.memory_space<vmem>>[vector<16xi32>], vector<16xf32>, vector<16xi1>
      %swap3A_376 = arith.index_cast %add3A_369 : i32 to index
      %swap3A_377 = tpu.vector_load %arg9[%swap3A_376] {strides = array<i32>} : memref<16384xf32, #tpu.memory_space<vmem>>, vector<16xf32>,
      tpu.vector_store %arg9[%swap3A_376], %gather3A_375 {strides = array<i32>} : memref<16384xf32, #tpu.memory_space<vmem>>, vector<16xf32>,
      %mul3A_378 = arith.constant 128 : i32
      %mul3A_379 = arith.muli %scan3A_331, %mul3A_378 : i32
      %add3A_380 = arith.constant 64 : i32
      %add3A_381 = arith.addi %mul3A_379, %add3A_380 : i32
      %get3A_382 = arith.index_cast %add3A_381 : i32 to index
      %get3A_383 = tpu.vector_load %arg5[%get3A_382] {strides = array<i32>} : memref<16384xi32, #tpu.memory_space<vmem>>, vector<16xi32>,
      %lt3A_384 = arith.constant 33408 : i32
      %lt3A_385 = vector.broadcast %lt3A_384 : i32 to vector<16xi32>
      %lt3A_386 = arith.cmpi slt, %get3A_383, %lt3A_385 : vector<16xi32>
      %gather3A_387 = tpu.vector_load_idx %arg6[%get3A_383] masked %lt3A_386 : memref<33408xf32, #tpu.memory_space<vmem>>[vector<16xi32>], vector<16xf32>, vector<16xi1>
      %swap3A_388 = arith.index_cast %add3A_381 : i32 to index
      %swap3A_389 = tpu.vector_load %arg9[%swap3A_388] {strides = array<i32>} : memref<16384xf32, #tpu.memory_space<vmem>>, vector<16xf32>,
      tpu.vector_store %arg9[%swap3A_388], %gather3A_387 {strides = array<i32>} : memref<16384xf32, #tpu.memory_space<vmem>>, vector<16xf32>,
      %mul3A_390 = arith.constant 128 : i32
      %mul3A_391 = arith.muli %scan3A_331, %mul3A_390 : i32
      %add3A_392 = arith.constant 80 : i32
      %add3A_393 = arith.addi %mul3A_391, %add3A_392 : i32
      %get3A_394 = arith.index_cast %add3A_393 : i32 to index
      %get3A_395 = tpu.vector_load %arg5[%get3A_394] {strides = array<i32>} : memref<16384xi32, #tpu.memory_space<vmem>>, vector<16xi32>,
      %lt3A_396 = arith.constant 33408 : i32
      %lt3A_397 = vector.broadcast %lt3A_396 : i32 to vector<16xi32>
      %lt3A_398 = arith.cmpi slt, %get3A_395, %lt3A_397 : vector<16xi32>
      %gather3A_399 = tpu.vector_load_idx %arg6[%get3A_395] masked %lt3A_398 : memref<33408xf32, #tpu.memory_space<vmem>>[vector<16xi32>], vector<16xf32>, vector<16xi1>
      %swap3A_400 = arith.index_cast %add3A_393 : i32 to index
      %swap3A_401 = tpu.vector_load %arg9[%swap3A_400] {strides = array<i32>} : memref<16384xf32, #tpu.memory_space<vmem>>, vector<16xf32>,
      tpu.vector_store %arg9[%swap3A_400], %gather3A_399 {strides = array<i32>} : memref<16384xf32, #tpu.memory_space<vmem>>, vector<16xf32>,
      %mul3A_402 = arith.constant 128 : i32
      %mul3A_403 = arith.muli %scan3A_331, %mul3A_402 : i32
      %add3A_404 = arith.constant 96 : i32
      %add3A_405 = arith.addi %mul3A_403, %add3A_404 : i32
      %get3A_406 = arith.index_cast %add3A_405 : i32 to index
      %get3A_407 = tpu.vector_load %arg5[%get3A_406] {strides = array<i32>} : memref<16384xi32, #tpu.memory_space<vmem>>, vector<16xi32>,
      %lt3A_408 = arith.constant 33408 : i32
      %lt3A_409 = vector.broadcast %lt3A_408 : i32 to vector<16xi32>
      %lt3A_410 = arith.cmpi slt, %get3A_407, %lt3A_409 : vector<16xi32>
      %gather3A_411 = tpu.vector_load_idx %arg6[%get3A_407] masked %lt3A_410 : memref<33408xf32, #tpu.memory_space<vmem>>[vector<16xi32>], vector<16xf32>, vector<16xi1>
      %swap3A_412 = arith.index_cast %add3A_405 : i32 to index
      %swap3A_413 = tpu.vector_load %arg9[%swap3A_412] {strides = array<i32>} : memref<16384xf32, #tpu.memory_space<vmem>>, vector<16xf32>,
      tpu.vector_store %arg9[%swap3A_412], %gather3A_411 {strides = array<i32>} : memref<16384xf32, #tpu.memory_space<vmem>>, vector<16xf32>,
      %mul3A_414 = arith.constant 128 : i32
      %mul3A_415 = arith.muli %scan3A_331, %mul3A_414 : i32
      %add3A_416 = arith.constant 112 : i32
      %add3A_417 = arith.addi %mul3A_415, %add3A_416 : i32
      %get3A_418 = arith.index_cast %add3A_417 : i32 to index
      %get3A_419 = tpu.vector_load %arg5[%get3A_418] {strides = array<i32>} : memref<16384xi32, #tpu.memory_space<vmem>>, vector<16xi32>,
      %lt3A_420 = arith.constant 33408 : i32
      %lt3A_421 = vector.broadcast %lt3A_420 : i32 to vector<16xi32>
      %lt3A_422 = arith.cmpi slt, %get3A_419, %lt3A_421 : vector<16xi32>
      %gather3A_423 = tpu.vector_load_idx %arg6[%get3A_419] masked %lt3A_422 : memref<33408xf32, #tpu.memory_space<vmem>>[vector<16xi32>], vector<16xf32>, vector<16xi1>
      %swap3A_424 = arith.index_cast %add3A_417 : i32 to index
      %swap3A_425 = tpu.vector_load %arg9[%swap3A_424] {strides = array<i32>} : memref<16384xf32, #tpu.memory_space<vmem>>, vector<16xf32>,
      tpu.vector_store %arg9[%swap3A_424], %gather3A_423 {strides = array<i32>} : memref<16384xf32, #tpu.memory_space<vmem>>, vector<16xf32>,
      %scan3A_426 = arith.constant 0 : i32
      scf.yield %scan3A_426 : i32
    }
    %scan3A_77 = arith.constant 128 : i32
    %dma_wait3A_78 = arith.constant 0 : i32
    %dma_wait3A_79 = tpu.memref_slice %arg7[%dma_wait3A_78] : memref<33408xf32, #tpu.memory_space<vmem>> -> memref<33408xf32, #tpu.memory_space<vmem>>
    %dma_wait3A_80 = arith.constant 0 : i32
    %dma_wait3A_81 = tpu.memref_slice %arg2[%add3A_21, %dma_wait3A_80] : memref<1664x100000xf32, #tpu.memory_space<hbm>> -> memref<1x100000xf32, #tpu.memory_space<hbm>>
    %dma_wait3A_82 = tpu.memref_squeeze %dma_wait3A_81 : memref<1x100000xf32, #tpu.memory_space<hbm>> -> memref<100000xf32, #tpu.memory_space<hbm>>
    %dma_wait3A_83 = arith.constant 33408 : i32
    %dma_wait3A_84 = tpu.memref_slice %dma_wait3A_82[%dma_wait3A_83] : memref<100000xf32, #tpu.memory_space<hbm>> -> memref<33408xf32, #tpu.memory_space<hbm>>
    %dma_wait3A_85 = arith.constant 0 : i32
    %dma_wait3A_86 = tpu.memref_slice %arg7[%dma_wait3A_85] : memref<33408xf32, #tpu.memory_space<vmem>> -> memref<33408xf32, #tpu.memory_space<vmem>>
    %dma_wait3A_87 = arith.constant 0 : i32
    %dma_wait3A_88 = tpu.memref_slice %arg2[%add3A_21, %dma_wait3A_87] : memref<1664x100000xf32, #tpu.memory_space<hbm>> -> memref<1x100000xf32, #tpu.memory_space<hbm>>
    %dma_wait3A_89 = tpu.memref_squeeze %dma_wait3A_88 : memref<1x100000xf32, #tpu.memory_space<hbm>> -> memref<100000xf32, #tpu.memory_space<hbm>>
    %dma_wait3A_90 = arith.constant 33408 : i32
    %dma_wait3A_91 = tpu.memref_slice %dma_wait3A_89[%dma_wait3A_90] : memref<100000xf32, #tpu.memory_space<hbm>> -> memref<33408xf32, #tpu.memory_space<hbm>>
    tpu.wait_dma2 semaphore(%arg12 : memref<!tpu.dma_semaphore, #tpu.memory_space<semaphore_mem>>) src(%dma_wait3A_91 : memref<33408xf32, #tpu.memory_space<hbm>>) dst(%dma_wait3A_86 : memref<33408xf32, #tpu.memory_space<vmem>>)
    %dma_start3A_92 = arith.constant 0 : i32
    %dma_start3A_93 = tpu.memref_slice %arg6[%dma_start3A_92] : memref<33408xf32, #tpu.memory_space<vmem>> -> memref<33152xf32, #tpu.memory_space<vmem>>
    %dma_start3A_94 = arith.constant 0 : i32
    %dma_start3A_95 = tpu.memref_slice %arg2[%add3A_21, %dma_start3A_94] : memref<1664x100000xf32, #tpu.memory_space<hbm>> -> memref<1x100000xf32, #tpu.memory_space<hbm>>
    %dma_start3A_96 = tpu.memref_squeeze %dma_start3A_95 : memref<1x100000xf32, #tpu.memory_space<hbm>> -> memref<100000xf32, #tpu.memory_space<hbm>>
    %dma_start3A_97 = arith.constant 66816 : i32
    %dma_start3A_98 = tpu.memref_slice %dma_start3A_96[%dma_start3A_97] : memref<100000xf32, #tpu.memory_space<hbm>> -> memref<33152xf32, #tpu.memory_space<hbm>>
    %dma_start3A_99 = arith.constant 0 : i32
    %dma_start3A_100 = tpu.memref_slice %arg6[%dma_start3A_99] : memref<33408xf32, #tpu.memory_space<vmem>> -> memref<33152xf32, #tpu.memory_space<vmem>>
    %dma_start3A_101 = arith.constant 0 : i32
    %dma_start3A_102 = tpu.memref_slice %arg2[%add3A_21, %dma_start3A_101] : memref<1664x100000xf32, #tpu.memory_space<hbm>> -> memref<1x100000xf32, #tpu.memory_space<hbm>>
    %dma_start3A_103 = tpu.memref_squeeze %dma_start3A_102 : memref<1x100000xf32, #tpu.memory_space<hbm>> -> memref<100000xf32, #tpu.memory_space<hbm>>
    %dma_start3A_104 = arith.constant 66816 : i32
    %dma_start3A_105 = tpu.memref_slice %dma_start3A_103[%dma_start3A_104] : memref<100000xf32, #tpu.memory_space<hbm>> -> memref<33152xf32, #tpu.memory_space<hbm>>
    tpu.enqueue_dma source(%dma_start3A_105 : memref<33152xf32, #tpu.memory_space<hbm>>) target(%dma_start3A_100 : memref<33152xf32, #tpu.memory_space<vmem>>) target_semaphore(%arg11 : memref<!tpu.dma_semaphore, #tpu.memory_space<semaphore_mem>>)
    %scan3A_106 = arith.constant 0 : i32
    %scan3A_107 = arith.constant 0 : i32
    %scan3A_108 = arith.constant 128 : i32
    %scan3A_109 = arith.addi %scan3A_107, %scan3A_108 : i32
    %scan3A_110 = arith.constant 1 : i32
    %scan3A_111 = scf.for %scan3A_331 = %scan3A_107 to %scan3A_109 step %scan3A_110 iter_args(%scan3A_332 = %scan3A_106) -> (i32)  : i32 {
      %mul3A_333 = arith.constant 128 : i32
      %mul3A_334 = arith.muli %scan3A_331, %mul3A_333 : i32
      %add3A_335 = arith.constant 0 : i32
      %add3A_336 = arith.addi %mul3A_334, %add3A_335 : i32
      %get3A = arith.index_cast %add3A_336 : i32 to index
      %get3A_337 = tpu.vector_load %arg5[%get3A] {strides = array<i32>} : memref<16384xi32, #tpu.memory_space<vmem>>, vector<16xi32>,
      %sub3A_338 = arith.constant 33408 : i32
      %sub3A_339 = vector.broadcast %sub3A_338 : i32 to vector<16xi32>
      %sub3A_340 = arith.subi %get3A_337, %sub3A_339 : vector<16xi32>
      %ge3A_341 = arith.constant 0 : i32
      %ge3A_342 = vector.broadcast %ge3A_341 : i32 to vector<16xi32>
      %ge3A_343 = arith.cmpi sge, %sub3A_340, %ge3A_342 : vector<16xi32>
      %lt3A_344 = arith.constant 33408 : i32
      %lt3A_345 = vector.broadcast %lt3A_344 : i32 to vector<16xi32>
      %lt3A_346 = arith.cmpi slt, %sub3A_340, %lt3A_345 : vector<16xi32>
      %and3A = arith.andi %ge3A_343, %lt3A_346 : vector<16xi1>
      %gather3A = tpu.vector_load_idx %arg7[%sub3A_340] masked %and3A : memref<33408xf32, #tpu.memory_space<vmem>>[vector<16xi32>], vector<16xf32>, vector<16xi1>
      %get3A_347 = arith.index_cast %add3A_336 : i32 to index
      %get3A_348 = tpu.vector_load %arg9[%get3A_347] {strides = array<i32>} : memref<16384xf32, #tpu.memory_space<vmem>>, vector<16xf32>,
      %select_n3A = arith.select %and3A, %gather3A, %get3A_348 : vector<16xi1>, vector<16xf32>
      %swap3A = arith.index_cast %add3A_336 : i32 to index
      %swap3A_349 = tpu.vector_load %arg9[%swap3A] {strides = array<i32>} : memref<16384xf32, #tpu.memory_space<vmem>>, vector<16xf32>,
      tpu.vector_store %arg9[%swap3A], %select_n3A {strides = array<i32>} : memref<16384xf32, #tpu.memory_space<vmem>>, vector<16xf32>,
      %mul3A_350 = arith.constant 128 : i32
      %mul3A_351 = arith.muli %scan3A_331, %mul3A_350 : i32
      %add3A_352 = arith.constant 16 : i32
      %add3A_353 = arith.addi %mul3A_351, %add3A_352 : i32
      %get3A_354 = arith.index_cast %add3A_353 : i32 to index
      %get3A_355 = tpu.vector_load %arg5[%get3A_354] {strides = array<i32>} : memref<16384xi32, #tpu.memory_space<vmem>>, vector<16xi32>,
      %sub3A_356 = arith.constant 33408 : i32
      %sub3A_357 = vector.broadcast %sub3A_356 : i32 to vector<16xi32>
      %sub3A_358 = arith.subi %get3A_355, %sub3A_357 : vector<16xi32>
      %ge3A_359 = arith.constant 0 : i32
      %ge3A_360 = vector.broadcast %ge3A_359 : i32 to vector<16xi32>
      %ge3A_361 = arith.cmpi sge, %sub3A_358, %ge3A_360 : vector<16xi32>
      %lt3A_362 = arith.constant 33408 : i32
      %lt3A_363 = vector.broadcast %lt3A_362 : i32 to vector<16xi32>
      %lt3A_364 = arith.cmpi slt, %sub3A_358, %lt3A_363 : vector<16xi32>
      %and3A_365 = arith.andi %ge3A_361, %lt3A_364 : vector<16xi1>
      %gather3A_366 = tpu.vector_load_idx %arg7[%sub3A_358] masked %and3A_365 : memref<33408xf32, #tpu.memory_space<vmem>>[vector<16xi32>], vector<16xf32>, vector<16xi1>
      %get3A_367 = arith.index_cast %add3A_353 : i32 to index
      %get3A_368 = tpu.vector_load %arg9[%get3A_367] {strides = array<i32>} : memref<16384xf32, #tpu.memory_space<vmem>>, vector<16xf32>,
      %select_n3A_369 = arith.select %and3A_365, %gather3A_366, %get3A_368 : vector<16xi1>, vector<16xf32>
      %swap3A_370 = arith.index_cast %add3A_353 : i32 to index
      %swap3A_371 = tpu.vector_load %arg9[%swap3A_370] {strides = array<i32>} : memref<16384xf32, #tpu.memory_space<vmem>>, vector<16xf32>,
      tpu.vector_store %arg9[%swap3A_370], %select_n3A_369 {strides = array<i32>} : memref<16384xf32, #tpu.memory_space<vmem>>, vector<16xf32>,
      %mul3A_372 = arith.constant 128 : i32
      %mul3A_373 = arith.muli %scan3A_331, %mul3A_372 : i32
      %add3A_374 = arith.constant 32 : i32
      %add3A_375 = arith.addi %mul3A_373, %add3A_374 : i32
      %get3A_376 = arith.index_cast %add3A_375 : i32 to index
      %get3A_377 = tpu.vector_load %arg5[%get3A_376] {strides = array<i32>} : memref<16384xi32, #tpu.memory_space<vmem>>, vector<16xi32>,
      %sub3A_378 = arith.constant 33408 : i32
      %sub3A_379 = vector.broadcast %sub3A_378 : i32 to vector<16xi32>
      %sub3A_380 = arith.subi %get3A_377, %sub3A_379 : vector<16xi32>
      %ge3A_381 = arith.constant 0 : i32
      %ge3A_382 = vector.broadcast %ge3A_381 : i32 to vector<16xi32>
      %ge3A_383 = arith.cmpi sge, %sub3A_380, %ge3A_382 : vector<16xi32>
      %lt3A_384 = arith.constant 33408 : i32
      %lt3A_385 = vector.broadcast %lt3A_384 : i32 to vector<16xi32>
      %lt3A_386 = arith.cmpi slt, %sub3A_380, %lt3A_385 : vector<16xi32>
      %and3A_387 = arith.andi %ge3A_383, %lt3A_386 : vector<16xi1>
      %gather3A_388 = tpu.vector_load_idx %arg7[%sub3A_380] masked %and3A_387 : memref<33408xf32, #tpu.memory_space<vmem>>[vector<16xi32>], vector<16xf32>, vector<16xi1>
      %get3A_389 = arith.index_cast %add3A_375 : i32 to index
      %get3A_390 = tpu.vector_load %arg9[%get3A_389] {strides = array<i32>} : memref<16384xf32, #tpu.memory_space<vmem>>, vector<16xf32>,
      %select_n3A_391 = arith.select %and3A_387, %gather3A_388, %get3A_390 : vector<16xi1>, vector<16xf32>
      %swap3A_392 = arith.index_cast %add3A_375 : i32 to index
      %swap3A_393 = tpu.vector_load %arg9[%swap3A_392] {strides = array<i32>} : memref<16384xf32, #tpu.memory_space<vmem>>, vector<16xf32>,
      tpu.vector_store %arg9[%swap3A_392], %select_n3A_391 {strides = array<i32>} : memref<16384xf32, #tpu.memory_space<vmem>>, vector<16xf32>,
      %mul3A_394 = arith.constant 128 : i32
      %mul3A_395 = arith.muli %scan3A_331, %mul3A_394 : i32
      %add3A_396 = arith.constant 48 : i32
      %add3A_397 = arith.addi %mul3A_395, %add3A_396 : i32
      %get3A_398 = arith.index_cast %add3A_397 : i32 to index
      %get3A_399 = tpu.vector_load %arg5[%get3A_398] {strides = array<i32>} : memref<16384xi32, #tpu.memory_space<vmem>>, vector<16xi32>,
      %sub3A_400 = arith.constant 33408 : i32
      %sub3A_401 = vector.broadcast %sub3A_400 : i32 to vector<16xi32>
      %sub3A_402 = arith.subi %get3A_399, %sub3A_401 : vector<16xi32>
      %ge3A_403 = arith.constant 0 : i32
      %ge3A_404 = vector.broadcast %ge3A_403 : i32 to vector<16xi32>
      %ge3A_405 = arith.cmpi sge, %sub3A_402, %ge3A_404 : vector<16xi32>
      %lt3A_406 = arith.constant 33408 : i32
      %lt3A_407 = vector.broadcast %lt3A_406 : i32 to vector<16xi32>
      %lt3A_408 = arith.cmpi slt, %sub3A_402, %lt3A_407 : vector<16xi32>
      %and3A_409 = arith.andi %ge3A_405, %lt3A_408 : vector<16xi1>
      %gather3A_410 = tpu.vector_load_idx %arg7[%sub3A_402] masked %and3A_409 : memref<33408xf32, #tpu.memory_space<vmem>>[vector<16xi32>], vector<16xf32>, vector<16xi1>
      %get3A_411 = arith.index_cast %add3A_397 : i32 to index
      %get3A_412 = tpu.vector_load %arg9[%get3A_411] {strides = array<i32>} : memref<16384xf32, #tpu.memory_space<vmem>>, vector<16xf32>,
      %select_n3A_413 = arith.select %and3A_409, %gather3A_410, %get3A_412 : vector<16xi1>, vector<16xf32>
      %swap3A_414 = arith.index_cast %add3A_397 : i32 to index
      %swap3A_415 = tpu.vector_load %arg9[%swap3A_414] {strides = array<i32>} : memref<16384xf32, #tpu.memory_space<vmem>>, vector<16xf32>,
      tpu.vector_store %arg9[%swap3A_414], %select_n3A_413 {strides = array<i32>} : memref<16384xf32, #tpu.memory_space<vmem>>, vector<16xf32>,
      %mul3A_416 = arith.constant 128 : i32
      %mul3A_417 = arith.muli %scan3A_331, %mul3A_416 : i32
      %add3A_418 = arith.constant 64 : i32
      %add3A_419 = arith.addi %mul3A_417, %add3A_418 : i32
      %get3A_420 = arith.index_cast %add3A_419 : i32 to index
      %get3A_421 = tpu.vector_load %arg5[%get3A_420] {strides = array<i32>} : memref<16384xi32, #tpu.memory_space<vmem>>, vector<16xi32>,
      %sub3A_422 = arith.constant 33408 : i32
      %sub3A_423 = vector.broadcast %sub3A_422 : i32 to vector<16xi32>
      %sub3A_424 = arith.subi %get3A_421, %sub3A_423 : vector<16xi32>
      %ge3A_425 = arith.constant 0 : i32
      %ge3A_426 = vector.broadcast %ge3A_425 : i32 to vector<16xi32>
      %ge3A_427 = arith.cmpi sge, %sub3A_424, %ge3A_426 : vector<16xi32>
      %lt3A_428 = arith.constant 33408 : i32
      %lt3A_429 = vector.broadcast %lt3A_428 : i32 to vector<16xi32>
      %lt3A_430 = arith.cmpi slt, %sub3A_424, %lt3A_429 : vector<16xi32>
      %and3A_431 = arith.andi %ge3A_427, %lt3A_430 : vector<16xi1>
      %gather3A_432 = tpu.vector_load_idx %arg7[%sub3A_424] masked %and3A_431 : memref<33408xf32, #tpu.memory_space<vmem>>[vector<16xi32>], vector<16xf32>, vector<16xi1>
      %get3A_433 = arith.index_cast %add3A_419 : i32 to index
      %get3A_434 = tpu.vector_load %arg9[%get3A_433] {strides = array<i32>} : memref<16384xf32, #tpu.memory_space<vmem>>, vector<16xf32>,
      %select_n3A_435 = arith.select %and3A_431, %gather3A_432, %get3A_434 : vector<16xi1>, vector<16xf32>
      %swap3A_436 = arith.index_cast %add3A_419 : i32 to index
      %swap3A_437 = tpu.vector_load %arg9[%swap3A_436] {strides = array<i32>} : memref<16384xf32, #tpu.memory_space<vmem>>, vector<16xf32>,
      tpu.vector_store %arg9[%swap3A_436], %select_n3A_435 {strides = array<i32>} : memref<16384xf32, #tpu.memory_space<vmem>>, vector<16xf32>,
      %mul3A_438 = arith.constant 128 : i32
      %mul3A_439 = arith.muli %scan3A_331, %mul3A_438 : i32
      %add3A_440 = arith.constant 80 : i32
      %add3A_441 = arith.addi %mul3A_439, %add3A_440 : i32
      %get3A_442 = arith.index_cast %add3A_441 : i32 to index
      %get3A_443 = tpu.vector_load %arg5[%get3A_442] {strides = array<i32>} : memref<16384xi32, #tpu.memory_space<vmem>>, vector<16xi32>,
      %sub3A_444 = arith.constant 33408 : i32
      %sub3A_445 = vector.broadcast %sub3A_444 : i32 to vector<16xi32>
      %sub3A_446 = arith.subi %get3A_443, %sub3A_445 : vector<16xi32>
      %ge3A_447 = arith.constant 0 : i32
      %ge3A_448 = vector.broadcast %ge3A_447 : i32 to vector<16xi32>
      %ge3A_449 = arith.cmpi sge, %sub3A_446, %ge3A_448 : vector<16xi32>
      %lt3A_450 = arith.constant 33408 : i32
      %lt3A_451 = vector.broadcast %lt3A_450 : i32 to vector<16xi32>
      %lt3A_452 = arith.cmpi slt, %sub3A_446, %lt3A_451 : vector<16xi32>
      %and3A_453 = arith.andi %ge3A_449, %lt3A_452 : vector<16xi1>
      %gather3A_454 = tpu.vector_load_idx %arg7[%sub3A_446] masked %and3A_453 : memref<33408xf32, #tpu.memory_space<vmem>>[vector<16xi32>], vector<16xf32>, vector<16xi1>
      %get3A_455 = arith.index_cast %add3A_441 : i32 to index
      %get3A_456 = tpu.vector_load %arg9[%get3A_455] {strides = array<i32>} : memref<16384xf32, #tpu.memory_space<vmem>>, vector<16xf32>,
      %select_n3A_457 = arith.select %and3A_453, %gather3A_454, %get3A_456 : vector<16xi1>, vector<16xf32>
      %swap3A_458 = arith.index_cast %add3A_441 : i32 to index
      %swap3A_459 = tpu.vector_load %arg9[%swap3A_458] {strides = array<i32>} : memref<16384xf32, #tpu.memory_space<vmem>>, vector<16xf32>,
      tpu.vector_store %arg9[%swap3A_458], %select_n3A_457 {strides = array<i32>} : memref<16384xf32, #tpu.memory_space<vmem>>, vector<16xf32>,
      %mul3A_460 = arith.constant 128 : i32
      %mul3A_461 = arith.muli %scan3A_331, %mul3A_460 : i32
      %add3A_462 = arith.constant 96 : i32
      %add3A_463 = arith.addi %mul3A_461, %add3A_462 : i32
      %get3A_464 = arith.index_cast %add3A_463 : i32 to index
      %get3A_465 = tpu.vector_load %arg5[%get3A_464] {strides = array<i32>} : memref<16384xi32, #tpu.memory_space<vmem>>, vector<16xi32>,
      %sub3A_466 = arith.constant 33408 : i32
      %sub3A_467 = vector.broadcast %sub3A_466 : i32 to vector<16xi32>
      %sub3A_468 = arith.subi %get3A_465, %sub3A_467 : vector<16xi32>
      %ge3A_469 = arith.constant 0 : i32
      %ge3A_470 = vector.broadcast %ge3A_469 : i32 to vector<16xi32>
      %ge3A_471 = arith.cmpi sge, %sub3A_468, %ge3A_470 : vector<16xi32>
      %lt3A_472 = arith.constant 33408 : i32
      %lt3A_473 = vector.broadcast %lt3A_472 : i32 to vector<16xi32>
      %lt3A_474 = arith.cmpi slt, %sub3A_468, %lt3A_473 : vector<16xi32>
      %and3A_475 = arith.andi %ge3A_471, %lt3A_474 : vector<16xi1>
      %gather3A_476 = tpu.vector_load_idx %arg7[%sub3A_468] masked %and3A_475 : memref<33408xf32, #tpu.memory_space<vmem>>[vector<16xi32>], vector<16xf32>, vector<16xi1>
      %get3A_477 = arith.index_cast %add3A_463 : i32 to index
      %get3A_478 = tpu.vector_load %arg9[%get3A_477] {strides = array<i32>} : memref<16384xf32, #tpu.memory_space<vmem>>, vector<16xf32>,
      %select_n3A_479 = arith.select %and3A_475, %gather3A_476, %get3A_478 : vector<16xi1>, vector<16xf32>
      %swap3A_480 = arith.index_cast %add3A_463 : i32 to index
      %swap3A_481 = tpu.vector_load %arg9[%swap3A_480] {strides = array<i32>} : memref<16384xf32, #tpu.memory_space<vmem>>, vector<16xf32>,
      tpu.vector_store %arg9[%swap3A_480], %select_n3A_479 {strides = array<i32>} : memref<16384xf32, #tpu.memory_space<vmem>>, vector<16xf32>,
      %mul3A_482 = arith.constant 128 : i32
      %mul3A_483 = arith.muli %scan3A_331, %mul3A_482 : i32
      %add3A_484 = arith.constant 112 : i32
      %add3A_485 = arith.addi %mul3A_483, %add3A_484 : i32
      %get3A_486 = arith.index_cast %add3A_485 : i32 to index
      %get3A_487 = tpu.vector_load %arg5[%get3A_486] {strides = array<i32>} : memref<16384xi32, #tpu.memory_space<vmem>>, vector<16xi32>,
      %sub3A_488 = arith.constant 33408 : i32
      %sub3A_489 = vector.broadcast %sub3A_488 : i32 to vector<16xi32>
      %sub3A_490 = arith.subi %get3A_487, %sub3A_489 : vector<16xi32>
      %ge3A_491 = arith.constant 0 : i32
      %ge3A_492 = vector.broadcast %ge3A_491 : i32 to vector<16xi32>
      %ge3A_493 = arith.cmpi sge, %sub3A_490, %ge3A_492 : vector<16xi32>
      %lt3A_494 = arith.constant 33408 : i32
      %lt3A_495 = vector.broadcast %lt3A_494 : i32 to vector<16xi32>
      %lt3A_496 = arith.cmpi slt, %sub3A_490, %lt3A_495 : vector<16xi32>
      %and3A_497 = arith.andi %ge3A_493, %lt3A_496 : vector<16xi1>
      %gather3A_498 = tpu.vector_load_idx %arg7[%sub3A_490] masked %and3A_497 : memref<33408xf32, #tpu.memory_space<vmem>>[vector<16xi32>], vector<16xf32>, vector<16xi1>
      %get3A_499 = arith.index_cast %add3A_485 : i32 to index
      %get3A_500 = tpu.vector_load %arg9[%get3A_499] {strides = array<i32>} : memref<16384xf32, #tpu.memory_space<vmem>>, vector<16xf32>,
      %select_n3A_501 = arith.select %and3A_497, %gather3A_498, %get3A_500 : vector<16xi1>, vector<16xf32>
      %swap3A_502 = arith.index_cast %add3A_485 : i32 to index
      %swap3A_503 = tpu.vector_load %arg9[%swap3A_502] {strides = array<i32>} : memref<16384xf32, #tpu.memory_space<vmem>>, vector<16xf32>,
      tpu.vector_store %arg9[%swap3A_502], %select_n3A_501 {strides = array<i32>} : memref<16384xf32, #tpu.memory_space<vmem>>, vector<16xf32>,
      %scan3A_504 = arith.constant 0 : i32
      scf.yield %scan3A_504 : i32
    }
    %scan3A_112 = arith.constant 128 : i32
    %dma_wait3A_113 = arith.constant 0 : i32
    %dma_wait3A_114 = tpu.memref_slice %arg6[%dma_wait3A_113] : memref<33408xf32, #tpu.memory_space<vmem>> -> memref<33152xf32, #tpu.memory_space<vmem>>
    %dma_wait3A_115 = arith.constant 0 : i32
    %dma_wait3A_116 = tpu.memref_slice %arg2[%add3A_21, %dma_wait3A_115] : memref<1664x100000xf32, #tpu.memory_space<hbm>> -> memref<1x100000xf32, #tpu.memory_space<hbm>>
    %dma_wait3A_117 = tpu.memref_squeeze %dma_wait3A_116 : memref<1x100000xf32, #tpu.memory_space<hbm>> -> memref<100000xf32, #tpu.memory_space<hbm>>
    %dma_wait3A_118 = arith.constant 66816 : i32
    %dma_wait3A_119 = tpu.memref_slice %dma_wait3A_117[%dma_wait3A_118] : memref<100000xf32, #tpu.memory_space<hbm>> -> memref<33152xf32, #tpu.memory_space<hbm>>
    %dma_wait3A_120 = arith.constant 0 : i32
    %dma_wait3A_121 = tpu.memref_slice %arg6[%dma_wait3A_120] : memref<33408xf32, #tpu.memory_space<vmem>> -> memref<33152xf32, #tpu.memory_space<vmem>>
    %dma_wait3A_122 = arith.constant 0 : i32
    %dma_wait3A_123 = tpu.memref_slice %arg2[%add3A_21, %dma_wait3A_122] : memref<1664x100000xf32, #tpu.memory_space<hbm>> -> memref<1x100000xf32, #tpu.memory_space<hbm>>
    %dma_wait3A_124 = tpu.memref_squeeze %dma_wait3A_123 : memref<1x100000xf32, #tpu.memory_space<hbm>> -> memref<100000xf32, #tpu.memory_space<hbm>>
    %dma_wait3A_125 = arith.constant 66816 : i32
    %dma_wait3A_126 = tpu.memref_slice %dma_wait3A_124[%dma_wait3A_125] : memref<100000xf32, #tpu.memory_space<hbm>> -> memref<33152xf32, #tpu.memory_space<hbm>>
    tpu.wait_dma2 semaphore(%arg11 : memref<!tpu.dma_semaphore, #tpu.memory_space<semaphore_mem>>) src(%dma_wait3A_126 : memref<33152xf32, #tpu.memory_space<hbm>>) dst(%dma_wait3A_121 : memref<33152xf32, #tpu.memory_space<vmem>>)
    %dma_start3A_127 = arith.constant 0 : i32
    %dma_start3A_128 = tpu.memref_slice %arg7[%dma_start3A_127] : memref<33408xf32, #tpu.memory_space<vmem>> -> memref<33408xf32, #tpu.memory_space<vmem>>
    %dma_start3A_129 = arith.constant 0 : i32
    %dma_start3A_130 = tpu.memref_slice %arg2[%add3A_23, %dma_start3A_129] : memref<1664x100000xf32, #tpu.memory_space<hbm>> -> memref<1x100000xf32, #tpu.memory_space<hbm>>
    %dma_start3A_131 = tpu.memref_squeeze %dma_start3A_130 : memref<1x100000xf32, #tpu.memory_space<hbm>> -> memref<100000xf32, #tpu.memory_space<hbm>>
    %dma_start3A_132 = arith.constant 0 : i32
    %dma_start3A_133 = tpu.memref_slice %dma_start3A_131[%dma_start3A_132] : memref<100000xf32, #tpu.memory_space<hbm>> -> memref<33408xf32, #tpu.memory_space<hbm>>
    %dma_start3A_134 = arith.constant 0 : i32
    %dma_start3A_135 = tpu.memref_slice %arg7[%dma_start3A_134] : memref<33408xf32, #tpu.memory_space<vmem>> -> memref<33408xf32, #tpu.memory_space<vmem>>
    %dma_start3A_136 = arith.constant 0 : i32
    %dma_start3A_137 = tpu.memref_slice %arg2[%add3A_23, %dma_start3A_136] : memref<1664x100000xf32, #tpu.memory_space<hbm>> -> memref<1x100000xf32, #tpu.memory_space<hbm>>
    %dma_start3A_138 = tpu.memref_squeeze %dma_start3A_137 : memref<1x100000xf32, #tpu.memory_space<hbm>> -> memref<100000xf32, #tpu.memory_space<hbm>>
    %dma_start3A_139 = arith.constant 0 : i32
    %dma_start3A_140 = tpu.memref_slice %dma_start3A_138[%dma_start3A_139] : memref<100000xf32, #tpu.memory_space<hbm>> -> memref<33408xf32, #tpu.memory_space<hbm>>
    tpu.enqueue_dma source(%dma_start3A_140 : memref<33408xf32, #tpu.memory_space<hbm>>) target(%dma_start3A_135 : memref<33408xf32, #tpu.memory_space<vmem>>) target_semaphore(%arg12 : memref<!tpu.dma_semaphore, #tpu.memory_space<semaphore_mem>>)
    %dma_wait3A_141 = arith.constant 0 : i32
    %dma_wait3A_142 = tpu.memref_slice %arg8[%dma_wait3A_141] : memref<32xf32, #tpu.memory_space<vmem>> -> memref<32xf32, #tpu.memory_space<vmem>>
    %dma_wait3A_143 = arith.constant 0 : i32
    %dma_wait3A_144 = tpu.memref_slice %arg2[%add3A_21, %dma_wait3A_143] : memref<1664x100000xf32, #tpu.memory_space<hbm>> -> memref<1x100000xf32, #tpu.memory_space<hbm>>
    %dma_wait3A_145 = tpu.memref_squeeze %dma_wait3A_144 : memref<1x100000xf32, #tpu.memory_space<hbm>> -> memref<100000xf32, #tpu.memory_space<hbm>>
    %dma_wait3A_146 = arith.constant 99968 : i32
    %dma_wait3A_147 = tpu.memref_slice %dma_wait3A_145[%dma_wait3A_146] : memref<100000xf32, #tpu.memory_space<hbm>> -> memref<32xf32, #tpu.memory_space<hbm>>
    %dma_wait3A_148 = arith.constant 0 : i32
    %dma_wait3A_149 = tpu.memref_slice %arg8[%dma_wait3A_148] : memref<32xf32, #tpu.memory_space<vmem>> -> memref<32xf32, #tpu.memory_space<vmem>>
    %dma_wait3A_150 = arith.constant 0 : i32
    %dma_wait3A_151 = tpu.memref_slice %arg2[%add3A_21, %dma_wait3A_150] : memref<1664x100000xf32, #tpu.memory_space<hbm>> -> memref<1x100000xf32, #tpu.memory_space<hbm>>
    %dma_wait3A_152 = tpu.memref_squeeze %dma_wait3A_151 : memref<1x100000xf32, #tpu.memory_space<hbm>> -> memref<100000xf32, #tpu.memory_space<hbm>>
    %dma_wait3A_153 = arith.constant 99968 : i32
    %dma_wait3A_154 = tpu.memref_slice %dma_wait3A_152[%dma_wait3A_153] : memref<100000xf32, #tpu.memory_space<hbm>> -> memref<32xf32, #tpu.memory_space<hbm>>
    tpu.wait_dma2 semaphore(%arg13 : memref<!tpu.dma_semaphore, #tpu.memory_space<semaphore_mem>>) src(%dma_wait3A_154 : memref<32xf32, #tpu.memory_space<hbm>>) dst(%dma_wait3A_149 : memref<32xf32, #tpu.memory_space<vmem>>)
    %scan3A_155 = arith.constant 0 : i32
    %scan3A_156 = arith.constant 0 : i32
    %scan3A_157 = arith.constant 128 : i32
    %scan3A_158 = arith.addi %scan3A_156, %scan3A_157 : i32
    %scan3A_159 = arith.constant 1 : i32
    %scan3A_160 = scf.for %scan3A_331 = %scan3A_156 to %scan3A_158 step %scan3A_159 iter_args(%scan3A_332 = %scan3A_155) -> (i32)  : i32 {
      %mul3A_333 = arith.constant 128 : i32
      %mul3A_334 = arith.muli %scan3A_331, %mul3A_333 : i32
      %add3A_335 = arith.constant 0 : i32
      %add3A_336 = arith.addi %mul3A_334, %add3A_335 : i32
      %get3A = arith.index_cast %add3A_336 : i32 to index
      %get3A_337 = tpu.vector_load %arg5[%get3A] {strides = array<i32>} : memref<16384xi32, #tpu.memory_space<vmem>>, vector<16xi32>,
      %sub3A_338 = arith.constant 66816 : i32
      %sub3A_339 = vector.broadcast %sub3A_338 : i32 to vector<16xi32>
      %sub3A_340 = arith.subi %get3A_337, %sub3A_339 : vector<16xi32>
      %ge3A_341 = arith.constant 0 : i32
      %ge3A_342 = vector.broadcast %ge3A_341 : i32 to vector<16xi32>
      %ge3A_343 = arith.cmpi sge, %sub3A_340, %ge3A_342 : vector<16xi32>
      %lt3A_344 = arith.constant 33152 : i32
      %lt3A_345 = vector.broadcast %lt3A_344 : i32 to vector<16xi32>
      %lt3A_346 = arith.cmpi slt, %sub3A_340, %lt3A_345 : vector<16xi32>
      %and3A = arith.andi %ge3A_343, %lt3A_346 : vector<16xi1>
      %gather3A = tpu.vector_load_idx %arg6[%sub3A_340] masked %and3A : memref<33408xf32, #tpu.memory_space<vmem>>[vector<16xi32>], vector<16xf32>, vector<16xi1>
      %sub3A_347 = arith.constant 99968 : i32
      %sub3A_348 = vector.broadcast %sub3A_347 : i32 to vector<16xi32>
      %sub3A_349 = arith.subi %get3A_337, %sub3A_348 : vector<16xi32>
      %ge3A_350 = arith.constant 0 : i32
      %ge3A_351 = vector.broadcast %ge3A_350 : i32 to vector<16xi32>
      %ge3A_352 = arith.cmpi sge, %sub3A_349, %ge3A_351 : vector<16xi32>
      %gather3A_353 = tpu.vector_load_idx %arg8[%sub3A_349] masked %ge3A_352 : memref<32xf32, #tpu.memory_space<vmem>>[vector<16xi32>], vector<16xf32>, vector<16xi1>
      %get3A_354 = arith.index_cast %add3A_336 : i32 to index
      %get3A_355 = tpu.vector_load %arg9[%get3A_354] {strides = array<i32>} : memref<16384xf32, #tpu.memory_space<vmem>>, vector<16xf32>,
      %select_n3A = arith.select %and3A, %gather3A, %get3A_355 : vector<16xi1>, vector<16xf32>
      %select_n3A_356 = arith.select %ge3A_352, %gather3A_353, %select_n3A : vector<16xi1>, vector<16xf32>
      %swap3A = arith.index_cast %add3A_336 : i32 to index
      %swap3A_357 = tpu.vector_load %arg9[%swap3A] {strides = array<i32>} : memref<16384xf32, #tpu.memory_space<vmem>>, vector<16xf32>,
      tpu.vector_store %arg9[%swap3A], %select_n3A_356 {strides = array<i32>} : memref<16384xf32, #tpu.memory_space<vmem>>, vector<16xf32>,
      %mul3A_358 = arith.constant 128 : i32
      %mul3A_359 = arith.muli %scan3A_331, %mul3A_358 : i32
      %add3A_360 = arith.constant 16 : i32
      %add3A_361 = arith.addi %mul3A_359, %add3A_360 : i32
      %get3A_362 = arith.index_cast %add3A_361 : i32 to index
      %get3A_363 = tpu.vector_load %arg5[%get3A_362] {strides = array<i32>} : memref<16384xi32, #tpu.memory_space<vmem>>, vector<16xi32>,
      %sub3A_364 = arith.constant 66816 : i32
      %sub3A_365 = vector.broadcast %sub3A_364 : i32 to vector<16xi32>
      %sub3A_366 = arith.subi %get3A_363, %sub3A_365 : vector<16xi32>
      %ge3A_367 = arith.constant 0 : i32
      %ge3A_368 = vector.broadcast %ge3A_367 : i32 to vector<16xi32>
      %ge3A_369 = arith.cmpi sge, %sub3A_366, %ge3A_368 : vector<16xi32>
      %lt3A_370 = arith.constant 33152 : i32
      %lt3A_371 = vector.broadcast %lt3A_370 : i32 to vector<16xi32>
      %lt3A_372 = arith.cmpi slt, %sub3A_366, %lt3A_371 : vector<16xi32>
      %and3A_373 = arith.andi %ge3A_369, %lt3A_372 : vector<16xi1>
      %gather3A_374 = tpu.vector_load_idx %arg6[%sub3A_366] masked %and3A_373 : memref<33408xf32, #tpu.memory_space<vmem>>[vector<16xi32>], vector<16xf32>, vector<16xi1>
      %sub3A_375 = arith.constant 99968 : i32
      %sub3A_376 = vector.broadcast %sub3A_375 : i32 to vector<16xi32>
      %sub3A_377 = arith.subi %get3A_363, %sub3A_376 : vector<16xi32>
      %ge3A_378 = arith.constant 0 : i32
      %ge3A_379 = vector.broadcast %ge3A_378 : i32 to vector<16xi32>
      %ge3A_380 = arith.cmpi sge, %sub3A_377, %ge3A_379 : vector<16xi32>
      %gather3A_381 = tpu.vector_load_idx %arg8[%sub3A_377] masked %ge3A_380 : memref<32xf32, #tpu.memory_space<vmem>>[vector<16xi32>], vector<16xf32>, vector<16xi1>
      %get3A_382 = arith.index_cast %add3A_361 : i32 to index
      %get3A_383 = tpu.vector_load %arg9[%get3A_382] {strides = array<i32>} : memref<16384xf32, #tpu.memory_space<vmem>>, vector<16xf32>,
      %select_n3A_384 = arith.select %and3A_373, %gather3A_374, %get3A_383 : vector<16xi1>, vector<16xf32>
      %select_n3A_385 = arith.select %ge3A_380, %gather3A_381, %select_n3A_384 : vector<16xi1>, vector<16xf32>
      %swap3A_386 = arith.index_cast %add3A_361 : i32 to index
      %swap3A_387 = tpu.vector_load %arg9[%swap3A_386] {strides = array<i32>} : memref<16384xf32, #tpu.memory_space<vmem>>, vector<16xf32>,
      tpu.vector_store %arg9[%swap3A_386], %select_n3A_385 {strides = array<i32>} : memref<16384xf32, #tpu.memory_space<vmem>>, vector<16xf32>,
      %mul3A_388 = arith.constant 128 : i32
      %mul3A_389 = arith.muli %scan3A_331, %mul3A_388 : i32
      %add3A_390 = arith.constant 32 : i32
      %add3A_391 = arith.addi %mul3A_389, %add3A_390 : i32
      %get3A_392 = arith.index_cast %add3A_391 : i32 to index
      %get3A_393 = tpu.vector_load %arg5[%get3A_392] {strides = array<i32>} : memref<16384xi32, #tpu.memory_space<vmem>>, vector<16xi32>,
      %sub3A_394 = arith.constant 66816 : i32
      %sub3A_395 = vector.broadcast %sub3A_394 : i32 to vector<16xi32>
      %sub3A_396 = arith.subi %get3A_393, %sub3A_395 : vector<16xi32>
      %ge3A_397 = arith.constant 0 : i32
      %ge3A_398 = vector.broadcast %ge3A_397 : i32 to vector<16xi32>
      %ge3A_399 = arith.cmpi sge, %sub3A_396, %ge3A_398 : vector<16xi32>
      %lt3A_400 = arith.constant 33152 : i32
      %lt3A_401 = vector.broadcast %lt3A_400 : i32 to vector<16xi32>
      %lt3A_402 = arith.cmpi slt, %sub3A_396, %lt3A_401 : vector<16xi32>
      %and3A_403 = arith.andi %ge3A_399, %lt3A_402 : vector<16xi1>
      %gather3A_404 = tpu.vector_load_idx %arg6[%sub3A_396] masked %and3A_403 : memref<33408xf32, #tpu.memory_space<vmem>>[vector<16xi32>], vector<16xf32>, vector<16xi1>
      %sub3A_405 = arith.constant 99968 : i32
      %sub3A_406 = vector.broadcast %sub3A_405 : i32 to vector<16xi32>
      %sub3A_407 = arith.subi %get3A_393, %sub3A_406 : vector<16xi32>
      %ge3A_408 = arith.constant 0 : i32
      %ge3A_409 = vector.broadcast %ge3A_408 : i32 to vector<16xi32>
      %ge3A_410 = arith.cmpi sge, %sub3A_407, %ge3A_409 : vector<16xi32>
      %gather3A_411 = tpu.vector_load_idx %arg8[%sub3A_407] masked %ge3A_410 : memref<32xf32, #tpu.memory_space<vmem>>[vector<16xi32>], vector<16xf32>, vector<16xi1>
      %get3A_412 = arith.index_cast %add3A_391 : i32 to index
      %get3A_413 = tpu.vector_load %arg9[%get3A_412] {strides = array<i32>} : memref<16384xf32, #tpu.memory_space<vmem>>, vector<16xf32>,
      %select_n3A_414 = arith.select %and3A_403, %gather3A_404, %get3A_413 : vector<16xi1>, vector<16xf32>
      %select_n3A_415 = arith.select %ge3A_410, %gather3A_411, %select_n3A_414 : vector<16xi1>, vector<16xf32>
      %swap3A_416 = arith.index_cast %add3A_391 : i32 to index
      %swap3A_417 = tpu.vector_load %arg9[%swap3A_416] {strides = array<i32>} : memref<16384xf32, #tpu.memory_space<vmem>>, vector<16xf32>,
      tpu.vector_store %arg9[%swap3A_416], %select_n3A_415 {strides = array<i32>} : memref<16384xf32, #tpu.memory_space<vmem>>, vector<16xf32>,
      %mul3A_418 = arith.constant 128 : i32
      %mul3A_419 = arith.muli %scan3A_331, %mul3A_418 : i32
      %add3A_420 = arith.constant 48 : i32
      %add3A_421 = arith.addi %mul3A_419, %add3A_420 : i32
      %get3A_422 = arith.index_cast %add3A_421 : i32 to index
      %get3A_423 = tpu.vector_load %arg5[%get3A_422] {strides = array<i32>} : memref<16384xi32, #tpu.memory_space<vmem>>, vector<16xi32>,
      %sub3A_424 = arith.constant 66816 : i32
      %sub3A_425 = vector.broadcast %sub3A_424 : i32 to vector<16xi32>
      %sub3A_426 = arith.subi %get3A_423, %sub3A_425 : vector<16xi32>
      %ge3A_427 = arith.constant 0 : i32
      %ge3A_428 = vector.broadcast %ge3A_427 : i32 to vector<16xi32>
      %ge3A_429 = arith.cmpi sge, %sub3A_426, %ge3A_428 : vector<16xi32>
      %lt3A_430 = arith.constant 33152 : i32
      %lt3A_431 = vector.broadcast %lt3A_430 : i32 to vector<16xi32>
      %lt3A_432 = arith.cmpi slt, %sub3A_426, %lt3A_431 : vector<16xi32>
      %and3A_433 = arith.andi %ge3A_429, %lt3A_432 : vector<16xi1>
      %gather3A_434 = tpu.vector_load_idx %arg6[%sub3A_426] masked %and3A_433 : memref<33408xf32, #tpu.memory_space<vmem>>[vector<16xi32>], vector<16xf32>, vector<16xi1>
      %sub3A_435 = arith.constant 99968 : i32
      %sub3A_436 = vector.broadcast %sub3A_435 : i32 to vector<16xi32>
      %sub3A_437 = arith.subi %get3A_423, %sub3A_436 : vector<16xi32>
      %ge3A_438 = arith.constant 0 : i32
      %ge3A_439 = vector.broadcast %ge3A_438 : i32 to vector<16xi32>
      %ge3A_440 = arith.cmpi sge, %sub3A_437, %ge3A_439 : vector<16xi32>
      %gather3A_441 = tpu.vector_load_idx %arg8[%sub3A_437] masked %ge3A_440 : memref<32xf32, #tpu.memory_space<vmem>>[vector<16xi32>], vector<16xf32>, vector<16xi1>
      %get3A_442 = arith.index_cast %add3A_421 : i32 to index
      %get3A_443 = tpu.vector_load %arg9[%get3A_442] {strides = array<i32>} : memref<16384xf32, #tpu.memory_space<vmem>>, vector<16xf32>,
      %select_n3A_444 = arith.select %and3A_433, %gather3A_434, %get3A_443 : vector<16xi1>, vector<16xf32>
      %select_n3A_445 = arith.select %ge3A_440, %gather3A_441, %select_n3A_444 : vector<16xi1>, vector<16xf32>
      %swap3A_446 = arith.index_cast %add3A_421 : i32 to index
      %swap3A_447 = tpu.vector_load %arg9[%swap3A_446] {strides = array<i32>} : memref<16384xf32, #tpu.memory_space<vmem>>, vector<16xf32>,
      tpu.vector_store %arg9[%swap3A_446], %select_n3A_445 {strides = array<i32>} : memref<16384xf32, #tpu.memory_space<vmem>>, vector<16xf32>,
      %mul3A_448 = arith.constant 128 : i32
      %mul3A_449 = arith.muli %scan3A_331, %mul3A_448 : i32
      %add3A_450 = arith.constant 64 : i32
      %add3A_451 = arith.addi %mul3A_449, %add3A_450 : i32
      %get3A_452 = arith.index_cast %add3A_451 : i32 to index
      %get3A_453 = tpu.vector_load %arg5[%get3A_452] {strides = array<i32>} : memref<16384xi32, #tpu.memory_space<vmem>>, vector<16xi32>,
      %sub3A_454 = arith.constant 66816 : i32
      %sub3A_455 = vector.broadcast %sub3A_454 : i32 to vector<16xi32>
      %sub3A_456 = arith.subi %get3A_453, %sub3A_455 : vector<16xi32>
      %ge3A_457 = arith.constant 0 : i32
      %ge3A_458 = vector.broadcast %ge3A_457 : i32 to vector<16xi32>
      %ge3A_459 = arith.cmpi sge, %sub3A_456, %ge3A_458 : vector<16xi32>
      %lt3A_460 = arith.constant 33152 : i32
      %lt3A_461 = vector.broadcast %lt3A_460 : i32 to vector<16xi32>
      %lt3A_462 = arith.cmpi slt, %sub3A_456, %lt3A_461 : vector<16xi32>
      %and3A_463 = arith.andi %ge3A_459, %lt3A_462 : vector<16xi1>
      %gather3A_464 = tpu.vector_load_idx %arg6[%sub3A_456] masked %and3A_463 : memref<33408xf32, #tpu.memory_space<vmem>>[vector<16xi32>], vector<16xf32>, vector<16xi1>
      %sub3A_465 = arith.constant 99968 : i32
      %sub3A_466 = vector.broadcast %sub3A_465 : i32 to vector<16xi32>
      %sub3A_467 = arith.subi %get3A_453, %sub3A_466 : vector<16xi32>
      %ge3A_468 = arith.constant 0 : i32
      %ge3A_469 = vector.broadcast %ge3A_468 : i32 to vector<16xi32>
      %ge3A_470 = arith.cmpi sge, %sub3A_467, %ge3A_469 : vector<16xi32>
      %gather3A_471 = tpu.vector_load_idx %arg8[%sub3A_467] masked %ge3A_470 : memref<32xf32, #tpu.memory_space<vmem>>[vector<16xi32>], vector<16xf32>, vector<16xi1>
      %get3A_472 = arith.index_cast %add3A_451 : i32 to index
      %get3A_473 = tpu.vector_load %arg9[%get3A_472] {strides = array<i32>} : memref<16384xf32, #tpu.memory_space<vmem>>, vector<16xf32>,
      %select_n3A_474 = arith.select %and3A_463, %gather3A_464, %get3A_473 : vector<16xi1>, vector<16xf32>
      %select_n3A_475 = arith.select %ge3A_470, %gather3A_471, %select_n3A_474 : vector<16xi1>, vector<16xf32>
      %swap3A_476 = arith.index_cast %add3A_451 : i32 to index
      %swap3A_477 = tpu.vector_load %arg9[%swap3A_476] {strides = array<i32>} : memref<16384xf32, #tpu.memory_space<vmem>>, vector<16xf32>,
      tpu.vector_store %arg9[%swap3A_476], %select_n3A_475 {strides = array<i32>} : memref<16384xf32, #tpu.memory_space<vmem>>, vector<16xf32>,
      %mul3A_478 = arith.constant 128 : i32
      %mul3A_479 = arith.muli %scan3A_331, %mul3A_478 : i32
      %add3A_480 = arith.constant 80 : i32
      %add3A_481 = arith.addi %mul3A_479, %add3A_480 : i32
      %get3A_482 = arith.index_cast %add3A_481 : i32 to index
      %get3A_483 = tpu.vector_load %arg5[%get3A_482] {strides = array<i32>} : memref<16384xi32, #tpu.memory_space<vmem>>, vector<16xi32>,
      %sub3A_484 = arith.constant 66816 : i32
      %sub3A_485 = vector.broadcast %sub3A_484 : i32 to vector<16xi32>
      %sub3A_486 = arith.subi %get3A_483, %sub3A_485 : vector<16xi32>
      %ge3A_487 = arith.constant 0 : i32
      %ge3A_488 = vector.broadcast %ge3A_487 : i32 to vector<16xi32>
      %ge3A_489 = arith.cmpi sge, %sub3A_486, %ge3A_488 : vector<16xi32>
      %lt3A_490 = arith.constant 33152 : i32
      %lt3A_491 = vector.broadcast %lt3A_490 : i32 to vector<16xi32>
      %lt3A_492 = arith.cmpi slt, %sub3A_486, %lt3A_491 : vector<16xi32>
      %and3A_493 = arith.andi %ge3A_489, %lt3A_492 : vector<16xi1>
      %gather3A_494 = tpu.vector_load_idx %arg6[%sub3A_486] masked %and3A_493 : memref<33408xf32, #tpu.memory_space<vmem>>[vector<16xi32>], vector<16xf32>, vector<16xi1>
      %sub3A_495 = arith.constant 99968 : i32
      %sub3A_496 = vector.broadcast %sub3A_495 : i32 to vector<16xi32>
      %sub3A_497 = arith.subi %get3A_483, %sub3A_496 : vector<16xi32>
      %ge3A_498 = arith.constant 0 : i32
      %ge3A_499 = vector.broadcast %ge3A_498 : i32 to vector<16xi32>
      %ge3A_500 = arith.cmpi sge, %sub3A_497, %ge3A_499 : vector<16xi32>
      %gather3A_501 = tpu.vector_load_idx %arg8[%sub3A_497] masked %ge3A_500 : memref<32xf32, #tpu.memory_space<vmem>>[vector<16xi32>], vector<16xf32>, vector<16xi1>
      %get3A_502 = arith.index_cast %add3A_481 : i32 to index
      %get3A_503 = tpu.vector_load %arg9[%get3A_502] {strides = array<i32>} : memref<16384xf32, #tpu.memory_space<vmem>>, vector<16xf32>,
      %select_n3A_504 = arith.select %and3A_493, %gather3A_494, %get3A_503 : vector<16xi1>, vector<16xf32>
      %select_n3A_505 = arith.select %ge3A_500, %gather3A_501, %select_n3A_504 : vector<16xi1>, vector<16xf32>
      %swap3A_506 = arith.index_cast %add3A_481 : i32 to index
      %swap3A_507 = tpu.vector_load %arg9[%swap3A_506] {strides = array<i32>} : memref<16384xf32, #tpu.memory_space<vmem>>, vector<16xf32>,
      tpu.vector_store %arg9[%swap3A_506], %select_n3A_505 {strides = array<i32>} : memref<16384xf32, #tpu.memory_space<vmem>>, vector<16xf32>,
      %mul3A_508 = arith.constant 128 : i32
      %mul3A_509 = arith.muli %scan3A_331, %mul3A_508 : i32
      %add3A_510 = arith.constant 96 : i32
      %add3A_511 = arith.addi %mul3A_509, %add3A_510 : i32
      %get3A_512 = arith.index_cast %add3A_511 : i32 to index
      %get3A_513 = tpu.vector_load %arg5[%get3A_512] {strides = array<i32>} : memref<16384xi32, #tpu.memory_space<vmem>>, vector<16xi32>,
      %sub3A_514 = arith.constant 66816 : i32
      %sub3A_515 = vector.broadcast %sub3A_514 : i32 to vector<16xi32>
      %sub3A_516 = arith.subi %get3A_513, %sub3A_515 : vector<16xi32>
      %ge3A_517 = arith.constant 0 : i32
      %ge3A_518 = vector.broadcast %ge3A_517 : i32 to vector<16xi32>
      %ge3A_519 = arith.cmpi sge, %sub3A_516, %ge3A_518 : vector<16xi32>
      %lt3A_520 = arith.constant 33152 : i32
      %lt3A_521 = vector.broadcast %lt3A_520 : i32 to vector<16xi32>
      %lt3A_522 = arith.cmpi slt, %sub3A_516, %lt3A_521 : vector<16xi32>
      %and3A_523 = arith.andi %ge3A_519, %lt3A_522 : vector<16xi1>
      %gather3A_524 = tpu.vector_load_idx %arg6[%sub3A_516] masked %and3A_523 : memref<33408xf32, #tpu.memory_space<vmem>>[vector<16xi32>], vector<16xf32>, vector<16xi1>
      %sub3A_525 = arith.constant 99968 : i32
      %sub3A_526 = vector.broadcast %sub3A_525 : i32 to vector<16xi32>
      %sub3A_527 = arith.subi %get3A_513, %sub3A_526 : vector<16xi32>
      %ge3A_528 = arith.constant 0 : i32
      %ge3A_529 = vector.broadcast %ge3A_528 : i32 to vector<16xi32>
      %ge3A_530 = arith.cmpi sge, %sub3A_527, %ge3A_529 : vector<16xi32>
      %gather3A_531 = tpu.vector_load_idx %arg8[%sub3A_527] masked %ge3A_530 : memref<32xf32, #tpu.memory_space<vmem>>[vector<16xi32>], vector<16xf32>, vector<16xi1>
      %get3A_532 = arith.index_cast %add3A_511 : i32 to index
      %get3A_533 = tpu.vector_load %arg9[%get3A_532] {strides = array<i32>} : memref<16384xf32, #tpu.memory_space<vmem>>, vector<16xf32>,
      %select_n3A_534 = arith.select %and3A_523, %gather3A_524, %get3A_533 : vector<16xi1>, vector<16xf32>
      %select_n3A_535 = arith.select %ge3A_530, %gather3A_531, %select_n3A_534 : vector<16xi1>, vector<16xf32>
      %swap3A_536 = arith.index_cast %add3A_511 : i32 to index
      %swap3A_537 = tpu.vector_load %arg9[%swap3A_536] {strides = array<i32>} : memref<16384xf32, #tpu.memory_space<vmem>>, vector<16xf32>,
      tpu.vector_store %arg9[%swap3A_536], %select_n3A_535 {strides = array<i32>} : memref<16384xf32, #tpu.memory_space<vmem>>, vector<16xf32>,
      %mul3A_538 = arith.constant 128 : i32
      %mul3A_539 = arith.muli %scan3A_331, %mul3A_538 : i32
      %add3A_540 = arith.constant 112 : i32
      %add3A_541 = arith.addi %mul3A_539, %add3A_540 : i32
      %get3A_542 = arith.index_cast %add3A_541 : i32 to index
      %get3A_543 = tpu.vector_load %arg5[%get3A_542] {strides = array<i32>} : memref<16384xi32, #tpu.memory_space<vmem>>, vector<16xi32>,
      %sub3A_544 = arith.constant 66816 : i32
      %sub3A_545 = vector.broadcast %sub3A_544 : i32 to vector<16xi32>
      %sub3A_546 = arith.subi %get3A_543, %sub3A_545 : vector<16xi32>
      %ge3A_547 = arith.constant 0 : i32
      %ge3A_548 = vector.broadcast %ge3A_547 : i32 to vector<16xi32>
      %ge3A_549 = arith.cmpi sge, %sub3A_546, %ge3A_548 : vector<16xi32>
      %lt3A_550 = arith.constant 33152 : i32
      %lt3A_551 = vector.broadcast %lt3A_550 : i32 to vector<16xi32>
      %lt3A_552 = arith.cmpi slt, %sub3A_546, %lt3A_551 : vector<16xi32>
      %and3A_553 = arith.andi %ge3A_549, %lt3A_552 : vector<16xi1>
      %gather3A_554 = tpu.vector_load_idx %arg6[%sub3A_546] masked %and3A_553 : memref<33408xf32, #tpu.memory_space<vmem>>[vector<16xi32>], vector<16xf32>, vector<16xi1>
      %sub3A_555 = arith.constant 99968 : i32
      %sub3A_556 = vector.broadcast %sub3A_555 : i32 to vector<16xi32>
      %sub3A_557 = arith.subi %get3A_543, %sub3A_556 : vector<16xi32>
      %ge3A_558 = arith.constant 0 : i32
      %ge3A_559 = vector.broadcast %ge3A_558 : i32 to vector<16xi32>
      %ge3A_560 = arith.cmpi sge, %sub3A_557, %ge3A_559 : vector<16xi32>
      %gather3A_561 = tpu.vector_load_idx %arg8[%sub3A_557] masked %ge3A_560 : memref<32xf32, #tpu.memory_space<vmem>>[vector<16xi32>], vector<16xf32>, vector<16xi1>
      %get3A_562 = arith.index_cast %add3A_541 : i32 to index
      %get3A_563 = tpu.vector_load %arg9[%get3A_562] {strides = array<i32>} : memref<16384xf32, #tpu.memory_space<vmem>>, vector<16xf32>,
      %select_n3A_564 = arith.select %and3A_553, %gather3A_554, %get3A_563 : vector<16xi1>, vector<16xf32>
      %select_n3A_565 = arith.select %ge3A_560, %gather3A_561, %select_n3A_564 : vector<16xi1>, vector<16xf32>
      %swap3A_566 = arith.index_cast %add3A_541 : i32 to index
      %swap3A_567 = tpu.vector_load %arg9[%swap3A_566] {strides = array<i32>} : memref<16384xf32, #tpu.memory_space<vmem>>, vector<16xf32>,
      tpu.vector_store %arg9[%swap3A_566], %select_n3A_565 {strides = array<i32>} : memref<16384xf32, #tpu.memory_space<vmem>>, vector<16xf32>,
      %scan3A_568 = arith.constant 0 : i32
      scf.yield %scan3A_568 : i32
    }
    %scan3A_161 = arith.constant 128 : i32
    %sub3A = arith.constant 1600 : i32
    %sub3A_162 = arith.subi %add3A_21, %sub3A : i32
    %dma_start3A_163 = arith.constant 0 : i32
    %dma_start3A_164 = tpu.memref_slice %arg4[%sub3A_162, %dma_start3A_163] : memref<64x16384xf32, #tpu.memory_space<hbm>> -> memref<1x16384xf32, #tpu.memory_space<hbm>>
    %dma_start3A_165 = tpu.memref_squeeze %dma_start3A_164 : memref<1x16384xf32, #tpu.memory_space<hbm>> -> memref<16384xf32, #tpu.memory_space<hbm>>
    %dma_start3A_166 = arith.constant 0 : i32
    %dma_start3A_167 = tpu.memref_slice %arg4[%sub3A_162, %dma_start3A_166] : memref<64x16384xf32, #tpu.memory_space<hbm>> -> memref<1x16384xf32, #tpu.memory_space<hbm>>
    %dma_start3A_168 = tpu.memref_squeeze %dma_start3A_167 : memref<1x16384xf32, #tpu.memory_space<hbm>> -> memref<16384xf32, #tpu.memory_space<hbm>>
    tpu.enqueue_dma source(%arg9 : memref<16384xf32, #tpu.memory_space<vmem>>) target(%dma_start3A_168 : memref<16384xf32, #tpu.memory_space<hbm>>) target_semaphore(%arg14 : memref<!tpu.dma_semaphore, #tpu.memory_space<semaphore_mem>>)
    %shift_right_logical3A_169 = arith.constant 6 : i32
    %shift_right_logical3A_170 = arith.shrui %add3A_23, %shift_right_logical3A_169 : i32
    %ne3A_171 = arith.cmpi ne, %shift_right_logical3A_170, %shift_right_logical3A_26 : i32
    %convert_element_type3A_172 = arith.extui %ne3A_171 : i1 to i32
    %cond3A_173 = arith.constant 0 : i32
    %cond3A_174 = arith.cmpi ne, %convert_element_type3A_172, %cond3A_173 : i32
    scf.if %cond3A_174 {
      "tpu.region"() ({
        %run_scoped3A = tpu.sem_alloc : memref<!tpu.dma_semaphore, #tpu.memory_space<semaphore_mem>>
        %dma_start3A_331 = arith.constant 0 : i32
        %dma_start3A_332 = tpu.memref_slice %arg3[%shift_right_logical3A_170, %dma_start3A_331] : memref<26x16384xi32, #tpu.memory_space<hbm>> -> memref<1x16384xi32, #tpu.memory_space<hbm>>
        %dma_start3A_333 = tpu.memref_squeeze %dma_start3A_332 : memref<1x16384xi32, #tpu.memory_space<hbm>> -> memref<16384xi32, #tpu.memory_space<hbm>>
        %dma_start3A_334 = arith.constant 0 : i32
        %dma_start3A_335 = tpu.memref_slice %arg3[%shift_right_logical3A_170, %dma_start3A_334] : memref<26x16384xi32, #tpu.memory_space<hbm>> -> memref<1x16384xi32, #tpu.memory_space<hbm>>
        %dma_start3A_336 = tpu.memref_squeeze %dma_start3A_335 : memref<1x16384xi32, #tpu.memory_space<hbm>> -> memref<16384xi32, #tpu.memory_space<hbm>>
        tpu.enqueue_dma source(%dma_start3A_336 : memref<16384xi32, #tpu.memory_space<hbm>>) target(%arg5 : memref<16384xi32, #tpu.memory_space<vmem>>) target_semaphore(%run_scoped3A : memref<!tpu.dma_semaphore, #tpu.memory_space<semaphore_mem>>)
        %dma_wait3A_337 = arith.constant 0 : i32
        %dma_wait3A_338 = tpu.memref_slice %arg3[%shift_right_logical3A_170, %dma_wait3A_337] : memref<26x16384xi32, #tpu.memory_space<hbm>> -> memref<1x16384xi32, #tpu.memory_space<hbm>>
        %dma_wait3A_339 = tpu.memref_squeeze %dma_wait3A_338 : memref<1x16384xi32, #tpu.memory_space<hbm>> -> memref<16384xi32, #tpu.memory_space<hbm>>
        %dma_wait3A_340 = arith.constant 0 : i32
        %dma_wait3A_341 = tpu.memref_slice %arg3[%shift_right_logical3A_170, %dma_wait3A_340] : memref<26x16384xi32, #tpu.memory_space<hbm>> -> memref<1x16384xi32, #tpu.memory_space<hbm>>
        %dma_wait3A_342 = tpu.memref_squeeze %dma_wait3A_341 : memref<1x16384xi32, #tpu.memory_space<hbm>> -> memref<16384xi32, #tpu.memory_space<hbm>>
        tpu.wait_dma2 semaphore(%run_scoped3A : memref<!tpu.dma_semaphore, #tpu.memory_space<semaphore_mem>>) src(%dma_wait3A_342 : memref<16384xi32, #tpu.memory_space<hbm>>) dst(%arg5 : memref<16384xi32, #tpu.memory_space<vmem>>)
        tpu.yield
      }) : () -> ()
    } else {
    }
    %dma_start3A_175 = arith.constant 0 : i32
    %dma_start3A_176 = tpu.memref_slice %arg8[%dma_start3A_175] : memref<32xf32, #tpu.memory_space<vmem>> -> memref<32xf32, #tpu.memory_space<vmem>>
    %dma_start3A_177 = arith.constant 0 : i32
    %dma_start3A_178 = tpu.memref_slice %arg2[%add3A_23, %dma_start3A_177] : memref<1664x100000xf32, #tpu.memory_space<hbm>> -> memref<1x100000xf32, #tpu.memory_space<hbm>>
    %dma_start3A_179 = tpu.memref_squeeze %dma_start3A_178 : memref<1x100000xf32, #tpu.memory_space<hbm>> -> memref<100000xf32, #tpu.memory_space<hbm>>
    %dma_start3A_180 = arith.constant 99968 : i32
    %dma_start3A_181 = tpu.memref_slice %dma_start3A_179[%dma_start3A_180] : memref<100000xf32, #tpu.memory_space<hbm>> -> memref<32xf32, #tpu.memory_space<hbm>>
    %dma_start3A_182 = arith.constant 0 : i32
    %dma_start3A_183 = tpu.memref_slice %arg8[%dma_start3A_182] : memref<32xf32, #tpu.memory_space<vmem>> -> memref<32xf32, #tpu.memory_space<vmem>>
    %dma_start3A_184 = arith.constant 0 : i32
    %dma_start3A_185 = tpu.memref_slice %arg2[%add3A_23, %dma_start3A_184] : memref<1664x100000xf32, #tpu.memory_space<hbm>> -> memref<1x100000xf32, #tpu.memory_space<hbm>>
    %dma_start3A_186 = tpu.memref_squeeze %dma_start3A_185 : memref<1x100000xf32, #tpu.memory_space<hbm>> -> memref<100000xf32, #tpu.memory_space<hbm>>
    %dma_start3A_187 = arith.constant 99968 : i32
    %dma_start3A_188 = tpu.memref_slice %dma_start3A_186[%dma_start3A_187] : memref<100000xf32, #tpu.memory_space<hbm>> -> memref<32xf32, #tpu.memory_space<hbm>>
    tpu.enqueue_dma source(%dma_start3A_188 : memref<32xf32, #tpu.memory_space<hbm>>) target(%dma_start3A_183 : memref<32xf32, #tpu.memory_space<vmem>>) target_semaphore(%arg13 : memref<!tpu.dma_semaphore, #tpu.memory_space<semaphore_mem>>)
    %dma_wait3A_189 = arith.constant 0 : i32
    %dma_wait3A_190 = tpu.memref_slice %arg7[%dma_wait3A_189] : memref<33408xf32, #tpu.memory_space<vmem>> -> memref<33408xf32, #tpu.memory_space<vmem>>
    %dma_wait3A_191 = arith.constant 0 : i32
    %dma_wait3A_192 = tpu.memref_slice %arg2[%add3A_23, %dma_wait3A_191] : memref<1664x100000xf32, #tpu.memory_space<hbm>> -> memref<1x100000xf32, #tpu.memory_space<hbm>>
    %dma_wait3A_193 = tpu.memref_squeeze %dma_wait3A_192 : memref<1x100000xf32, #tpu.memory_space<hbm>> -> memref<100000xf32, #tpu.memory_space<hbm>>
    %dma_wait3A_194 = arith.constant 0 : i32
    %dma_wait3A_195 = tpu.memref_slice %dma_wait3A_193[%dma_wait3A_194] : memref<100000xf32, #tpu.memory_space<hbm>> -> memref<33408xf32, #tpu.memory_space<hbm>>
    %dma_wait3A_196 = arith.constant 0 : i32
    %dma_wait3A_197 = tpu.memref_slice %arg7[%dma_wait3A_196] : memref<33408xf32, #tpu.memory_space<vmem>> -> memref<33408xf32, #tpu.memory_space<vmem>>
    %dma_wait3A_198 = arith.constant 0 : i32
    %dma_wait3A_199 = tpu.memref_slice %arg2[%add3A_23, %dma_wait3A_198] : memref<1664x100000xf32, #tpu.memory_space<hbm>> -> memref<1x100000xf32, #tpu.memory_space<hbm>>
    %dma_wait3A_200 = tpu.memref_squeeze %dma_wait3A_199 : memref<1x100000xf32, #tpu.memory_space<hbm>> -> memref<100000xf32, #tpu.memory_space<hbm>>
    %dma_wait3A_201 = arith.constant 0 : i32
    %dma_wait3A_202 = tpu.memref_slice %dma_wait3A_200[%dma_wait3A_201] : memref<100000xf32, #tpu.memory_space<hbm>> -> memref<33408xf32, #tpu.memory_space<hbm>>
    tpu.wait_dma2 semaphore(%arg12 : memref<!tpu.dma_semaphore, #tpu.memory_space<semaphore_mem>>) src(%dma_wait3A_202 : memref<33408xf32, #tpu.memory_space<hbm>>) dst(%dma_wait3A_197 : memref<33408xf32, #tpu.memory_space<vmem>>)
    %dma_start3A_203 = arith.constant 0 : i32
    %dma_start3A_204 = tpu.memref_slice %arg6[%dma_start3A_203] : memref<33408xf32, #tpu.memory_space<vmem>> -> memref<33408xf32, #tpu.memory_space<vmem>>
    %dma_start3A_205 = arith.constant 0 : i32
    %dma_start3A_206 = tpu.memref_slice %arg2[%add3A_23, %dma_start3A_205] : memref<1664x100000xf32, #tpu.memory_space<hbm>> -> memref<1x100000xf32, #tpu.memory_space<hbm>>
    %dma_start3A_207 = tpu.memref_squeeze %dma_start3A_206 : memref<1x100000xf32, #tpu.memory_space<hbm>> -> memref<100000xf32, #tpu.memory_space<hbm>>
    %dma_start3A_208 = arith.constant 33408 : i32
    %dma_start3A_209 = tpu.memref_slice %dma_start3A_207[%dma_start3A_208] : memref<100000xf32, #tpu.memory_space<hbm>> -> memref<33408xf32, #tpu.memory_space<hbm>>
    %dma_start3A_210 = arith.constant 0 : i32
    %dma_start3A_211 = tpu.memref_slice %arg6[%dma_start3A_210] : memref<33408xf32, #tpu.memory_space<vmem>> -> memref<33408xf32, #tpu.memory_space<vmem>>
    %dma_start3A_212 = arith.constant 0 : i32
    %dma_start3A_213 = tpu.memref_slice %arg2[%add3A_23, %dma_start3A_212] : memref<1664x100000xf32, #tpu.memory_space<hbm>> -> memref<1x100000xf32, #tpu.memory_space<hbm>>
    %dma_start3A_214 = tpu.memref_squeeze %dma_start3A_213 : memref<1x100000xf32, #tpu.memory_space<hbm>> -> memref<100000xf32, #tpu.memory_space<hbm>>
    %dma_start3A_215 = arith.constant 33408 : i32
    %dma_start3A_216 = tpu.memref_slice %dma_start3A_214[%dma_start3A_215] : memref<100000xf32, #tpu.memory_space<hbm>> -> memref<33408xf32, #tpu.memory_space<hbm>>
    tpu.enqueue_dma source(%dma_start3A_216 : memref<33408xf32, #tpu.memory_space<hbm>>) target(%dma_start3A_211 : memref<33408xf32, #tpu.memory_space<vmem>>) target_semaphore(%arg11 : memref<!tpu.dma_semaphore, #tpu.memory_space<semaphore_mem>>)
    %scan3A_217 = arith.constant 0 : i32
    %scan3A_218 = arith.constant 0 : i32
    %scan3A_219 = arith.constant 128 : i32
    %scan3A_220 = arith.addi %scan3A_218, %scan3A_219 : i32
    %scan3A_221 = arith.constant 1 : i32
    %scan3A_222 = scf.for %scan3A_331 = %scan3A_218 to %scan3A_220 step %scan3A_221 iter_args(%scan3A_332 = %scan3A_217) -> (i32)  : i32 {
      %mul3A_333 = arith.constant 128 : i32
      %mul3A_334 = arith.muli %scan3A_331, %mul3A_333 : i32
      %add3A_335 = arith.constant 0 : i32
      %add3A_336 = arith.addi %mul3A_334, %add3A_335 : i32
      %get3A = arith.index_cast %add3A_336 : i32 to index
      %get3A_337 = tpu.vector_load %arg5[%get3A] {strides = array<i32>} : memref<16384xi32, #tpu.memory_space<vmem>>, vector<16xi32>,
      %lt3A_338 = arith.constant 33408 : i32
      %lt3A_339 = vector.broadcast %lt3A_338 : i32 to vector<16xi32>
      %lt3A_340 = arith.cmpi slt, %get3A_337, %lt3A_339 : vector<16xi32>
      %gather3A = tpu.vector_load_idx %arg7[%get3A_337] masked %lt3A_340 : memref<33408xf32, #tpu.memory_space<vmem>>[vector<16xi32>], vector<16xf32>, vector<16xi1>
      %swap3A = arith.index_cast %add3A_336 : i32 to index
      %swap3A_341 = tpu.vector_load %arg10[%swap3A] {strides = array<i32>} : memref<16384xf32, #tpu.memory_space<vmem>>, vector<16xf32>,
      tpu.vector_store %arg10[%swap3A], %gather3A {strides = array<i32>} : memref<16384xf32, #tpu.memory_space<vmem>>, vector<16xf32>,
      %mul3A_342 = arith.constant 128 : i32
      %mul3A_343 = arith.muli %scan3A_331, %mul3A_342 : i32
      %add3A_344 = arith.constant 16 : i32
      %add3A_345 = arith.addi %mul3A_343, %add3A_344 : i32
      %get3A_346 = arith.index_cast %add3A_345 : i32 to index
      %get3A_347 = tpu.vector_load %arg5[%get3A_346] {strides = array<i32>} : memref<16384xi32, #tpu.memory_space<vmem>>, vector<16xi32>,
      %lt3A_348 = arith.constant 33408 : i32
      %lt3A_349 = vector.broadcast %lt3A_348 : i32 to vector<16xi32>
      %lt3A_350 = arith.cmpi slt, %get3A_347, %lt3A_349 : vector<16xi32>
      %gather3A_351 = tpu.vector_load_idx %arg7[%get3A_347] masked %lt3A_350 : memref<33408xf32, #tpu.memory_space<vmem>>[vector<16xi32>], vector<16xf32>, vector<16xi1>
      %swap3A_352 = arith.index_cast %add3A_345 : i32 to index
      %swap3A_353 = tpu.vector_load %arg10[%swap3A_352] {strides = array<i32>} : memref<16384xf32, #tpu.memory_space<vmem>>, vector<16xf32>,
      tpu.vector_store %arg10[%swap3A_352], %gather3A_351 {strides = array<i32>} : memref<16384xf32, #tpu.memory_space<vmem>>, vector<16xf32>,
      %mul3A_354 = arith.constant 128 : i32
      %mul3A_355 = arith.muli %scan3A_331, %mul3A_354 : i32
      %add3A_356 = arith.constant 32 : i32
      %add3A_357 = arith.addi %mul3A_355, %add3A_356 : i32
      %get3A_358 = arith.index_cast %add3A_357 : i32 to index
      %get3A_359 = tpu.vector_load %arg5[%get3A_358] {strides = array<i32>} : memref<16384xi32, #tpu.memory_space<vmem>>, vector<16xi32>,
      %lt3A_360 = arith.constant 33408 : i32
      %lt3A_361 = vector.broadcast %lt3A_360 : i32 to vector<16xi32>
      %lt3A_362 = arith.cmpi slt, %get3A_359, %lt3A_361 : vector<16xi32>
      %gather3A_363 = tpu.vector_load_idx %arg7[%get3A_359] masked %lt3A_362 : memref<33408xf32, #tpu.memory_space<vmem>>[vector<16xi32>], vector<16xf32>, vector<16xi1>
      %swap3A_364 = arith.index_cast %add3A_357 : i32 to index
      %swap3A_365 = tpu.vector_load %arg10[%swap3A_364] {strides = array<i32>} : memref<16384xf32, #tpu.memory_space<vmem>>, vector<16xf32>,
      tpu.vector_store %arg10[%swap3A_364], %gather3A_363 {strides = array<i32>} : memref<16384xf32, #tpu.memory_space<vmem>>, vector<16xf32>,
      %mul3A_366 = arith.constant 128 : i32
      %mul3A_367 = arith.muli %scan3A_331, %mul3A_366 : i32
      %add3A_368 = arith.constant 48 : i32
      %add3A_369 = arith.addi %mul3A_367, %add3A_368 : i32
      %get3A_370 = arith.index_cast %add3A_369 : i32 to index
      %get3A_371 = tpu.vector_load %arg5[%get3A_370] {strides = array<i32>} : memref<16384xi32, #tpu.memory_space<vmem>>, vector<16xi32>,
      %lt3A_372 = arith.constant 33408 : i32
      %lt3A_373 = vector.broadcast %lt3A_372 : i32 to vector<16xi32>
      %lt3A_374 = arith.cmpi slt, %get3A_371, %lt3A_373 : vector<16xi32>
      %gather3A_375 = tpu.vector_load_idx %arg7[%get3A_371] masked %lt3A_374 : memref<33408xf32, #tpu.memory_space<vmem>>[vector<16xi32>], vector<16xf32>, vector<16xi1>
      %swap3A_376 = arith.index_cast %add3A_369 : i32 to index
      %swap3A_377 = tpu.vector_load %arg10[%swap3A_376] {strides = array<i32>} : memref<16384xf32, #tpu.memory_space<vmem>>, vector<16xf32>,
      tpu.vector_store %arg10[%swap3A_376], %gather3A_375 {strides = array<i32>} : memref<16384xf32, #tpu.memory_space<vmem>>, vector<16xf32>,
      %mul3A_378 = arith.constant 128 : i32
      %mul3A_379 = arith.muli %scan3A_331, %mul3A_378 : i32
      %add3A_380 = arith.constant 64 : i32
      %add3A_381 = arith.addi %mul3A_379, %add3A_380 : i32
      %get3A_382 = arith.index_cast %add3A_381 : i32 to index
      %get3A_383 = tpu.vector_load %arg5[%get3A_382] {strides = array<i32>} : memref<16384xi32, #tpu.memory_space<vmem>>, vector<16xi32>,
      %lt3A_384 = arith.constant 33408 : i32
      %lt3A_385 = vector.broadcast %lt3A_384 : i32 to vector<16xi32>
      %lt3A_386 = arith.cmpi slt, %get3A_383, %lt3A_385 : vector<16xi32>
      %gather3A_387 = tpu.vector_load_idx %arg7[%get3A_383] masked %lt3A_386 : memref<33408xf32, #tpu.memory_space<vmem>>[vector<16xi32>], vector<16xf32>, vector<16xi1>
      %swap3A_388 = arith.index_cast %add3A_381 : i32 to index
      %swap3A_389 = tpu.vector_load %arg10[%swap3A_388] {strides = array<i32>} : memref<16384xf32, #tpu.memory_space<vmem>>, vector<16xf32>,
      tpu.vector_store %arg10[%swap3A_388], %gather3A_387 {strides = array<i32>} : memref<16384xf32, #tpu.memory_space<vmem>>, vector<16xf32>,
      %mul3A_390 = arith.constant 128 : i32
      %mul3A_391 = arith.muli %scan3A_331, %mul3A_390 : i32
      %add3A_392 = arith.constant 80 : i32
      %add3A_393 = arith.addi %mul3A_391, %add3A_392 : i32
      %get3A_394 = arith.index_cast %add3A_393 : i32 to index
      %get3A_395 = tpu.vector_load %arg5[%get3A_394] {strides = array<i32>} : memref<16384xi32, #tpu.memory_space<vmem>>, vector<16xi32>,
      %lt3A_396 = arith.constant 33408 : i32
      %lt3A_397 = vector.broadcast %lt3A_396 : i32 to vector<16xi32>
      %lt3A_398 = arith.cmpi slt, %get3A_395, %lt3A_397 : vector<16xi32>
      %gather3A_399 = tpu.vector_load_idx %arg7[%get3A_395] masked %lt3A_398 : memref<33408xf32, #tpu.memory_space<vmem>>[vector<16xi32>], vector<16xf32>, vector<16xi1>
      %swap3A_400 = arith.index_cast %add3A_393 : i32 to index
      %swap3A_401 = tpu.vector_load %arg10[%swap3A_400] {strides = array<i32>} : memref<16384xf32, #tpu.memory_space<vmem>>, vector<16xf32>,
      tpu.vector_store %arg10[%swap3A_400], %gather3A_399 {strides = array<i32>} : memref<16384xf32, #tpu.memory_space<vmem>>, vector<16xf32>,
      %mul3A_402 = arith.constant 128 : i32
      %mul3A_403 = arith.muli %scan3A_331, %mul3A_402 : i32
      %add3A_404 = arith.constant 96 : i32
      %add3A_405 = arith.addi %mul3A_403, %add3A_404 : i32
      %get3A_406 = arith.index_cast %add3A_405 : i32 to index
      %get3A_407 = tpu.vector_load %arg5[%get3A_406] {strides = array<i32>} : memref<16384xi32, #tpu.memory_space<vmem>>, vector<16xi32>,
      %lt3A_408 = arith.constant 33408 : i32
      %lt3A_409 = vector.broadcast %lt3A_408 : i32 to vector<16xi32>
      %lt3A_410 = arith.cmpi slt, %get3A_407, %lt3A_409 : vector<16xi32>
      %gather3A_411 = tpu.vector_load_idx %arg7[%get3A_407] masked %lt3A_410 : memref<33408xf32, #tpu.memory_space<vmem>>[vector<16xi32>], vector<16xf32>, vector<16xi1>
      %swap3A_412 = arith.index_cast %add3A_405 : i32 to index
      %swap3A_413 = tpu.vector_load %arg10[%swap3A_412] {strides = array<i32>} : memref<16384xf32, #tpu.memory_space<vmem>>, vector<16xf32>,
      tpu.vector_store %arg10[%swap3A_412], %gather3A_411 {strides = array<i32>} : memref<16384xf32, #tpu.memory_space<vmem>>, vector<16xf32>,
      %mul3A_414 = arith.constant 128 : i32
      %mul3A_415 = arith.muli %scan3A_331, %mul3A_414 : i32
      %add3A_416 = arith.constant 112 : i32
      %add3A_417 = arith.addi %mul3A_415, %add3A_416 : i32
      %get3A_418 = arith.index_cast %add3A_417 : i32 to index
      %get3A_419 = tpu.vector_load %arg5[%get3A_418] {strides = array<i32>} : memref<16384xi32, #tpu.memory_space<vmem>>, vector<16xi32>,
      %lt3A_420 = arith.constant 33408 : i32
      %lt3A_421 = vector.broadcast %lt3A_420 : i32 to vector<16xi32>
      %lt3A_422 = arith.cmpi slt, %get3A_419, %lt3A_421 : vector<16xi32>
      %gather3A_423 = tpu.vector_load_idx %arg7[%get3A_419] masked %lt3A_422 : memref<33408xf32, #tpu.memory_space<vmem>>[vector<16xi32>], vector<16xf32>, vector<16xi1>
      %swap3A_424 = arith.index_cast %add3A_417 : i32 to index
      %swap3A_425 = tpu.vector_load %arg10[%swap3A_424] {strides = array<i32>} : memref<16384xf32, #tpu.memory_space<vmem>>, vector<16xf32>,
      tpu.vector_store %arg10[%swap3A_424], %gather3A_423 {strides = array<i32>} : memref<16384xf32, #tpu.memory_space<vmem>>, vector<16xf32>,
      %scan3A_426 = arith.constant 0 : i32
      scf.yield %scan3A_426 : i32
    }
    %scan3A_223 = arith.constant 128 : i32
    %dma_wait3A_224 = arith.constant 0 : i32
    %dma_wait3A_225 = tpu.memref_slice %arg6[%dma_wait3A_224] : memref<33408xf32, #tpu.memory_space<vmem>> -> memref<33408xf32, #tpu.memory_space<vmem>>
    %dma_wait3A_226 = arith.constant 0 : i32
    %dma_wait3A_227 = tpu.memref_slice %arg2[%add3A_23, %dma_wait3A_226] : memref<1664x100000xf32, #tpu.memory_space<hbm>> -> memref<1x100000xf32, #tpu.memory_space<hbm>>
    %dma_wait3A_228 = tpu.memref_squeeze %dma_wait3A_227 : memref<1x100000xf32, #tpu.memory_space<hbm>> -> memref<100000xf32, #tpu.memory_space<hbm>>
    %dma_wait3A_229 = arith.constant 33408 : i32
    %dma_wait3A_230 = tpu.memref_slice %dma_wait3A_228[%dma_wait3A_229] : memref<100000xf32, #tpu.memory_space<hbm>> -> memref<33408xf32, #tpu.memory_space<hbm>>
    %dma_wait3A_231 = arith.constant 0 : i32
    %dma_wait3A_232 = tpu.memref_slice %arg6[%dma_wait3A_231] : memref<33408xf32, #tpu.memory_space<vmem>> -> memref<33408xf32, #tpu.memory_space<vmem>>
    %dma_wait3A_233 = arith.constant 0 : i32
    %dma_wait3A_234 = tpu.memref_slice %arg2[%add3A_23, %dma_wait3A_233] : memref<1664x100000xf32, #tpu.memory_space<hbm>> -> memref<1x100000xf32, #tpu.memory_space<hbm>>
    %dma_wait3A_235 = tpu.memref_squeeze %dma_wait3A_234 : memref<1x100000xf32, #tpu.memory_space<hbm>> -> memref<100000xf32, #tpu.memory_space<hbm>>
    %dma_wait3A_236 = arith.constant 33408 : i32
    %dma_wait3A_237 = tpu.memref_slice %dma_wait3A_235[%dma_wait3A_236] : memref<100000xf32, #tpu.memory_space<hbm>> -> memref<33408xf32, #tpu.memory_space<hbm>>
    tpu.wait_dma2 semaphore(%arg11 : memref<!tpu.dma_semaphore, #tpu.memory_space<semaphore_mem>>) src(%dma_wait3A_237 : memref<33408xf32, #tpu.memory_space<hbm>>) dst(%dma_wait3A_232 : memref<33408xf32, #tpu.memory_space<vmem>>)
    %dma_start3A_238 = arith.constant 0 : i32
    %dma_start3A_239 = tpu.memref_slice %arg7[%dma_start3A_238] : memref<33408xf32, #tpu.memory_space<vmem>> -> memref<33152xf32, #tpu.memory_space<vmem>>
    %dma_start3A_240 = arith.constant 0 : i32
    %dma_start3A_241 = tpu.memref_slice %arg2[%add3A_23, %dma_start3A_240] : memref<1664x100000xf32, #tpu.memory_space<hbm>> -> memref<1x100000xf32, #tpu.memory_space<hbm>>
    %dma_start3A_242 = tpu.memref_squeeze %dma_start3A_241 : memref<1x100000xf32, #tpu.memory_space<hbm>> -> memref<100000xf32, #tpu.memory_space<hbm>>
    %dma_start3A_243 = arith.constant 66816 : i32
    %dma_start3A_244 = tpu.memref_slice %dma_start3A_242[%dma_start3A_243] : memref<100000xf32, #tpu.memory_space<hbm>> -> memref<33152xf32, #tpu.memory_space<hbm>>
    %dma_start3A_245 = arith.constant 0 : i32
    %dma_start3A_246 = tpu.memref_slice %arg7[%dma_start3A_245] : memref<33408xf32, #tpu.memory_space<vmem>> -> memref<33152xf32, #tpu.memory_space<vmem>>
    %dma_start3A_247 = arith.constant 0 : i32
    %dma_start3A_248 = tpu.memref_slice %arg2[%add3A_23, %dma_start3A_247] : memref<1664x100000xf32, #tpu.memory_space<hbm>> -> memref<1x100000xf32, #tpu.memory_space<hbm>>
    %dma_start3A_249 = tpu.memref_squeeze %dma_start3A_248 : memref<1x100000xf32, #tpu.memory_space<hbm>> -> memref<100000xf32, #tpu.memory_space<hbm>>
    %dma_start3A_250 = arith.constant 66816 : i32
    %dma_start3A_251 = tpu.memref_slice %dma_start3A_249[%dma_start3A_250] : memref<100000xf32, #tpu.memory_space<hbm>> -> memref<33152xf32, #tpu.memory_space<hbm>>
    tpu.enqueue_dma source(%dma_start3A_251 : memref<33152xf32, #tpu.memory_space<hbm>>) target(%dma_start3A_246 : memref<33152xf32, #tpu.memory_space<vmem>>) target_semaphore(%arg12 : memref<!tpu.dma_semaphore, #tpu.memory_space<semaphore_mem>>)
    %scan3A_252 = arith.constant 0 : i32
    %scan3A_253 = arith.constant 0 : i32
    %scan3A_254 = arith.constant 128 : i32
    %scan3A_255 = arith.addi %scan3A_253, %scan3A_254 : i32
    %scan3A_256 = arith.constant 1 : i32
    %scan3A_257 = scf.for %scan3A_331 = %scan3A_253 to %scan3A_255 step %scan3A_256 iter_args(%scan3A_332 = %scan3A_252) -> (i32)  : i32 {
      %mul3A_333 = arith.constant 128 : i32
      %mul3A_334 = arith.muli %scan3A_331, %mul3A_333 : i32
      %add3A_335 = arith.constant 0 : i32
      %add3A_336 = arith.addi %mul3A_334, %add3A_335 : i32
      %get3A = arith.index_cast %add3A_336 : i32 to index
      %get3A_337 = tpu.vector_load %arg5[%get3A] {strides = array<i32>} : memref<16384xi32, #tpu.memory_space<vmem>>, vector<16xi32>,
      %sub3A_338 = arith.constant 33408 : i32
      %sub3A_339 = vector.broadcast %sub3A_338 : i32 to vector<16xi32>
      %sub3A_340 = arith.subi %get3A_337, %sub3A_339 : vector<16xi32>
      %ge3A_341 = arith.constant 0 : i32
      %ge3A_342 = vector.broadcast %ge3A_341 : i32 to vector<16xi32>
      %ge3A_343 = arith.cmpi sge, %sub3A_340, %ge3A_342 : vector<16xi32>
      %lt3A_344 = arith.constant 33408 : i32
      %lt3A_345 = vector.broadcast %lt3A_344 : i32 to vector<16xi32>
      %lt3A_346 = arith.cmpi slt, %sub3A_340, %lt3A_345 : vector<16xi32>
      %and3A = arith.andi %ge3A_343, %lt3A_346 : vector<16xi1>
      %gather3A = tpu.vector_load_idx %arg6[%sub3A_340] masked %and3A : memref<33408xf32, #tpu.memory_space<vmem>>[vector<16xi32>], vector<16xf32>, vector<16xi1>
      %get3A_347 = arith.index_cast %add3A_336 : i32 to index
      %get3A_348 = tpu.vector_load %arg10[%get3A_347] {strides = array<i32>} : memref<16384xf32, #tpu.memory_space<vmem>>, vector<16xf32>,
      %select_n3A = arith.select %and3A, %gather3A, %get3A_348 : vector<16xi1>, vector<16xf32>
      %swap3A = arith.index_cast %add3A_336 : i32 to index
      %swap3A_349 = tpu.vector_load %arg10[%swap3A] {strides = array<i32>} : memref<16384xf32, #tpu.memory_space<vmem>>, vector<16xf32>,
      tpu.vector_store %arg10[%swap3A], %select_n3A {strides = array<i32>} : memref<16384xf32, #tpu.memory_space<vmem>>, vector<16xf32>,
      %mul3A_350 = arith.constant 128 : i32
      %mul3A_351 = arith.muli %scan3A_331, %mul3A_350 : i32
      %add3A_352 = arith.constant 16 : i32
      %add3A_353 = arith.addi %mul3A_351, %add3A_352 : i32
      %get3A_354 = arith.index_cast %add3A_353 : i32 to index
      %get3A_355 = tpu.vector_load %arg5[%get3A_354] {strides = array<i32>} : memref<16384xi32, #tpu.memory_space<vmem>>, vector<16xi32>,
      %sub3A_356 = arith.constant 33408 : i32
      %sub3A_357 = vector.broadcast %sub3A_356 : i32 to vector<16xi32>
      %sub3A_358 = arith.subi %get3A_355, %sub3A_357 : vector<16xi32>
      %ge3A_359 = arith.constant 0 : i32
      %ge3A_360 = vector.broadcast %ge3A_359 : i32 to vector<16xi32>
      %ge3A_361 = arith.cmpi sge, %sub3A_358, %ge3A_360 : vector<16xi32>
      %lt3A_362 = arith.constant 33408 : i32
      %lt3A_363 = vector.broadcast %lt3A_362 : i32 to vector<16xi32>
      %lt3A_364 = arith.cmpi slt, %sub3A_358, %lt3A_363 : vector<16xi32>
      %and3A_365 = arith.andi %ge3A_361, %lt3A_364 : vector<16xi1>
      %gather3A_366 = tpu.vector_load_idx %arg6[%sub3A_358] masked %and3A_365 : memref<33408xf32, #tpu.memory_space<vmem>>[vector<16xi32>], vector<16xf32>, vector<16xi1>
      %get3A_367 = arith.index_cast %add3A_353 : i32 to index
      %get3A_368 = tpu.vector_load %arg10[%get3A_367] {strides = array<i32>} : memref<16384xf32, #tpu.memory_space<vmem>>, vector<16xf32>,
      %select_n3A_369 = arith.select %and3A_365, %gather3A_366, %get3A_368 : vector<16xi1>, vector<16xf32>
      %swap3A_370 = arith.index_cast %add3A_353 : i32 to index
      %swap3A_371 = tpu.vector_load %arg10[%swap3A_370] {strides = array<i32>} : memref<16384xf32, #tpu.memory_space<vmem>>, vector<16xf32>,
      tpu.vector_store %arg10[%swap3A_370], %select_n3A_369 {strides = array<i32>} : memref<16384xf32, #tpu.memory_space<vmem>>, vector<16xf32>,
      %mul3A_372 = arith.constant 128 : i32
      %mul3A_373 = arith.muli %scan3A_331, %mul3A_372 : i32
      %add3A_374 = arith.constant 32 : i32
      %add3A_375 = arith.addi %mul3A_373, %add3A_374 : i32
      %get3A_376 = arith.index_cast %add3A_375 : i32 to index
      %get3A_377 = tpu.vector_load %arg5[%get3A_376] {strides = array<i32>} : memref<16384xi32, #tpu.memory_space<vmem>>, vector<16xi32>,
      %sub3A_378 = arith.constant 33408 : i32
      %sub3A_379 = vector.broadcast %sub3A_378 : i32 to vector<16xi32>
      %sub3A_380 = arith.subi %get3A_377, %sub3A_379 : vector<16xi32>
      %ge3A_381 = arith.constant 0 : i32
      %ge3A_382 = vector.broadcast %ge3A_381 : i32 to vector<16xi32>
      %ge3A_383 = arith.cmpi sge, %sub3A_380, %ge3A_382 : vector<16xi32>
      %lt3A_384 = arith.constant 33408 : i32
      %lt3A_385 = vector.broadcast %lt3A_384 : i32 to vector<16xi32>
      %lt3A_386 = arith.cmpi slt, %sub3A_380, %lt3A_385 : vector<16xi32>
      %and3A_387 = arith.andi %ge3A_383, %lt3A_386 : vector<16xi1>
      %gather3A_388 = tpu.vector_load_idx %arg6[%sub3A_380] masked %and3A_387 : memref<33408xf32, #tpu.memory_space<vmem>>[vector<16xi32>], vector<16xf32>, vector<16xi1>
      %get3A_389 = arith.index_cast %add3A_375 : i32 to index
      %get3A_390 = tpu.vector_load %arg10[%get3A_389] {strides = array<i32>} : memref<16384xf32, #tpu.memory_space<vmem>>, vector<16xf32>,
      %select_n3A_391 = arith.select %and3A_387, %gather3A_388, %get3A_390 : vector<16xi1>, vector<16xf32>
      %swap3A_392 = arith.index_cast %add3A_375 : i32 to index
      %swap3A_393 = tpu.vector_load %arg10[%swap3A_392] {strides = array<i32>} : memref<16384xf32, #tpu.memory_space<vmem>>, vector<16xf32>,
      tpu.vector_store %arg10[%swap3A_392], %select_n3A_391 {strides = array<i32>} : memref<16384xf32, #tpu.memory_space<vmem>>, vector<16xf32>,
      %mul3A_394 = arith.constant 128 : i32
      %mul3A_395 = arith.muli %scan3A_331, %mul3A_394 : i32
      %add3A_396 = arith.constant 48 : i32
      %add3A_397 = arith.addi %mul3A_395, %add3A_396 : i32
      %get3A_398 = arith.index_cast %add3A_397 : i32 to index
      %get3A_399 = tpu.vector_load %arg5[%get3A_398] {strides = array<i32>} : memref<16384xi32, #tpu.memory_space<vmem>>, vector<16xi32>,
      %sub3A_400 = arith.constant 33408 : i32
      %sub3A_401 = vector.broadcast %sub3A_400 : i32 to vector<16xi32>
      %sub3A_402 = arith.subi %get3A_399, %sub3A_401 : vector<16xi32>
      %ge3A_403 = arith.constant 0 : i32
      %ge3A_404 = vector.broadcast %ge3A_403 : i32 to vector<16xi32>
      %ge3A_405 = arith.cmpi sge, %sub3A_402, %ge3A_404 : vector<16xi32>
      %lt3A_406 = arith.constant 33408 : i32
      %lt3A_407 = vector.broadcast %lt3A_406 : i32 to vector<16xi32>
      %lt3A_408 = arith.cmpi slt, %sub3A_402, %lt3A_407 : vector<16xi32>
      %and3A_409 = arith.andi %ge3A_405, %lt3A_408 : vector<16xi1>
      %gather3A_410 = tpu.vector_load_idx %arg6[%sub3A_402] masked %and3A_409 : memref<33408xf32, #tpu.memory_space<vmem>>[vector<16xi32>], vector<16xf32>, vector<16xi1>
      %get3A_411 = arith.index_cast %add3A_397 : i32 to index
      %get3A_412 = tpu.vector_load %arg10[%get3A_411] {strides = array<i32>} : memref<16384xf32, #tpu.memory_space<vmem>>, vector<16xf32>,
      %select_n3A_413 = arith.select %and3A_409, %gather3A_410, %get3A_412 : vector<16xi1>, vector<16xf32>
      %swap3A_414 = arith.index_cast %add3A_397 : i32 to index
      %swap3A_415 = tpu.vector_load %arg10[%swap3A_414] {strides = array<i32>} : memref<16384xf32, #tpu.memory_space<vmem>>, vector<16xf32>,
      tpu.vector_store %arg10[%swap3A_414], %select_n3A_413 {strides = array<i32>} : memref<16384xf32, #tpu.memory_space<vmem>>, vector<16xf32>,
      %mul3A_416 = arith.constant 128 : i32
      %mul3A_417 = arith.muli %scan3A_331, %mul3A_416 : i32
      %add3A_418 = arith.constant 64 : i32
      %add3A_419 = arith.addi %mul3A_417, %add3A_418 : i32
      %get3A_420 = arith.index_cast %add3A_419 : i32 to index
      %get3A_421 = tpu.vector_load %arg5[%get3A_420] {strides = array<i32>} : memref<16384xi32, #tpu.memory_space<vmem>>, vector<16xi32>,
      %sub3A_422 = arith.constant 33408 : i32
      %sub3A_423 = vector.broadcast %sub3A_422 : i32 to vector<16xi32>
      %sub3A_424 = arith.subi %get3A_421, %sub3A_423 : vector<16xi32>
      %ge3A_425 = arith.constant 0 : i32
      %ge3A_426 = vector.broadcast %ge3A_425 : i32 to vector<16xi32>
      %ge3A_427 = arith.cmpi sge, %sub3A_424, %ge3A_426 : vector<16xi32>
      %lt3A_428 = arith.constant 33408 : i32
      %lt3A_429 = vector.broadcast %lt3A_428 : i32 to vector<16xi32>
      %lt3A_430 = arith.cmpi slt, %sub3A_424, %lt3A_429 : vector<16xi32>
      %and3A_431 = arith.andi %ge3A_427, %lt3A_430 : vector<16xi1>
      %gather3A_432 = tpu.vector_load_idx %arg6[%sub3A_424] masked %and3A_431 : memref<33408xf32, #tpu.memory_space<vmem>>[vector<16xi32>], vector<16xf32>, vector<16xi1>
      %get3A_433 = arith.index_cast %add3A_419 : i32 to index
      %get3A_434 = tpu.vector_load %arg10[%get3A_433] {strides = array<i32>} : memref<16384xf32, #tpu.memory_space<vmem>>, vector<16xf32>,
      %select_n3A_435 = arith.select %and3A_431, %gather3A_432, %get3A_434 : vector<16xi1>, vector<16xf32>
      %swap3A_436 = arith.index_cast %add3A_419 : i32 to index
      %swap3A_437 = tpu.vector_load %arg10[%swap3A_436] {strides = array<i32>} : memref<16384xf32, #tpu.memory_space<vmem>>, vector<16xf32>,
      tpu.vector_store %arg10[%swap3A_436], %select_n3A_435 {strides = array<i32>} : memref<16384xf32, #tpu.memory_space<vmem>>, vector<16xf32>,
      %mul3A_438 = arith.constant 128 : i32
      %mul3A_439 = arith.muli %scan3A_331, %mul3A_438 : i32
      %add3A_440 = arith.constant 80 : i32
      %add3A_441 = arith.addi %mul3A_439, %add3A_440 : i32
      %get3A_442 = arith.index_cast %add3A_441 : i32 to index
      %get3A_443 = tpu.vector_load %arg5[%get3A_442] {strides = array<i32>} : memref<16384xi32, #tpu.memory_space<vmem>>, vector<16xi32>,
      %sub3A_444 = arith.constant 33408 : i32
      %sub3A_445 = vector.broadcast %sub3A_444 : i32 to vector<16xi32>
      %sub3A_446 = arith.subi %get3A_443, %sub3A_445 : vector<16xi32>
      %ge3A_447 = arith.constant 0 : i32
      %ge3A_448 = vector.broadcast %ge3A_447 : i32 to vector<16xi32>
      %ge3A_449 = arith.cmpi sge, %sub3A_446, %ge3A_448 : vector<16xi32>
      %lt3A_450 = arith.constant 33408 : i32
      %lt3A_451 = vector.broadcast %lt3A_450 : i32 to vector<16xi32>
      %lt3A_452 = arith.cmpi slt, %sub3A_446, %lt3A_451 : vector<16xi32>
      %and3A_453 = arith.andi %ge3A_449, %lt3A_452 : vector<16xi1>
      %gather3A_454 = tpu.vector_load_idx %arg6[%sub3A_446] masked %and3A_453 : memref<33408xf32, #tpu.memory_space<vmem>>[vector<16xi32>], vector<16xf32>, vector<16xi1>
      %get3A_455 = arith.index_cast %add3A_441 : i32 to index
      %get3A_456 = tpu.vector_load %arg10[%get3A_455] {strides = array<i32>} : memref<16384xf32, #tpu.memory_space<vmem>>, vector<16xf32>,
      %select_n3A_457 = arith.select %and3A_453, %gather3A_454, %get3A_456 : vector<16xi1>, vector<16xf32>
      %swap3A_458 = arith.index_cast %add3A_441 : i32 to index
      %swap3A_459 = tpu.vector_load %arg10[%swap3A_458] {strides = array<i32>} : memref<16384xf32, #tpu.memory_space<vmem>>, vector<16xf32>,
      tpu.vector_store %arg10[%swap3A_458], %select_n3A_457 {strides = array<i32>} : memref<16384xf32, #tpu.memory_space<vmem>>, vector<16xf32>,
      %mul3A_460 = arith.constant 128 : i32
      %mul3A_461 = arith.muli %scan3A_331, %mul3A_460 : i32
      %add3A_462 = arith.constant 96 : i32
      %add3A_463 = arith.addi %mul3A_461, %add3A_462 : i32
      %get3A_464 = arith.index_cast %add3A_463 : i32 to index
      %get3A_465 = tpu.vector_load %arg5[%get3A_464] {strides = array<i32>} : memref<16384xi32, #tpu.memory_space<vmem>>, vector<16xi32>,
      %sub3A_466 = arith.constant 33408 : i32
      %sub3A_467 = vector.broadcast %sub3A_466 : i32 to vector<16xi32>
      %sub3A_468 = arith.subi %get3A_465, %sub3A_467 : vector<16xi32>
      %ge3A_469 = arith.constant 0 : i32
      %ge3A_470 = vector.broadcast %ge3A_469 : i32 to vector<16xi32>
      %ge3A_471 = arith.cmpi sge, %sub3A_468, %ge3A_470 : vector<16xi32>
      %lt3A_472 = arith.constant 33408 : i32
      %lt3A_473 = vector.broadcast %lt3A_472 : i32 to vector<16xi32>
      %lt3A_474 = arith.cmpi slt, %sub3A_468, %lt3A_473 : vector<16xi32>
      %and3A_475 = arith.andi %ge3A_471, %lt3A_474 : vector<16xi1>
      %gather3A_476 = tpu.vector_load_idx %arg6[%sub3A_468] masked %and3A_475 : memref<33408xf32, #tpu.memory_space<vmem>>[vector<16xi32>], vector<16xf32>, vector<16xi1>
      %get3A_477 = arith.index_cast %add3A_463 : i32 to index
      %get3A_478 = tpu.vector_load %arg10[%get3A_477] {strides = array<i32>} : memref<16384xf32, #tpu.memory_space<vmem>>, vector<16xf32>,
      %select_n3A_479 = arith.select %and3A_475, %gather3A_476, %get3A_478 : vector<16xi1>, vector<16xf32>
      %swap3A_480 = arith.index_cast %add3A_463 : i32 to index
      %swap3A_481 = tpu.vector_load %arg10[%swap3A_480] {strides = array<i32>} : memref<16384xf32, #tpu.memory_space<vmem>>, vector<16xf32>,
      tpu.vector_store %arg10[%swap3A_480], %select_n3A_479 {strides = array<i32>} : memref<16384xf32, #tpu.memory_space<vmem>>, vector<16xf32>,
      %mul3A_482 = arith.constant 128 : i32
      %mul3A_483 = arith.muli %scan3A_331, %mul3A_482 : i32
      %add3A_484 = arith.constant 112 : i32
      %add3A_485 = arith.addi %mul3A_483, %add3A_484 : i32
      %get3A_486 = arith.index_cast %add3A_485 : i32 to index
      %get3A_487 = tpu.vector_load %arg5[%get3A_486] {strides = array<i32>} : memref<16384xi32, #tpu.memory_space<vmem>>, vector<16xi32>,
      %sub3A_488 = arith.constant 33408 : i32
      %sub3A_489 = vector.broadcast %sub3A_488 : i32 to vector<16xi32>
      %sub3A_490 = arith.subi %get3A_487, %sub3A_489 : vector<16xi32>
      %ge3A_491 = arith.constant 0 : i32
      %ge3A_492 = vector.broadcast %ge3A_491 : i32 to vector<16xi32>
      %ge3A_493 = arith.cmpi sge, %sub3A_490, %ge3A_492 : vector<16xi32>
      %lt3A_494 = arith.constant 33408 : i32
      %lt3A_495 = vector.broadcast %lt3A_494 : i32 to vector<16xi32>
      %lt3A_496 = arith.cmpi slt, %sub3A_490, %lt3A_495 : vector<16xi32>
      %and3A_497 = arith.andi %ge3A_493, %lt3A_496 : vector<16xi1>
      %gather3A_498 = tpu.vector_load_idx %arg6[%sub3A_490] masked %and3A_497 : memref<33408xf32, #tpu.memory_space<vmem>>[vector<16xi32>], vector<16xf32>, vector<16xi1>
      %get3A_499 = arith.index_cast %add3A_485 : i32 to index
      %get3A_500 = tpu.vector_load %arg10[%get3A_499] {strides = array<i32>} : memref<16384xf32, #tpu.memory_space<vmem>>, vector<16xf32>,
      %select_n3A_501 = arith.select %and3A_497, %gather3A_498, %get3A_500 : vector<16xi1>, vector<16xf32>
      %swap3A_502 = arith.index_cast %add3A_485 : i32 to index
      %swap3A_503 = tpu.vector_load %arg10[%swap3A_502] {strides = array<i32>} : memref<16384xf32, #tpu.memory_space<vmem>>, vector<16xf32>,
      tpu.vector_store %arg10[%swap3A_502], %select_n3A_501 {strides = array<i32>} : memref<16384xf32, #tpu.memory_space<vmem>>, vector<16xf32>,
      %scan3A_504 = arith.constant 0 : i32
      scf.yield %scan3A_504 : i32
    }
    %scan3A_258 = arith.constant 128 : i32
    %dma_wait3A_259 = arith.constant 0 : i32
    %dma_wait3A_260 = tpu.memref_slice %arg7[%dma_wait3A_259] : memref<33408xf32, #tpu.memory_space<vmem>> -> memref<33152xf32, #tpu.memory_space<vmem>>
    %dma_wait3A_261 = arith.constant 0 : i32
    %dma_wait3A_262 = tpu.memref_slice %arg2[%add3A_23, %dma_wait3A_261] : memref<1664x100000xf32, #tpu.memory_space<hbm>> -> memref<1x100000xf32, #tpu.memory_space<hbm>>
    %dma_wait3A_263 = tpu.memref_squeeze %dma_wait3A_262 : memref<1x100000xf32, #tpu.memory_space<hbm>> -> memref<100000xf32, #tpu.memory_space<hbm>>
    %dma_wait3A_264 = arith.constant 66816 : i32
    %dma_wait3A_265 = tpu.memref_slice %dma_wait3A_263[%dma_wait3A_264] : memref<100000xf32, #tpu.memory_space<hbm>> -> memref<33152xf32, #tpu.memory_space<hbm>>
    %dma_wait3A_266 = arith.constant 0 : i32
    %dma_wait3A_267 = tpu.memref_slice %arg7[%dma_wait3A_266] : memref<33408xf32, #tpu.memory_space<vmem>> -> memref<33152xf32, #tpu.memory_space<vmem>>
    %dma_wait3A_268 = arith.constant 0 : i32
    %dma_wait3A_269 = tpu.memref_slice %arg2[%add3A_23, %dma_wait3A_268] : memref<1664x100000xf32, #tpu.memory_space<hbm>> -> memref<1x100000xf32, #tpu.memory_space<hbm>>
    %dma_wait3A_270 = tpu.memref_squeeze %dma_wait3A_269 : memref<1x100000xf32, #tpu.memory_space<hbm>> -> memref<100000xf32, #tpu.memory_space<hbm>>
    %dma_wait3A_271 = arith.constant 66816 : i32
    %dma_wait3A_272 = tpu.memref_slice %dma_wait3A_270[%dma_wait3A_271] : memref<100000xf32, #tpu.memory_space<hbm>> -> memref<33152xf32, #tpu.memory_space<hbm>>
    tpu.wait_dma2 semaphore(%arg12 : memref<!tpu.dma_semaphore, #tpu.memory_space<semaphore_mem>>) src(%dma_wait3A_272 : memref<33152xf32, #tpu.memory_space<hbm>>) dst(%dma_wait3A_267 : memref<33152xf32, #tpu.memory_space<vmem>>)
    %lt3A = arith.constant 0 : i32
    %lt3A_273 = arith.cmpi slt, %scan3A_18, %lt3A : i32
    %convert_element_type3A_274 = arith.extui %lt3A_273 : i1 to i32
    %cond3A_275 = arith.constant 0 : i32
    %cond3A_276 = arith.cmpi ne, %convert_element_type3A_274, %cond3A_275 : i32
    scf.if %cond3A_276 {
      %add3A_331 = arith.constant 1 : i32
      %add3A_332 = arith.addi %add3A_23, %add3A_331 : i32
      %dma_start3A_333 = arith.constant 0 : i32
      %dma_start3A_334 = tpu.memref_slice %arg6[%dma_start3A_333] : memref<33408xf32, #tpu.memory_space<vmem>> -> memref<33408xf32, #tpu.memory_space<vmem>>
      %dma_start3A_335 = arith.constant 0 : i32
      %dma_start3A_336 = tpu.memref_slice %arg2[%add3A_332, %dma_start3A_335] : memref<1664x100000xf32, #tpu.memory_space<hbm>> -> memref<1x100000xf32, #tpu.memory_space<hbm>>
      %dma_start3A_337 = tpu.memref_squeeze %dma_start3A_336 : memref<1x100000xf32, #tpu.memory_space<hbm>> -> memref<100000xf32, #tpu.memory_space<hbm>>
      %dma_start3A_338 = arith.constant 0 : i32
      %dma_start3A_339 = tpu.memref_slice %dma_start3A_337[%dma_start3A_338] : memref<100000xf32, #tpu.memory_space<hbm>> -> memref<33408xf32, #tpu.memory_space<hbm>>
      %dma_start3A_340 = arith.constant 0 : i32
      %dma_start3A_341 = tpu.memref_slice %arg6[%dma_start3A_340] : memref<33408xf32, #tpu.memory_space<vmem>> -> memref<33408xf32, #tpu.memory_space<vmem>>
      %dma_start3A_342 = arith.constant 0 : i32
      %dma_start3A_343 = tpu.memref_slice %arg2[%add3A_332, %dma_start3A_342] : memref<1664x100000xf32, #tpu.memory_space<hbm>> -> memref<1x100000xf32, #tpu.memory_space<hbm>>
      %dma_start3A_344 = tpu.memref_squeeze %dma_start3A_343 : memref<1x100000xf32, #tpu.memory_space<hbm>> -> memref<100000xf32, #tpu.memory_space<hbm>>
      %dma_start3A_345 = arith.constant 0 : i32
      %dma_start3A_346 = tpu.memref_slice %dma_start3A_344[%dma_start3A_345] : memref<100000xf32, #tpu.memory_space<hbm>> -> memref<33408xf32, #tpu.memory_space<hbm>>
      tpu.enqueue_dma source(%dma_start3A_346 : memref<33408xf32, #tpu.memory_space<hbm>>) target(%dma_start3A_341 : memref<33408xf32, #tpu.memory_space<vmem>>) target_semaphore(%arg11 : memref<!tpu.dma_semaphore, #tpu.memory_space<semaphore_mem>>)
    } else {
    }
    %dma_wait3A_277 = arith.constant 0 : i32
    %dma_wait3A_278 = tpu.memref_slice %arg8[%dma_wait3A_277] : memref<32xf32, #tpu.memory_space<vmem>> -> memref<32xf32, #tpu.memory_space<vmem>>
    %dma_wait3A_279 = arith.constant 0 : i32
    %dma_wait3A_280 = tpu.memref_slice %arg2[%add3A_23, %dma_wait3A_279] : memref<1664x100000xf32, #tpu.memory_space<hbm>> -> memref<1x100000xf32, #tpu.memory_space<hbm>>
    %dma_wait3A_281 = tpu.memref_squeeze %dma_wait3A_280 : memref<1x100000xf32, #tpu.memory_space<hbm>> -> memref<100000xf32, #tpu.memory_space<hbm>>
    %dma_wait3A_282 = arith.constant 99968 : i32
    %dma_wait3A_283 = tpu.memref_slice %dma_wait3A_281[%dma_wait3A_282] : memref<100000xf32, #tpu.memory_space<hbm>> -> memref<32xf32, #tpu.memory_space<hbm>>
    %dma_wait3A_284 = arith.constant 0 : i32
    %dma_wait3A_285 = tpu.memref_slice %arg8[%dma_wait3A_284] : memref<32xf32, #tpu.memory_space<vmem>> -> memref<32xf32, #tpu.memory_space<vmem>>
    %dma_wait3A_286 = arith.constant 0 : i32
    %dma_wait3A_287 = tpu.memref_slice %arg2[%add3A_23, %dma_wait3A_286] : memref<1664x100000xf32, #tpu.memory_space<hbm>> -> memref<1x100000xf32, #tpu.memory_space<hbm>>
    %dma_wait3A_288 = tpu.memref_squeeze %dma_wait3A_287 : memref<1x100000xf32, #tpu.memory_space<hbm>> -> memref<100000xf32, #tpu.memory_space<hbm>>
    %dma_wait3A_289 = arith.constant 99968 : i32
    %dma_wait3A_290 = tpu.memref_slice %dma_wait3A_288[%dma_wait3A_289] : memref<100000xf32, #tpu.memory_space<hbm>> -> memref<32xf32, #tpu.memory_space<hbm>>
    tpu.wait_dma2 semaphore(%arg13 : memref<!tpu.dma_semaphore, #tpu.memory_space<semaphore_mem>>) src(%dma_wait3A_290 : memref<32xf32, #tpu.memory_space<hbm>>) dst(%dma_wait3A_285 : memref<32xf32, #tpu.memory_space<vmem>>)
    %scan3A_291 = arith.constant 0 : i32
    %scan3A_292 = arith.constant 0 : i32
    %scan3A_293 = arith.constant 128 : i32
    %scan3A_294 = arith.addi %scan3A_292, %scan3A_293 : i32
    %scan3A_295 = arith.constant 1 : i32
    %scan3A_296 = scf.for %scan3A_331 = %scan3A_292 to %scan3A_294 step %scan3A_295 iter_args(%scan3A_332 = %scan3A_291) -> (i32)  : i32 {
      %mul3A_333 = arith.constant 128 : i32
      %mul3A_334 = arith.muli %scan3A_331, %mul3A_333 : i32
      %add3A_335 = arith.constant 0 : i32
      %add3A_336 = arith.addi %mul3A_334, %add3A_335 : i32
      %get3A = arith.index_cast %add3A_336 : i32 to index
      %get3A_337 = tpu.vector_load %arg5[%get3A] {strides = array<i32>} : memref<16384xi32, #tpu.memory_space<vmem>>, vector<16xi32>,
      %sub3A_338 = arith.constant 66816 : i32
      %sub3A_339 = vector.broadcast %sub3A_338 : i32 to vector<16xi32>
      %sub3A_340 = arith.subi %get3A_337, %sub3A_339 : vector<16xi32>
      %ge3A_341 = arith.constant 0 : i32
      %ge3A_342 = vector.broadcast %ge3A_341 : i32 to vector<16xi32>
      %ge3A_343 = arith.cmpi sge, %sub3A_340, %ge3A_342 : vector<16xi32>
      %lt3A_344 = arith.constant 33152 : i32
      %lt3A_345 = vector.broadcast %lt3A_344 : i32 to vector<16xi32>
      %lt3A_346 = arith.cmpi slt, %sub3A_340, %lt3A_345 : vector<16xi32>
      %and3A = arith.andi %ge3A_343, %lt3A_346 : vector<16xi1>
      %gather3A = tpu.vector_load_idx %arg7[%sub3A_340] masked %and3A : memref<33408xf32, #tpu.memory_space<vmem>>[vector<16xi32>], vector<16xf32>, vector<16xi1>
      %sub3A_347 = arith.constant 99968 : i32
      %sub3A_348 = vector.broadcast %sub3A_347 : i32 to vector<16xi32>
      %sub3A_349 = arith.subi %get3A_337, %sub3A_348 : vector<16xi32>
      %ge3A_350 = arith.constant 0 : i32
      %ge3A_351 = vector.broadcast %ge3A_350 : i32 to vector<16xi32>
      %ge3A_352 = arith.cmpi sge, %sub3A_349, %ge3A_351 : vector<16xi32>
      %gather3A_353 = tpu.vector_load_idx %arg8[%sub3A_349] masked %ge3A_352 : memref<32xf32, #tpu.memory_space<vmem>>[vector<16xi32>], vector<16xf32>, vector<16xi1>
      %get3A_354 = arith.index_cast %add3A_336 : i32 to index
      %get3A_355 = tpu.vector_load %arg10[%get3A_354] {strides = array<i32>} : memref<16384xf32, #tpu.memory_space<vmem>>, vector<16xf32>,
      %select_n3A = arith.select %and3A, %gather3A, %get3A_355 : vector<16xi1>, vector<16xf32>
      %select_n3A_356 = arith.select %ge3A_352, %gather3A_353, %select_n3A : vector<16xi1>, vector<16xf32>
      %swap3A = arith.index_cast %add3A_336 : i32 to index
      %swap3A_357 = tpu.vector_load %arg10[%swap3A] {strides = array<i32>} : memref<16384xf32, #tpu.memory_space<vmem>>, vector<16xf32>,
      tpu.vector_store %arg10[%swap3A], %select_n3A_356 {strides = array<i32>} : memref<16384xf32, #tpu.memory_space<vmem>>, vector<16xf32>,
      %mul3A_358 = arith.constant 128 : i32
      %mul3A_359 = arith.muli %scan3A_331, %mul3A_358 : i32
      %add3A_360 = arith.constant 16 : i32
      %add3A_361 = arith.addi %mul3A_359, %add3A_360 : i32
      %get3A_362 = arith.index_cast %add3A_361 : i32 to index
      %get3A_363 = tpu.vector_load %arg5[%get3A_362] {strides = array<i32>} : memref<16384xi32, #tpu.memory_space<vmem>>, vector<16xi32>,
      %sub3A_364 = arith.constant 66816 : i32
      %sub3A_365 = vector.broadcast %sub3A_364 : i32 to vector<16xi32>
      %sub3A_366 = arith.subi %get3A_363, %sub3A_365 : vector<16xi32>
      %ge3A_367 = arith.constant 0 : i32
      %ge3A_368 = vector.broadcast %ge3A_367 : i32 to vector<16xi32>
      %ge3A_369 = arith.cmpi sge, %sub3A_366, %ge3A_368 : vector<16xi32>
      %lt3A_370 = arith.constant 33152 : i32
      %lt3A_371 = vector.broadcast %lt3A_370 : i32 to vector<16xi32>
      %lt3A_372 = arith.cmpi slt, %sub3A_366, %lt3A_371 : vector<16xi32>
      %and3A_373 = arith.andi %ge3A_369, %lt3A_372 : vector<16xi1>
      %gather3A_374 = tpu.vector_load_idx %arg7[%sub3A_366] masked %and3A_373 : memref<33408xf32, #tpu.memory_space<vmem>>[vector<16xi32>], vector<16xf32>, vector<16xi1>
      %sub3A_375 = arith.constant 99968 : i32
      %sub3A_376 = vector.broadcast %sub3A_375 : i32 to vector<16xi32>
      %sub3A_377 = arith.subi %get3A_363, %sub3A_376 : vector<16xi32>
      %ge3A_378 = arith.constant 0 : i32
      %ge3A_379 = vector.broadcast %ge3A_378 : i32 to vector<16xi32>
      %ge3A_380 = arith.cmpi sge, %sub3A_377, %ge3A_379 : vector<16xi32>
      %gather3A_381 = tpu.vector_load_idx %arg8[%sub3A_377] masked %ge3A_380 : memref<32xf32, #tpu.memory_space<vmem>>[vector<16xi32>], vector<16xf32>, vector<16xi1>
      %get3A_382 = arith.index_cast %add3A_361 : i32 to index
      %get3A_383 = tpu.vector_load %arg10[%get3A_382] {strides = array<i32>} : memref<16384xf32, #tpu.memory_space<vmem>>, vector<16xf32>,
      %select_n3A_384 = arith.select %and3A_373, %gather3A_374, %get3A_383 : vector<16xi1>, vector<16xf32>
      %select_n3A_385 = arith.select %ge3A_380, %gather3A_381, %select_n3A_384 : vector<16xi1>, vector<16xf32>
      %swap3A_386 = arith.index_cast %add3A_361 : i32 to index
      %swap3A_387 = tpu.vector_load %arg10[%swap3A_386] {strides = array<i32>} : memref<16384xf32, #tpu.memory_space<vmem>>, vector<16xf32>,
      tpu.vector_store %arg10[%swap3A_386], %select_n3A_385 {strides = array<i32>} : memref<16384xf32, #tpu.memory_space<vmem>>, vector<16xf32>,
      %mul3A_388 = arith.constant 128 : i32
      %mul3A_389 = arith.muli %scan3A_331, %mul3A_388 : i32
      %add3A_390 = arith.constant 32 : i32
      %add3A_391 = arith.addi %mul3A_389, %add3A_390 : i32
      %get3A_392 = arith.index_cast %add3A_391 : i32 to index
      %get3A_393 = tpu.vector_load %arg5[%get3A_392] {strides = array<i32>} : memref<16384xi32, #tpu.memory_space<vmem>>, vector<16xi32>,
      %sub3A_394 = arith.constant 66816 : i32
      %sub3A_395 = vector.broadcast %sub3A_394 : i32 to vector<16xi32>
      %sub3A_396 = arith.subi %get3A_393, %sub3A_395 : vector<16xi32>
      %ge3A_397 = arith.constant 0 : i32
      %ge3A_398 = vector.broadcast %ge3A_397 : i32 to vector<16xi32>
      %ge3A_399 = arith.cmpi sge, %sub3A_396, %ge3A_398 : vector<16xi32>
      %lt3A_400 = arith.constant 33152 : i32
      %lt3A_401 = vector.broadcast %lt3A_400 : i32 to vector<16xi32>
      %lt3A_402 = arith.cmpi slt, %sub3A_396, %lt3A_401 : vector<16xi32>
      %and3A_403 = arith.andi %ge3A_399, %lt3A_402 : vector<16xi1>
      %gather3A_404 = tpu.vector_load_idx %arg7[%sub3A_396] masked %and3A_403 : memref<33408xf32, #tpu.memory_space<vmem>>[vector<16xi32>], vector<16xf32>, vector<16xi1>
      %sub3A_405 = arith.constant 99968 : i32
      %sub3A_406 = vector.broadcast %sub3A_405 : i32 to vector<16xi32>
      %sub3A_407 = arith.subi %get3A_393, %sub3A_406 : vector<16xi32>
      %ge3A_408 = arith.constant 0 : i32
      %ge3A_409 = vector.broadcast %ge3A_408 : i32 to vector<16xi32>
      %ge3A_410 = arith.cmpi sge, %sub3A_407, %ge3A_409 : vector<16xi32>
      %gather3A_411 = tpu.vector_load_idx %arg8[%sub3A_407] masked %ge3A_410 : memref<32xf32, #tpu.memory_space<vmem>>[vector<16xi32>], vector<16xf32>, vector<16xi1>
      %get3A_412 = arith.index_cast %add3A_391 : i32 to index
      %get3A_413 = tpu.vector_load %arg10[%get3A_412] {strides = array<i32>} : memref<16384xf32, #tpu.memory_space<vmem>>, vector<16xf32>,
      %select_n3A_414 = arith.select %and3A_403, %gather3A_404, %get3A_413 : vector<16xi1>, vector<16xf32>
      %select_n3A_415 = arith.select %ge3A_410, %gather3A_411, %select_n3A_414 : vector<16xi1>, vector<16xf32>
      %swap3A_416 = arith.index_cast %add3A_391 : i32 to index
      %swap3A_417 = tpu.vector_load %arg10[%swap3A_416] {strides = array<i32>} : memref<16384xf32, #tpu.memory_space<vmem>>, vector<16xf32>,
      tpu.vector_store %arg10[%swap3A_416], %select_n3A_415 {strides = array<i32>} : memref<16384xf32, #tpu.memory_space<vmem>>, vector<16xf32>,
      %mul3A_418 = arith.constant 128 : i32
      %mul3A_419 = arith.muli %scan3A_331, %mul3A_418 : i32
      %add3A_420 = arith.constant 48 : i32
      %add3A_421 = arith.addi %mul3A_419, %add3A_420 : i32
      %get3A_422 = arith.index_cast %add3A_421 : i32 to index
      %get3A_423 = tpu.vector_load %arg5[%get3A_422] {strides = array<i32>} : memref<16384xi32, #tpu.memory_space<vmem>>, vector<16xi32>,
      %sub3A_424 = arith.constant 66816 : i32
      %sub3A_425 = vector.broadcast %sub3A_424 : i32 to vector<16xi32>
      %sub3A_426 = arith.subi %get3A_423, %sub3A_425 : vector<16xi32>
      %ge3A_427 = arith.constant 0 : i32
      %ge3A_428 = vector.broadcast %ge3A_427 : i32 to vector<16xi32>
      %ge3A_429 = arith.cmpi sge, %sub3A_426, %ge3A_428 : vector<16xi32>
      %lt3A_430 = arith.constant 33152 : i32
      %lt3A_431 = vector.broadcast %lt3A_430 : i32 to vector<16xi32>
      %lt3A_432 = arith.cmpi slt, %sub3A_426, %lt3A_431 : vector<16xi32>
      %and3A_433 = arith.andi %ge3A_429, %lt3A_432 : vector<16xi1>
      %gather3A_434 = tpu.vector_load_idx %arg7[%sub3A_426] masked %and3A_433 : memref<33408xf32, #tpu.memory_space<vmem>>[vector<16xi32>], vector<16xf32>, vector<16xi1>
      %sub3A_435 = arith.constant 99968 : i32
      %sub3A_436 = vector.broadcast %sub3A_435 : i32 to vector<16xi32>
      %sub3A_437 = arith.subi %get3A_423, %sub3A_436 : vector<16xi32>
      %ge3A_438 = arith.constant 0 : i32
      %ge3A_439 = vector.broadcast %ge3A_438 : i32 to vector<16xi32>
      %ge3A_440 = arith.cmpi sge, %sub3A_437, %ge3A_439 : vector<16xi32>
      %gather3A_441 = tpu.vector_load_idx %arg8[%sub3A_437] masked %ge3A_440 : memref<32xf32, #tpu.memory_space<vmem>>[vector<16xi32>], vector<16xf32>, vector<16xi1>
      %get3A_442 = arith.index_cast %add3A_421 : i32 to index
      %get3A_443 = tpu.vector_load %arg10[%get3A_442] {strides = array<i32>} : memref<16384xf32, #tpu.memory_space<vmem>>, vector<16xf32>,
      %select_n3A_444 = arith.select %and3A_433, %gather3A_434, %get3A_443 : vector<16xi1>, vector<16xf32>
      %select_n3A_445 = arith.select %ge3A_440, %gather3A_441, %select_n3A_444 : vector<16xi1>, vector<16xf32>
      %swap3A_446 = arith.index_cast %add3A_421 : i32 to index
      %swap3A_447 = tpu.vector_load %arg10[%swap3A_446] {strides = array<i32>} : memref<16384xf32, #tpu.memory_space<vmem>>, vector<16xf32>,
      tpu.vector_store %arg10[%swap3A_446], %select_n3A_445 {strides = array<i32>} : memref<16384xf32, #tpu.memory_space<vmem>>, vector<16xf32>,
      %mul3A_448 = arith.constant 128 : i32
      %mul3A_449 = arith.muli %scan3A_331, %mul3A_448 : i32
      %add3A_450 = arith.constant 64 : i32
      %add3A_451 = arith.addi %mul3A_449, %add3A_450 : i32
      %get3A_452 = arith.index_cast %add3A_451 : i32 to index
      %get3A_453 = tpu.vector_load %arg5[%get3A_452] {strides = array<i32>} : memref<16384xi32, #tpu.memory_space<vmem>>, vector<16xi32>,
      %sub3A_454 = arith.constant 66816 : i32
      %sub3A_455 = vector.broadcast %sub3A_454 : i32 to vector<16xi32>
      %sub3A_456 = arith.subi %get3A_453, %sub3A_455 : vector<16xi32>
      %ge3A_457 = arith.constant 0 : i32
      %ge3A_458 = vector.broadcast %ge3A_457 : i32 to vector<16xi32>
      %ge3A_459 = arith.cmpi sge, %sub3A_456, %ge3A_458 : vector<16xi32>
      %lt3A_460 = arith.constant 33152 : i32
      %lt3A_461 = vector.broadcast %lt3A_460 : i32 to vector<16xi32>
      %lt3A_462 = arith.cmpi slt, %sub3A_456, %lt3A_461 : vector<16xi32>
      %and3A_463 = arith.andi %ge3A_459, %lt3A_462 : vector<16xi1>
      %gather3A_464 = tpu.vector_load_idx %arg7[%sub3A_456] masked %and3A_463 : memref<33408xf32, #tpu.memory_space<vmem>>[vector<16xi32>], vector<16xf32>, vector<16xi1>
      %sub3A_465 = arith.constant 99968 : i32
      %sub3A_466 = vector.broadcast %sub3A_465 : i32 to vector<16xi32>
      %sub3A_467 = arith.subi %get3A_453, %sub3A_466 : vector<16xi32>
      %ge3A_468 = arith.constant 0 : i32
      %ge3A_469 = vector.broadcast %ge3A_468 : i32 to vector<16xi32>
      %ge3A_470 = arith.cmpi sge, %sub3A_467, %ge3A_469 : vector<16xi32>
      %gather3A_471 = tpu.vector_load_idx %arg8[%sub3A_467] masked %ge3A_470 : memref<32xf32, #tpu.memory_space<vmem>>[vector<16xi32>], vector<16xf32>, vector<16xi1>
      %get3A_472 = arith.index_cast %add3A_451 : i32 to index
      %get3A_473 = tpu.vector_load %arg10[%get3A_472] {strides = array<i32>} : memref<16384xf32, #tpu.memory_space<vmem>>, vector<16xf32>,
      %select_n3A_474 = arith.select %and3A_463, %gather3A_464, %get3A_473 : vector<16xi1>, vector<16xf32>
      %select_n3A_475 = arith.select %ge3A_470, %gather3A_471, %select_n3A_474 : vector<16xi1>, vector<16xf32>
      %swap3A_476 = arith.index_cast %add3A_451 : i32 to index
      %swap3A_477 = tpu.vector_load %arg10[%swap3A_476] {strides = array<i32>} : memref<16384xf32, #tpu.memory_space<vmem>>, vector<16xf32>,
      tpu.vector_store %arg10[%swap3A_476], %select_n3A_475 {strides = array<i32>} : memref<16384xf32, #tpu.memory_space<vmem>>, vector<16xf32>,
      %mul3A_478 = arith.constant 128 : i32
      %mul3A_479 = arith.muli %scan3A_331, %mul3A_478 : i32
      %add3A_480 = arith.constant 80 : i32
      %add3A_481 = arith.addi %mul3A_479, %add3A_480 : i32
      %get3A_482 = arith.index_cast %add3A_481 : i32 to index
      %get3A_483 = tpu.vector_load %arg5[%get3A_482] {strides = array<i32>} : memref<16384xi32, #tpu.memory_space<vmem>>, vector<16xi32>,
      %sub3A_484 = arith.constant 66816 : i32
      %sub3A_485 = vector.broadcast %sub3A_484 : i32 to vector<16xi32>
      %sub3A_486 = arith.subi %get3A_483, %sub3A_485 : vector<16xi32>
      %ge3A_487 = arith.constant 0 : i32
      %ge3A_488 = vector.broadcast %ge3A_487 : i32 to vector<16xi32>
      %ge3A_489 = arith.cmpi sge, %sub3A_486, %ge3A_488 : vector<16xi32>
      %lt3A_490 = arith.constant 33152 : i32
      %lt3A_491 = vector.broadcast %lt3A_490 : i32 to vector<16xi32>
      %lt3A_492 = arith.cmpi slt, %sub3A_486, %lt3A_491 : vector<16xi32>
      %and3A_493 = arith.andi %ge3A_489, %lt3A_492 : vector<16xi1>
      %gather3A_494 = tpu.vector_load_idx %arg7[%sub3A_486] masked %and3A_493 : memref<33408xf32, #tpu.memory_space<vmem>>[vector<16xi32>], vector<16xf32>, vector<16xi1>
      %sub3A_495 = arith.constant 99968 : i32
      %sub3A_496 = vector.broadcast %sub3A_495 : i32 to vector<16xi32>
      %sub3A_497 = arith.subi %get3A_483, %sub3A_496 : vector<16xi32>
      %ge3A_498 = arith.constant 0 : i32
      %ge3A_499 = vector.broadcast %ge3A_498 : i32 to vector<16xi32>
      %ge3A_500 = arith.cmpi sge, %sub3A_497, %ge3A_499 : vector<16xi32>
      %gather3A_501 = tpu.vector_load_idx %arg8[%sub3A_497] masked %ge3A_500 : memref<32xf32, #tpu.memory_space<vmem>>[vector<16xi32>], vector<16xf32>, vector<16xi1>
      %get3A_502 = arith.index_cast %add3A_481 : i32 to index
      %get3A_503 = tpu.vector_load %arg10[%get3A_502] {strides = array<i32>} : memref<16384xf32, #tpu.memory_space<vmem>>, vector<16xf32>,
      %select_n3A_504 = arith.select %and3A_493, %gather3A_494, %get3A_503 : vector<16xi1>, vector<16xf32>
      %select_n3A_505 = arith.select %ge3A_500, %gather3A_501, %select_n3A_504 : vector<16xi1>, vector<16xf32>
      %swap3A_506 = arith.index_cast %add3A_481 : i32 to index
      %swap3A_507 = tpu.vector_load %arg10[%swap3A_506] {strides = array<i32>} : memref<16384xf32, #tpu.memory_space<vmem>>, vector<16xf32>,
      tpu.vector_store %arg10[%swap3A_506], %select_n3A_505 {strides = array<i32>} : memref<16384xf32, #tpu.memory_space<vmem>>, vector<16xf32>,
      %mul3A_508 = arith.constant 128 : i32
      %mul3A_509 = arith.muli %scan3A_331, %mul3A_508 : i32
      %add3A_510 = arith.constant 96 : i32
      %add3A_511 = arith.addi %mul3A_509, %add3A_510 : i32
      %get3A_512 = arith.index_cast %add3A_511 : i32 to index
      %get3A_513 = tpu.vector_load %arg5[%get3A_512] {strides = array<i32>} : memref<16384xi32, #tpu.memory_space<vmem>>, vector<16xi32>,
      %sub3A_514 = arith.constant 66816 : i32
      %sub3A_515 = vector.broadcast %sub3A_514 : i32 to vector<16xi32>
      %sub3A_516 = arith.subi %get3A_513, %sub3A_515 : vector<16xi32>
      %ge3A_517 = arith.constant 0 : i32
      %ge3A_518 = vector.broadcast %ge3A_517 : i32 to vector<16xi32>
      %ge3A_519 = arith.cmpi sge, %sub3A_516, %ge3A_518 : vector<16xi32>
      %lt3A_520 = arith.constant 33152 : i32
      %lt3A_521 = vector.broadcast %lt3A_520 : i32 to vector<16xi32>
      %lt3A_522 = arith.cmpi slt, %sub3A_516, %lt3A_521 : vector<16xi32>
      %and3A_523 = arith.andi %ge3A_519, %lt3A_522 : vector<16xi1>
      %gather3A_524 = tpu.vector_load_idx %arg7[%sub3A_516] masked %and3A_523 : memref<33408xf32, #tpu.memory_space<vmem>>[vector<16xi32>], vector<16xf32>, vector<16xi1>
      %sub3A_525 = arith.constant 99968 : i32
      %sub3A_526 = vector.broadcast %sub3A_525 : i32 to vector<16xi32>
      %sub3A_527 = arith.subi %get3A_513, %sub3A_526 : vector<16xi32>
      %ge3A_528 = arith.constant 0 : i32
      %ge3A_529 = vector.broadcast %ge3A_528 : i32 to vector<16xi32>
      %ge3A_530 = arith.cmpi sge, %sub3A_527, %ge3A_529 : vector<16xi32>
      %gather3A_531 = tpu.vector_load_idx %arg8[%sub3A_527] masked %ge3A_530 : memref<32xf32, #tpu.memory_space<vmem>>[vector<16xi32>], vector<16xf32>, vector<16xi1>
      %get3A_532 = arith.index_cast %add3A_511 : i32 to index
      %get3A_533 = tpu.vector_load %arg10[%get3A_532] {strides = array<i32>} : memref<16384xf32, #tpu.memory_space<vmem>>, vector<16xf32>,
      %select_n3A_534 = arith.select %and3A_523, %gather3A_524, %get3A_533 : vector<16xi1>, vector<16xf32>
      %select_n3A_535 = arith.select %ge3A_530, %gather3A_531, %select_n3A_534 : vector<16xi1>, vector<16xf32>
      %swap3A_536 = arith.index_cast %add3A_511 : i32 to index
      %swap3A_537 = tpu.vector_load %arg10[%swap3A_536] {strides = array<i32>} : memref<16384xf32, #tpu.memory_space<vmem>>, vector<16xf32>,
      tpu.vector_store %arg10[%swap3A_536], %select_n3A_535 {strides = array<i32>} : memref<16384xf32, #tpu.memory_space<vmem>>, vector<16xf32>,
      %mul3A_538 = arith.constant 128 : i32
      %mul3A_539 = arith.muli %scan3A_331, %mul3A_538 : i32
      %add3A_540 = arith.constant 112 : i32
      %add3A_541 = arith.addi %mul3A_539, %add3A_540 : i32
      %get3A_542 = arith.index_cast %add3A_541 : i32 to index
      %get3A_543 = tpu.vector_load %arg5[%get3A_542] {strides = array<i32>} : memref<16384xi32, #tpu.memory_space<vmem>>, vector<16xi32>,
      %sub3A_544 = arith.constant 66816 : i32
      %sub3A_545 = vector.broadcast %sub3A_544 : i32 to vector<16xi32>
      %sub3A_546 = arith.subi %get3A_543, %sub3A_545 : vector<16xi32>
      %ge3A_547 = arith.constant 0 : i32
      %ge3A_548 = vector.broadcast %ge3A_547 : i32 to vector<16xi32>
      %ge3A_549 = arith.cmpi sge, %sub3A_546, %ge3A_548 : vector<16xi32>
      %lt3A_550 = arith.constant 33152 : i32
      %lt3A_551 = vector.broadcast %lt3A_550 : i32 to vector<16xi32>
      %lt3A_552 = arith.cmpi slt, %sub3A_546, %lt3A_551 : vector<16xi32>
      %and3A_553 = arith.andi %ge3A_549, %lt3A_552 : vector<16xi1>
      %gather3A_554 = tpu.vector_load_idx %arg7[%sub3A_546] masked %and3A_553 : memref<33408xf32, #tpu.memory_space<vmem>>[vector<16xi32>], vector<16xf32>, vector<16xi1>
      %sub3A_555 = arith.constant 99968 : i32
      %sub3A_556 = vector.broadcast %sub3A_555 : i32 to vector<16xi32>
      %sub3A_557 = arith.subi %get3A_543, %sub3A_556 : vector<16xi32>
      %ge3A_558 = arith.constant 0 : i32
      %ge3A_559 = vector.broadcast %ge3A_558 : i32 to vector<16xi32>
      %ge3A_560 = arith.cmpi sge, %sub3A_557, %ge3A_559 : vector<16xi32>
      %gather3A_561 = tpu.vector_load_idx %arg8[%sub3A_557] masked %ge3A_560 : memref<32xf32, #tpu.memory_space<vmem>>[vector<16xi32>], vector<16xf32>, vector<16xi1>
      %get3A_562 = arith.index_cast %add3A_541 : i32 to index
      %get3A_563 = tpu.vector_load %arg10[%get3A_562] {strides = array<i32>} : memref<16384xf32, #tpu.memory_space<vmem>>, vector<16xf32>,
      %select_n3A_564 = arith.select %and3A_553, %gather3A_554, %get3A_563 : vector<16xi1>, vector<16xf32>
      %select_n3A_565 = arith.select %ge3A_560, %gather3A_561, %select_n3A_564 : vector<16xi1>, vector<16xf32>
      %swap3A_566 = arith.index_cast %add3A_541 : i32 to index
      %swap3A_567 = tpu.vector_load %arg10[%swap3A_566] {strides = array<i32>} : memref<16384xf32, #tpu.memory_space<vmem>>, vector<16xf32>,
      tpu.vector_store %arg10[%swap3A_566], %select_n3A_565 {strides = array<i32>} : memref<16384xf32, #tpu.memory_space<vmem>>, vector<16xf32>,
      %scan3A_568 = arith.constant 0 : i32
      scf.yield %scan3A_568 : i32
    }
    %scan3A_297 = arith.constant 128 : i32
    %sub3A_298 = arith.constant 1600 : i32
    %sub3A_299 = arith.subi %add3A_23, %sub3A_298 : i32
    %dma_start3A_300 = arith.constant 0 : i32
    %dma_start3A_301 = tpu.memref_slice %arg4[%sub3A_299, %dma_start3A_300] : memref<64x16384xf32, #tpu.memory_space<hbm>> -> memref<1x16384xf32, #tpu.memory_space<hbm>>
    %dma_start3A_302 = tpu.memref_squeeze %dma_start3A_301 : memref<1x16384xf32, #tpu.memory_space<hbm>> -> memref<16384xf32, #tpu.memory_space<hbm>>
    %dma_start3A_303 = arith.constant 0 : i32
    %dma_start3A_304 = tpu.memref_slice %arg4[%sub3A_299, %dma_start3A_303] : memref<64x16384xf32, #tpu.memory_space<hbm>> -> memref<1x16384xf32, #tpu.memory_space<hbm>>
    %dma_start3A_305 = tpu.memref_squeeze %dma_start3A_304 : memref<1x16384xf32, #tpu.memory_space<hbm>> -> memref<16384xf32, #tpu.memory_space<hbm>>
    tpu.enqueue_dma source(%arg10 : memref<16384xf32, #tpu.memory_space<vmem>>) target(%dma_start3A_305 : memref<16384xf32, #tpu.memory_space<hbm>>) target_semaphore(%arg15 : memref<!tpu.dma_semaphore, #tpu.memory_space<semaphore_mem>>)
    %scan3A_306 = arith.constant 1 : i32
    %sub3A_307 = arith.constant 1600 : i32
    %sub3A_308 = arith.subi %add3A_4, %sub3A_307 : i32
    %add3A_309 = arith.constant 2 : i32
    %add3A_310 = arith.addi %sub3A_308, %add3A_309 : i32
    %sub3A_311 = arith.constant 2 : i32
    %sub3A_312 = arith.subi %add3A_310, %sub3A_311 : i32
    %dma_wait3A_313 = arith.constant 0 : i32
    %dma_wait3A_314 = tpu.memref_slice %arg4[%sub3A_312, %dma_wait3A_313] : memref<64x16384xf32, #tpu.memory_space<hbm>> -> memref<1x16384xf32, #tpu.memory_space<hbm>>
    %dma_wait3A_315 = tpu.memref_squeeze %dma_wait3A_314 : memref<1x16384xf32, #tpu.memory_space<hbm>> -> memref<16384xf32, #tpu.memory_space<hbm>>
    %dma_wait3A_316 = arith.constant 0 : i32
    %dma_wait3A_317 = tpu.memref_slice %arg4[%sub3A_312, %dma_wait3A_316] : memref<64x16384xf32, #tpu.memory_space<hbm>> -> memref<1x16384xf32, #tpu.memory_space<hbm>>
    %dma_wait3A_318 = tpu.memref_squeeze %dma_wait3A_317 : memref<1x16384xf32, #tpu.memory_space<hbm>> -> memref<16384xf32, #tpu.memory_space<hbm>>
    tpu.wait_dma2 semaphore(%arg14 : memref<!tpu.dma_semaphore, #tpu.memory_space<semaphore_mem>>) src(%arg9 : memref<16384xf32, #tpu.memory_space<vmem>>) dst(%dma_wait3A_318 : memref<16384xf32, #tpu.memory_space<hbm>>)
    %sub3A_319 = arith.constant 1600 : i32
    %sub3A_320 = arith.subi %add3A_4, %sub3A_319 : i32
    %add3A_321 = arith.constant 2 : i32
    %add3A_322 = arith.addi %sub3A_320, %add3A_321 : i32
    %sub3A_323 = arith.constant 1 : i32
    %sub3A_324 = arith.subi %add3A_322, %sub3A_323 : i32
    %dma_wait3A_325 = arith.constant 0 : i32
    %dma_wait3A_326 = tpu.memref_slice %arg4[%sub3A_324, %dma_wait3A_325] : memref<64x16384xf32, #tpu.memory_space<hbm>> -> memref<1x16384xf32, #tpu.memory_space<hbm>>
    %dma_wait3A_327 = tpu.memref_squeeze %dma_wait3A_326 : memref<1x16384xf32, #tpu.memory_space<hbm>> -> memref<16384xf32, #tpu.memory_space<hbm>>
    %dma_wait3A_328 = arith.constant 0 : i32
    %dma_wait3A_329 = tpu.memref_slice %arg4[%sub3A_324, %dma_wait3A_328] : memref<64x16384xf32, #tpu.memory_space<hbm>> -> memref<1x16384xf32, #tpu.memory_space<hbm>>
    %dma_wait3A_330 = tpu.memref_squeeze %dma_wait3A_329 : memref<1x16384xf32, #tpu.memory_space<hbm>> -> memref<16384xf32, #tpu.memory_space<hbm>>
    tpu.wait_dma2 semaphore(%arg15 : memref<!tpu.dma_semaphore, #tpu.memory_space<semaphore_mem>>) src(%arg10 : memref<16384xf32, #tpu.memory_space<vmem>>) dst(%dma_wait3A_330 : memref<16384xf32, #tpu.memory_space<hbm>>)
    return
  }
}

module attributes {stable_mosaic.version = 14 : i64} {
  func.func @_tc1_body(%arg0: i32, %arg1: memref<13x512xf32, #tpu.memory_space<vmem>>, %arg2: memref<1600x512xf32, #tpu.memory_space<vmem>>, %arg3: memref<13x64xf32, #tpu.memory_space<vmem>>, %arg4: memref<13x64xf32, #tpu.memory_space<vmem>>, %arg5: memref<13x1xf32, #tpu.memory_space<vmem>>, %arg6: memref<25x1xf32, #tpu.memory_space<vmem>>, %arg7: memref<38x64xf32, #tpu.memory_space<vmem>>, %arg8: memref<64xf32, #tpu.memory_space<vmem>>, %arg9: memref<64xf32, #tpu.memory_space<vmem>>, %arg10: memref<38x64x512xf32, #tpu.memory_space<vmem>>) attributes {dimension_semantics = [#tpu.dimension_semantics<arbitrary>], iteration_bounds = array<i64: 32>, scalar_prefetch = 0 : i64, scratch_operands = 0 : i64, tpu.core_type = #tpu.core_type<tc>, window_params = [{transform_indices = @transform_0, window_bounds = array<i64: 13, 512>}, {transform_indices = @transform_1, window_bounds = array<i64: 1600, 512>}, {pipeline_mode = #tpu.pipeline_mode<synchronous>, transform_indices = @transform_2, window_bounds = array<i64: 13, 64>}, {pipeline_mode = #tpu.pipeline_mode<synchronous>, transform_indices = @transform_3, window_bounds = array<i64: 13, 64>}, {pipeline_mode = #tpu.pipeline_mode<synchronous>, transform_indices = @transform_4, window_bounds = array<i64: 13, 1>}, {pipeline_mode = #tpu.pipeline_mode<synchronous>, transform_indices = @transform_5, window_bounds = array<i64: 25, 1>}, {pipeline_mode = #tpu.pipeline_mode<synchronous>, transform_indices = @transform_6, window_bounds = array<i64: 38, 64>}, {pipeline_mode = #tpu.pipeline_mode<synchronous>, transform_indices = @transform_7, window_bounds = array<i64: 64>}, {pipeline_mode = #tpu.pipeline_mode<synchronous>, transform_indices = @transform_8, window_bounds = array<i64: 64>}, {transform_indices = @transform_9, window_bounds = array<i64: 38, 64, 512>}]} {
    %get3A = arith.constant 0 : index
    %get3A_0 = arith.constant 0 : index
    %get3A_1 = vector.load %arg1[%get3A, %get3A_0] : memref<13x512xf32, #tpu.memory_space<vmem>>, vector<13x512xf32>
    %get3A_2 = arith.constant 0 : index
    %get3A_3 = arith.constant 0 : index
    %get3A_4 = vector.load %arg3[%get3A_2, %get3A_3] : memref<13x64xf32, #tpu.memory_space<vmem>>, vector<13x64xf32>
    %get3A_5 = arith.constant 0 : index
    %get3A_6 = arith.constant 0 : index
    %get3A_7 = vector.load %arg5[%get3A_5, %get3A_6] : memref<13x1xf32, #tpu.memory_space<vmem>>, vector<13x1xf32>
    %mul3A = vector.broadcast %get3A_7 : vector<13x1xf32> to vector<13x64xf32>
    %mul3A_8 = arith.mulf %get3A_4, %mul3A : vector<13x64xf32>
    %get3A_9 = arith.constant 0 : index
    %get3A_10 = arith.constant 0 : index
    %get3A_11 = vector.load %arg4[%get3A_9, %get3A_10] : memref<13x64xf32, #tpu.memory_space<vmem>>, vector<13x64xf32>
    %get3A_12 = arith.constant 0 : index
    %get3A_13 = arith.constant 0 : index
    %get3A_14 = vector.load %arg5[%get3A_12, %get3A_13] : memref<13x1xf32, #tpu.memory_space<vmem>>, vector<13x1xf32>
    %mul3A_15 = vector.broadcast %get3A_14 : vector<13x1xf32> to vector<13x64xf32>
    %mul3A_16 = arith.mulf %get3A_11, %mul3A_15 : vector<13x64xf32>
    %broadcast_in_dim3A = vector.shape_cast %mul3A_8 : vector<13x64xf32> to vector<13x64x1xf32>
    %broadcast_in_dim3A_17 = vector.shape_cast %get3A_1 : vector<13x512xf32> to vector<13x1x512xf32>
    %mul3A_18 = vector.broadcast %broadcast_in_dim3A : vector<13x64x1xf32> to vector<13x64x512xf32>
    %mul3A_19 = vector.broadcast %broadcast_in_dim3A_17 : vector<13x1x512xf32> to vector<13x64x512xf32>
    %mul3A_20 = arith.mulf %mul3A_18, %mul3A_19 : vector<13x64x512xf32>
    %broadcast_in_dim3A_21 = vector.shape_cast %mul3A_16 : vector<13x64xf32> to vector<13x64x1xf32>
    %add3A = vector.broadcast %broadcast_in_dim3A_21 : vector<13x64x1xf32> to vector<13x64x512xf32>
    %add3A_22 = arith.addf %mul3A_20, %add3A : vector<13x64x512xf32>
    %get3A_23 = arith.constant 0 : index
    %get3A_24 = arith.constant 0 : index
    %get3A_25 = vector.load %arg2[%get3A_23, %get3A_24] : memref<1600x512xf32, #tpu.memory_space<vmem>>, vector<1600x512xf32>
    %reshape3A = vector.shape_cast %get3A_25 : vector<1600x512xf32> to vector<25x64x512xf32>
    %get3A_26 = arith.constant 0 : index
    %get3A_27 = arith.constant 0 : index
    %get3A_28 = vector.load %arg6[%get3A_26, %get3A_27] : memref<25x1xf32, #tpu.memory_space<vmem>>, vector<25x1xf32>
    %broadcast_in_dim3A_29 = vector.shape_cast %get3A_28 : vector<25x1xf32> to vector<25x1x1xf32>
    %mul3A_30 = vector.broadcast %broadcast_in_dim3A_29 : vector<25x1x1xf32> to vector<25x64x512xf32>
    %mul3A_31 = arith.mulf %reshape3A, %mul3A_30 : vector<25x64x512xf32>
    %concatenate3A = tpu.concatenate %add3A_22, %mul3A_31 in 0 : vector<13x64x512xf32>, vector<25x64x512xf32> -> vector<38x64x512xf32>
    %get3A_32 = arith.constant 0 : index
    %get3A_33 = arith.constant 0 : index
    %get3A_34 = vector.load %arg7[%get3A_32, %get3A_33] : memref<38x64xf32, #tpu.memory_space<vmem>>, vector<38x64xf32>
    %broadcast_in_dim3A_35 = vector.shape_cast %get3A_34 : vector<38x64xf32> to vector<38x64x1xf32>
    %add3A_36 = vector.broadcast %broadcast_in_dim3A_35 : vector<38x64x1xf32> to vector<38x64x512xf32>
    %add3A_37 = arith.addf %concatenate3A, %add3A_36 : vector<38x64x512xf32>
    %reduce_sum3A = arith.constant dense<0.000000e+00> : vector<38x512xf32>
    %reduce_sum3A_38 = vector.multi_reduction <add>, %add3A_37, %reduce_sum3A [1] : vector<38x64x512xf32> to vector<38x512xf32>
    %broadcast_in_dim3A_39 = vector.shape_cast %reduce_sum3A_38 : vector<38x512xf32> to vector<38x1x512xf32>
    %div3A = arith.constant 6.400000e+01 : f32
    %div3A_40 = vector.broadcast %div3A : f32 to vector<38x1x512xf32>
    %div3A_41 = arith.divf %broadcast_in_dim3A_39, %div3A_40 : vector<38x1x512xf32>
    %sub3A = vector.broadcast %div3A_41 : vector<38x1x512xf32> to vector<38x64x512xf32>
    %sub3A_42 = arith.subf %add3A_37, %sub3A : vector<38x64x512xf32>
    %mul3A_43 = arith.mulf %sub3A_42, %sub3A_42 : vector<38x64x512xf32>
    %reduce_sum3A_44 = arith.constant dense<0.000000e+00> : vector<38x512xf32>
    %reduce_sum3A_45 = vector.multi_reduction <add>, %mul3A_43, %reduce_sum3A_44 [1] : vector<38x64x512xf32> to vector<38x512xf32>
    %broadcast_in_dim3A_46 = vector.shape_cast %reduce_sum3A_45 : vector<38x512xf32> to vector<38x1x512xf32>
    %div3A_47 = arith.constant 6.400000e+01 : f32
    %div3A_48 = vector.broadcast %div3A_47 : f32 to vector<38x1x512xf32>
    %div3A_49 = arith.divf %broadcast_in_dim3A_46, %div3A_48 : vector<38x1x512xf32>
    %add3A_50 = arith.constant 9.99999974E-6 : f32
    %add3A_51 = vector.broadcast %add3A_50 : f32 to vector<38x1x512xf32>
    %add3A_52 = arith.addf %div3A_49, %add3A_51 : vector<38x1x512xf32>
    %rsqrt3A = math.rsqrt %add3A_52 : vector<38x1x512xf32>
    %mul3A_53 = vector.broadcast %rsqrt3A : vector<38x1x512xf32> to vector<38x64x512xf32>
    %mul3A_54 = arith.mulf %sub3A_42, %mul3A_53 : vector<38x64x512xf32>
    %get3A_55 = arith.constant 0 : index
    %get3A_56 = vector.load %arg8[%get3A_55] : memref<64xf32, #tpu.memory_space<vmem>>, vector<64xf32>
    %broadcast_in_dim3A_57 = vector.shape_cast %get3A_56 : vector<64xf32> to vector<1x64x1xf32>
    %mul3A_58 = vector.broadcast %broadcast_in_dim3A_57 : vector<1x64x1xf32> to vector<38x64x512xf32>
    %mul3A_59 = arith.mulf %mul3A_54, %mul3A_58 : vector<38x64x512xf32>
    %get3A_60 = arith.constant 0 : index
    %get3A_61 = vector.load %arg9[%get3A_60] : memref<64xf32, #tpu.memory_space<vmem>>, vector<64xf32>
    %broadcast_in_dim3A_62 = vector.shape_cast %get3A_61 : vector<64xf32> to vector<1x64x1xf32>
    %add3A_63 = vector.broadcast %broadcast_in_dim3A_62 : vector<1x64x1xf32> to vector<38x64x512xf32>
    %add3A_64 = arith.addf %mul3A_59, %add3A_63 : vector<38x64x512xf32>
    %swap3A = arith.constant 0 : index
    %swap3A_65 = arith.constant 0 : index
    %swap3A_66 = arith.constant 0 : index
    %swap3A_67 = vector.load %arg10[%swap3A, %swap3A_65, %swap3A_66] : memref<38x64x512xf32, #tpu.memory_space<vmem>>, vector<38x64x512xf32>
    tpu.vector_store %arg10[%swap3A, %swap3A_65, %swap3A_66], %add3A_64 {strides = array<i32>} : memref<38x64x512xf32, #tpu.memory_space<vmem>>, vector<38x64x512xf32>,
    return
  }
  func.func @transform_0(%arg0: i32) -> (i32, i32) {
    %c0_i32 = arith.constant 0 : i32
    %c0_i32_0 = arith.constant 0 : i32
    return %c0_i32, %arg0 : i32, i32
  }
  func.func @transform_1(%arg0: i32) -> (i32, i32) {
    %c0_i32 = arith.constant 0 : i32
    %c0_i32_0 = arith.constant 0 : i32
    return %c0_i32, %arg0 : i32, i32
  }
  func.func @transform_2(%arg0: i32) -> (i32, i32) {
    %c0_i32 = arith.constant 0 : i32
    %c0_i32_0 = arith.constant 0 : i32
    %c0_i32_1 = arith.constant 0 : i32
    return %c0_i32, %c0_i32_0 : i32, i32
  }
  func.func @transform_3(%arg0: i32) -> (i32, i32) {
    %c0_i32 = arith.constant 0 : i32
    %c0_i32_0 = arith.constant 0 : i32
    %c0_i32_1 = arith.constant 0 : i32
    return %c0_i32, %c0_i32_0 : i32, i32
  }
  func.func @transform_4(%arg0: i32) -> (i32, i32) {
    %c0_i32 = arith.constant 0 : i32
    %c0_i32_0 = arith.constant 0 : i32
    %c0_i32_1 = arith.constant 0 : i32
    return %c0_i32, %c0_i32_0 : i32, i32
  }
  func.func @transform_5(%arg0: i32) -> (i32, i32) {
    %c0_i32 = arith.constant 0 : i32
    %c0_i32_0 = arith.constant 0 : i32
    %c0_i32_1 = arith.constant 0 : i32
    return %c0_i32, %c0_i32_0 : i32, i32
  }
  func.func @transform_6(%arg0: i32) -> (i32, i32) {
    %c0_i32 = arith.constant 0 : i32
    %c0_i32_0 = arith.constant 0 : i32
    %c0_i32_1 = arith.constant 0 : i32
    return %c0_i32, %c0_i32_0 : i32, i32
  }
  func.func @transform_7(%arg0: i32) -> i32 {
    %c0_i32 = arith.constant 0 : i32
    %c0_i32_0 = arith.constant 0 : i32
    return %c0_i32 : i32
  }
  func.func @transform_8(%arg0: i32) -> i32 {
    %c0_i32 = arith.constant 0 : i32
    %c0_i32_0 = arith.constant 0 : i32
    return %c0_i32 : i32
  }
  func.func @transform_9(%arg0: i32) -> (i32, i32, i32) {
    %c0_i32 = arith.constant 0 : i32
    %c0_i32_0 = arith.constant 0 : i32
    %c0_i32_1 = arith.constant 0 : i32
    return %c0_i32, %c0_i32_0, %arg0 : i32, i32, i32
  }
}

module attributes {stable_mosaic.version = 14 : i64} {
  func.func @_tc2_body(%arg0: i32, %arg1: memref<39x64x16384xf32, #tpu.memory_space<any>>, %arg2: memref<64x512xf32, #tpu.memory_space<vmem>>, %arg3: memref<1x1xf32, #tpu.memory_space<vmem>>, %arg4: memref<1x64xf32, #tpu.memory_space<vmem>>, %arg5: memref<64xf32, #tpu.memory_space<vmem>>, %arg6: memref<64xf32, #tpu.memory_space<vmem>>, %arg7: memref<1x64x512xf32, #tpu.memory_space<vmem>>) attributes {dimension_semantics = [#tpu.dimension_semantics<arbitrary>], iteration_bounds = array<i64: 32>, scalar_prefetch = 0 : i64, scratch_operands = 0 : i64, tpu.core_type = #tpu.core_type<tc>, window_params = [{}, {transform_indices = @transform_1, window_bounds = array<i64: 64, 512>}, {pipeline_mode = #tpu.pipeline_mode<synchronous>, transform_indices = @transform_2, window_bounds = array<i64: 1, 1>}, {pipeline_mode = #tpu.pipeline_mode<synchronous>, transform_indices = @transform_3, window_bounds = array<i64: 1, 64>}, {pipeline_mode = #tpu.pipeline_mode<synchronous>, transform_indices = @transform_4, window_bounds = array<i64: 64>}, {pipeline_mode = #tpu.pipeline_mode<synchronous>, transform_indices = @transform_5, window_bounds = array<i64: 64>}, {transform_indices = @transform_6, window_bounds = array<i64: 1, 64, 512>}]} {
    %get3A = arith.constant 0 : index
    %get3A_0 = arith.constant 0 : index
    %get3A_1 = vector.load %arg2[%get3A, %get3A_0] : memref<64x512xf32, #tpu.memory_space<vmem>>, vector<64x512xf32>
    %reshape3A = vector.shape_cast %get3A_1 : vector<64x512xf32> to vector<1x64x512xf32>
    %get3A_2 = arith.constant 0 : index
    %get3A_3 = arith.constant 0 : index
    %get3A_4 = vector.load %arg3[%get3A_2, %get3A_3] : memref<1x1xf32, #tpu.memory_space<vmem>>, vector<1x1xf32>
    %broadcast_in_dim3A = vector.shape_cast %get3A_4 : vector<1x1xf32> to vector<1x1x1xf32>
    %mul3A = vector.broadcast %broadcast_in_dim3A : vector<1x1x1xf32> to vector<1x64x512xf32>
    %mul3A_5 = arith.mulf %reshape3A, %mul3A : vector<1x64x512xf32>
    %get3A_6 = arith.constant 0 : index
    %get3A_7 = arith.constant 0 : index
    %get3A_8 = vector.load %arg4[%get3A_6, %get3A_7] : memref<1x64xf32, #tpu.memory_space<vmem>>, vector<1x64xf32>
    %broadcast_in_dim3A_9 = vector.shape_cast %get3A_8 : vector<1x64xf32> to vector<1x64x1xf32>
    %add3A = vector.broadcast %broadcast_in_dim3A_9 : vector<1x64x1xf32> to vector<1x64x512xf32>
    %add3A_10 = arith.addf %mul3A_5, %add3A : vector<1x64x512xf32>
    %reduce_sum3A = arith.constant dense<0.000000e+00> : vector<1x512xf32>
    %reduce_sum3A_11 = vector.multi_reduction <add>, %add3A_10, %reduce_sum3A [1] : vector<1x64x512xf32> to vector<1x512xf32>
    %broadcast_in_dim3A_12 = vector.shape_cast %reduce_sum3A_11 : vector<1x512xf32> to vector<1x1x512xf32>
    %div3A = arith.constant 6.400000e+01 : f32
    %div3A_13 = vector.broadcast %div3A : f32 to vector<1x1x512xf32>
    %div3A_14 = arith.divf %broadcast_in_dim3A_12, %div3A_13 : vector<1x1x512xf32>
    %sub3A = vector.broadcast %div3A_14 : vector<1x1x512xf32> to vector<1x64x512xf32>
    %sub3A_15 = arith.subf %add3A_10, %sub3A : vector<1x64x512xf32>
    %mul3A_16 = arith.mulf %sub3A_15, %sub3A_15 : vector<1x64x512xf32>
    %reduce_sum3A_17 = arith.constant dense<0.000000e+00> : vector<1x512xf32>
    %reduce_sum3A_18 = vector.multi_reduction <add>, %mul3A_16, %reduce_sum3A_17 [1] : vector<1x64x512xf32> to vector<1x512xf32>
    %broadcast_in_dim3A_19 = vector.shape_cast %reduce_sum3A_18 : vector<1x512xf32> to vector<1x1x512xf32>
    %div3A_20 = arith.constant 6.400000e+01 : f32
    %div3A_21 = vector.broadcast %div3A_20 : f32 to vector<1x1x512xf32>
    %div3A_22 = arith.divf %broadcast_in_dim3A_19, %div3A_21 : vector<1x1x512xf32>
    %add3A_23 = arith.constant 9.99999974E-6 : f32
    %add3A_24 = vector.broadcast %add3A_23 : f32 to vector<1x1x512xf32>
    %add3A_25 = arith.addf %div3A_22, %add3A_24 : vector<1x1x512xf32>
    %rsqrt3A = math.rsqrt %add3A_25 : vector<1x1x512xf32>
    %mul3A_26 = vector.broadcast %rsqrt3A : vector<1x1x512xf32> to vector<1x64x512xf32>
    %mul3A_27 = arith.mulf %sub3A_15, %mul3A_26 : vector<1x64x512xf32>
    %get3A_28 = arith.constant 0 : index
    %get3A_29 = vector.load %arg5[%get3A_28] : memref<64xf32, #tpu.memory_space<vmem>>, vector<64xf32>
    %broadcast_in_dim3A_30 = vector.shape_cast %get3A_29 : vector<64xf32> to vector<1x64x1xf32>
    %mul3A_31 = vector.broadcast %broadcast_in_dim3A_30 : vector<1x64x1xf32> to vector<1x64x512xf32>
    %mul3A_32 = arith.mulf %mul3A_27, %mul3A_31 : vector<1x64x512xf32>
    %get3A_33 = arith.constant 0 : index
    %get3A_34 = vector.load %arg6[%get3A_33] : memref<64xf32, #tpu.memory_space<vmem>>, vector<64xf32>
    %broadcast_in_dim3A_35 = vector.shape_cast %get3A_34 : vector<64xf32> to vector<1x64x1xf32>
    %add3A_36 = vector.broadcast %broadcast_in_dim3A_35 : vector<1x64x1xf32> to vector<1x64x512xf32>
    %add3A_37 = arith.addf %mul3A_32, %add3A_36 : vector<1x64x512xf32>
    %swap3A = arith.constant 0 : index
    %swap3A_38 = arith.constant 0 : index
    %swap3A_39 = arith.constant 0 : index
    %swap3A_40 = vector.load %arg7[%swap3A, %swap3A_38, %swap3A_39] : memref<1x64x512xf32, #tpu.memory_space<vmem>>, vector<1x64x512xf32>
    tpu.vector_store %arg7[%swap3A, %swap3A_38, %swap3A_39], %add3A_37 {strides = array<i32>} : memref<1x64x512xf32, #tpu.memory_space<vmem>>, vector<1x64x512xf32>,
    return
  }
  func.func @transform_1(%arg0: i32) -> (i32, i32) {
    %c0_i32 = arith.constant 0 : i32
    %c0_i32_0 = arith.constant 0 : i32
    return %c0_i32, %arg0 : i32, i32
  }
  func.func @transform_2(%arg0: i32) -> (i32, i32) {
    %c0_i32 = arith.constant 0 : i32
    %c0_i32_0 = arith.constant 0 : i32
    %c0_i32_1 = arith.constant 0 : i32
    return %c0_i32, %c0_i32_0 : i32, i32
  }
  func.func @transform_3(%arg0: i32) -> (i32, i32) {
    %c0_i32 = arith.constant 0 : i32
    %c0_i32_0 = arith.constant 0 : i32
    %c0_i32_1 = arith.constant 0 : i32
    return %c0_i32, %c0_i32_0 : i32, i32
  }
  func.func @transform_4(%arg0: i32) -> i32 {
    %c0_i32 = arith.constant 0 : i32
    %c0_i32_0 = arith.constant 0 : i32
    return %c0_i32 : i32
  }
  func.func @transform_5(%arg0: i32) -> i32 {
    %c0_i32 = arith.constant 0 : i32
    %c0_i32_0 = arith.constant 0 : i32
    return %c0_i32 : i32
  }
  func.func @transform_6(%arg0: i32) -> (i32, i32, i32) {
    %c38_i32 = arith.constant 38 : i32
    %c0_i32 = arith.constant 0 : i32
    %c0_i32_0 = arith.constant 0 : i32
    return %c38_i32, %c0_i32, %arg0 : i32, i32, i32
  }
}

</mosaic_0001>

<sc_bundles>
// kernel: _fused.6.cloned.1.call-start
scs
__scs_entry_jumppad:
0x0: {  	(pc) =	sbr.rel $0x88, $3  }
0x1: {  	(tag) =	ssettag $0x0;
	lr =	simm.s32 $0x1  }
0x2: {  	[smem:$0x3F97] =	sst lr;
	_ =	strace $0xD0000000  }
0x3: {  	_ = 	snop  }
0x4: {  	_ = 	snop  }
0x5: {  	_ = 	snop  }
0x6: {  	_ = 	snop  }
0x7: {  	_ = 	snop  }
__scs_overlays_trampoline_lowered:
0x8: {  	[smem:$0x3FA6] =	sst s0  }
0x9: {  	[smem:$0x3FA7] =	sst s1  }
0xa: {  	[smem:$0x3FA8] =	sst s2  }
0xb: {  	[smem:$0x3FA9] =	sst s3  }
0xc: {  	[smem:$0x3FAA] =	sst s4  }
0xd: {  	[smem:$0x3FAB] =	sst s5  }
0xe: {  	[smem:$0x3FAC] =	sst s6  }
0xf: {  	[smem:$0x3FAD] =	sst s7  }
0x10: {  	[smem:$0x3FAE] =	sst s8  }
0x11: {  	[smem:$0x3FAF] =	sst s9;
	s0 =	simm.s32 @!p0 $0x0  }
0x12: {  	s1 =	sld [smem:$0x3F95];
	s0 =	simm.s32 @p0 $0x1  }
0x13: {  	[smem:$0x3FB0] =	sst s0;
	s0 =	simm.s32 @!p1 $0x0  }
0x14: {  	s2 =	sld [smem:$0x3F94];
	s0 =	simm.s32 @p1 $0x1  }
0x15: {  	[smem:$0x3FB1] =	sst s0;
	s0 =	simm.s32 @!p2 $0x0  }
0x16: {  	s3 =	sld [smem:$0x3FDB];
	s0 =	simm.s32 @p2 $0x1  }
0x17: {  	s4 =	simm.s32 $0x1BF5;
	[smem:$0x3FB3] =	sst s0  }
0x18: {  	s0 =	sld [smem:$0x3F96];
	_ =	swait.ge [sflag:s4], $0x0  }
0x19: {  	s7 =	sld [smem:$0x3F97]  }
0x1a: {  	s8 =	sadd.s32 $0xFFFFE003, lr  }
0x1b: {  	s9 =	sadd.s32 $0xFFFFFEF7, lr;
	s5 =	simm.s32 $0xFFFFFFFF;
	p2 =	slt.u32 s8, $0xFFFFF086  }
0x1c: {  	p1 =	slt.u32 s9, $0xF7A;
	s5 =	simm.s32 @!p2 $0x0  }
0x1d: {  	s5 =	simm.s32 @p1 $0x1;
	p0 =	seq.s32 s7, s2  }
0x1e: {  	s7 =	smul.u32 @!p0 $0xF7A, s2;
	p2 =	seq.s32 @!p0 s5, $0x0  }
0x1f: {  	s9 =	smul.u32 $0xF7A, s1;
	s8 =	simm.s32 @!p0 $0x1BF5;
	p2 =	por !p2, p0  }
0x20: {  	[sflag:s8] =	ssyncset.s32 @!p0 $0xFFFFF086;
	s6 =	sadd.s32 @!p0 s3, s7;
	s7 =	simm.s32 @!p0 $0x108  }
0x21: {  	s3 =	sadd.s32 s3, s9;
	s6 =	sadd.s32 @!p0 $0x88, s6;
	s7 =	simm.s32 @p2 $0x1082  }
0x22: {  	[simem:s7], [sflag:s8] =	dma.local @!p0 [hbm:s6], $0xF7A  }
0x23: {  	s9 =	sor.u32 $0xD0000000, s2;
	s6 =	simm.s32 $0x108;
	_ =	swait.ge @!p0 [sflag:s8], $0x0  }
0x24: {  	s3 =	sadd.s32 $0x88, s3;
	s6 =	simm.s32 @!p1 $0x1082;
	[sflag:s4] =	ssyncset.s32 $0xFFFFF086  }
0x25: {  	[simem:s6], [sflag:s4] =	dma.local [hbm:s3], $0xF7A  }
0x26: {  	[smem:$0x3F97] =	sst s1;
	(tag) =	ssettag s2;
	_ =	strace s9  }
0x27: {  	s1 =	sld [smem:$0x3FA7]  }
0x28: {  	s2 =	sld [smem:$0x3FA8]  }
0x29: {  	s4 =	sld [smem:$0x3FAA]  }
0x2a: {  	p0 =	seq.s32 s5, $0x0;
	s5 =	sld [smem:$0x3FAB]  }
0x2b: {  	s6 =	sld [smem:$0x3FAC]  }
0x2c: {  	s7 =	sld [smem:$0x3FAD]  }
0x2d: {  	s3 =	simm.s32 $0x108;
	s8 =	sld [smem:$0x3FAE]  }
0x2e: {  	s3 =	simm.s32 @!p0 $0x1082;
	s9 =	sld [smem:$0x3FAF]  }
0x2f: {  	lr =	sadd.s32 s0, s3;
	s0 =	sld [smem:$0x3FA6]  }
0x30: {  	s3 =	sld [smem:$0x3FA9]  }
0x31: {  	[smem:$0x3FB2] =	sst s10  }
0x32: {  	s10 =	sld [smem:$0x3FB0];
	_ =	sdelay $0x3  }
0x33: {  	p0 =	seq.s32 s10, $0x1;
	s10 =	sld [smem:$0x3FB2];
	_ =	sdelay $0x3  }
0x34: {  	[smem:$0x3FB2] =	sst s10  }
0x35: {  	s10 =	sld [smem:$0x3FB1];
	_ =	sdelay $0x3  }
0x36: {  	p1 =	seq.s32 s10, $0x1;
	s10 =	sld [smem:$0x3FB2];
	_ =	sdelay $0x3  }
0x37: {  	[smem:$0x3FB2] =	sst s10  }
0x38: {  	s10 =	sld [smem:$0x3FB3]  }
0x39: {  	_ = 	snop;
	(pc) =	sbr.ind lr, $3  }
0x3a: {  	_ = 	snop  }
0x3b: {  	_ = 	snop  }
0x3c: {  	p2 =	seq.s32 s10, $0x1;
	s10 =	sld [smem:$0x3FB2]  }
0x3d: {  	_ =	shalt  }
0x3e: {  	_ =	shalt  }
0x3f: {  	_ =	shalt  }
0x40: {  	_ =	shalt  }
0x41: {  	_ =	shalt  }
0x42: {  	_ =	shalt  }
0x43: {  	_ =	shalt  }
0x44: {  	_ =	shalt  }
0x45: {  	_ =	shalt  }
0x46: {  	_ =	shalt  }
0x47: {  	_ =	shalt  }
0x48: {  	_ =	shalt  }
0x49: {  	_ =	shalt  }
0x4a: {  	_ =	shalt  }
0x4b: {  	_ =	shalt  }
0x4c: {  	_ =	shalt  }
0x4d: {  	_ =	shalt  }
0x4e: {  	_ =	shalt  }
0x4f: {  	_ =	shalt  }
0x50: {  	_ =	shalt  }
0x51: {  	_ =	shalt  }
0x52: {  	_ =	shalt  }
0x53: {  	_ =	shalt  }
0x54: {  	_ =	shalt  }
0x55: {  	_ =	shalt  }
0x56: {  	_ =	shalt  }
0x57: {  	_ =	shalt  }
0x58: {  	_ =	shalt  }
0x59: {  	_ =	shalt  }
0x5a: {  	_ =	shalt  }
0x5b: {  	_ =	shalt  }
0x5c: {  	_ =	shalt  }
0x5d: {  	_ =	shalt  }
0x5e: {  	_ =	shalt  }
0x5f: {  	_ =	shalt  }
0x60: {  	_ =	shalt  }
0x61: {  	_ =	shalt  }
0x62: {  	_ =	shalt  }
0x63: {  	_ =	shalt  }
0x64: {  	_ =	shalt  }
0x65: {  	_ =	shalt  }
0x66: {  	_ =	shalt  }
0x67: {  	_ =	shalt  }
0x68: {  	_ =	shalt  }
0x69: {  	_ =	shalt  }
0x6a: {  	_ =	shalt  }
0x6b: {  	_ =	shalt  }
0x6c: {  	_ =	shalt  }
0x6d: {  	_ =	shalt  }
0x6e: {  	_ =	shalt  }
0x6f: {  	_ =	shalt  }
0x70: {  	_ =	shalt  }
0x71: {  	_ =	shalt  }
0x72: {  	_ =	shalt  }
0x73: {  	_ =	shalt  }
0x74: {  	_ =	shalt  }
0x75: {  	_ =	shalt  }
0x76: {  	_ =	shalt  }
0x77: {  	_ =	shalt  }
0x78: {  	_ =	shalt  }
0x79: {  	_ =	shalt  }
0x7a: {  	_ =	shalt  }
0x7b: {  	_ =	shalt  }
0x7c: {  	_ =	shalt  }
0x7d: {  	_ =	shalt  }
0x7e: {  	_ =	shalt  }
0x7f: {  	_ =	shalt  }
0x80: {  	_ =	shalt  }
0x81: {  	_ =	shalt  }
0x82: {  	_ =	shalt  }
0x83: {  	_ =	shalt  }
0x84: {  	_ =	shalt  }
0x85: {  	_ =	shalt  }
0x86: {  	_ =	shalt  }
0x87: {  	_ =	shalt  }
.Lfunc_end0:
.L_simem_size_0:
called_computation_lowered:
.L_overlay_start_0:
0x88: {  	s2 =	sld [smem:$0x3FD9]  }
0x89: {  	s3 =	sld [smem:$0x3FFE];
	_ =	sdelay $0x1  }
0x8a: {  	s1 =	srdreg.scid  }
0x8b: {  	s0 =	sand.u32 $0x1, s1  }
0x8c: {  	s17 =	sshll.u32 s0, $0xA;
	s2 =	sadd.s32 s3, s2  }
0x8d: {  	s2 =	sadd.s32 s2, s17  }
0x8e: {  	[smem:$0x3FBE] =	sst s2  }
0x8f: {  	_ = 	snop  }
0x90: {  	s2 =	sld [smem:$0x3FC8];
	(tm) =	ssettm $0x1  }
0x91: {  	s18 =	sld [smem:$0x3FFB];
	_ =	sdelay $0x3  }
0x92: {  	_ =	strace s18  }
0x93: {  	s3 =	sld [smem:$0x3FFC];
	_ =	sdelay $0x3  }
0x94: {  	_ =	strace s3  }
0x95: {  	s3 =	sld [smem:$0x3FFD];
	_ =	sdelay $0x3  }
0x96: {  	_ =	strace s3  }
0x97: {  	_ =	strace $0x8FFFFFFF  }
0x98: {  	s19 =	sld [smem:$0x3FDB];
	_ =	sdelay $0x1  }
0x99: {  	s4 =	simm.s32 $_scs_section_size  }
0x9a: {  	s5 =	simm.s32 $_size__tile_overlayer_lowered;
	s6 =	simm.s32 $_tile_overlayer_lowered  }
0x9b: {  	s22 =	simm.s32 $0x1BFF;
	s21 =	sshll.u32 s6, $0x1;
	s3 =	sadd.s32 s4, s19  }
0x9c: {  	s7 =	simm.s32 $0x0;
	s20 =	sshll.u32 s5, $0x1;
	s5 =	sadd.s32 s21, s3  }
0x9d: {  	[timem:s7], [sflag:s22] =	dma.local [hbm:s5], s20  }
0x9e: {  	_ =	swait.ge [sflag:s22], s20  }
0x9f: {  	s4 =	ssub.s32 $0x0, s20;
	[sflag:s22] =	ssyncset.done $0x0  }
0xa0: {  	[sflag:s22] =	ssyncadd.s32 s4;
	_ =	sdelay $0x1  }
0xa1: {  	s23 =	simm.s32 $0x1B8B  }
0xa2: {  	_ =	swait.ge [sflag:s23], $0x1  }
0xa3: {  	[sflag:s23] =	ssyncset.done $0x0  }
0xa4: {  	s25 =	simm.s32 $0x1B8E;
	s24 =	sld [smem:$0x3FFE];
	[sflag:s23] =	ssyncadd.s32 $0xFFFFFFFF  }
0xa5: {  	s26 =	simm.s32 $execute0_lowered;
	[smem:$0x3FD2] =	sst s25  }
0xa6: {  	s5 =	sshll.u32 s26, $0x1;
	_ =	strace $0x80000046;
	[dreg:$0x1] =	wrdreg $0xFFFFFFFF  }
0xa7: {  	s28 =	simm.s32 $_size_execute0_lowered;
	s3 =	sadd.s32 s3, s5;
	[dreg:$0x0] =	wrdreg $0x0  }
0xa8: {  	s5 =	sshll.u32 s28, $0x1;
	[dreg:$0x2] =	wrdreg s3  }
0xa9: {  	[dreg:$0x3] =	wrdreg s5  }
0xaa: {  	[dreg:$0x4] =	wrdreg $0xC0  }
0xab: {  	_ =	task [dreg:s7], $0x5FFFF  }
0xac: {  	[dreg:$0x1] =	wrdreg $0xFFFFFFFF  }
0xad: {  	[dreg:$0x0] =	wrdreg $0x60  }
0xae: {  	[dreg:$0x2] =	wrdreg s24  }
0xaf: {  	[dreg:$0x3] =	wrdreg s2  }
0xb0: {  	[dreg:$0x4] =	wrdreg $0x9  }
0xb1: {  	_ =	task.clear_ibuf [dreg:s7], $0x5FFFF;
	_ =	strace $0x90000046  }
0xb2: {  	s29 =	simm.s32 $0x9;
	_ =	strace $0x80000048  }
0xb3: {  	_ =	swait.ge [sflag:s29], $0x1  }
0xb4: {  	[sflag:s29] =	ssyncadd.s32 $0xFFFFFFFF  }
0xb5: {  	_ =	strace $0x90000048  }
0xb6: {  	_ =	sfence  }
0xb7: {  	s30 =	sld [smem:$0x0];
	_ =	sdelay $0x2  }
0xb8: {  	s31 =	sshll.u32 s1, $0xD;
	s1 =	sshrl.u32 s1, $0x2  }
0xb9: {  	s3 =	sand.u32 $0x4000, s31;
	s1 =	sadd.s32 s1, s30  }
0xba: {  	s0 =	sor.u32 s3, s0;
	s1 =	sshll.u32 s1, $0x11  }
0xbb: {  	s0 =	sor.u32 s1, s0  }
0xbc: {  	s0 =	sadd.s32 $0x8F2B, s0  }
0xbd: {  	[sflag:s0] =	ssyncadd.remote.s32 $0x1  }
0xbe: {  	_ =	sfence.sel $0xFFFF  }
0xbf: {  	[dreg:$0x0] =	wrdreg $0xFFFFFFFF;
	(pc) =	sbr.abs _section_cstart, $3  }
0xc0: {  	[dreg:$0x1] =	wrdreg $0xFFFFFFFF  }
0xc1: {  	_ =	task.clear_ibuf [dreg:s7], $0x2FFFF;
	_ =	strace $0x9FFFFFFF  }
0xc2: {  	(tm) =	ssettm $0x7FFFFFFF  }
0xc3: {  	_ =	shalt  }
tec
execute0_lowered:
.L_overlay_start_1:
0x0: {  	(tag) =	ssettag $0x1  }
0x1: {  	s1 =	srdreg.scid  }
0x2: {  	s0 =	stileid.u32;
	s6 =	rddreg [dreg:$0x0]  }
0x3: {  	s3 =	rddreg [dreg:$0x1];
	s4 =	simm.s32 $0x0;
	s9 =	simm.s32 $0x80  }
0x4: {  	s10 =	simm.s32 $0x400;
	s1 =	sand.u32 $0x1, s1;
	s2 =	sshll.u32 s0, $0x1  }
0x5: {  	s11 =	simm.s32 $0x4000;
	s12 =	simm.s32 $0x14500;
	s5 =	sor.u32 s1, s2  }
0x6: {  	s13 =	simm.s32 $0x1;
	s14 =	simm.s32 $0xC280;
	s2 =	smul.u32 $0x32, s5  }
0x7: {  	s15 =	simm.s32 $0x2;
	s16 =	simm.s32 $0x3;
	s17 =	simm.s32 $0x14580  }
0x8: {  	s18 =	simm.s32 $0x18580;
	s19 =	simm.s32 $0x4;
	s7 =	sshrl.u32 s2, $0x3  }
0x9: {  	s20 =	simm.s32 $0x5;
	s5 =	sshll.u32 s5, $0x8;
	s7 =	smul.u32 $0xC3800, s7  }
0xa: {  	[smem:$0x7FF] =	sst s4;
	s1 =	ssub.s32 $0x2, s1;
	s5 =	sand.u32 $0x300, s5  }
0xb: {  	_ =	strace $0x80000047;
	s8 =	sshrl.u32 s1, $0x1;
	s7 =	sor.u32 s5, s7  }
0xc: {  	s1 =	ssub.s32 s1, s8;
	s5 =	sadd.s32 $0x1A00, s6;
	s7 =	sshrl.u32 s7, $0x3  }
0xd: {  	s8 =	smax.u32 s1, $0x1;
	s6 =	sadd.s32 $0x13DCA00, s6;
	s7 =	sadd.s32 s5, s7  }
.LBB2_1:
0xe: {  	[tilespmem:s11], [sflag:$0x1] =	stream.strided.gather [hbm4b:s7+s9], $0x8280, s10, s9, $0x38;
	[tilespmem:$0x1C580] =	vst v63  }
0xf: {  	s22 =	simm.s32 $0xFFFFFFFF;
	s21 =	simm.s32 $0x0  }
.LBB2_2:
0x10: {  	s1 =	sshll.u32 s21, $0x1;
	p1 =	seq.s32 s21, $0x0  }
0x11: {  	s23 =	sadd.s32 s2, s1;
	s1 =	simm.s32 @!p1 $0x4  }
0x12: {  	_ =	swait.ge @!p1 [sflag:s1], $0x4000  }
0x13: {  	s24 =	smov.u32 s22;
	s22 =	sshrl.u32 s23, $0x6;
	[sflag:s1] =	ssyncset.done @!p1 $0x0  }
0x14: {  	p0 =	seq.s32 s22, s24;
	[sflag:s1] =	ssyncadd.s32 @!p1 $0xFFFFC000;
	s1 =	simm.s32 @!p1 $0x5  }
0x15: {  	s24 =	sshll.u32 @!p0 s23, $0x5;
	s25 =	sshll.u32 @!p0 s22, $0x4;
	_ =	swait.ge @!p1 [sflag:s1], $0x4000  }
0x16: {  	s26 =	simm.s32 @!p0 $0x0;
	s24 =	sand.u32 @!p0 $0xFFFC000, s24;
	[sflag:s1] =	ssyncset.done @!p1 $0x0  }
0x17: {  	s25 =	sand.u32 @!p0 $0x70, s25;
	s24 =	sadd.s32 @!p0 s3, s24;
	[sflag:s1] =	ssyncadd.s32 @!p1 $0xFFFFC000  }
0x18: {  	s1 =	sadd.s32 @!p0 s25, s24;
	s24 =	simm.s32 @!p0 $0x80;
	s25 =	simm.s32 @!p0 $0x400  }
0x19: {  	[tilespmem:s26], [sflag:$0x6] =	stream.strided.gather @!p0 [hbm4b:s1+s24], $0x4000, s25, s24, $0x38;
	[tilespmem:$0x1C580] =	vst v63  }
0x1a: {  	s25 =	sshrl.u32 s23, $0x3  }
0x1b: {  	s26 =	sshll.u32 s23, $0x7;
	s28 =	smul.u32 $0xC3800, s25  }
0x1c: {  	s26 =	sand.u32 $0x300, s26  }
0x1d: {  	s1 =	simm.s32 @!p0 $0x6;
	s31 =	sor.u32 s26, s28  }
0x1e: {  	_ =	swait.ge @!p0 [sflag:s1], $0x4000;
	s24 =	sshrl.u32 s31, $0x3  }
0x1f: {  	[sflag:s1] =	ssyncset.done @!p0 $0x0;
	s24 =	sadd.s32 s5, s24  }
0x20: {  	s29 =	simm.s32 $0x0;
	[sflag:s1] =	ssyncadd.s32 @!p0 $0xFFFFC000;
	s31 =	sadd.s32 $0x18680, s24  }
0x21: {  	[tilespmem:s12], [sflag:$0x3] =	stream.linear.gather [hbm4b:s31+s29], $0x80, $0x38;
	[tilespmem:$0x1C580] =	vst v63  }
0x22: {  	_ =	swait.ge [sflag:s13], $0x8280  }
0x23: {  	[sflag:s13] =	ssyncset.done $0x0  }
0x24: {  	s31 =	sadd.s32 $0x8280, s24;
	s29 =	simm.s32 $0x0;
	[sflag:s13] =	ssyncadd.s32 $0xFFFF7D80  }
0x25: {  	[tilespmem:s14], [sflag:$0x2] =	stream.strided.gather [hbm4b:s31+s9], $0x8280, s10, s9, $0x38;
	[tilespmem:$0x1C580] =	vst v63  }
0x26: {  	v0 =	vld [tilespmem:s29+$0x0];
	_ =	sdelay $0x4  }
0x27: {  	vm0 =	vlt.s32 v0, $0x8280  }
0x28: {  	v1 =	vld [tilespmem:s29+$0x10];
	_ =	sdelay $0x4  }
0x29: {  	v0 =	vld.idx.msk [tilespmem:v0+s11+$0x0], vm0;
	vm0 =	vlt.s32 v1, $0x8280  }
0x2a: {  	v2 =	vld [tilespmem:s29+$0x20];
	_ =	sdelay $0x3  }
0x2b: {  	[tilespmem:s29+$0x14580] =	vst v0  }
0x2c: {  	v0 =	vld.idx.msk [tilespmem:v1+s11+$0x0], vm0;
	vm0 =	vlt.s32 v2, $0x8280  }
0x2d: {  	v1 =	vld [tilespmem:s29+$0x30];
	_ =	sdelay $0x3  }
0x2e: {  	[tilespmem:s29+$0x14590] =	vst v0  }
0x2f: {  	v0 =	vld.idx.msk [tilespmem:v2+s11+$0x0], vm0;
	vm0 =	vlt.s32 v1, $0x8280  }
0x30: {  	v2 =	vld [tilespmem:s29+$0x40];
	_ =	sdelay $0x3  }
0x31: {  	[tilespmem:s29+$0x145A0] =	vst v0  }
0x32: {  	v0 =	vld.idx.msk [tilespmem:v1+s11+$0x0], vm0;
	vm0 =	vlt.s32 v2, $0x8280  }
0x33: {  	v1 =	vld [tilespmem:s29+$0x50];
	_ =	sdelay $0x3  }
0x34: {  	[tilespmem:s29+$0x145B0] =	vst v0  }
0x35: {  	v0 =	vld.idx.msk [tilespmem:v2+s11+$0x0], vm0;
	vm0 =	vlt.s32 v1, $0x8280  }
0x36: {  	v2 =	vld [tilespmem:s29+$0x60];
	_ =	sdelay $0x3  }
0x37: {  	[tilespmem:s29+$0x145C0] =	vst v0  }
0x38: {  	v1 =	vld.idx.msk [tilespmem:v1+s11+$0x0], vm0;
	vm0 =	vlt.s32 v2, $0x8280  }
0x39: {  	v0 =	vld [tilespmem:s29+$0x70];
	_ =	sdelay $0x3  }
0x3a: {  	[tilespmem:s29+$0x145D0] =	vst v1  }
0x3b: {  	v1 =	vld.idx.msk [tilespmem:v2+s11+$0x0], vm0;
	vm0 =	vlt.s32 v0, $0x8280  }
0x3c: {  	s30 =	simm.s32 $0x80;
	s1 =	simm.s32 $0x400  }
.LBB2_3:
0x3d: {  	p0 =	sne.s32 s1, $0xFE00;
	v2 =	vld [tilespmem:s30+$0x0];
	_ =	sdelay $0x2  }
0x3e: {  	[tilespmem:s29+$0x145E0] =	vst v1  }
0x3f: {  	v0 =	vld.idx.msk [tilespmem:v0+s11+$0x0], vm0  }
0x40: {  	vm0 =	vlt.s32 v2, $0x8280;
	_ =	sdelay $0x1  }
0x41: {  	v1 =	vld [tilespmem:s30+$0x10];
	_ =	sdelay $0x2  }
0x42: {  	[tilespmem:s29+$0x145F0] =	vst v0;
	s29 =	smov.u32 s30  }
0x43: {  	v0 =	vld.idx.msk [tilespmem:v2+s11+$0x0], vm0  }
0x44: {  	vm0 =	vlt.s32 v1, $0x8280;
	_ =	sdelay $0x1  }
0x45: {  	v2 =	vld [tilespmem:s29+$0x20];
	_ =	sdelay $0x2  }
0x46: {  	[tilespmem:s29+$0x14580] =	vst v0  }
0x47: {  	v0 =	vld.idx.msk [tilespmem:v1+s11+$0x0], vm0  }
0x48: {  	vm0 =	vlt.s32 v2, $0x8280;
	_ =	sdelay $0x1  }
0x49: {  	v1 =	vld [tilespmem:s29+$0x30];
	_ =	sdelay $0x2  }
0x4a: {  	[tilespmem:s29+$0x14590] =	vst v0  }
0x4b: {  	v0 =	vld.idx.msk [tilespmem:v2+s11+$0x0], vm0  }
0x4c: {  	vm0 =	vlt.s32 v1, $0x8280;
	_ =	sdelay $0x1  }
0x4d: {  	v2 =	vld [tilespmem:s29+$0x40];
	_ =	sdelay $0x2  }
0x4e: {  	[tilespmem:s29+$0x145A0] =	vst v0  }
0x4f: {  	v0 =	vld.idx.msk [tilespmem:v1+s11+$0x0], vm0  }
0x50: {  	vm0 =	vlt.s32 v2, $0x8280;
	_ =	sdelay $0x1  }
0x51: {  	v1 =	vld [tilespmem:s29+$0x50];
	_ =	sdelay $0x2  }
0x52: {  	[tilespmem:s29+$0x145B0] =	vst v0  }
0x53: {  	v0 =	vld.idx.msk [tilespmem:v2+s11+$0x0], vm0  }
0x54: {  	vm0 =	vlt.s32 v1, $0x8280;
	_ =	sdelay $0x1  }
0x55: {  	v2 =	vld [tilespmem:s29+$0x60];
	_ =	sdelay $0x2  }
0x56: {  	[tilespmem:s29+$0x145C0] =	vst v0  }
0x57: {  	v1 =	vld.idx.msk [tilespmem:v1+s11+$0x0], vm0  }
0x58: {  	vm0 =	vlt.s32 v2, $0x8280;
	_ =	sdelay $0x1  }
0x59: {  	v0 =	vld [tilespmem:s29+$0x70];
	_ =	sdelay $0x1  }
.Ltmp0:
0x5a: {  	(pc) =	sbr.rel @p0 .LBB2_3-.Ltmp0, $4  }
0x5b: {  	[tilespmem:s29+$0x145D0] =	vst v1  }
0x5c: {  	v1 =	vld.idx.msk [tilespmem:v2+s11+$0x0], vm0  }
0x5d: {  	vm0 =	vlt.s32 v0, $0x8280  }
0x5e: {  	s30 =	sshra.s32 s1, $0x2;
	s1 =	sadd.s32 $0x200, s1  }
0x5f: {  	v2 =	vld [tilespmem:s30+$0x0];
	_ =	sdelay $0x3  }
0x60: {  	[tilespmem:s29+$0x145E0] =	vst v1  }
0x61: {  	v0 =	vld.idx.msk [tilespmem:v0+s11+$0x0], vm0;
	vm0 =	vlt.s32 v2, $0x8280  }
0x62: {  	v1 =	vld [tilespmem:s30+$0x10];
	_ =	sdelay $0x3  }
0x63: {  	[tilespmem:s29+$0x145F0] =	vst v0  }
0x64: {  	v0 =	vld.idx.msk [tilespmem:v2+s11+$0x0], vm0;
	vm0 =	vlt.s32 v1, $0x8280  }
0x65: {  	v2 =	vld [tilespmem:s30+$0x20];
	_ =	sdelay $0x3  }
0x66: {  	[tilespmem:s30+$0x14580] =	vst v0  }
0x67: {  	v0 =	vld.idx.msk [tilespmem:v1+s11+$0x0], vm0;
	vm0 =	vlt.s32 v2, $0x8280  }
0x68: {  	v1 =	vld [tilespmem:s30+$0x30];
	_ =	sdelay $0x3  }
0x69: {  	[tilespmem:s30+$0x14590] =	vst v0  }
0x6a: {  	v0 =	vld.idx.msk [tilespmem:v2+s11+$0x0], vm0;
	vm0 =	vlt.s32 v1, $0x8280  }
0x6b: {  	v2 =	vld [tilespmem:s30+$0x40];
	_ =	sdelay $0x3  }
0x6c: {  	[tilespmem:s30+$0x145A0] =	vst v0  }
0x6d: {  	v0 =	vld.idx.msk [tilespmem:v1+s11+$0x0], vm0;
	vm0 =	vlt.s32 v2, $0x8280  }
0x6e: {  	v1 =	vld [tilespmem:s30+$0x50];
	_ =	sdelay $0x3  }
0x6f: {  	[tilespmem:s30+$0x145B0] =	vst v0  }
0x70: {  	v0 =	vld.idx.msk [tilespmem:v2+s11+$0x0], vm0;
	vm0 =	vlt.s32 v1, $0x8280  }
0x71: {  	v2 =	vld [tilespmem:s30+$0x60];
	_ =	sdelay $0x3  }
0x72: {  	[tilespmem:s30+$0x145C0] =	vst v0  }
0x73: {  	v0 =	vld.idx.msk [tilespmem:v1+s11+$0x0], vm0;
	vm0 =	vlt.s32 v2, $0x8280  }
0x74: {  	v1 =	vld [tilespmem:s30+$0x70];
	_ =	sdelay $0x3  }
0x75: {  	[tilespmem:s30+$0x145D0] =	vst v0  }
0x76: {  	v0 =	vld.idx.msk [tilespmem:v2+s11+$0x0], vm0;
	vm0 =	vlt.s32 v1, $0x8280;
	_ =	sdelay $0x4  }
0x77: {  	[tilespmem:s30+$0x145E0] =	vst v0  }
0x78: {  	v0 =	vld.idx.msk [tilespmem:v1+s11+$0x0], vm0;
	_ =	sdelay $0x4  }
0x79: {  	[tilespmem:s30+$0x145F0] =	vst v0  }
0x7a: {  	_ =	swait.ge [sflag:s15], $0x8280  }
0x7b: {  	[sflag:s15] =	ssyncset.done $0x0  }
0x7c: {  	s1 =	sadd.s32 $0x10500, s24;
	s24 =	simm.s32 $0x0;
	[sflag:s15] =	ssyncadd.s32 $0xFFFF7D80  }
0x7d: {  	[tilespmem:s11], [sflag:$0x1] =	stream.strided.gather [hbm4b:s1+s9], $0x8180, s10, s9, $0x38;
	[tilespmem:$0x1C580] =	vst v63  }
0x7e: {  	v0 =	vld [tilespmem:s24+$0x0];
	_ =	sdelay $0x4  }
0x7f: {  	v0 =	vadd.s32 $0xFFFF7D80, v0  }
0x80: {  	vm0 =	vlt.u32 v0, $0x8280  }
0x81: {  	v1 =	vld [tilespmem:s24+$0x10];
	_ =	sdelay $0x3  }
0x82: {  	v2 =	vld [tilespmem:s24+$0x14580]  }
0x83: {  	v1 =	vadd.s32 $0xFFFF7D80, v1;
	v0 =	vld.idx.msk [tilespmem:v0+s14+$0x0], vm0  }
0x84: {  	vm1 =	vlt.u32 v1, $0x8280;
	_ =	sdelay $0x1  }
0x85: {  	v3 =	vld [tilespmem:s24+$0x20];
	_ =	sdelay $0x1  }
0x86: {  	v0 =	vsel vm0, v0, v2  }
0x87: {  	[tilespmem:s24+$0x14580] =	vst v0  }
0x88: {  	v0 =	vld.idx.msk [tilespmem:v1+s14+$0x0], vm1  }
0x89: {  	v2 =	vadd.s32 $0xFFFF7D80, v3;
	v1 =	vld [tilespmem:s24+$0x14590]  }
0x8a: {  	vm0 =	vlt.u32 v2, $0x8280  }
0x8b: {  	v3 =	vld [tilespmem:s24+$0x30];
	_ =	sdelay $0x2  }
0x8c: {  	v0 =	vsel vm1, v0, v1  }
0x8d: {  	v1 =	vld [tilespmem:s24+$0x145A0];
	[tilespmem:s24+$0x14590] =	vst v0  }
0x8e: {  	v0 =	vld.idx.msk [tilespmem:v2+s14+$0x0], vm0;
	v2 =	vadd.s32 $0xFFFF7D80, v3  }
0x8f: {  	vm1 =	vlt.u32 v2, $0x8280  }
0x90: {  	v3 =	vld [tilespmem:s24+$0x40];
	_ =	sdelay $0x2  }
0x91: {  	v0 =	vsel vm0, v0, v1  }
0x92: {  	v1 =	vld [tilespmem:s24+$0x145B0];
	[tilespmem:s24+$0x145A0] =	vst v0  }
0x93: {  	v0 =	vld.idx.msk [tilespmem:v2+s14+$0x0], vm1;
	v2 =	vadd.s32 $0xFFFF7D80, v3  }
0x94: {  	vm0 =	vlt.u32 v2, $0x8280  }
0x95: {  	v3 =	vld [tilespmem:s24+$0x50];
	_ =	sdelay $0x2  }
0x96: {  	v0 =	vsel vm1, v0, v1  }
0x97: {  	v1 =	vld [tilespmem:s24+$0x145C0];
	[tilespmem:s24+$0x145B0] =	vst v0  }
0x98: {  	v0 =	vld.idx.msk [tilespmem:v2+s14+$0x0], vm0;
	v2 =	vadd.s32 $0xFFFF7D80, v3  }
0x99: {  	vm1 =	vlt.u32 v2, $0x8280  }
0x9a: {  	v3 =	vld [tilespmem:s24+$0x60];
	_ =	sdelay $0x2  }
0x9b: {  	v0 =	vsel vm0, v0, v1  }
0x9c: {  	v1 =	vld [tilespmem:s24+$0x145D0];
	[tilespmem:s24+$0x145C0] =	vst v0  }
0x9d: {  	v0 =	vld.idx.msk [tilespmem:v2+s14+$0x0], vm1;
	v2 =	vadd.s32 $0xFFFF7D80, v3  }
0x9e: {  	vm0 =	vlt.u32 v2, $0x8280;
	_ =	sdelay $0x1  }
0x9f: {  	v3 =	vld [tilespmem:s24+$0x70];
	_ =	sdelay $0x1  }
0xa0: {  	v0 =	vsel vm1, v0, v1  }
0xa1: {  	[tilespmem:s24+$0x145D0] =	vst v0  }
0xa2: {  	v1 =	vld.idx.msk [tilespmem:v2+s14+$0x0], vm0  }
0xa3: {  	v0 =	vadd.s32 $0xFFFF7D80, v3;
	v2 =	vld [tilespmem:s24+$0x145E0]  }
0xa4: {  	vm1 =	vlt.u32 v0, $0x8280  }
0xa5: {  	s29 =	simm.s32 $0x80;
	s1 =	simm.s32 $0x400  }
.LBB2_5:
0xa6: {  	p0 =	sne.s32 s1, $0xFE00;
	v3 =	vld [tilespmem:s29+$0x0];
	_ =	sdelay $0x1  }
0xa7: {  	v1 =	vsel vm0, v1, v2  }
0xa8: {  	[tilespmem:s24+$0x145E0] =	vst v1  }
0xa9: {  	v0 =	vld.idx.msk [tilespmem:v0+s14+$0x0], vm1  }
0xaa: {  	v1 =	vadd.s32 $0xFFFF7D80, v3;
	v2 =	vld [tilespmem:s24+$0x145F0]  }
0xab: {  	vm0 =	vlt.u32 v1, $0x8280;
	_ =	sdelay $0x1  }
0xac: {  	v3 =	vld [tilespmem:s29+$0x10];
	_ =	sdelay $0x1  }
0xad: {  	v0 =	vsel vm1, v0, v2  }
0xae: {  	[tilespmem:s24+$0x145F0] =	vst v0;
	s24 =	smov.u32 s29  }
0xaf: {  	v0 =	vld.idx.msk [tilespmem:v1+s14+$0x0], vm0  }
0xb0: {  	v1 =	vld [tilespmem:s24+$0x14580];
	v2 =	vadd.s32 $0xFFFF7D80, v3  }
0xb1: {  	vm1 =	vlt.u32 v2, $0x8280;
	_ =	sdelay $0x1  }
0xb2: {  	v3 =	vld [tilespmem:s24+$0x20];
	_ =	sdelay $0x1  }
0xb3: {  	v0 =	vsel vm0, v0, v1  }
0xb4: {  	[tilespmem:s24+$0x14580] =	vst v0  }
0xb5: {  	v0 =	vld.idx.msk [tilespmem:v2+s14+$0x0], vm1  }
0xb6: {  	v1 =	vld [tilespmem:s24+$0x14590];
	v2 =	vadd.s32 $0xFFFF7D80, v3  }
0xb7: {  	vm0 =	vlt.u32 v2, $0x8280;
	_ =	sdelay $0x1  }
0xb8: {  	v3 =	vld [tilespmem:s24+$0x30];
	_ =	sdelay $0x1  }
0xb9: {  	v0 =	vsel vm1, v0, v1  }
0xba: {  	[tilespmem:s24+$0x14590] =	vst v0  }
0xbb: {  	v0 =	vld.idx.msk [tilespmem:v2+s14+$0x0], vm0  }
0xbc: {  	v1 =	vld [tilespmem:s24+$0x145A0];
	v2 =	vadd.s32 $0xFFFF7D80, v3  }
0xbd: {  	vm1 =	vlt.u32 v2, $0x8280;
	_ =	sdelay $0x1  }
0xbe: {  	v3 =	vld [tilespmem:s24+$0x40];
	_ =	sdelay $0x1  }
0xbf: {  	v0 =	vsel vm0, v0, v1  }
0xc0: {  	[tilespmem:s24+$0x145A0] =	vst v0  }
0xc1: {  	v0 =	vld.idx.msk [tilespmem:v2+s14+$0x0], vm1  }
0xc2: {  	v1 =	vld [tilespmem:s24+$0x145B0];
	v2 =	vadd.s32 $0xFFFF7D80, v3  }
0xc3: {  	vm0 =	vlt.u32 v2, $0x8280;
	_ =	sdelay $0x1  }
0xc4: {  	v3 =	vld [tilespmem:s24+$0x50];
	_ =	sdelay $0x1  }
0xc5: {  	v0 =	vsel vm1, v0, v1  }
0xc6: {  	[tilespmem:s24+$0x145B0] =	vst v0  }
0xc7: {  	v0 =	vld.idx.msk [tilespmem:v2+s14+$0x0], vm0  }
0xc8: {  	v1 =	vld [tilespmem:s24+$0x145C0];
	v2 =	vadd.s32 $0xFFFF7D80, v3  }
0xc9: {  	vm1 =	vlt.u32 v2, $0x8280;
	_ =	sdelay $0x1  }
0xca: {  	v3 =	vld [tilespmem:s24+$0x60];
	_ =	sdelay $0x1  }
0xcb: {  	v0 =	vsel vm0, v0, v1  }
0xcc: {  	[tilespmem:s24+$0x145C0] =	vst v0  }
0xcd: {  	v0 =	vld.idx.msk [tilespmem:v2+s14+$0x0], vm1  }
0xce: {  	v1 =	vld [tilespmem:s24+$0x145D0];
	v2 =	vadd.s32 $0xFFFF7D80, v3  }
0xcf: {  	vm0 =	vlt.u32 v2, $0x8280;
	_ =	sdelay $0x1  }
0xd0: {  	v3 =	vld [tilespmem:s24+$0x70];
	_ =	sdelay $0x1  }
0xd1: {  	v0 =	vsel vm1, v0, v1  }
.Ltmp1:
0xd2: {  	[tilespmem:s24+$0x145D0] =	vst v0;
	(pc) =	sbr.rel @p0 .LBB2_5-.Ltmp1, $4  }
0xd3: {  	v1 =	vld.idx.msk [tilespmem:v2+s14+$0x0], vm0  }
0xd4: {  	v2 =	vld [tilespmem:s24+$0x145E0];
	v0 =	vadd.s32 $0xFFFF7D80, v3  }
0xd5: {  	vm1 =	vlt.u32 v0, $0x8280  }
0xd6: {  	s29 =	sshra.s32 s1, $0x2;
	s1 =	sadd.s32 $0x200, s1  }
0xd7: {  	v3 =	vld [tilespmem:s29+$0x0];
	_ =	sdelay $0x2  }
0xd8: {  	v1 =	vsel vm0, v1, v2  }
0xd9: {  	v2 =	vld [tilespmem:s24+$0x145F0];
	[tilespmem:s24+$0x145E0] =	vst v1  }
0xda: {  	v0 =	vld.idx.msk [tilespmem:v0+s14+$0x0], vm1;
	v1 =	vadd.s32 $0xFFFF7D80, v3  }
0xdb: {  	vm0 =	vlt.u32 v1, $0x8280;
	_ =	sdelay $0x1  }
0xdc: {  	v3 =	vld [tilespmem:s29+$0x10];
	_ =	sdelay $0x1  }
0xdd: {  	v0 =	vsel vm1, v0, v2  }
0xde: {  	[tilespmem:s24+$0x145F0] =	vst v0  }
0xdf: {  	v0 =	vld.idx.msk [tilespmem:v1+s14+$0x0], vm0  }
0xe0: {  	v2 =	vadd.s32 $0xFFFF7D80, v3;
	v1 =	vld [tilespmem:s29+$0x14580]  }
0xe1: {  	vm1 =	vlt.u32 v2, $0x8280  }
0xe2: {  	v3 =	vld [tilespmem:s29+$0x20];
	_ =	sdelay $0x2  }
0xe3: {  	v0 =	vsel vm0, v0, v1  }
0xe4: {  	v1 =	vld [tilespmem:s29+$0x14590];
	[tilespmem:s29+$0x14580] =	vst v0  }
0xe5: {  	v0 =	vld.idx.msk [tilespmem:v2+s14+$0x0], vm1;
	v2 =	vadd.s32 $0xFFFF7D80, v3  }
0xe6: {  	vm0 =	vlt.u32 v2, $0x8280  }
0xe7: {  	v3 =	vld [tilespmem:s29+$0x30];
	_ =	sdelay $0x2  }
0xe8: {  	v0 =	vsel vm1, v0, v1  }
0xe9: {  	v1 =	vld [tilespmem:s29+$0x145A0];
	[tilespmem:s29+$0x14590] =	vst v0  }
0xea: {  	v0 =	vld.idx.msk [tilespmem:v2+s14+$0x0], vm0;
	v2 =	vadd.s32 $0xFFFF7D80, v3  }
0xeb: {  	vm1 =	vlt.u32 v2, $0x8280  }
0xec: {  	v3 =	vld [tilespmem:s29+$0x40];
	_ =	sdelay $0x2  }
0xed: {  	v0 =	vsel vm0, v0, v1  }
0xee: {  	v1 =	vld [tilespmem:s29+$0x145B0];
	[tilespmem:s29+$0x145A0] =	vst v0  }
0xef: {  	v0 =	vld.idx.msk [tilespmem:v2+s14+$0x0], vm1;
	v2 =	vadd.s32 $0xFFFF7D80, v3  }
0xf0: {  	vm0 =	vlt.u32 v2, $0x8280  }
0xf1: {  	v3 =	vld [tilespmem:s29+$0x50];
	_ =	sdelay $0x2  }
0xf2: {  	v0 =	vsel vm1, v0, v1  }
0xf3: {  	v1 =	vld [tilespmem:s29+$0x145C0];
	[tilespmem:s29+$0x145B0] =	vst v0  }
0xf4: {  	v0 =	vld.idx.msk [tilespmem:v2+s14+$0x0], vm0;
	v2 =	vadd.s32 $0xFFFF7D80, v3  }
0xf5: {  	vm1 =	vlt.u32 v2, $0x8280  }
0xf6: {  	v3 =	vld [tilespmem:s29+$0x60];
	_ =	sdelay $0x2  }
0xf7: {  	v0 =	vsel vm0, v0, v1  }
0xf8: {  	v1 =	vld [tilespmem:s29+$0x145D0];
	[tilespmem:s29+$0x145C0] =	vst v0  }
0xf9: {  	v0 =	vld.idx.msk [tilespmem:v2+s14+$0x0], vm1;
	v2 =	vadd.s32 $0xFFFF7D80, v3  }
0xfa: {  	vm0 =	vlt.u32 v2, $0x8280  }
0xfb: {  	v3 =	vld [tilespmem:s29+$0x70];
	_ =	sdelay $0x2  }
0xfc: {  	v0 =	vsel vm1, v0, v1  }
0xfd: {  	v1 =	vld [tilespmem:s29+$0x145E0];
	[tilespmem:s29+$0x145D0] =	vst v0  }
0xfe: {  	v0 =	vld.idx.msk [tilespmem:v2+s14+$0x0], vm0;
	v2 =	vadd.s32 $0xFFFF7D80, v3  }
0xff: {  	vm1 =	vlt.u32 v2, $0x8280;
	_ =	sdelay $0x3  }
0x100: {  	v0 =	vsel vm0, v0, v1  }
0x101: {  	v1 =	vld [tilespmem:s29+$0x145F0];
	[tilespmem:s29+$0x145E0] =	vst v0  }
0x102: {  	v0 =	vld.idx.msk [tilespmem:v2+s14+$0x0], vm1;
	_ =	sdelay $0x4  }
0x103: {  	v0 =	vsel vm1, v0, v1  }
0x104: {  	s24 =	sor.u32 $0x80, s26;
	[tilespmem:s29+$0x145F0] =	vst v0  }
0x105: {  	s1 =	sor.u32 s28, s24;
	_ =	swait.ge [sflag:s13], $0x8180  }
0x106: {  	s1 =	sshrl.u32 s1, $0x3;
	[sflag:s13] =	ssyncset.done $0x0  }
0x107: {  	s28 =	sadd.s32 s5, s1;
	[sflag:s13] =	ssyncadd.s32 $0xFFFF7E80  }
0x108: {  	[tilespmem:s14], [sflag:$0x2] =	stream.strided.gather [hbm4b:s28+s9], $0x8280, s10, s9, $0x38;
	[tilespmem:$0x1C580] =	vst v63  }
0x109: {  	_ =	swait.ge [sflag:s16], $0x80  }
0x10a: {  	[sflag:s16] =	ssyncset.done $0x0  }
0x10b: {  	s29 =	simm.s32 $0x0;
	[sflag:s16] =	ssyncadd.s32 $0xFFFFFF80  }
0x10c: {  	v0 =	vld [tilespmem:s29+$0x0];
	_ =	sdelay $0x4  }
0x10d: {  	v1 =	vadd.s32 $0xFFFEFB00, v0  }
0x10e: {  	v0 =	vadd.s32 $0xFFFE7980, v0;
	vm0 =	vlt.u32 v1, $0x8180  }
0x10f: {  	vm1 =	vgt.s32 v0, $0xFFFFFFFF  }
0x110: {  	v2 =	vld [tilespmem:s29+$0x10];
	_ =	sdelay $0x2  }
0x111: {  	v4 =	vld [tilespmem:s29+$0x14580]  }
0x112: {  	v1 =	vld.idx.msk [tilespmem:v1+s11+$0x0], vm0  }
0x113: {  	v6 =	vadd.s32 $0xFFFEFB00, v2;
	v0 =	vld.idx.msk [tilespmem:v0+s12+$0x0], vm1  }
0x114: {  	v2 =	vadd.s32 $0xFFFE7980, v2;
	vm2 =	vlt.u32 v6, $0x8180  }
0x115: {  	vm3 =	vgt.s32 v2, $0xFFFFFFFF  }
0x116: {  	v3 =	vld [tilespmem:s29+$0x20]  }
0x117: {  	v1 =	vsel vm0, v1, v4  }
0x118: {  	v0 =	vsel vm1, v0, v1  }
0x119: {  	[tilespmem:s29+$0x14580] =	vst v0;
	v0 =	vld [tilespmem:s29+$0x14590]  }
0x11a: {  	v1 =	vld.idx.msk [tilespmem:v6+s11+$0x0], vm2  }
0x11b: {  	v2 =	vld.idx.msk [tilespmem:v2+s12+$0x0], vm3;
	v6 =	vadd.s32 $0xFFFEFB00, v3  }
0x11c: {  	v3 =	vadd.s32 $0xFFFE7980, v3;
	vm0 =	vlt.u32 v6, $0x8180  }
0x11d: {  	vm1 =	vgt.s32 v3, $0xFFFFFFFF  }
0x11e: {  	v5 =	vld [tilespmem:s29+$0x30]  }
0x11f: {  	v0 =	vsel vm2, v1, v0  }
0x120: {  	v0 =	vsel vm3, v2, v0  }
0x121: {  	[tilespmem:s29+$0x14590] =	vst v0;
	v0 =	vld [tilespmem:s29+$0x145A0]  }
0x122: {  	v1 =	vld.idx.msk [tilespmem:v6+s11+$0x0], vm0  }
0x123: {  	v2 =	vld.idx.msk [tilespmem:v3+s12+$0x0], vm1;
	v3 =	vadd.s32 $0xFFFEFB00, v5  }
0x124: {  	v5 =	vadd.s32 $0xFFFE7980, v5;
	vm2 =	vlt.u32 v3, $0x8180  }
0x125: {  	vm3 =	vgt.s32 v5, $0xFFFFFFFF  }
0x126: {  	v7 =	vld [tilespmem:s29+$0x40]  }
0x127: {  	v0 =	vsel vm0, v1, v0  }
0x128: {  	v0 =	vsel vm1, v2, v0  }
0x129: {  	[tilespmem:s29+$0x145A0] =	vst v0;
	v0 =	vld [tilespmem:s29+$0x145B0]  }
0x12a: {  	v1 =	vld.idx.msk [tilespmem:v3+s11+$0x0], vm2  }
0x12b: {  	v2 =	vld.idx.msk [tilespmem:v5+s12+$0x0], vm3;
	v3 =	vadd.s32 $0xFFFEFB00, v7  }
0x12c: {  	v5 =	vadd.s32 $0xFFFE7980, v7;
	vm0 =	vlt.u32 v3, $0x8180  }
0x12d: {  	vm1 =	vgt.s32 v5, $0xFFFFFFFF  }
0x12e: {  	v8 =	vld [tilespmem:s29+$0x50]  }
0x12f: {  	v0 =	vsel vm2, v1, v0  }
0x130: {  	v0 =	vsel vm3, v2, v0  }
0x131: {  	[tilespmem:s29+$0x145B0] =	vst v0;
	v0 =	vld [tilespmem:s29+$0x145C0]  }
0x132: {  	v1 =	vld.idx.msk [tilespmem:v3+s11+$0x0], vm0  }
0x133: {  	v2 =	vld.idx.msk [tilespmem:v5+s12+$0x0], vm1;
	v3 =	vadd.s32 $0xFFFEFB00, v8  }
0x134: {  	v5 =	vadd.s32 $0xFFFE7980, v8;
	vm2 =	vlt.u32 v3, $0x8180  }
0x135: {  	vm3 =	vgt.s32 v5, $0xFFFFFFFF  }
0x136: {  	v9 =	vld [tilespmem:s29+$0x60]  }
0x137: {  	v0 =	vsel vm0, v1, v0  }
0x138: {  	v0 =	vsel vm1, v2, v0  }
0x139: {  	[tilespmem:s29+$0x145C0] =	vst v0;
	v0 =	vld [tilespmem:s29+$0x145D0]  }
0x13a: {  	v1 =	vld.idx.msk [tilespmem:v3+s11+$0x0], vm2  }
0x13b: {  	v2 =	vld.idx.msk [tilespmem:v5+s12+$0x0], vm3;
	v3 =	vadd.s32 $0xFFFEFB00, v9  }
0x13c: {  	v5 =	vadd.s32 $0xFFFE7980, v9;
	vm0 =	vlt.u32 v3, $0x8180  }
0x13d: {  	vm1 =	vgt.s32 v5, $0xFFFFFFFF  }
0x13e: {  	v4 =	vld [tilespmem:s29+$0x70]  }
0x13f: {  	v0 =	vsel vm2, v1, v0  }
0x140: {  	v0 =	vsel vm3, v2, v0  }
0x141: {  	[tilespmem:s29+$0x145D0] =	vst v0;
	v0 =	vld [tilespmem:s29+$0x145E0]  }
0x142: {  	v1 =	vld.idx.msk [tilespmem:v3+s11+$0x0], vm0  }
0x143: {  	v2 =	vld.idx.msk [tilespmem:v5+s12+$0x0], vm1;
	v3 =	vadd.s32 $0xFFFEFB00, v4  }
0x144: {  	v4 =	vadd.s32 $0xFFFE7980, v4;
	vm2 =	vlt.u32 v3, $0x8180  }
0x145: {  	s31 =	simm.s32 $0x80;
	vm3 =	vgt.s32 v4, $0xFFFFFFFF  }
0x146: {  	v7 =	vld [tilespmem:s31+$0x0]  }
0x147: {  	v9 =	vld [tilespmem:s29+$0x145F0];
	v0 =	vsel vm0, v1, v0  }
0x148: {  	v6 =	vld [tilespmem:s31+$0x10];
	v0 =	vsel vm1, v2, v0  }
0x149: {  	v5 =	vld [tilespmem:s31+$0x20];
	[tilespmem:s29+$0x145E0] =	vst v0  }
0x14a: {  	v0 =	vld.idx.msk [tilespmem:v3+s11+$0x0], vm2  }
0x14b: {  	v8 =	vadd.s32 $0xFFFEFB00, v7;
	v10 =	vld.idx.msk [tilespmem:v4+s12+$0x0], vm3  }
0x14c: {  	v7 =	vadd.s32 $0xFFFE7980, v7;
	vm0 =	vlt.u32 v8, $0x8180;
	v4 =	vld [tilespmem:s31+$0x30]  }
0x14d: {  	vm1 =	vgt.s32 v7, $0xFFFFFFFF;
	v3 =	vld [tilespmem:s31+$0x40]  }
0x14e: {  	v2 =	vld [tilespmem:s31+$0x50]  }
0x14f: {  	v1 =	vld [tilespmem:s31+$0x60];
	v9 =	vsel vm2, v0, v9  }
0x150: {  	s30 =	simm.s32 $0x400;
	v0 =	vld [tilespmem:s31+$0x70];
	v9 =	vsel vm3, v10, v9  }
.LBB2_7:
0x151: {  	p0 =	sne.s32 s30, $0xFE00;
	v10 =	vld [tilespmem:s31+$0x14580];
	[tilespmem:s29+$0x145F0] =	vst v9;
	s1 =	smov.u32 s30;
	s30 =	sadd.s32 $0x200, s30  }
0x152: {  	s29 =	smov.u32 s31;
	v8 =	vld.idx.msk [tilespmem:v8+s11+$0x0], vm0  }
0x153: {  	v7 =	vld.idx.msk [tilespmem:v7+s12+$0x0], vm1  }
0x154: {  	v9 =	vadd.s32 $0xFFFEFB00, v6  }
0x155: {  	v6 =	vadd.s32 $0xFFFE7980, v6;
	vm2 =	vlt.u32 v9, $0x8180  }
0x156: {  	vm3 =	vgt.s32 v6, $0xFFFFFFFF;
	_ =	sdelay $0x1  }
0x157: {  	v8 =	vsel vm0, v8, v10  }
0x158: {  	v7 =	vsel vm1, v7, v8  }
0x159: {  	[tilespmem:s29+$0x14580] =	vst v7;
	v7 =	vld [tilespmem:s29+$0x14590]  }
0x15a: {  	v8 =	vld.idx.msk [tilespmem:v9+s11+$0x0], vm2  }
0x15b: {  	v6 =	vld.idx.msk [tilespmem:v6+s12+$0x0], vm3  }
0x15c: {  	v9 =	vadd.s32 $0xFFFEFB00, v5  }
0x15d: {  	v5 =	vadd.s32 $0xFFFE7980, v5;
	vm0 =	vlt.u32 v9, $0x8180  }
0x15e: {  	vm1 =	vgt.s32 v5, $0xFFFFFFFF;
	_ =	sdelay $0x1  }
0x15f: {  	v7 =	vsel vm2, v8, v7  }
0x160: {  	v6 =	vsel vm3, v6, v7  }
0x161: {  	[tilespmem:s29+$0x14590] =	vst v6;
	v6 =	vld [tilespmem:s29+$0x145A0]  }
0x162: {  	v7 =	vld.idx.msk [tilespmem:v9+s11+$0x0], vm0  }
0x163: {  	v5 =	vld.idx.msk [tilespmem:v5+s12+$0x0], vm1  }
0x164: {  	v8 =	vadd.s32 $0xFFFEFB00, v4  }
0x165: {  	v4 =	vadd.s32 $0xFFFE7980, v4;
	vm2 =	vlt.u32 v8, $0x8180  }
0x166: {  	vm3 =	vgt.s32 v4, $0xFFFFFFFF;
	_ =	sdelay $0x1  }
0x167: {  	v6 =	vsel vm0, v7, v6  }
0x168: {  	v5 =	vsel vm1, v5, v6  }
0x169: {  	[tilespmem:s29+$0x145A0] =	vst v5;
	v5 =	vld [tilespmem:s29+$0x145B0]  }
0x16a: {  	v6 =	vld.idx.msk [tilespmem:v8+s11+$0x0], vm2  }
0x16b: {  	v4 =	vld.idx.msk [tilespmem:v4+s12+$0x0], vm3  }
0x16c: {  	v7 =	vadd.s32 $0xFFFEFB00, v3  }
0x16d: {  	v3 =	vadd.s32 $0xFFFE7980, v3;
	vm0 =	vlt.u32 v7, $0x8180  }
0x16e: {  	vm1 =	vgt.s32 v3, $0xFFFFFFFF;
	_ =	sdelay $0x1  }
0x16f: {  	v5 =	vsel vm2, v6, v5  }
0x170: {  	v4 =	vsel vm3, v4, v5  }
0x171: {  	[tilespmem:s29+$0x145B0] =	vst v4;
	v4 =	vld [tilespmem:s29+$0x145C0]  }
0x172: {  	v5 =	vld.idx.msk [tilespmem:v7+s11+$0x0], vm0  }
0x173: {  	v3 =	vld.idx.msk [tilespmem:v3+s12+$0x0], vm1  }
0x174: {  	v6 =	vadd.s32 $0xFFFEFB00, v2  }
0x175: {  	v2 =	vadd.s32 $0xFFFE7980, v2;
	vm2 =	vlt.u32 v6, $0x8180  }
0x176: {  	vm3 =	vgt.s32 v2, $0xFFFFFFFF;
	_ =	sdelay $0x1  }
0x177: {  	v4 =	vsel vm0, v5, v4  }
0x178: {  	v3 =	vsel vm1, v3, v4  }
0x179: {  	[tilespmem:s29+$0x145C0] =	vst v3;
	v3 =	vld [tilespmem:s29+$0x145D0]  }
0x17a: {  	v4 =	vld.idx.msk [tilespmem:v6+s11+$0x0], vm2  }
0x17b: {  	v2 =	vld.idx.msk [tilespmem:v2+s12+$0x0], vm3  }
0x17c: {  	v5 =	vadd.s32 $0xFFFEFB00, v1  }
0x17d: {  	v1 =	vadd.s32 $0xFFFE7980, v1;
	vm0 =	vlt.u32 v5, $0x8180  }
0x17e: {  	vm1 =	vgt.s32 v1, $0xFFFFFFFF;
	_ =	sdelay $0x1  }
0x17f: {  	v3 =	vsel vm2, v4, v3  }
0x180: {  	v2 =	vsel vm3, v2, v3  }
0x181: {  	[tilespmem:s29+$0x145D0] =	vst v2;
	v2 =	vld [tilespmem:s29+$0x145E0]  }
0x182: {  	v3 =	vld.idx.msk [tilespmem:v5+s11+$0x0], vm0  }
0x183: {  	v1 =	vld.idx.msk [tilespmem:v1+s12+$0x0], vm1  }
0x184: {  	v4 =	vadd.s32 $0xFFFEFB00, v0  }
0x185: {  	v0 =	vadd.s32 $0xFFFE7980, v0;
	vm2 =	vlt.u32 v4, $0x8180  }
0x186: {  	vm3 =	vgt.s32 v0, $0xFFFFFFFF  }
0x187: {  	s31 =	sshra.s32 s1, $0x2;
	v9 =	vld [tilespmem:s29+$0x145F0]  }
0x188: {  	v2 =	vsel vm0, v3, v2;
	v7 =	vld [tilespmem:s31+$0x0]  }
0x189: {  	v1 =	vsel vm1, v1, v2;
	v6 =	vld [tilespmem:s31+$0x10]  }
0x18a: {  	v5 =	vld [tilespmem:s31+$0x20];
	[tilespmem:s29+$0x145E0] =	vst v1  }
0x18b: {  	v10 =	vld.idx.msk [tilespmem:v4+s11+$0x0], vm2  }
0x18c: {  	v11 =	vld.idx.msk [tilespmem:v0+s12+$0x0], vm3  }
0x18d: {  	v8 =	vadd.s32 $0xFFFEFB00, v7;
	v7 =	vadd.s32 $0xFFFE7980, v7;
	v4 =	vld [tilespmem:s31+$0x30]  }
.Ltmp2:
0x18e: {  	vm0 =	vlt.u32 v8, $0x8180;
	v3 =	vld [tilespmem:s31+$0x40];
	(pc) =	sbr.rel @p0 .LBB2_7-.Ltmp2, $4  }
0x18f: {  	vm1 =	vgt.s32 v7, $0xFFFFFFFF;
	v2 =	vld [tilespmem:s31+$0x50]  }
0x190: {  	v1 =	vld [tilespmem:s31+$0x60]  }
0x191: {  	v9 =	vsel vm2, v10, v9;
	v0 =	vld [tilespmem:s31+$0x70]  }
0x192: {  	v9 =	vsel vm3, v11, v9  }
0x193: {  	_ =	sdelay $0x3  }
0x194: {  	v10 =	vld [tilespmem:s31+$0x14580];
	[tilespmem:s29+$0x145F0] =	vst v9  }
0x195: {  	v8 =	vld.idx.msk [tilespmem:v8+s11+$0x0], vm0  }
0x196: {  	v45 =	vadd.s32 $0xFFFEFB00, v6;
	v7 =	vld.idx.msk [tilespmem:v7+s12+$0x0], vm1  }
0x197: {  	v46 =	vadd.s32 $0xFFFE7980, v6;
	vm2 =	vlt.u32 v45, $0x8180  }
0x198: {  	vm3 =	vgt.s32 v46, $0xFFFFFFFF;
	_ =	sdelay $0x1  }
0x199: {  	v8 =	vsel vm0, v8, v10  }
0x19a: {  	v7 =	vsel vm1, v7, v8  }
0x19b: {  	v47 =	vld [tilespmem:s31+$0x14590];
	[tilespmem:s31+$0x14580] =	vst v7  }
0x19c: {  	v48 =	vld.idx.msk [tilespmem:v45+s11+$0x0], vm2  }
0x19d: {  	v49 =	vadd.s32 $0xFFFEFB00, v5;
	v6 =	vld.idx.msk [tilespmem:v46+s12+$0x0], vm3  }
0x19e: {  	v50 =	vadd.s32 $0xFFFE7980, v5;
	vm0 =	vlt.u32 v49, $0x8180  }
0x19f: {  	vm1 =	vgt.s32 v50, $0xFFFFFFFF;
	_ =	sdelay $0x1  }
0x1a0: {  	v7 =	vsel vm2, v48, v47  }
0x1a1: {  	v6 =	vsel vm3, v6, v7  }
0x1a2: {  	v51 =	vld [tilespmem:s31+$0x145A0];
	[tilespmem:s31+$0x14590] =	vst v6  }
0x1a3: {  	v52 =	vld.idx.msk [tilespmem:v49+s11+$0x0], vm0  }
0x1a4: {  	v53 =	vadd.s32 $0xFFFEFB00, v4;
	v5 =	vld.idx.msk [tilespmem:v50+s12+$0x0], vm1  }
0x1a5: {  	v54 =	vadd.s32 $0xFFFE7980, v4;
	vm2 =	vlt.u32 v53, $0x8180  }
0x1a6: {  	vm3 =	vgt.s32 v54, $0xFFFFFFFF;
	_ =	sdelay $0x1  }
0x1a7: {  	v6 =	vsel vm0, v52, v51  }
0x1a8: {  	v5 =	vsel vm1, v5, v6  }
0x1a9: {  	v55 =	vld [tilespmem:s31+$0x145B0];
	[tilespmem:s31+$0x145A0] =	vst v5  }
0x1aa: {  	v56 =	vld.idx.msk [tilespmem:v53+s11+$0x0], vm2  }
0x1ab: {  	v57 =	vadd.s32 $0xFFFEFB00, v3;
	v4 =	vld.idx.msk [tilespmem:v54+s12+$0x0], vm3  }
0x1ac: {  	v3 =	vadd.s32 $0xFFFE7980, v3;
	vm0 =	vlt.u32 v57, $0x8180  }
0x1ad: {  	vm1 =	vgt.s32 v3, $0xFFFFFFFF;
	_ =	sdelay $0x1  }
0x1ae: {  	v5 =	vsel vm2, v56, v55  }
0x1af: {  	v4 =	vsel vm3, v4, v5  }
0x1b0: {  	v58 =	vld [tilespmem:s31+$0x145C0];
	[tilespmem:s31+$0x145B0] =	vst v4  }
0x1b1: {  	v59 =	vld.idx.msk [tilespmem:v57+s11+$0x0], vm0  }
0x1b2: {  	v60 =	vadd.s32 $0xFFFEFB00, v2;
	v3 =	vld.idx.msk [tilespmem:v3+s12+$0x0], vm1  }
0x1b3: {  	v2 =	vadd.s32 $0xFFFE7980, v2;
	vm2 =	vlt.u32 v60, $0x8180  }
0x1b4: {  	vm3 =	vgt.s32 v2, $0xFFFFFFFF;
	_ =	sdelay $0x1  }
0x1b5: {  	v4 =	vsel vm0, v59, v58  }
0x1b6: {  	v3 =	vsel vm1, v3, v4  }
0x1b7: {  	[tilespmem:s31+$0x145C0] =	vst v3;
	v3 =	vld [tilespmem:s31+$0x145D0]  }
0x1b8: {  	v61 =	vld.idx.msk [tilespmem:v60+s11+$0x0], vm2  }
0x1b9: {  	v62 =	vadd.s32 $0xFFFEFB00, v1;
	v2 =	vld.idx.msk [tilespmem:v2+s12+$0x0], vm3  }
0x1ba: {  	v1 =	vadd.s32 $0xFFFE7980, v1;
	vm0 =	vlt.u32 v62, $0x8180  }
0x1bb: {  	vm1 =	vgt.s32 v1, $0xFFFFFFFF;
	_ =	sdelay $0x1  }
0x1bc: {  	v3 =	vsel vm2, v61, v3  }
0x1bd: {  	v2 =	vsel vm3, v2, v3  }
0x1be: {  	[tilespmem:s31+$0x145D0] =	vst v2;
	v2 =	vld [tilespmem:s31+$0x145E0]  }
0x1bf: {  	v3 =	vld.idx.msk [tilespmem:v62+s11+$0x0], vm0  }
0x1c0: {  	v63 =	vadd.s32 $0xFFFEFB00, v0;
	v1 =	vld.idx.msk [tilespmem:v1+s12+$0x0], vm1  }
0x1c1: {  	v0 =	vadd.s32 $0xFFFE7980, v0;
	vm2 =	vlt.u32 v63, $0x8180  }
0x1c2: {  	vm3 =	vgt.s32 v0, $0xFFFFFFFF;
	_ =	sdelay $0x1  }
0x1c3: {  	v2 =	vsel vm0, v3, v2  }
0x1c4: {  	v1 =	vsel vm1, v1, v2  }
0x1c5: {  	v3 =	vld [tilespmem:s31+$0x145F0];
	[tilespmem:s31+$0x145E0] =	vst v1  }
0x1c6: {  	v1 =	vld.idx.msk [tilespmem:v63+s11+$0x0], vm2  }
0x1c7: {  	v0 =	vld.idx.msk [tilespmem:v0+s12+$0x0], vm3;
	_ =	sdelay $0x2  }
0x1c8: {  	s25 =	sshll.u32 s25, $0x11  }
0x1c9: {  	s1 =	sor.u32 s26, s25;
	v1 =	vsel vm2, v1, v3  }
0x1ca: {  	s1 =	sshrl.u32 s1, $0x3;
	v0 =	vsel vm3, v0, v1  }
0x1cb: {  	s1 =	sadd.s32 s6, s1;
	[tilespmem:s31+$0x145F0] =	vst v0  }
0x1cc: {  	[hbm4b:s1+s9] =	stream.strided.scatter [tilespmem:s17], [sflag:$0x4], $0x4000, s10, s9, $0x38;
	[tilespmem:$0x1C580] =	vst v63  }
0x1cd: {  	s30 =	simm.s32 $0x0;
	s26 =	sadd.s32 $0x18680, s28  }
0x1ce: {  	[tilespmem:s12], [sflag:$0x3] =	stream.linear.gather [hbm4b:s26+s30], $0x80, $0x38;
	[tilespmem:$0x1C580] =	vst v63  }
0x1cf: {  	_ =	swait.ge [sflag:s15], $0x8280  }
0x1d0: {  	[sflag:s15] =	ssyncset.done $0x0  }
0x1d1: {  	s31 =	sadd.s32 $0x8280, s28;
	s26 =	simm.s32 $0x0;
	[sflag:s15] =	ssyncadd.s32 $0xFFFF7D80  }
0x1d2: {  	[tilespmem:s11], [sflag:$0x1] =	stream.strided.gather [hbm4b:s31+s9], $0x8280, s10, s9, $0x38;
	[tilespmem:$0x1C580] =	vst v63  }
0x1d3: {  	v0 =	vld [tilespmem:s26+$0x0];
	_ =	sdelay $0x4  }
0x1d4: {  	vm0 =	vlt.s32 v0, $0x8280  }
0x1d5: {  	v1 =	vld [tilespmem:s26+$0x10];
	_ =	sdelay $0x4  }
0x1d6: {  	v0 =	vld.idx.msk [tilespmem:v0+s14+$0x0], vm0;
	vm0 =	vlt.s32 v1, $0x8280  }
0x1d7: {  	v2 =	vld [tilespmem:s26+$0x20];
	_ =	sdelay $0x3  }
0x1d8: {  	[tilespmem:s26+$0x18580] =	vst v0  }
0x1d9: {  	v0 =	vld.idx.msk [tilespmem:v1+s14+$0x0], vm0;
	vm0 =	vlt.s32 v2, $0x8280  }
0x1da: {  	v1 =	vld [tilespmem:s26+$0x30];
	_ =	sdelay $0x3  }
0x1db: {  	[tilespmem:s26+$0x18590] =	vst v0  }
0x1dc: {  	v0 =	vld.idx.msk [tilespmem:v2+s14+$0x0], vm0;
	vm0 =	vlt.s32 v1, $0x8280  }
0x1dd: {  	v2 =	vld [tilespmem:s26+$0x40];
	_ =	sdelay $0x3  }
0x1de: {  	[tilespmem:s26+$0x185A0] =	vst v0  }
0x1df: {  	v0 =	vld.idx.msk [tilespmem:v1+s14+$0x0], vm0;
	vm0 =	vlt.s32 v2, $0x8280  }
0x1e0: {  	v1 =	vld [tilespmem:s26+$0x50];
	_ =	sdelay $0x3  }
0x1e1: {  	[tilespmem:s26+$0x185B0] =	vst v0  }
0x1e2: {  	v0 =	vld.idx.msk [tilespmem:v2+s14+$0x0], vm0;
	vm0 =	vlt.s32 v1, $0x8280  }
0x1e3: {  	v2 =	vld [tilespmem:s26+$0x60];
	_ =	sdelay $0x3  }
0x1e4: {  	[tilespmem:s26+$0x185C0] =	vst v0  }
0x1e5: {  	v1 =	vld.idx.msk [tilespmem:v1+s14+$0x0], vm0;
	vm0 =	vlt.s32 v2, $0x8280  }
0x1e6: {  	v0 =	vld [tilespmem:s26+$0x70];
	_ =	sdelay $0x3  }
0x1e7: {  	[tilespmem:s26+$0x185D0] =	vst v1  }
0x1e8: {  	v1 =	vld.idx.msk [tilespmem:v2+s14+$0x0], vm0;
	vm0 =	vlt.s32 v0, $0x8280  }
0x1e9: {  	s29 =	simm.s32 $0x80;
	s1 =	simm.s32 $0x400  }
.LBB2_9:
0x1ea: {  	p0 =	sne.s32 s1, $0xFE00;
	v2 =	vld [tilespmem:s29+$0x0];
	_ =	sdelay $0x2  }
0x1eb: {  	[tilespmem:s26+$0x185E0] =	vst v1  }
0x1ec: {  	v0 =	vld.idx.msk [tilespmem:v0+s14+$0x0], vm0  }
0x1ed: {  	vm0 =	vlt.s32 v2, $0x8280;
	_ =	sdelay $0x1  }
0x1ee: {  	v1 =	vld [tilespmem:s29+$0x10];
	_ =	sdelay $0x2  }
0x1ef: {  	[tilespmem:s26+$0x185F0] =	vst v0;
	s26 =	smov.u32 s29  }
0x1f0: {  	v0 =	vld.idx.msk [tilespmem:v2+s14+$0x0], vm0  }
0x1f1: {  	vm0 =	vlt.s32 v1, $0x8280;
	_ =	sdelay $0x1  }
0x1f2: {  	v2 =	vld [tilespmem:s26+$0x20];
	_ =	sdelay $0x2  }
0x1f3: {  	[tilespmem:s26+$0x18580] =	vst v0  }
0x1f4: {  	v0 =	vld.idx.msk [tilespmem:v1+s14+$0x0], vm0  }
0x1f5: {  	vm0 =	vlt.s32 v2, $0x8280;
	_ =	sdelay $0x1  }
0x1f6: {  	v1 =	vld [tilespmem:s26+$0x30];
	_ =	sdelay $0x2  }
0x1f7: {  	[tilespmem:s26+$0x18590] =	vst v0  }
0x1f8: {  	v0 =	vld.idx.msk [tilespmem:v2+s14+$0x0], vm0  }
0x1f9: {  	vm0 =	vlt.s32 v1, $0x8280;
	_ =	sdelay $0x1  }
0x1fa: {  	v2 =	vld [tilespmem:s26+$0x40];
	_ =	sdelay $0x2  }
0x1fb: {  	[tilespmem:s26+$0x185A0] =	vst v0  }
0x1fc: {  	v0 =	vld.idx.msk [tilespmem:v1+s14+$0x0], vm0  }
0x1fd: {  	vm0 =	vlt.s32 v2, $0x8280;
	_ =	sdelay $0x1  }
0x1fe: {  	v1 =	vld [tilespmem:s26+$0x50];
	_ =	sdelay $0x2  }
0x1ff: {  	[tilespmem:s26+$0x185B0] =	vst v0  }
0x200: {  	v0 =	vld.idx.msk [tilespmem:v2+s14+$0x0], vm0  }
0x201: {  	vm0 =	vlt.s32 v1, $0x8280;
	_ =	sdelay $0x1  }
0x202: {  	v2 =	vld [tilespmem:s26+$0x60];
	_ =	sdelay $0x2  }
0x203: {  	[tilespmem:s26+$0x185C0] =	vst v0  }
0x204: {  	v1 =	vld.idx.msk [tilespmem:v1+s14+$0x0], vm0  }
0x205: {  	vm0 =	vlt.s32 v2, $0x8280;
	_ =	sdelay $0x1  }
0x206: {  	v0 =	vld [tilespmem:s26+$0x70];
	_ =	sdelay $0x1  }
.Ltmp3:
0x207: {  	(pc) =	sbr.rel @p0 .LBB2_9-.Ltmp3, $4  }
0x208: {  	[tilespmem:s26+$0x185D0] =	vst v1  }
0x209: {  	v1 =	vld.idx.msk [tilespmem:v2+s14+$0x0], vm0  }
0x20a: {  	vm0 =	vlt.s32 v0, $0x8280  }
0x20b: {  	s29 =	sshra.s32 s1, $0x2;
	s1 =	sadd.s32 $0x200, s1  }
0x20c: {  	v2 =	vld [tilespmem:s29+$0x0];
	_ =	sdelay $0x3  }
0x20d: {  	[tilespmem:s26+$0x185E0] =	vst v1  }
0x20e: {  	v0 =	vld.idx.msk [tilespmem:v0+s14+$0x0], vm0;
	vm0 =	vlt.s32 v2, $0x8280  }
0x20f: {  	v1 =	vld [tilespmem:s29+$0x10];
	_ =	sdelay $0x3  }
0x210: {  	[tilespmem:s26+$0x185F0] =	vst v0  }
0x211: {  	v0 =	vld.idx.msk [tilespmem:v2+s14+$0x0], vm0;
	vm0 =	vlt.s32 v1, $0x8280  }
0x212: {  	v2 =	vld [tilespmem:s29+$0x20];
	_ =	sdelay $0x3  }
0x213: {  	[tilespmem:s29+$0x18580] =	vst v0  }
0x214: {  	v0 =	vld.idx.msk [tilespmem:v1+s14+$0x0], vm0;
	vm0 =	vlt.s32 v2, $0x8280  }
0x215: {  	v1 =	vld [tilespmem:s29+$0x30];
	_ =	sdelay $0x3  }
0x216: {  	[tilespmem:s29+$0x18590] =	vst v0  }
0x217: {  	v0 =	vld.idx.msk [tilespmem:v2+s14+$0x0], vm0;
	vm0 =	vlt.s32 v1, $0x8280  }
0x218: {  	v2 =	vld [tilespmem:s29+$0x40];
	_ =	sdelay $0x3  }
0x219: {  	[tilespmem:s29+$0x185A0] =	vst v0  }
0x21a: {  	v0 =	vld.idx.msk [tilespmem:v1+s14+$0x0], vm0;
	vm0 =	vlt.s32 v2, $0x8280  }
0x21b: {  	v1 =	vld [tilespmem:s29+$0x50];
	_ =	sdelay $0x3  }
0x21c: {  	[tilespmem:s29+$0x185B0] =	vst v0  }
0x21d: {  	v0 =	vld.idx.msk [tilespmem:v2+s14+$0x0], vm0;
	vm0 =	vlt.s32 v1, $0x8280  }
0x21e: {  	v2 =	vld [tilespmem:s29+$0x60];
	_ =	sdelay $0x3  }
0x21f: {  	[tilespmem:s29+$0x185C0] =	vst v0  }
0x220: {  	v0 =	vld.idx.msk [tilespmem:v1+s14+$0x0], vm0;
	vm0 =	vlt.s32 v2, $0x8280  }
0x221: {  	v1 =	vld [tilespmem:s29+$0x70];
	_ =	sdelay $0x3  }
0x222: {  	[tilespmem:s29+$0x185D0] =	vst v0  }
0x223: {  	v0 =	vld.idx.msk [tilespmem:v2+s14+$0x0], vm0;
	vm0 =	vlt.s32 v1, $0x8280;
	_ =	sdelay $0x4  }
0x224: {  	[tilespmem:s29+$0x185E0] =	vst v0  }
0x225: {  	v0 =	vld.idx.msk [tilespmem:v1+s14+$0x0], vm0;
	_ =	sdelay $0x4  }
0x226: {  	[tilespmem:s29+$0x185F0] =	vst v0  }
0x227: {  	_ =	swait.ge [sflag:s13], $0x8280  }
0x228: {  	[sflag:s13] =	ssyncset.done $0x0  }
0x229: {  	s1 =	sadd.s32 $0x10500, s28;
	s26 =	simm.s32 $0x0;
	[sflag:s13] =	ssyncadd.s32 $0xFFFF7D80  }
0x22a: {  	[tilespmem:s14], [sflag:$0x2] =	stream.strided.gather [hbm4b:s1+s9], $0x8180, s10, s9, $0x38;
	[tilespmem:$0x1C580] =	vst v63  }
0x22b: {  	v0 =	vld [tilespmem:s26+$0x0];
	_ =	sdelay $0x4  }
0x22c: {  	v0 =	vadd.s32 $0xFFFF7D80, v0  }
0x22d: {  	vm0 =	vlt.u32 v0, $0x8280  }
0x22e: {  	v1 =	vld [tilespmem:s26+$0x10];
	_ =	sdelay $0x3  }
0x22f: {  	v2 =	vld [tilespmem:s26+$0x18580]  }
0x230: {  	v1 =	vadd.s32 $0xFFFF7D80, v1;
	v0 =	vld.idx.msk [tilespmem:v0+s11+$0x0], vm0  }
0x231: {  	vm1 =	vlt.u32 v1, $0x8280;
	_ =	sdelay $0x1  }
0x232: {  	v3 =	vld [tilespmem:s26+$0x20];
	_ =	sdelay $0x1  }
0x233: {  	v0 =	vsel vm0, v0, v2  }
0x234: {  	[tilespmem:s26+$0x18580] =	vst v0  }
0x235: {  	v0 =	vld.idx.msk [tilespmem:v1+s11+$0x0], vm1  }
0x236: {  	v2 =	vadd.s32 $0xFFFF7D80, v3;
	v1 =	vld [tilespmem:s26+$0x18590]  }
0x237: {  	vm0 =	vlt.u32 v2, $0x8280  }
0x238: {  	v3 =	vld [tilespmem:s26+$0x30];
	_ =	sdelay $0x2  }
0x239: {  	v0 =	vsel vm1, v0, v1  }
0x23a: {  	v1 =	vld [tilespmem:s26+$0x185A0];
	[tilespmem:s26+$0x18590] =	vst v0  }
0x23b: {  	v0 =	vld.idx.msk [tilespmem:v2+s11+$0x0], vm0;
	v2 =	vadd.s32 $0xFFFF7D80, v3  }
0x23c: {  	vm1 =	vlt.u32 v2, $0x8280  }
0x23d: {  	v3 =	vld [tilespmem:s26+$0x40];
	_ =	sdelay $0x2  }
0x23e: {  	v0 =	vsel vm0, v0, v1  }
0x23f: {  	v1 =	vld [tilespmem:s26+$0x185B0];
	[tilespmem:s26+$0x185A0] =	vst v0  }
0x240: {  	v0 =	vld.idx.msk [tilespmem:v2+s11+$0x0], vm1;
	v2 =	vadd.s32 $0xFFFF7D80, v3  }
0x241: {  	vm0 =	vlt.u32 v2, $0x8280  }
0x242: {  	v3 =	vld [tilespmem:s26+$0x50];
	_ =	sdelay $0x2  }
0x243: {  	v0 =	vsel vm1, v0, v1  }
0x244: {  	v1 =	vld [tilespmem:s26+$0x185C0];
	[tilespmem:s26+$0x185B0] =	vst v0  }
0x245: {  	v0 =	vld.idx.msk [tilespmem:v2+s11+$0x0], vm0;
	v2 =	vadd.s32 $0xFFFF7D80, v3  }
0x246: {  	vm1 =	vlt.u32 v2, $0x8280  }
0x247: {  	v3 =	vld [tilespmem:s26+$0x60];
	_ =	sdelay $0x2  }
0x248: {  	v0 =	vsel vm0, v0, v1  }
0x249: {  	v1 =	vld [tilespmem:s26+$0x185D0];
	[tilespmem:s26+$0x185C0] =	vst v0  }
0x24a: {  	v0 =	vld.idx.msk [tilespmem:v2+s11+$0x0], vm1;
	v2 =	vadd.s32 $0xFFFF7D80, v3  }
0x24b: {  	vm0 =	vlt.u32 v2, $0x8280;
	_ =	sdelay $0x1  }
0x24c: {  	v3 =	vld [tilespmem:s26+$0x70];
	_ =	sdelay $0x1  }
0x24d: {  	v0 =	vsel vm1, v0, v1  }
0x24e: {  	[tilespmem:s26+$0x185D0] =	vst v0  }
0x24f: {  	v1 =	vld.idx.msk [tilespmem:v2+s11+$0x0], vm0  }
0x250: {  	v0 =	vadd.s32 $0xFFFF7D80, v3;
	v2 =	vld [tilespmem:s26+$0x185E0]  }
0x251: {  	vm1 =	vlt.u32 v0, $0x8280  }
0x252: {  	s28 =	simm.s32 $0x80;
	s1 =	simm.s32 $0x400  }
.LBB2_11:
0x253: {  	p0 =	sne.s32 s1, $0xFE00;
	v3 =	vld [tilespmem:s28+$0x0];
	_ =	sdelay $0x1  }
0x254: {  	v1 =	vsel vm0, v1, v2  }
0x255: {  	[tilespmem:s26+$0x185E0] =	vst v1  }
0x256: {  	v0 =	vld.idx.msk [tilespmem:v0+s11+$0x0], vm1  }
0x257: {  	v1 =	vadd.s32 $0xFFFF7D80, v3;
	v2 =	vld [tilespmem:s26+$0x185F0]  }
0x258: {  	vm0 =	vlt.u32 v1, $0x8280;
	_ =	sdelay $0x1  }
0x259: {  	v3 =	vld [tilespmem:s28+$0x10];
	_ =	sdelay $0x1  }
0x25a: {  	v0 =	vsel vm1, v0, v2  }
0x25b: {  	[tilespmem:s26+$0x185F0] =	vst v0;
	s26 =	smov.u32 s28  }
0x25c: {  	v0 =	vld.idx.msk [tilespmem:v1+s11+$0x0], vm0  }
0x25d: {  	v1 =	vld [tilespmem:s26+$0x18580];
	v2 =	vadd.s32 $0xFFFF7D80, v3  }
0x25e: {  	vm1 =	vlt.u32 v2, $0x8280;
	_ =	sdelay $0x1  }
0x25f: {  	v3 =	vld [tilespmem:s26+$0x20];
	_ =	sdelay $0x1  }
0x260: {  	v0 =	vsel vm0, v0, v1  }
0x261: {  	[tilespmem:s26+$0x18580] =	vst v0  }
0x262: {  	v0 =	vld.idx.msk [tilespmem:v2+s11+$0x0], vm1  }
0x263: {  	v1 =	vld [tilespmem:s26+$0x18590];
	v2 =	vadd.s32 $0xFFFF7D80, v3  }
0x264: {  	vm0 =	vlt.u32 v2, $0x8280;
	_ =	sdelay $0x1  }
0x265: {  	v3 =	vld [tilespmem:s26+$0x30];
	_ =	sdelay $0x1  }
0x266: {  	v0 =	vsel vm1, v0, v1  }
0x267: {  	[tilespmem:s26+$0x18590] =	vst v0  }
0x268: {  	v0 =	vld.idx.msk [tilespmem:v2+s11+$0x0], vm0  }
0x269: {  	v1 =	vld [tilespmem:s26+$0x185A0];
	v2 =	vadd.s32 $0xFFFF7D80, v3  }
0x26a: {  	vm1 =	vlt.u32 v2, $0x8280;
	_ =	sdelay $0x1  }
0x26b: {  	v3 =	vld [tilespmem:s26+$0x40];
	_ =	sdelay $0x1  }
0x26c: {  	v0 =	vsel vm0, v0, v1  }
0x26d: {  	[tilespmem:s26+$0x185A0] =	vst v0  }
0x26e: {  	v0 =	vld.idx.msk [tilespmem:v2+s11+$0x0], vm1  }
0x26f: {  	v1 =	vld [tilespmem:s26+$0x185B0];
	v2 =	vadd.s32 $0xFFFF7D80, v3  }
0x270: {  	vm0 =	vlt.u32 v2, $0x8280;
	_ =	sdelay $0x1  }
0x271: {  	v3 =	vld [tilespmem:s26+$0x50];
	_ =	sdelay $0x1  }
0x272: {  	v0 =	vsel vm1, v0, v1  }
0x273: {  	[tilespmem:s26+$0x185B0] =	vst v0  }
0x274: {  	v0 =	vld.idx.msk [tilespmem:v2+s11+$0x0], vm0  }
0x275: {  	v1 =	vld [tilespmem:s26+$0x185C0];
	v2 =	vadd.s32 $0xFFFF7D80, v3  }
0x276: {  	vm1 =	vlt.u32 v2, $0x8280;
	_ =	sdelay $0x1  }
0x277: {  	v3 =	vld [tilespmem:s26+$0x60];
	_ =	sdelay $0x1  }
0x278: {  	v0 =	vsel vm0, v0, v1  }
0x279: {  	[tilespmem:s26+$0x185C0] =	vst v0  }
0x27a: {  	v0 =	vld.idx.msk [tilespmem:v2+s11+$0x0], vm1  }
0x27b: {  	v1 =	vld [tilespmem:s26+$0x185D0];
	v2 =	vadd.s32 $0xFFFF7D80, v3  }
0x27c: {  	vm0 =	vlt.u32 v2, $0x8280;
	_ =	sdelay $0x1  }
0x27d: {  	v3 =	vld [tilespmem:s26+$0x70];
	_ =	sdelay $0x1  }
0x27e: {  	v0 =	vsel vm1, v0, v1  }
.Ltmp4:
0x27f: {  	[tilespmem:s26+$0x185D0] =	vst v0;
	(pc) =	sbr.rel @p0 .LBB2_11-.Ltmp4, $4  }
0x280: {  	v1 =	vld.idx.msk [tilespmem:v2+s11+$0x0], vm0  }
0x281: {  	v2 =	vld [tilespmem:s26+$0x185E0];
	v0 =	vadd.s32 $0xFFFF7D80, v3  }
0x282: {  	vm1 =	vlt.u32 v0, $0x8280  }
0x283: {  	s28 =	sshra.s32 s1, $0x2;
	s1 =	sadd.s32 $0x200, s1  }
0x284: {  	v3 =	vld [tilespmem:s28+$0x0];
	_ =	sdelay $0x2  }
0x285: {  	v1 =	vsel vm0, v1, v2  }
0x286: {  	v2 =	vld [tilespmem:s26+$0x185F0];
	[tilespmem:s26+$0x185E0] =	vst v1  }
0x287: {  	v0 =	vld.idx.msk [tilespmem:v0+s11+$0x0], vm1;
	v1 =	vadd.s32 $0xFFFF7D80, v3  }
0x288: {  	vm0 =	vlt.u32 v1, $0x8280;
	_ =	sdelay $0x1  }
0x289: {  	v3 =	vld [tilespmem:s28+$0x10];
	_ =	sdelay $0x1  }
0x28a: {  	v0 =	vsel vm1, v0, v2  }
0x28b: {  	[tilespmem:s26+$0x185F0] =	vst v0  }
0x28c: {  	v0 =	vld.idx.msk [tilespmem:v1+s11+$0x0], vm0  }
0x28d: {  	v2 =	vadd.s32 $0xFFFF7D80, v3;
	v1 =	vld [tilespmem:s28+$0x18580]  }
0x28e: {  	vm1 =	vlt.u32 v2, $0x8280  }
0x28f: {  	v3 =	vld [tilespmem:s28+$0x20];
	_ =	sdelay $0x2  }
0x290: {  	v0 =	vsel vm0, v0, v1  }
0x291: {  	v1 =	vld [tilespmem:s28+$0x18590];
	[tilespmem:s28+$0x18580] =	vst v0  }
0x292: {  	v0 =	vld.idx.msk [tilespmem:v2+s11+$0x0], vm1;
	v2 =	vadd.s32 $0xFFFF7D80, v3  }
0x293: {  	vm0 =	vlt.u32 v2, $0x8280  }
0x294: {  	v3 =	vld [tilespmem:s28+$0x30];
	_ =	sdelay $0x2  }
0x295: {  	v0 =	vsel vm1, v0, v1  }
0x296: {  	v1 =	vld [tilespmem:s28+$0x185A0];
	[tilespmem:s28+$0x18590] =	vst v0  }
0x297: {  	v0 =	vld.idx.msk [tilespmem:v2+s11+$0x0], vm0;
	v2 =	vadd.s32 $0xFFFF7D80, v3  }
0x298: {  	vm1 =	vlt.u32 v2, $0x8280  }
0x299: {  	v3 =	vld [tilespmem:s28+$0x40];
	_ =	sdelay $0x2  }
0x29a: {  	v0 =	vsel vm0, v0, v1  }
0x29b: {  	v1 =	vld [tilespmem:s28+$0x185B0];
	[tilespmem:s28+$0x185A0] =	vst v0  }
0x29c: {  	v0 =	vld.idx.msk [tilespmem:v2+s11+$0x0], vm1;
	v2 =	vadd.s32 $0xFFFF7D80, v3  }
0x29d: {  	vm0 =	vlt.u32 v2, $0x8280  }
0x29e: {  	v3 =	vld [tilespmem:s28+$0x50];
	_ =	sdelay $0x2  }
0x29f: {  	v0 =	vsel vm1, v0, v1  }
0x2a0: {  	v1 =	vld [tilespmem:s28+$0x185C0];
	[tilespmem:s28+$0x185B0] =	vst v0  }
0x2a1: {  	v0 =	vld.idx.msk [tilespmem:v2+s11+$0x0], vm0;
	v2 =	vadd.s32 $0xFFFF7D80, v3  }
0x2a2: {  	vm1 =	vlt.u32 v2, $0x8280  }
0x2a3: {  	v3 =	vld [tilespmem:s28+$0x60];
	_ =	sdelay $0x2  }
0x2a4: {  	v0 =	vsel vm0, v0, v1  }
0x2a5: {  	v1 =	vld [tilespmem:s28+$0x185D0];
	[tilespmem:s28+$0x185C0] =	vst v0  }
0x2a6: {  	v0 =	vld.idx.msk [tilespmem:v2+s11+$0x0], vm1;
	v2 =	vadd.s32 $0xFFFF7D80, v3  }
0x2a7: {  	vm0 =	vlt.u32 v2, $0x8280  }
0x2a8: {  	v3 =	vld [tilespmem:s28+$0x70];
	_ =	sdelay $0x2  }
0x2a9: {  	v0 =	vsel vm1, v0, v1  }
0x2aa: {  	v1 =	vld [tilespmem:s28+$0x185E0];
	[tilespmem:s28+$0x185D0] =	vst v0  }
0x2ab: {  	v0 =	vld.idx.msk [tilespmem:v2+s11+$0x0], vm0;
	v2 =	vadd.s32 $0xFFFF7D80, v3  }
0x2ac: {  	vm1 =	vlt.u32 v2, $0x8280;
	_ =	sdelay $0x3  }
0x2ad: {  	v0 =	vsel vm0, v0, v1  }
0x2ae: {  	v1 =	vld [tilespmem:s28+$0x185F0];
	[tilespmem:s28+$0x185E0] =	vst v0  }
0x2af: {  	v0 =	vld.idx.msk [tilespmem:v2+s11+$0x0], vm1  }
0x2b0: {  	p0 =	seq.s32 s21, $0x18  }
0x2b1: {  	s1 =	sadd.s32 @!p0 $0x2, s23  }
0x2b2: {  	s23 =	sshrl.u32 @!p0 s1, $0x3  }
0x2b3: {  	s1 =	sshll.u32 @!p0 s1, $0x7;
	s23 =	smul.u32 @!p0 $0xC3800, s23  }
0x2b4: {  	s1 =	sand.u32 @!p0 $0x300, s1;
	v0 =	vsel vm1, v0, v1  }
0x2b5: {  	s1 =	sor.u32 @!p0 s1, s23;
	[tilespmem:s28+$0x185F0] =	vst v0  }
0x2b6: {  	s1 =	sshrl.u32 @!p0 s1, $0x3;
	_ =	swait.ge [sflag:s15], $0x8180  }
0x2b7: {  	s23 =	simm.s32 @!p0 $0x80;
	s1 =	sadd.s32 @!p0 s5, s1;
	[sflag:s15] =	ssyncset.done $0x0  }
0x2b8: {  	s26 =	simm.s32 @!p0 $0x400;
	s28 =	simm.s32 @!p0 $0x4000;
	[sflag:s15] =	ssyncadd.s32 $0xFFFF7E80  }
0x2b9: {  	[tilespmem:s28], [sflag:$0x1] =	stream.strided.gather @!p0 [hbm4b:s1+s23], $0x8280, s26, s23, $0x38;
	[tilespmem:$0x1C580] =	vst v63  }
0x2ba: {  	_ =	swait.ge [sflag:s16], $0x80  }
0x2bb: {  	[sflag:s16] =	ssyncset.done $0x0  }
0x2bc: {  	s23 =	simm.s32 $0x0;
	[sflag:s16] =	ssyncadd.s32 $0xFFFFFF80  }
0x2bd: {  	v0 =	vld [tilespmem:s23+$0x0];
	_ =	sdelay $0x4  }
0x2be: {  	v1 =	vadd.s32 $0xFFFEFB00, v0  }
0x2bf: {  	v0 =	vadd.s32 $0xFFFE7980, v0;
	vm0 =	vlt.u32 v1, $0x8180  }
0x2c0: {  	vm1 =	vgt.s32 v0, $0xFFFFFFFF  }
0x2c1: {  	v2 =	vld [tilespmem:s23+$0x10];
	_ =	sdelay $0x2  }
0x2c2: {  	v4 =	vld [tilespmem:s23+$0x18580]  }
0x2c3: {  	v1 =	vld.idx.msk [tilespmem:v1+s14+$0x0], vm0  }
0x2c4: {  	v6 =	vadd.s32 $0xFFFEFB00, v2;
	v0 =	vld.idx.msk [tilespmem:v0+s12+$0x0], vm1  }
0x2c5: {  	v2 =	vadd.s32 $0xFFFE7980, v2;
	vm2 =	vlt.u32 v6, $0x8180  }
0x2c6: {  	vm3 =	vgt.s32 v2, $0xFFFFFFFF  }
0x2c7: {  	v3 =	vld [tilespmem:s23+$0x20]  }
0x2c8: {  	v1 =	vsel vm0, v1, v4  }
0x2c9: {  	v0 =	vsel vm1, v0, v1  }
0x2ca: {  	[tilespmem:s23+$0x18580] =	vst v0;
	v0 =	vld [tilespmem:s23+$0x18590]  }
0x2cb: {  	v1 =	vld.idx.msk [tilespmem:v6+s14+$0x0], vm2  }
0x2cc: {  	v2 =	vld.idx.msk [tilespmem:v2+s12+$0x0], vm3;
	v6 =	vadd.s32 $0xFFFEFB00, v3  }
0x2cd: {  	v3 =	vadd.s32 $0xFFFE7980, v3;
	vm0 =	vlt.u32 v6, $0x8180  }
0x2ce: {  	vm1 =	vgt.s32 v3, $0xFFFFFFFF  }
0x2cf: {  	v5 =	vld [tilespmem:s23+$0x30]  }
0x2d0: {  	v0 =	vsel vm2, v1, v0  }
0x2d1: {  	v0 =	vsel vm3, v2, v0  }
0x2d2: {  	[tilespmem:s23+$0x18590] =	vst v0;
	v0 =	vld [tilespmem:s23+$0x185A0]  }
0x2d3: {  	v1 =	vld.idx.msk [tilespmem:v6+s14+$0x0], vm0  }
0x2d4: {  	v2 =	vld.idx.msk [tilespmem:v3+s12+$0x0], vm1;
	v3 =	vadd.s32 $0xFFFEFB00, v5  }
0x2d5: {  	v5 =	vadd.s32 $0xFFFE7980, v5;
	vm2 =	vlt.u32 v3, $0x8180  }
0x2d6: {  	vm3 =	vgt.s32 v5, $0xFFFFFFFF  }
0x2d7: {  	v7 =	vld [tilespmem:s23+$0x40]  }
0x2d8: {  	v0 =	vsel vm0, v1, v0  }
0x2d9: {  	v0 =	vsel vm1, v2, v0  }
0x2da: {  	[tilespmem:s23+$0x185A0] =	vst v0;
	v0 =	vld [tilespmem:s23+$0x185B0]  }
0x2db: {  	v1 =	vld.idx.msk [tilespmem:v3+s14+$0x0], vm2  }
0x2dc: {  	v2 =	vld.idx.msk [tilespmem:v5+s12+$0x0], vm3;
	v3 =	vadd.s32 $0xFFFEFB00, v7  }
0x2dd: {  	v5 =	vadd.s32 $0xFFFE7980, v7;
	vm0 =	vlt.u32 v3, $0x8180  }
0x2de: {  	vm1 =	vgt.s32 v5, $0xFFFFFFFF  }
0x2df: {  	v8 =	vld [tilespmem:s23+$0x50]  }
0x2e0: {  	v0 =	vsel vm2, v1, v0  }
0x2e1: {  	v0 =	vsel vm3, v2, v0  }
0x2e2: {  	[tilespmem:s23+$0x185B0] =	vst v0;
	v0 =	vld [tilespmem:s23+$0x185C0]  }
0x2e3: {  	v1 =	vld.idx.msk [tilespmem:v3+s14+$0x0], vm0  }
0x2e4: {  	v2 =	vld.idx.msk [tilespmem:v5+s12+$0x0], vm1;
	v3 =	vadd.s32 $0xFFFEFB00, v8  }
0x2e5: {  	v5 =	vadd.s32 $0xFFFE7980, v8;
	vm2 =	vlt.u32 v3, $0x8180  }
0x2e6: {  	vm3 =	vgt.s32 v5, $0xFFFFFFFF  }
0x2e7: {  	v9 =	vld [tilespmem:s23+$0x60]  }
0x2e8: {  	v0 =	vsel vm0, v1, v0  }
0x2e9: {  	v0 =	vsel vm1, v2, v0  }
0x2ea: {  	[tilespmem:s23+$0x185C0] =	vst v0;
	v0 =	vld [tilespmem:s23+$0x185D0]  }
0x2eb: {  	v1 =	vld.idx.msk [tilespmem:v3+s14+$0x0], vm2  }
0x2ec: {  	v2 =	vld.idx.msk [tilespmem:v5+s12+$0x0], vm3;
	v3 =	vadd.s32 $0xFFFEFB00, v9  }
0x2ed: {  	v5 =	vadd.s32 $0xFFFE7980, v9;
	vm0 =	vlt.u32 v3, $0x8180  }
0x2ee: {  	vm1 =	vgt.s32 v5, $0xFFFFFFFF  }
0x2ef: {  	v4 =	vld [tilespmem:s23+$0x70]  }
0x2f0: {  	v0 =	vsel vm2, v1, v0  }
0x2f1: {  	v0 =	vsel vm3, v2, v0  }
0x2f2: {  	[tilespmem:s23+$0x185D0] =	vst v0;
	v0 =	vld [tilespmem:s23+$0x185E0]  }
0x2f3: {  	v1 =	vld.idx.msk [tilespmem:v3+s14+$0x0], vm0  }
0x2f4: {  	v2 =	vld.idx.msk [tilespmem:v5+s12+$0x0], vm1;
	v3 =	vadd.s32 $0xFFFEFB00, v4  }
0x2f5: {  	v4 =	vadd.s32 $0xFFFE7980, v4;
	vm2 =	vlt.u32 v3, $0x8180  }
0x2f6: {  	s28 =	simm.s32 $0x80;
	vm3 =	vgt.s32 v4, $0xFFFFFFFF  }
0x2f7: {  	v7 =	vld [tilespmem:s28+$0x0]  }
0x2f8: {  	v9 =	vld [tilespmem:s23+$0x185F0];
	v0 =	vsel vm0, v1, v0  }
0x2f9: {  	v6 =	vld [tilespmem:s28+$0x10];
	v0 =	vsel vm1, v2, v0  }
0x2fa: {  	v5 =	vld [tilespmem:s28+$0x20];
	[tilespmem:s23+$0x185E0] =	vst v0  }
0x2fb: {  	v0 =	vld.idx.msk [tilespmem:v3+s14+$0x0], vm2  }
0x2fc: {  	v8 =	vadd.s32 $0xFFFEFB00, v7;
	v10 =	vld.idx.msk [tilespmem:v4+s12+$0x0], vm3  }
0x2fd: {  	v7 =	vadd.s32 $0xFFFE7980, v7;
	vm0 =	vlt.u32 v8, $0x8180;
	v4 =	vld [tilespmem:s28+$0x30]  }
0x2fe: {  	vm1 =	vgt.s32 v7, $0xFFFFFFFF;
	v3 =	vld [tilespmem:s28+$0x40]  }
0x2ff: {  	v2 =	vld [tilespmem:s28+$0x50]  }
0x300: {  	v1 =	vld [tilespmem:s28+$0x60];
	v9 =	vsel vm2, v0, v9  }
0x301: {  	s26 =	simm.s32 $0x400;
	v0 =	vld [tilespmem:s28+$0x70];
	v9 =	vsel vm3, v10, v9  }
.LBB2_13:
0x302: {  	p0 =	sne.s32 s26, $0xFE00;
	v10 =	vld [tilespmem:s28+$0x18580];
	[tilespmem:s23+$0x185F0] =	vst v9;
	s1 =	smov.u32 s26;
	s26 =	sadd.s32 $0x200, s26  }
0x303: {  	s23 =	smov.u32 s28;
	v8 =	vld.idx.msk [tilespmem:v8+s14+$0x0], vm0  }
0x304: {  	v7 =	vld.idx.msk [tilespmem:v7+s12+$0x0], vm1  }
0x305: {  	v9 =	vadd.s32 $0xFFFEFB00, v6  }
0x306: {  	v6 =	vadd.s32 $0xFFFE7980, v6;
	vm2 =	vlt.u32 v9, $0x8180  }
0x307: {  	vm3 =	vgt.s32 v6, $0xFFFFFFFF;
	_ =	sdelay $0x1  }
0x308: {  	v8 =	vsel vm0, v8, v10  }
0x309: {  	v7 =	vsel vm1, v7, v8  }
0x30a: {  	[tilespmem:s23+$0x18580] =	vst v7;
	v7 =	vld [tilespmem:s23+$0x18590]  }
0x30b: {  	v8 =	vld.idx.msk [tilespmem:v9+s14+$0x0], vm2  }
0x30c: {  	v6 =	vld.idx.msk [tilespmem:v6+s12+$0x0], vm3  }
0x30d: {  	v9 =	vadd.s32 $0xFFFEFB00, v5  }
0x30e: {  	v5 =	vadd.s32 $0xFFFE7980, v5;
	vm0 =	vlt.u32 v9, $0x8180  }
0x30f: {  	vm1 =	vgt.s32 v5, $0xFFFFFFFF;
	_ =	sdelay $0x1  }
0x310: {  	v7 =	vsel vm2, v8, v7  }
0x311: {  	v6 =	vsel vm3, v6, v7  }
0x312: {  	[tilespmem:s23+$0x18590] =	vst v6;
	v6 =	vld [tilespmem:s23+$0x185A0]  }
0x313: {  	v7 =	vld.idx.msk [tilespmem:v9+s14+$0x0], vm0  }
0x314: {  	v5 =	vld.idx.msk [tilespmem:v5+s12+$0x0], vm1  }
0x315: {  	v8 =	vadd.s32 $0xFFFEFB00, v4  }
0x316: {  	v4 =	vadd.s32 $0xFFFE7980, v4;
	vm2 =	vlt.u32 v8, $0x8180  }
0x317: {  	vm3 =	vgt.s32 v4, $0xFFFFFFFF;
	_ =	sdelay $0x1  }
0x318: {  	v6 =	vsel vm0, v7, v6  }
0x319: {  	v5 =	vsel vm1, v5, v6  }
0x31a: {  	[tilespmem:s23+$0x185A0] =	vst v5;
	v5 =	vld [tilespmem:s23+$0x185B0]  }
0x31b: {  	v6 =	vld.idx.msk [tilespmem:v8+s14+$0x0], vm2  }
0x31c: {  	v4 =	vld.idx.msk [tilespmem:v4+s12+$0x0], vm3  }
0x31d: {  	v7 =	vadd.s32 $0xFFFEFB00, v3  }
0x31e: {  	v3 =	vadd.s32 $0xFFFE7980, v3;
	vm0 =	vlt.u32 v7, $0x8180  }
0x31f: {  	vm1 =	vgt.s32 v3, $0xFFFFFFFF;
	_ =	sdelay $0x1  }
0x320: {  	v5 =	vsel vm2, v6, v5  }
0x321: {  	v4 =	vsel vm3, v4, v5  }
0x322: {  	[tilespmem:s23+$0x185B0] =	vst v4;
	v4 =	vld [tilespmem:s23+$0x185C0]  }
0x323: {  	v5 =	vld.idx.msk [tilespmem:v7+s14+$0x0], vm0  }
0x324: {  	v3 =	vld.idx.msk [tilespmem:v3+s12+$0x0], vm1  }
0x325: {  	v6 =	vadd.s32 $0xFFFEFB00, v2  }
0x326: {  	v2 =	vadd.s32 $0xFFFE7980, v2;
	vm2 =	vlt.u32 v6, $0x8180  }
0x327: {  	vm3 =	vgt.s32 v2, $0xFFFFFFFF;
	_ =	sdelay $0x1  }
0x328: {  	v4 =	vsel vm0, v5, v4  }
0x329: {  	v3 =	vsel vm1, v3, v4  }
0x32a: {  	[tilespmem:s23+$0x185C0] =	vst v3;
	v3 =	vld [tilespmem:s23+$0x185D0]  }
0x32b: {  	v4 =	vld.idx.msk [tilespmem:v6+s14+$0x0], vm2  }
0x32c: {  	v2 =	vld.idx.msk [tilespmem:v2+s12+$0x0], vm3  }
0x32d: {  	v5 =	vadd.s32 $0xFFFEFB00, v1  }
0x32e: {  	v1 =	vadd.s32 $0xFFFE7980, v1;
	vm0 =	vlt.u32 v5, $0x8180  }
0x32f: {  	vm1 =	vgt.s32 v1, $0xFFFFFFFF;
	_ =	sdelay $0x1  }
0x330: {  	v3 =	vsel vm2, v4, v3  }
0x331: {  	v2 =	vsel vm3, v2, v3  }
0x332: {  	[tilespmem:s23+$0x185D0] =	vst v2;
	v2 =	vld [tilespmem:s23+$0x185E0]  }
0x333: {  	v3 =	vld.idx.msk [tilespmem:v5+s14+$0x0], vm0  }
0x334: {  	v1 =	vld.idx.msk [tilespmem:v1+s12+$0x0], vm1  }
0x335: {  	v4 =	vadd.s32 $0xFFFEFB00, v0  }
0x336: {  	v0 =	vadd.s32 $0xFFFE7980, v0;
	vm2 =	vlt.u32 v4, $0x8180  }
0x337: {  	vm3 =	vgt.s32 v0, $0xFFFFFFFF  }
0x338: {  	s28 =	sshra.s32 s1, $0x2;
	v9 =	vld [tilespmem:s23+$0x185F0]  }
0x339: {  	v2 =	vsel vm0, v3, v2;
	v7 =	vld [tilespmem:s28+$0x0]  }
0x33a: {  	v1 =	vsel vm1, v1, v2;
	v6 =	vld [tilespmem:s28+$0x10]  }
0x33b: {  	v5 =	vld [tilespmem:s28+$0x20];
	[tilespmem:s23+$0x185E0] =	vst v1  }
0x33c: {  	v10 =	vld.idx.msk [tilespmem:v4+s14+$0x0], vm2  }
0x33d: {  	v11 =	vld.idx.msk [tilespmem:v0+s12+$0x0], vm3  }
0x33e: {  	v8 =	vadd.s32 $0xFFFEFB00, v7;
	v7 =	vadd.s32 $0xFFFE7980, v7;
	v4 =	vld [tilespmem:s28+$0x30]  }
.Ltmp5:
0x33f: {  	vm0 =	vlt.u32 v8, $0x8180;
	v3 =	vld [tilespmem:s28+$0x40];
	(pc) =	sbr.rel @p0 .LBB2_13-.Ltmp5, $4  }
0x340: {  	vm1 =	vgt.s32 v7, $0xFFFFFFFF;
	v2 =	vld [tilespmem:s28+$0x50]  }
0x341: {  	v1 =	vld [tilespmem:s28+$0x60]  }
0x342: {  	v9 =	vsel vm2, v10, v9;
	v0 =	vld [tilespmem:s28+$0x70]  }
0x343: {  	v9 =	vsel vm3, v11, v9  }
0x344: {  	_ =	sdelay $0x3  }
0x345: {  	v10 =	vld [tilespmem:s28+$0x18580];
	[tilespmem:s23+$0x185F0] =	vst v9  }
0x346: {  	v8 =	vld.idx.msk [tilespmem:v8+s14+$0x0], vm0  }
0x347: {  	v37 =	vadd.s32 $0xFFFEFB00, v6;
	v7 =	vld.idx.msk [tilespmem:v7+s12+$0x0], vm1  }
0x348: {  	v38 =	vadd.s32 $0xFFFE7980, v6;
	vm2 =	vlt.u32 v37, $0x8180  }
0x349: {  	vm3 =	vgt.s32 v38, $0xFFFFFFFF;
	_ =	sdelay $0x1  }
0x34a: {  	v8 =	vsel vm0, v8, v10  }
0x34b: {  	v7 =	vsel vm1, v7, v8  }
0x34c: {  	v39 =	vld [tilespmem:s28+$0x18590];
	[tilespmem:s28+$0x18580] =	vst v7  }
0x34d: {  	v40 =	vld.idx.msk [tilespmem:v37+s14+$0x0], vm2  }
0x34e: {  	v41 =	vadd.s32 $0xFFFEFB00, v5;
	v6 =	vld.idx.msk [tilespmem:v38+s12+$0x0], vm3  }
0x34f: {  	v42 =	vadd.s32 $0xFFFE7980, v5;
	vm14 =	vlt.u32 v41, $0x8180  }
0x350: {  	vm15 =	vgt.s32 v42, $0xFFFFFFFF;
	_ =	sdelay $0x1  }
0x351: {  	v7 =	vsel vm2, v40, v39  }
0x352: {  	v6 =	vsel vm3, v6, v7  }
0x353: {  	v43 =	vld [tilespmem:s28+$0x185A0];
	[tilespmem:s28+$0x18590] =	vst v6  }
0x354: {  	v44 =	vld.idx.msk [tilespmem:v41+s14+$0x0], vm14  }
0x355: {  	v45 =	vadd.s32 $0xFFFEFB00, v4;
	v5 =	vld.idx.msk [tilespmem:v42+s12+$0x0], vm15  }
0x356: {  	v46 =	vadd.s32 $0xFFFE7980, v4;
	vm6 =	vlt.u32 v45, $0x8180  }
0x357: {  	vm7 =	vgt.s32 v46, $0xFFFFFFFF;
	_ =	sdelay $0x1  }
0x358: {  	v6 =	vsel vm14, v44, v43  }
0x359: {  	v5 =	vsel vm15, v5, v6  }
0x35a: {  	v47 =	vld [tilespmem:s28+$0x185B0];
	[tilespmem:s28+$0x185A0] =	vst v5  }
0x35b: {  	v48 =	vld.idx.msk [tilespmem:v45+s14+$0x0], vm6  }
0x35c: {  	v49 =	vadd.s32 $0xFFFEFB00, v3;
	v4 =	vld.idx.msk [tilespmem:v46+s12+$0x0], vm7  }
0x35d: {  	v50 =	vadd.s32 $0xFFFE7980, v3;
	vm8 =	vlt.u32 v49, $0x8180  }
0x35e: {  	vm9 =	vgt.s32 v50, $0xFFFFFFFF;
	_ =	sdelay $0x1  }
0x35f: {  	v5 =	vsel vm6, v48, v47  }
0x360: {  	v4 =	vsel vm7, v4, v5  }
0x361: {  	v51 =	vld [tilespmem:s28+$0x185C0];
	[tilespmem:s28+$0x185B0] =	vst v4  }
0x362: {  	v52 =	vld.idx.msk [tilespmem:v49+s14+$0x0], vm8  }
0x363: {  	v53 =	vadd.s32 $0xFFFEFB00, v2;
	v3 =	vld.idx.msk [tilespmem:v50+s12+$0x0], vm9  }
0x364: {  	v54 =	vadd.s32 $0xFFFE7980, v2;
	vm10 =	vlt.u32 v53, $0x8180  }
0x365: {  	vm11 =	vgt.s32 v54, $0xFFFFFFFF;
	_ =	sdelay $0x1  }
0x366: {  	v4 =	vsel vm8, v52, v51  }
0x367: {  	v3 =	vsel vm9, v3, v4  }
0x368: {  	v55 =	vld [tilespmem:s28+$0x185D0];
	[tilespmem:s28+$0x185C0] =	vst v3  }
0x369: {  	v56 =	vld.idx.msk [tilespmem:v53+s14+$0x0], vm10  }
0x36a: {  	v57 =	vadd.s32 $0xFFFEFB00, v1;
	v2 =	vld.idx.msk [tilespmem:v54+s12+$0x0], vm11  }
0x36b: {  	v58 =	vadd.s32 $0xFFFE7980, v1;
	vm12 =	vlt.u32 v57, $0x8180  }
0x36c: {  	vm13 =	vgt.s32 v58, $0xFFFFFFFF;
	_ =	sdelay $0x1  }
0x36d: {  	v3 =	vsel vm10, v56, v55  }
0x36e: {  	v2 =	vsel vm11, v2, v3  }
0x36f: {  	v59 =	vld [tilespmem:s28+$0x185E0];
	[tilespmem:s28+$0x185D0] =	vst v2  }
0x370: {  	v60 =	vld.idx.msk [tilespmem:v57+s14+$0x0], vm12  }
0x371: {  	v61 =	vadd.s32 $0xFFFEFB00, v0;
	v1 =	vld.idx.msk [tilespmem:v58+s12+$0x0], vm13  }
0x372: {  	v62 =	vadd.s32 $0xFFFE7980, v0;
	vm14 =	vlt.u32 v61, $0x8180  }
0x373: {  	vm15 =	vgt.s32 v62, $0xFFFFFFFF;
	_ =	sdelay $0x1  }
0x374: {  	v2 =	vsel vm12, v60, v59  }
0x375: {  	v1 =	vsel vm13, v1, v2  }
0x376: {  	v63 =	vld [tilespmem:s28+$0x185F0];
	[tilespmem:s28+$0x185E0] =	vst v1  }
0x377: {  	v1 =	vld.idx.msk [tilespmem:v61+s14+$0x0], vm14  }
0x378: {  	v0 =	vld.idx.msk [tilespmem:v62+s12+$0x0], vm15  }
0x379: {  	s21 =	sadd.s32 $0x1, s21  }
0x37a: {  	p0 =	sne.s32 s21, $0x19  }
.Ltmp6:
0x37b: {  	_ = 	snop;
	(pc) =	sbr.rel @p0 .LBB2_2-.Ltmp6, $4  }
0x37c: {  	s1 =	sor.u32 s25, s24;
	v1 =	vsel vm14, v1, v63  }
0x37d: {  	s1 =	sshrl.u32 s1, $0x3;
	v0 =	vsel vm15, v0, v1  }
0x37e: {  	s1 =	sadd.s32 s6, s1;
	[tilespmem:s28+$0x185F0] =	vst v0  }
0x37f: {  	[hbm4b:s1+s9] =	stream.strided.scatter [tilespmem:s18], [sflag:$0x5], $0x4000, s10, s9, $0x38;
	[tilespmem:$0x1C580] =	vst v63  }
0x380: {  	s4 =	sadd.s32 $0x1, s4  }
0x381: {  	_ =	swait.ge [sflag:s19], $0x4000;
	p0 =	sne.s32 s4, s8  }
.Ltmp7:
0x382: {  	[sflag:s19] =	ssyncset.done $0x0;
	(pc) =	sbr.rel @p0 .LBB2_1-.Ltmp7, $4  }
0x383: {  	[sflag:s19] =	ssyncadd.s32 $0xFFFFC000  }
0x384: {  	_ =	swait.ge [sflag:s20], $0x4000  }
0x385: {  	[sflag:s20] =	ssyncset.done $0x0  }
0x386: {  	[sflag:s20] =	ssyncadd.s32 $0xFFFFC000  }
0x387: {  	_ =	sfence.sel $0x180000  }
0x388: {  	[bflag:$0x0] =	sbarrier.arrive $0xFFFF  }
0x389: {  	_ =	strace $0x90000047  }
0x38a: {  	[bflag:$0x2] =	sbarrier.arrive $0xFFFF  }
0x38b: {  	p0 =	sne.s32 s0, $0x0;
	s0 =	rddreg [dreg:$0x2]  }
0x38c: {  	s0 =	sadd.s32 @!p0 $0x100000, s0  }
0x38d: {  	[sflag:s0] =	ssyncadd.tile.s32 @!p0 $0x1;
	_ =	shalt  }
.Lfunc_end2:
_tile_overlayer_lowered:
.L_overlay_start_2:
0x38e: {  	(tag) =	ssettag $0x2  }
0x38f: {  	s0 =	rddreg [dreg:$0x0];
	s2 =	stileid.u32  }
0x390: {  	s1 =	rddreg [dreg:$0x1];
	p0 =	sne.s32 s2, $0x0  }
0x391: {  	s3 =	rddreg [dreg:$0x2];
	[bflag:$0x3] =	sbarrier.arrive $0xFFFF;
	s2 =	simm.s32 @!p0 $0x1C06  }
0x392: {  	[timem:s3], [sflag:s2] =	dma.local @!p0 [hbm:s0], s1  }
0x393: {  	s0 =	simm.s32 @!p0 $0x6  }
0x394: {  	_ =	swait.ge @!p0 [sflag:s0], s1  }
0x395: {  	s1 =	ssub.s32 @!p0 $0x0, s1;
	[sflag:s0] =	ssyncset.done @!p0 $0x0  }
0x396: {  	[sflag:s0] =	ssyncadd.s32 @!p0 s1  }
0x397: {  	[bflag:$0x3] =	sbarrier.arrive $0xFFFF  }
0x398: {  	_ =	shalt  }

// kernel: _fused.9.cloned.1.call-start
scs
__scs_entry_jumppad:
0x0: {  	(pc) =	sbr.rel $0x88, $3  }
0x1: {  	(tag) =	ssettag $0x0;
	lr =	simm.s32 $0x1  }
0x2: {  	[smem:$0x3F97] =	sst lr;
	_ =	strace $0xD0000000  }
0x3: {  	_ = 	snop  }
0x4: {  	_ = 	snop  }
0x5: {  	_ = 	snop  }
0x6: {  	_ = 	snop  }
0x7: {  	_ = 	snop  }
__scs_overlays_trampoline_lowered:
0x8: {  	[smem:$0x3FA6] =	sst s0  }
0x9: {  	[smem:$0x3FA7] =	sst s1  }
0xa: {  	[smem:$0x3FA8] =	sst s2  }
0xb: {  	[smem:$0x3FA9] =	sst s3  }
0xc: {  	[smem:$0x3FAA] =	sst s4  }
0xd: {  	[smem:$0x3FAB] =	sst s5  }
0xe: {  	[smem:$0x3FAC] =	sst s6  }
0xf: {  	[smem:$0x3FAD] =	sst s7  }
0x10: {  	[smem:$0x3FAE] =	sst s8  }
0x11: {  	[smem:$0x3FAF] =	sst s9;
	s0 =	simm.s32 @!p0 $0x0  }
0x12: {  	s1 =	sld [smem:$0x3F95];
	s0 =	simm.s32 @p0 $0x1  }
0x13: {  	[smem:$0x3FB0] =	sst s0;
	s0 =	simm.s32 @!p1 $0x0  }
0x14: {  	s2 =	sld [smem:$0x3F94];
	s0 =	simm.s32 @p1 $0x1  }
0x15: {  	[smem:$0x3FB1] =	sst s0;
	s0 =	simm.s32 @!p2 $0x0  }
0x16: {  	s3 =	sld [smem:$0x3FDB];
	s0 =	simm.s32 @p2 $0x1  }
0x17: {  	s4 =	simm.s32 $0x1BF5;
	[smem:$0x3FB3] =	sst s0  }
0x18: {  	s0 =	sld [smem:$0x3F96];
	_ =	swait.ge [sflag:s4], $0x0  }
0x19: {  	s7 =	sld [smem:$0x3F97]  }
0x1a: {  	s8 =	sadd.s32 $0xFFFFE003, lr  }
0x1b: {  	s9 =	sadd.s32 $0xFFFFFEF7, lr;
	s5 =	simm.s32 $0xFFFFFFFF;
	p2 =	slt.u32 s8, $0xFFFFF086  }
0x1c: {  	p1 =	slt.u32 s9, $0xF7A;
	s5 =	simm.s32 @!p2 $0x0  }
0x1d: {  	s5 =	simm.s32 @p1 $0x1;
	p0 =	seq.s32 s7, s2  }
0x1e: {  	s7 =	smul.u32 @!p0 $0xF7A, s2;
	p2 =	seq.s32 @!p0 s5, $0x0  }
0x1f: {  	s9 =	smul.u32 $0xF7A, s1;
	s8 =	simm.s32 @!p0 $0x1BF5;
	p2 =	por !p2, p0  }
0x20: {  	[sflag:s8] =	ssyncset.s32 @!p0 $0xFFFFF086;
	s6 =	sadd.s32 @!p0 s3, s7;
	s7 =	simm.s32 @!p0 $0x108  }
0x21: {  	s3 =	sadd.s32 s3, s9;
	s6 =	sadd.s32 @!p0 $0x88, s6;
	s7 =	simm.s32 @p2 $0x1082  }
0x22: {  	[simem:s7], [sflag:s8] =	dma.local @!p0 [hbm:s6], $0xF7A  }
0x23: {  	s9 =	sor.u32 $0xD0000000, s2;
	s6 =	simm.s32 $0x108;
	_ =	swait.ge @!p0 [sflag:s8], $0x0  }
0x24: {  	s3 =	sadd.s32 $0x88, s3;
	s6 =	simm.s32 @!p1 $0x1082;
	[sflag:s4] =	ssyncset.s32 $0xFFFFF086  }
0x25: {  	[simem:s6], [sflag:s4] =	dma.local [hbm:s3], $0xF7A  }
0x26: {  	[smem:$0x3F97] =	sst s1;
	(tag) =	ssettag s2;
	_ =	strace s9  }
0x27: {  	s1 =	sld [smem:$0x3FA7]  }
0x28: {  	s2 =	sld [smem:$0x3FA8]  }
0x29: {  	s4 =	sld [smem:$0x3FAA]  }
0x2a: {  	p0 =	seq.s32 s5, $0x0;
	s5 =	sld [smem:$0x3FAB]  }
0x2b: {  	s6 =	sld [smem:$0x3FAC]  }
0x2c: {  	s7 =	sld [smem:$0x3FAD]  }
0x2d: {  	s3 =	simm.s32 $0x108;
	s8 =	sld [smem:$0x3FAE]  }
0x2e: {  	s3 =	simm.s32 @!p0 $0x1082;
	s9 =	sld [smem:$0x3FAF]  }
0x2f: {  	lr =	sadd.s32 s0, s3;
	s0 =	sld [smem:$0x3FA6]  }
0x30: {  	s3 =	sld [smem:$0x3FA9]  }
0x31: {  	[smem:$0x3FB2] =	sst s10  }
0x32: {  	s10 =	sld [smem:$0x3FB0];
	_ =	sdelay $0x3  }
0x33: {  	p0 =	seq.s32 s10, $0x1;
	s10 =	sld [smem:$0x3FB2];
	_ =	sdelay $0x3  }
0x34: {  	[smem:$0x3FB2] =	sst s10  }
0x35: {  	s10 =	sld [smem:$0x3FB1];
	_ =	sdelay $0x3  }
0x36: {  	p1 =	seq.s32 s10, $0x1;
	s10 =	sld [smem:$0x3FB2];
	_ =	sdelay $0x3  }
0x37: {  	[smem:$0x3FB2] =	sst s10  }
0x38: {  	s10 =	sld [smem:$0x3FB3]  }
0x39: {  	_ = 	snop;
	(pc) =	sbr.ind lr, $3  }
0x3a: {  	_ = 	snop  }
0x3b: {  	_ = 	snop  }
0x3c: {  	p2 =	seq.s32 s10, $0x1;
	s10 =	sld [smem:$0x3FB2]  }
0x3d: {  	_ =	shalt  }
0x3e: {  	_ =	shalt  }
0x3f: {  	_ =	shalt  }
0x40: {  	_ =	shalt  }
0x41: {  	_ =	shalt  }
0x42: {  	_ =	shalt  }
0x43: {  	_ =	shalt  }
0x44: {  	_ =	shalt  }
0x45: {  	_ =	shalt  }
0x46: {  	_ =	shalt  }
0x47: {  	_ =	shalt  }
0x48: {  	_ =	shalt  }
0x49: {  	_ =	shalt  }
0x4a: {  	_ =	shalt  }
0x4b: {  	_ =	shalt  }
0x4c: {  	_ =	shalt  }
0x4d: {  	_ =	shalt  }
0x4e: {  	_ =	shalt  }
0x4f: {  	_ =	shalt  }
0x50: {  	_ =	shalt  }
0x51: {  	_ =	shalt  }
0x52: {  	_ =	shalt  }
0x53: {  	_ =	shalt  }
0x54: {  	_ =	shalt  }
0x55: {  	_ =	shalt  }
0x56: {  	_ =	shalt  }
0x57: {  	_ =	shalt  }
0x58: {  	_ =	shalt  }
0x59: {  	_ =	shalt  }
0x5a: {  	_ =	shalt  }
0x5b: {  	_ =	shalt  }
0x5c: {  	_ =	shalt  }
0x5d: {  	_ =	shalt  }
0x5e: {  	_ =	shalt  }
0x5f: {  	_ =	shalt  }
0x60: {  	_ =	shalt  }
0x61: {  	_ =	shalt  }
0x62: {  	_ =	shalt  }
0x63: {  	_ =	shalt  }
0x64: {  	_ =	shalt  }
0x65: {  	_ =	shalt  }
0x66: {  	_ =	shalt  }
0x67: {  	_ =	shalt  }
0x68: {  	_ =	shalt  }
0x69: {  	_ =	shalt  }
0x6a: {  	_ =	shalt  }
0x6b: {  	_ =	shalt  }
0x6c: {  	_ =	shalt  }
0x6d: {  	_ =	shalt  }
0x6e: {  	_ =	shalt  }
0x6f: {  	_ =	shalt  }
0x70: {  	_ =	shalt  }
0x71: {  	_ =	shalt  }
0x72: {  	_ =	shalt  }
0x73: {  	_ =	shalt  }
0x74: {  	_ =	shalt  }
0x75: {  	_ =	shalt  }
0x76: {  	_ =	shalt  }
0x77: {  	_ =	shalt  }
0x78: {  	_ =	shalt  }
0x79: {  	_ =	shalt  }
0x7a: {  	_ =	shalt  }
0x7b: {  	_ =	shalt  }
0x7c: {  	_ =	shalt  }
0x7d: {  	_ =	shalt  }
0x7e: {  	_ =	shalt  }
0x7f: {  	_ =	shalt  }
0x80: {  	_ =	shalt  }
0x81: {  	_ =	shalt  }
0x82: {  	_ =	shalt  }
0x83: {  	_ =	shalt  }
0x84: {  	_ =	shalt  }
0x85: {  	_ =	shalt  }
0x86: {  	_ =	shalt  }
0x87: {  	_ =	shalt  }
.Lfunc_end0:
.L_simem_size_0:
called_computation.1_lowered:
.L_overlay_start_0:
0x88: {  	s2 =	sld [smem:$0x3FD9]  }
0x89: {  	s3 =	sld [smem:$0x3FFE];
	_ =	sdelay $0x1  }
0x8a: {  	s1 =	srdreg.scid  }
0x8b: {  	s0 =	sand.u32 $0x1, s1  }
0x8c: {  	s17 =	sshll.u32 s0, $0xA;
	s2 =	sadd.s32 s3, s2  }
0x8d: {  	s2 =	sadd.s32 s2, s17  }
0x8e: {  	[smem:$0x3FBE] =	sst s2  }
0x8f: {  	_ = 	snop  }
0x90: {  	s18 =	sld [smem:$0x3FC8];
	(tm) =	ssettm $0x1  }
0x91: {  	s19 =	sld [smem:$0x3FFB];
	_ =	sdelay $0x3  }
0x92: {  	_ =	strace s19  }
0x93: {  	s2 =	sld [smem:$0x3FFC];
	_ =	sdelay $0x3  }
0x94: {  	_ =	strace s2  }
0x95: {  	s2 =	sld [smem:$0x3FFD];
	_ =	sdelay $0x3  }
0x96: {  	_ =	strace s2  }
0x97: {  	_ =	strace $0x8FFFFFFF  }
0x98: {  	s20 =	sld [smem:$0x3FDB];
	_ =	sdelay $0x1  }
0x99: {  	s4 =	simm.s32 $_scs_section_size  }
0x9a: {  	s5 =	simm.s32 $_size__tile_overlayer_lowered;
	s6 =	simm.s32 $_tile_overlayer_lowered  }
0x9b: {  	s7 =	simm.s32 $0x1BFF;
	s21 =	sshll.u32 s6, $0x1;
	s4 =	sadd.s32 s4, s20  }
0x9c: {  	s22 =	simm.s32 $0x0;
	s5 =	sshll.u32 s5, $0x1;
	s6 =	sadd.s32 s21, s4  }
0x9d: {  	[timem:s22], [sflag:s7] =	dma.local [hbm:s6], s5  }
0x9e: {  	_ =	swait.ge [sflag:s7], s5  }
0x9f: {  	s5 =	ssub.s32 $0x0, s5;
	[sflag:s7] =	ssyncset.done $0x0  }
0xa0: {  	[sflag:s7] =	ssyncadd.s32 s5;
	_ =	sdelay $0x1  }
0xa1: {  	s23 =	simm.s32 $0x1B8B  }
0xa2: {  	_ =	swait.ge [sflag:s23], $0x1  }
0xa3: {  	[sflag:s23] =	ssyncset.done $0x0  }
0xa4: {  	[sflag:s23] =	ssyncadd.s32 $0xFFFFFFFF  }
0xa5: {  	s5 =	sld [smem:$0x0]  }
0xa6: {  	s6 =	sand.u32 $0xFFFFFFFE, s1  }
0xa7: {  	p0 =	sne.s32 s1, s6  }
0xa8: {  	s6 =	sshll.u32 @p0 s6, $0xE  }
0xa9: {  	s6 =	sadd.s32 @p0 $0x11B8D, s6;
	s7 =	sshll.u32 @p0 s5, $0x11  }
0xaa: {  	s6 =	sor.u32 @p0 s7, s6  }
0xab: {  	[sflag:s6] =	ssyncadd.remote.s32 @p0 $0x1;
	_ =	sdelay $0x1  }
0xac: {  	s6 =	simm.s32 @p0 $0x1B8D  }
0xad: {  	_ =	swait.eq @p0 [sflag:s6], $0x1  }
0xae: {  	[sflag:s6] =	ssyncadd.s32 @p0 $0xFFFFFFFF  }
0xaf: {  	s7 =	sshll.u32 @!p0 s1, $0xE  }
0xb0: {  	s7 =	sor.u32 @!p0 $0x4000, s7;
	s6 =	simm.s32 @!p0 $0x1B8D  }
0xb1: {  	s5 =	sshll.u32 @!p0 s5, $0x11;
	s7 =	sadd.s32 @!p0 $0x11B8D, s7;
	_ =	swait.eq @!p0 [sflag:s6], $0x1  }
0xb2: {  	s5 =	sor.u32 @!p0 s5, s7;
	[sflag:s6] =	ssyncadd.s32 @!p0 $0xFFFFFFFF  }
0xb3: {  	s25 =	simm.s32 $0x1B8E;
	s24 =	sld [smem:$0x3FFE];
	[sflag:s5] =	ssyncadd.remote.s32 @!p0 $0x1  }
0xb4: {  	s26 =	simm.s32 $execute0_lowered;
	[smem:$0x3FD2] =	sst s25  }
0xb5: {  	s6 =	sshll.u32 s26, $0x1;
	_ =	strace $0x80000049;
	[dreg:$0x1] =	wrdreg $0xFFFFFFFF  }
0xb6: {  	s28 =	simm.s32 $_size_execute0_lowered;
	s4 =	sadd.s32 s4, s6;
	[dreg:$0x0] =	wrdreg $0x0  }
0xb7: {  	s6 =	sshll.u32 s28, $0x1;
	[dreg:$0x2] =	wrdreg s4  }
0xb8: {  	[dreg:$0x3] =	wrdreg s6  }
0xb9: {  	[dreg:$0x4] =	wrdreg $0xC0  }
0xba: {  	_ =	task [dreg:s22], $0x5FFFF  }
0xbb: {  	[dreg:$0x1] =	wrdreg $0xFFFFFFFF  }
0xbc: {  	[dreg:$0x0] =	wrdreg $0x60  }
0xbd: {  	[dreg:$0x2] =	wrdreg s24  }
0xbe: {  	[dreg:$0x3] =	wrdreg s18  }
0xbf: {  	[dreg:$0x4] =	wrdreg $0xA  }
0xc0: {  	_ =	task.clear_ibuf [dreg:s22], $0x5FFFF;
	_ =	strace $0x90000049  }
0xc1: {  	s29 =	simm.s32 $0xA;
	_ =	strace $0x8000004B  }
0xc2: {  	_ =	swait.ge [sflag:s29], $0x1  }
0xc3: {  	[sflag:s29] =	ssyncadd.s32 $0xFFFFFFFF  }
0xc4: {  	_ =	strace $0x9000004B  }
0xc5: {  	_ =	sfence  }
0xc6: {  	s30 =	sld [smem:$0x0];
	_ =	sdelay $0x2  }
0xc7: {  	s31 =	sshll.u32 s1, $0xD;
	s1 =	sshrl.u32 s1, $0x2  }
0xc8: {  	s4 =	sand.u32 $0x4000, s31;
	s1 =	sadd.s32 s1, s30  }
0xc9: {  	s0 =	sor.u32 s4, s0;
	s1 =	sshll.u32 s1, $0x11  }
0xca: {  	s0 =	sor.u32 s1, s0  }
0xcb: {  	s0 =	sadd.s32 $0x8F2B, s0  }
0xcc: {  	[sflag:s0] =	ssyncadd.remote.s32 $0x1  }
0xcd: {  	_ =	sfence.sel $0xFFFF  }
0xce: {  	[dreg:$0x0] =	wrdreg $0xFFFFFFFF;
	(pc) =	sbr.abs _section_cstart, $3  }
0xcf: {  	[dreg:$0x1] =	wrdreg $0xFFFFFFFF  }
0xd0: {  	_ =	task.clear_ibuf [dreg:s22], $0x2FFFF;
	_ =	strace $0x9FFFFFFF  }
0xd1: {  	(tm) =	ssettm $0x7FFFFFFF  }
tec
execute0_lowered:
.L_overlay_start_1:
0x0: {  	(tag) =	ssettag $0x1  }
0x1: {  	s1 =	srdreg.scid;
	s4 =	rddreg [dreg:$0x0]  }
0x2: {  	s0 =	stileid.u32;
	s6 =	rddreg [dreg:$0x1]  }
0x3: {  	s13 =	simm.s32 $0x400;
	s14 =	simm.s32 $0x4000;
	s15 =	simm.s32 $0x6  }
0x4: {  	s16 =	simm.s32 $0x14500;
	s17 =	simm.s32 $0x1;
	s18 =	simm.s32 $0xC280  }
0x5: {  	s19 =	simm.s32 $0x2;
	s20 =	simm.s32 $0x3;
	s21 =	simm.s32 $0x14580  }
0x6: {  	s22 =	simm.s32 $0x18580;
	s23 =	simm.s32 $0x4;
	s24 =	simm.s32 $0x5  }
0x7: {  	s25 =	simm.s32 $0x0;
	s3 =	sand.u32 $0x1, s1;
	s26 =	sshll.u32 s0, $0x2  }
0x8: {  	s8 =	sshll.u32 s0, $0x10;
	s1 =	rddreg [dreg:$0x2];
	s2 =	sshll.u32 s3, $0x1  }
0x9: {  	s9 =	sshrl.u32 s0, $0x1;
	s10 =	sadd.s32 $0x1A00, s4;
	s5 =	sor.u32 s2, s26  }
0xa: {  	s9 =	smul.u32 $0xC3800, s9;
	s3 =	ssub.s32 $0x2, s3;
	s7 =	sshll.u32 s5, $0x7  }
0xb: {  	s2 =	simm.s32 $0x0;
	s29 =	sshrl.u32 s3, $0x1;
	s8 =	sor.u32 s8, s7  }
0xc: {  	[smem:$0x7FF] =	sst s2;
	s5 =	sor.u32 $0x641, s5;
	s8 =	sand.u32 $0xE0300, s8  }
0xd: {  	s12 =	ssub.s32 s3, s29;
	s28 =	sand.u32 $0x300, s7;
	s8 =	sshrl.u32 s8, $0x3  }
0xe: {  	s30 =	sshrl.u32 s5, $0x3;
	s11 =	sadd.s32 s8, s4;
	s4 =	sor.u32 s28, s9  }
0xf: {  	s5 =	sshll.u32 s5, $0x7;
	s8 =	smul.u32 $0xC3800, s30;
	s4 =	sadd.s32 $0x98BC000, s4  }
0x10: {  	_ =	strace $0x8000004A;
	s31 =	sand.u32 $0x380, s5;
	s4 =	sshrl.u32 s4, $0x3  }
0x11: {  	s9 =	sadd.s32 $0x16FCA00, s11;
	s8 =	sor.u32 s31, s8;
	s3 =	sadd.s32 s10, s4  }
0x12: {  	s4 =	sadd.s32 $0xC010, s6;
	s8 =	sshrl.u32 s8, $0x3;
	s5 =	sadd.s32 $0x18680, s3  }
0x13: {  	s6 =	sadd.s32 $0x8280, s3;
	s7 =	sadd.s32 $0x10500, s3;
	s8 =	sadd.s32 s10, s8  }
0x14: {  	s10 =	sadd.s32 $0x16FCA10, s11;
	s11 =	smax.u32 s12, $0x1;
	s12 =	simm.s32 $0x80  }
.LBB2_1:
0x15: {  	[tilespmem:s14], [sflag:$0x1] =	stream.strided.gather [hbm4b:s3+s12], $0x8280, s13, s12, $0x38;
	[tilespmem:$0x1C580] =	vst v63  }
0x16: {  	_ = 	snop  }
0x17: {  	[tilespmem:s2], [sflag:$0x6] =	stream.strided.gather [hbm4b:s4+s12], $0x4000, s13, s12, $0x38;
	[tilespmem:$0x1C580] =	vst v63  }
0x18: {  	_ =	swait.ge [sflag:s15], $0x4000  }
0x19: {  	[sflag:s15] =	ssyncset.done $0x0  }
0x1a: {  	[sflag:s15] =	ssyncadd.s32 $0xFFFFC000  }
0x1b: {  	[tilespmem:s16], [sflag:$0x3] =	stream.linear.gather [hbm4b:s5+s2], $0x80, $0x38;
	[tilespmem:$0x1C580] =	vst v63  }
0x1c: {  	_ =	swait.ge [sflag:s17], $0x8280  }
0x1d: {  	[sflag:s17] =	ssyncset.done $0x0  }
0x1e: {  	s26 =	simm.s32 $0x0;
	[sflag:s17] =	ssyncadd.s32 $0xFFFF7D80  }
0x1f: {  	[tilespmem:s18], [sflag:$0x2] =	stream.strided.gather [hbm4b:s6+s12], $0x8280, s13, s12, $0x38;
	[tilespmem:$0x1C580] =	vst v63  }
0x20: {  	v0 =	vld [tilespmem:s26+$0x0];
	_ =	sdelay $0x4  }
0x21: {  	vm0 =	vlt.s32 v0, $0x8280  }
0x22: {  	v1 =	vld [tilespmem:s26+$0x10];
	_ =	sdelay $0x4  }
0x23: {  	v0 =	vld.idx.msk [tilespmem:v0+s14+$0x0], vm0;
	vm0 =	vlt.s32 v1, $0x8280  }
0x24: {  	v2 =	vld [tilespmem:s26+$0x20];
	_ =	sdelay $0x3  }
0x25: {  	[tilespmem:s26+$0x14580] =	vst v0  }
0x26: {  	v0 =	vld.idx.msk [tilespmem:v1+s14+$0x0], vm0;
	vm0 =	vlt.s32 v2, $0x8280  }
0x27: {  	v1 =	vld [tilespmem:s26+$0x30];
	_ =	sdelay $0x3  }
0x28: {  	[tilespmem:s26+$0x14590] =	vst v0  }
0x29: {  	v0 =	vld.idx.msk [tilespmem:v2+s14+$0x0], vm0;
	vm0 =	vlt.s32 v1, $0x8280  }
0x2a: {  	v2 =	vld [tilespmem:s26+$0x40];
	_ =	sdelay $0x3  }
0x2b: {  	[tilespmem:s26+$0x145A0] =	vst v0  }
0x2c: {  	v0 =	vld.idx.msk [tilespmem:v1+s14+$0x0], vm0;
	vm0 =	vlt.s32 v2, $0x8280  }
0x2d: {  	v1 =	vld [tilespmem:s26+$0x50];
	_ =	sdelay $0x3  }
0x2e: {  	[tilespmem:s26+$0x145B0] =	vst v0  }
0x2f: {  	v0 =	vld.idx.msk [tilespmem:v2+s14+$0x0], vm0;
	vm0 =	vlt.s32 v1, $0x8280  }
0x30: {  	v2 =	vld [tilespmem:s26+$0x60];
	_ =	sdelay $0x3  }
0x31: {  	[tilespmem:s26+$0x145C0] =	vst v0  }
0x32: {  	v1 =	vld.idx.msk [tilespmem:v1+s14+$0x0], vm0;
	vm0 =	vlt.s32 v2, $0x8280  }
0x33: {  	v0 =	vld [tilespmem:s26+$0x70];
	_ =	sdelay $0x3  }
0x34: {  	[tilespmem:s26+$0x145D0] =	vst v1  }
0x35: {  	v1 =	vld.idx.msk [tilespmem:v2+s14+$0x0], vm0;
	vm0 =	vlt.s32 v0, $0x8280  }
0x36: {  	s29 =	simm.s32 $0x80;
	s28 =	simm.s32 $0x400  }
.LBB2_2:
0x37: {  	p0 =	sne.s32 s28, $0xFE00;
	v2 =	vld [tilespmem:s29+$0x0];
	_ =	sdelay $0x2  }
0x38: {  	[tilespmem:s26+$0x145E0] =	vst v1  }
0x39: {  	v0 =	vld.idx.msk [tilespmem:v0+s14+$0x0], vm0  }
0x3a: {  	vm0 =	vlt.s32 v2, $0x8280;
	_ =	sdelay $0x1  }
0x3b: {  	v1 =	vld [tilespmem:s29+$0x10];
	_ =	sdelay $0x2  }
0x3c: {  	[tilespmem:s26+$0x145F0] =	vst v0;
	s26 =	smov.u32 s29  }
0x3d: {  	v0 =	vld.idx.msk [tilespmem:v2+s14+$0x0], vm0  }
0x3e: {  	vm0 =	vlt.s32 v1, $0x8280;
	_ =	sdelay $0x1  }
0x3f: {  	v2 =	vld [tilespmem:s26+$0x20];
	_ =	sdelay $0x2  }
0x40: {  	[tilespmem:s26+$0x14580] =	vst v0  }
0x41: {  	v0 =	vld.idx.msk [tilespmem:v1+s14+$0x0], vm0  }
0x42: {  	vm0 =	vlt.s32 v2, $0x8280;
	_ =	sdelay $0x1  }
0x43: {  	v1 =	vld [tilespmem:s26+$0x30];
	_ =	sdelay $0x2  }
0x44: {  	[tilespmem:s26+$0x14590] =	vst v0  }
0x45: {  	v0 =	vld.idx.msk [tilespmem:v2+s14+$0x0], vm0  }
0x46: {  	vm0 =	vlt.s32 v1, $0x8280;
	_ =	sdelay $0x1  }
0x47: {  	v2 =	vld [tilespmem:s26+$0x40];
	_ =	sdelay $0x2  }
0x48: {  	[tilespmem:s26+$0x145A0] =	vst v0  }
0x49: {  	v0 =	vld.idx.msk [tilespmem:v1+s14+$0x0], vm0  }
0x4a: {  	vm0 =	vlt.s32 v2, $0x8280;
	_ =	sdelay $0x1  }
0x4b: {  	v1 =	vld [tilespmem:s26+$0x50];
	_ =	sdelay $0x2  }
0x4c: {  	[tilespmem:s26+$0x145B0] =	vst v0  }
0x4d: {  	v0 =	vld.idx.msk [tilespmem:v2+s14+$0x0], vm0  }
0x4e: {  	vm0 =	vlt.s32 v1, $0x8280;
	_ =	sdelay $0x1  }
0x4f: {  	v2 =	vld [tilespmem:s26+$0x60];
	_ =	sdelay $0x2  }
0x50: {  	[tilespmem:s26+$0x145C0] =	vst v0  }
0x51: {  	v1 =	vld.idx.msk [tilespmem:v1+s14+$0x0], vm0  }
0x52: {  	vm0 =	vlt.s32 v2, $0x8280;
	_ =	sdelay $0x1  }
0x53: {  	v0 =	vld [tilespmem:s26+$0x70];
	_ =	sdelay $0x1  }
.Ltmp0:
0x54: {  	(pc) =	sbr.rel @p0 .LBB2_2-.Ltmp0, $4  }
0x55: {  	[tilespmem:s26+$0x145D0] =	vst v1  }
0x56: {  	v1 =	vld.idx.msk [tilespmem:v2+s14+$0x0], vm0  }
0x57: {  	vm0 =	vlt.s32 v0, $0x8280  }
0x58: {  	s29 =	sshra.s32 s28, $0x2;
	s28 =	sadd.s32 $0x200, s28  }
0x59: {  	v2 =	vld [tilespmem:s29+$0x0];
	_ =	sdelay $0x3  }
0x5a: {  	[tilespmem:s26+$0x145E0] =	vst v1  }
0x5b: {  	v0 =	vld.idx.msk [tilespmem:v0+s14+$0x0], vm0;
	vm0 =	vlt.s32 v2, $0x8280  }
0x5c: {  	v1 =	vld [tilespmem:s29+$0x10];
	_ =	sdelay $0x3  }
0x5d: {  	[tilespmem:s26+$0x145F0] =	vst v0  }
0x5e: {  	v0 =	vld.idx.msk [tilespmem:v2+s14+$0x0], vm0;
	vm0 =	vlt.s32 v1, $0x8280  }
0x5f: {  	v2 =	vld [tilespmem:s29+$0x20];
	_ =	sdelay $0x3  }
0x60: {  	[tilespmem:s29+$0x14580] =	vst v0  }
0x61: {  	v0 =	vld.idx.msk [tilespmem:v1+s14+$0x0], vm0;
	vm0 =	vlt.s32 v2, $0x8280  }
0x62: {  	v1 =	vld [tilespmem:s29+$0x30];
	_ =	sdelay $0x3  }
0x63: {  	[tilespmem:s29+$0x14590] =	vst v0  }
0x64: {  	v0 =	vld.idx.msk [tilespmem:v2+s14+$0x0], vm0;
	vm0 =	vlt.s32 v1, $0x8280  }
0x65: {  	v2 =	vld [tilespmem:s29+$0x40];
	_ =	sdelay $0x3  }
0x66: {  	[tilespmem:s29+$0x145A0] =	vst v0  }
0x67: {  	v0 =	vld.idx.msk [tilespmem:v1+s14+$0x0], vm0;
	vm0 =	vlt.s32 v2, $0x8280  }
0x68: {  	v1 =	vld [tilespmem:s29+$0x50];
	_ =	sdelay $0x3  }
0x69: {  	[tilespmem:s29+$0x145B0] =	vst v0  }
0x6a: {  	v0 =	vld.idx.msk [tilespmem:v2+s14+$0x0], vm0;
	vm0 =	vlt.s32 v1, $0x8280  }
0x6b: {  	v2 =	vld [tilespmem:s29+$0x60];
	_ =	sdelay $0x3  }
0x6c: {  	[tilespmem:s29+$0x145C0] =	vst v0  }
0x6d: {  	v0 =	vld.idx.msk [tilespmem:v1+s14+$0x0], vm0;
	vm0 =	vlt.s32 v2, $0x8280  }
0x6e: {  	v1 =	vld [tilespmem:s29+$0x70];
	_ =	sdelay $0x3  }
0x6f: {  	[tilespmem:s29+$0x145D0] =	vst v0  }
0x70: {  	v0 =	vld.idx.msk [tilespmem:v2+s14+$0x0], vm0;
	vm0 =	vlt.s32 v1, $0x8280;
	_ =	sdelay $0x4  }
0x71: {  	[tilespmem:s29+$0x145E0] =	vst v0  }
0x72: {  	v0 =	vld.idx.msk [tilespmem:v1+s14+$0x0], vm0;
	_ =	sdelay $0x4  }
0x73: {  	[tilespmem:s29+$0x145F0] =	vst v0  }
0x74: {  	_ =	swait.ge [sflag:s19], $0x8280  }
0x75: {  	[sflag:s19] =	ssyncset.done $0x0  }
0x76: {  	s26 =	simm.s32 $0x0;
	[sflag:s19] =	ssyncadd.s32 $0xFFFF7D80  }
0x77: {  	[tilespmem:s14], [sflag:$0x1] =	stream.strided.gather [hbm4b:s7+s12], $0x8180, s13, s12, $0x38;
	[tilespmem:$0x1C580] =	vst v63  }
0x78: {  	v0 =	vld [tilespmem:s26+$0x0];
	_ =	sdelay $0x4  }
0x79: {  	v0 =	vadd.s32 $0xFFFF7D80, v0  }
0x7a: {  	vm0 =	vlt.u32 v0, $0x8280  }
0x7b: {  	v1 =	vld [tilespmem:s26+$0x10];
	_ =	sdelay $0x3  }
0x7c: {  	v2 =	vld [tilespmem:s26+$0x14580]  }
0x7d: {  	v1 =	vadd.s32 $0xFFFF7D80, v1;
	v0 =	vld.idx.msk [tilespmem:v0+s18+$0x0], vm0  }
0x7e: {  	vm1 =	vlt.u32 v1, $0x8280;
	_ =	sdelay $0x1  }
0x7f: {  	v3 =	vld [tilespmem:s26+$0x20];
	_ =	sdelay $0x1  }
0x80: {  	v0 =	vsel vm0, v0, v2  }
0x81: {  	[tilespmem:s26+$0x14580] =	vst v0  }
0x82: {  	v0 =	vld.idx.msk [tilespmem:v1+s18+$0x0], vm1  }
0x83: {  	v2 =	vadd.s32 $0xFFFF7D80, v3;
	v1 =	vld [tilespmem:s26+$0x14590]  }
0x84: {  	vm0 =	vlt.u32 v2, $0x8280  }
0x85: {  	v3 =	vld [tilespmem:s26+$0x30];
	_ =	sdelay $0x2  }
0x86: {  	v0 =	vsel vm1, v0, v1  }
0x87: {  	v1 =	vld [tilespmem:s26+$0x145A0];
	[tilespmem:s26+$0x14590] =	vst v0  }
0x88: {  	v0 =	vld.idx.msk [tilespmem:v2+s18+$0x0], vm0;
	v2 =	vadd.s32 $0xFFFF7D80, v3  }
0x89: {  	vm1 =	vlt.u32 v2, $0x8280  }
0x8a: {  	v3 =	vld [tilespmem:s26+$0x40];
	_ =	sdelay $0x2  }
0x8b: {  	v0 =	vsel vm0, v0, v1  }
0x8c: {  	v1 =	vld [tilespmem:s26+$0x145B0];
	[tilespmem:s26+$0x145A0] =	vst v0  }
0x8d: {  	v0 =	vld.idx.msk [tilespmem:v2+s18+$0x0], vm1;
	v2 =	vadd.s32 $0xFFFF7D80, v3  }
0x8e: {  	vm0 =	vlt.u32 v2, $0x8280  }
0x8f: {  	v3 =	vld [tilespmem:s26+$0x50];
	_ =	sdelay $0x2  }
0x90: {  	v0 =	vsel vm1, v0, v1  }
0x91: {  	v1 =	vld [tilespmem:s26+$0x145C0];
	[tilespmem:s26+$0x145B0] =	vst v0  }
0x92: {  	v0 =	vld.idx.msk [tilespmem:v2+s18+$0x0], vm0;
	v2 =	vadd.s32 $0xFFFF7D80, v3  }
0x93: {  	vm1 =	vlt.u32 v2, $0x8280  }
0x94: {  	v3 =	vld [tilespmem:s26+$0x60];
	_ =	sdelay $0x2  }
0x95: {  	v0 =	vsel vm0, v0, v1  }
0x96: {  	v1 =	vld [tilespmem:s26+$0x145D0];
	[tilespmem:s26+$0x145C0] =	vst v0  }
0x97: {  	v0 =	vld.idx.msk [tilespmem:v2+s18+$0x0], vm1;
	v2 =	vadd.s32 $0xFFFF7D80, v3  }
0x98: {  	vm0 =	vlt.u32 v2, $0x8280;
	_ =	sdelay $0x1  }
0x99: {  	v3 =	vld [tilespmem:s26+$0x70];
	_ =	sdelay $0x1  }
0x9a: {  	v0 =	vsel vm1, v0, v1  }
0x9b: {  	[tilespmem:s26+$0x145D0] =	vst v0  }
0x9c: {  	v1 =	vld.idx.msk [tilespmem:v2+s18+$0x0], vm0  }
0x9d: {  	v0 =	vadd.s32 $0xFFFF7D80, v3;
	v2 =	vld [tilespmem:s26+$0x145E0]  }
0x9e: {  	vm1 =	vlt.u32 v0, $0x8280  }
0x9f: {  	s28 =	simm.s32 $0x400;
	s29 =	simm.s32 $0x80  }
.LBB2_4:
0xa0: {  	p0 =	sne.s32 s28, $0xFE00;
	v3 =	vld [tilespmem:s29+$0x0];
	_ =	sdelay $0x1  }
0xa1: {  	v1 =	vsel vm0, v1, v2  }
0xa2: {  	[tilespmem:s26+$0x145E0] =	vst v1  }
0xa3: {  	v0 =	vld.idx.msk [tilespmem:v0+s18+$0x0], vm1  }
0xa4: {  	v1 =	vadd.s32 $0xFFFF7D80, v3;
	v2 =	vld [tilespmem:s26+$0x145F0]  }
0xa5: {  	vm0 =	vlt.u32 v1, $0x8280;
	_ =	sdelay $0x1  }
0xa6: {  	v3 =	vld [tilespmem:s29+$0x10];
	_ =	sdelay $0x1  }
0xa7: {  	v0 =	vsel vm1, v0, v2  }
0xa8: {  	[tilespmem:s26+$0x145F0] =	vst v0;
	s26 =	smov.u32 s29  }
0xa9: {  	v0 =	vld.idx.msk [tilespmem:v1+s18+$0x0], vm0  }
0xaa: {  	v1 =	vld [tilespmem:s26+$0x14580];
	v2 =	vadd.s32 $0xFFFF7D80, v3  }
0xab: {  	vm1 =	vlt.u32 v2, $0x8280;
	_ =	sdelay $0x1  }
0xac: {  	v3 =	vld [tilespmem:s26+$0x20];
	_ =	sdelay $0x1  }
0xad: {  	v0 =	vsel vm0, v0, v1  }
0xae: {  	[tilespmem:s26+$0x14580] =	vst v0  }
0xaf: {  	v0 =	vld.idx.msk [tilespmem:v2+s18+$0x0], vm1  }
0xb0: {  	v1 =	vld [tilespmem:s26+$0x14590];
	v2 =	vadd.s32 $0xFFFF7D80, v3  }
0xb1: {  	vm0 =	vlt.u32 v2, $0x8280;
	_ =	sdelay $0x1  }
0xb2: {  	v3 =	vld [tilespmem:s26+$0x30];
	_ =	sdelay $0x1  }
0xb3: {  	v0 =	vsel vm1, v0, v1  }
0xb4: {  	[tilespmem:s26+$0x14590] =	vst v0  }
0xb5: {  	v0 =	vld.idx.msk [tilespmem:v2+s18+$0x0], vm0  }
0xb6: {  	v1 =	vld [tilespmem:s26+$0x145A0];
	v2 =	vadd.s32 $0xFFFF7D80, v3  }
0xb7: {  	vm1 =	vlt.u32 v2, $0x8280;
	_ =	sdelay $0x1  }
0xb8: {  	v3 =	vld [tilespmem:s26+$0x40];
	_ =	sdelay $0x1  }
0xb9: {  	v0 =	vsel vm0, v0, v1  }
0xba: {  	[tilespmem:s26+$0x145A0] =	vst v0  }
0xbb: {  	v0 =	vld.idx.msk [tilespmem:v2+s18+$0x0], vm1  }
0xbc: {  	v1 =	vld [tilespmem:s26+$0x145B0];
	v2 =	vadd.s32 $0xFFFF7D80, v3  }
0xbd: {  	vm0 =	vlt.u32 v2, $0x8280;
	_ =	sdelay $0x1  }
0xbe: {  	v3 =	vld [tilespmem:s26+$0x50];
	_ =	sdelay $0x1  }
0xbf: {  	v0 =	vsel vm1, v0, v1  }
0xc0: {  	[tilespmem:s26+$0x145B0] =	vst v0  }
0xc1: {  	v0 =	vld.idx.msk [tilespmem:v2+s18+$0x0], vm0  }
0xc2: {  	v1 =	vld [tilespmem:s26+$0x145C0];
	v2 =	vadd.s32 $0xFFFF7D80, v3  }
0xc3: {  	vm1 =	vlt.u32 v2, $0x8280;
	_ =	sdelay $0x1  }
0xc4: {  	v3 =	vld [tilespmem:s26+$0x60];
	_ =	sdelay $0x1  }
0xc5: {  	v0 =	vsel vm0, v0, v1  }
0xc6: {  	[tilespmem:s26+$0x145C0] =	vst v0  }
0xc7: {  	v0 =	vld.idx.msk [tilespmem:v2+s18+$0x0], vm1  }
0xc8: {  	v1 =	vld [tilespmem:s26+$0x145D0];
	v2 =	vadd.s32 $0xFFFF7D80, v3  }
0xc9: {  	vm0 =	vlt.u32 v2, $0x8280;
	_ =	sdelay $0x1  }
0xca: {  	v3 =	vld [tilespmem:s26+$0x70];
	_ =	sdelay $0x1  }
0xcb: {  	v0 =	vsel vm1, v0, v1  }
.Ltmp1:
0xcc: {  	[tilespmem:s26+$0x145D0] =	vst v0;
	(pc) =	sbr.rel @p0 .LBB2_4-.Ltmp1, $4  }
0xcd: {  	v1 =	vld.idx.msk [tilespmem:v2+s18+$0x0], vm0  }
0xce: {  	v2 =	vld [tilespmem:s26+$0x145E0];
	v0 =	vadd.s32 $0xFFFF7D80, v3  }
0xcf: {  	vm1 =	vlt.u32 v0, $0x8280  }
0xd0: {  	s29 =	sshra.s32 s28, $0x2;
	s28 =	sadd.s32 $0x200, s28  }
0xd1: {  	v3 =	vld [tilespmem:s29+$0x0];
	_ =	sdelay $0x2  }
0xd2: {  	v1 =	vsel vm0, v1, v2  }
0xd3: {  	v2 =	vld [tilespmem:s26+$0x145F0];
	[tilespmem:s26+$0x145E0] =	vst v1  }
0xd4: {  	v0 =	vld.idx.msk [tilespmem:v0+s18+$0x0], vm1;
	v1 =	vadd.s32 $0xFFFF7D80, v3  }
0xd5: {  	vm0 =	vlt.u32 v1, $0x8280;
	_ =	sdelay $0x1  }
0xd6: {  	v3 =	vld [tilespmem:s29+$0x10];
	_ =	sdelay $0x1  }
0xd7: {  	v0 =	vsel vm1, v0, v2  }
0xd8: {  	[tilespmem:s26+$0x145F0] =	vst v0  }
0xd9: {  	v0 =	vld.idx.msk [tilespmem:v1+s18+$0x0], vm0  }
0xda: {  	v2 =	vadd.s32 $0xFFFF7D80, v3;
	v1 =	vld [tilespmem:s29+$0x14580]  }
0xdb: {  	vm1 =	vlt.u32 v2, $0x8280  }
0xdc: {  	v3 =	vld [tilespmem:s29+$0x20];
	_ =	sdelay $0x2  }
0xdd: {  	v0 =	vsel vm0, v0, v1  }
0xde: {  	v1 =	vld [tilespmem:s29+$0x14590];
	[tilespmem:s29+$0x14580] =	vst v0  }
0xdf: {  	v0 =	vld.idx.msk [tilespmem:v2+s18+$0x0], vm1;
	v2 =	vadd.s32 $0xFFFF7D80, v3  }
0xe0: {  	vm0 =	vlt.u32 v2, $0x8280  }
0xe1: {  	v3 =	vld [tilespmem:s29+$0x30];
	_ =	sdelay $0x2  }
0xe2: {  	v0 =	vsel vm1, v0, v1  }
0xe3: {  	v1 =	vld [tilespmem:s29+$0x145A0];
	[tilespmem:s29+$0x14590] =	vst v0  }
0xe4: {  	v0 =	vld.idx.msk [tilespmem:v2+s18+$0x0], vm0;
	v2 =	vadd.s32 $0xFFFF7D80, v3  }
0xe5: {  	vm1 =	vlt.u32 v2, $0x8280  }
0xe6: {  	v3 =	vld [tilespmem:s29+$0x40];
	_ =	sdelay $0x2  }
0xe7: {  	v0 =	vsel vm0, v0, v1  }
0xe8: {  	v1 =	vld [tilespmem:s29+$0x145B0];
	[tilespmem:s29+$0x145A0] =	vst v0  }
0xe9: {  	v0 =	vld.idx.msk [tilespmem:v2+s18+$0x0], vm1;
	v2 =	vadd.s32 $0xFFFF7D80, v3  }
0xea: {  	vm0 =	vlt.u32 v2, $0x8280  }
0xeb: {  	v3 =	vld [tilespmem:s29+$0x50];
	_ =	sdelay $0x2  }
0xec: {  	v0 =	vsel vm1, v0, v1  }
0xed: {  	v1 =	vld [tilespmem:s29+$0x145C0];
	[tilespmem:s29+$0x145B0] =	vst v0  }
0xee: {  	v0 =	vld.idx.msk [tilespmem:v2+s18+$0x0], vm0;
	v2 =	vadd.s32 $0xFFFF7D80, v3  }
0xef: {  	vm1 =	vlt.u32 v2, $0x8280  }
0xf0: {  	v3 =	vld [tilespmem:s29+$0x60];
	_ =	sdelay $0x2  }
0xf1: {  	v0 =	vsel vm0, v0, v1  }
0xf2: {  	v1 =	vld [tilespmem:s29+$0x145D0];
	[tilespmem:s29+$0x145C0] =	vst v0  }
0xf3: {  	v0 =	vld.idx.msk [tilespmem:v2+s18+$0x0], vm1;
	v2 =	vadd.s32 $0xFFFF7D80, v3  }
0xf4: {  	vm0 =	vlt.u32 v2, $0x8280  }
0xf5: {  	v3 =	vld [tilespmem:s29+$0x70];
	_ =	sdelay $0x2  }
0xf6: {  	v0 =	vsel vm1, v0, v1  }
0xf7: {  	v1 =	vld [tilespmem:s29+$0x145E0];
	[tilespmem:s29+$0x145D0] =	vst v0  }
0xf8: {  	v0 =	vld.idx.msk [tilespmem:v2+s18+$0x0], vm0;
	v2 =	vadd.s32 $0xFFFF7D80, v3  }
0xf9: {  	vm1 =	vlt.u32 v2, $0x8280;
	_ =	sdelay $0x3  }
0xfa: {  	v0 =	vsel vm0, v0, v1  }
0xfb: {  	v1 =	vld [tilespmem:s29+$0x145F0];
	[tilespmem:s29+$0x145E0] =	vst v0  }
0xfc: {  	v0 =	vld.idx.msk [tilespmem:v2+s18+$0x0], vm1;
	_ =	sdelay $0x4  }
0xfd: {  	v0 =	vsel vm1, v0, v1  }
0xfe: {  	[tilespmem:s29+$0x145F0] =	vst v0  }
0xff: {  	_ =	swait.ge [sflag:s17], $0x8180  }
0x100: {  	[sflag:s17] =	ssyncset.done $0x0  }
0x101: {  	[sflag:s17] =	ssyncadd.s32 $0xFFFF7E80  }
0x102: {  	[tilespmem:s18], [sflag:$0x2] =	stream.strided.gather [hbm4b:s8+s12], $0x8280, s13, s12, $0x38;
	[tilespmem:$0x1C580] =	vst v63  }
0x103: {  	_ =	swait.ge [sflag:s20], $0x80  }
0x104: {  	[sflag:s20] =	ssyncset.done $0x0  }
0x105: {  	s26 =	simm.s32 $0x0;
	[sflag:s20] =	ssyncadd.s32 $0xFFFFFF80  }
0x106: {  	v0 =	vld [tilespmem:s26+$0x0];
	_ =	sdelay $0x4  }
0x107: {  	v1 =	vadd.s32 $0xFFFEFB00, v0  }
0x108: {  	v0 =	vadd.s32 $0xFFFE7980, v0;
	vm0 =	vlt.u32 v1, $0x8180  }
0x109: {  	vm1 =	vgt.s32 v0, $0xFFFFFFFF  }
0x10a: {  	v2 =	vld [tilespmem:s26+$0x10];
	_ =	sdelay $0x2  }
0x10b: {  	v4 =	vld [tilespmem:s26+$0x14580]  }
0x10c: {  	v1 =	vld.idx.msk [tilespmem:v1+s14+$0x0], vm0  }
0x10d: {  	v6 =	vadd.s32 $0xFFFEFB00, v2;
	v0 =	vld.idx.msk [tilespmem:v0+s16+$0x0], vm1  }
0x10e: {  	v2 =	vadd.s32 $0xFFFE7980, v2;
	vm2 =	vlt.u32 v6, $0x8180  }
0x10f: {  	vm3 =	vgt.s32 v2, $0xFFFFFFFF  }
0x110: {  	v3 =	vld [tilespmem:s26+$0x20]  }
0x111: {  	v1 =	vsel vm0, v1, v4  }
0x112: {  	v0 =	vsel vm1, v0, v1  }
0x113: {  	[tilespmem:s26+$0x14580] =	vst v0;
	v0 =	vld [tilespmem:s26+$0x14590]  }
0x114: {  	v1 =	vld.idx.msk [tilespmem:v6+s14+$0x0], vm2  }
0x115: {  	v2 =	vld.idx.msk [tilespmem:v2+s16+$0x0], vm3;
	v6 =	vadd.s32 $0xFFFEFB00, v3  }
0x116: {  	v3 =	vadd.s32 $0xFFFE7980, v3;
	vm0 =	vlt.u32 v6, $0x8180  }
0x117: {  	vm1 =	vgt.s32 v3, $0xFFFFFFFF  }
0x118: {  	v5 =	vld [tilespmem:s26+$0x30]  }
0x119: {  	v0 =	vsel vm2, v1, v0  }
0x11a: {  	v0 =	vsel vm3, v2, v0  }
0x11b: {  	[tilespmem:s26+$0x14590] =	vst v0;
	v0 =	vld [tilespmem:s26+$0x145A0]  }
0x11c: {  	v1 =	vld.idx.msk [tilespmem:v6+s14+$0x0], vm0  }
0x11d: {  	v2 =	vld.idx.msk [tilespmem:v3+s16+$0x0], vm1;
	v3 =	vadd.s32 $0xFFFEFB00, v5  }
0x11e: {  	v5 =	vadd.s32 $0xFFFE7980, v5;
	vm2 =	vlt.u32 v3, $0x8180  }
0x11f: {  	vm3 =	vgt.s32 v5, $0xFFFFFFFF  }
0x120: {  	v7 =	vld [tilespmem:s26+$0x40]  }
0x121: {  	v0 =	vsel vm0, v1, v0  }
0x122: {  	v0 =	vsel vm1, v2, v0  }
0x123: {  	[tilespmem:s26+$0x145A0] =	vst v0;
	v0 =	vld [tilespmem:s26+$0x145B0]  }
0x124: {  	v1 =	vld.idx.msk [tilespmem:v3+s14+$0x0], vm2  }
0x125: {  	v2 =	vld.idx.msk [tilespmem:v5+s16+$0x0], vm3;
	v3 =	vadd.s32 $0xFFFEFB00, v7  }
0x126: {  	v5 =	vadd.s32 $0xFFFE7980, v7;
	vm0 =	vlt.u32 v3, $0x8180  }
0x127: {  	vm1 =	vgt.s32 v5, $0xFFFFFFFF  }
0x128: {  	v8 =	vld [tilespmem:s26+$0x50]  }
0x129: {  	v0 =	vsel vm2, v1, v0  }
0x12a: {  	v0 =	vsel vm3, v2, v0  }
0x12b: {  	[tilespmem:s26+$0x145B0] =	vst v0;
	v0 =	vld [tilespmem:s26+$0x145C0]  }
0x12c: {  	v1 =	vld.idx.msk [tilespmem:v3+s14+$0x0], vm0  }
0x12d: {  	v2 =	vld.idx.msk [tilespmem:v5+s16+$0x0], vm1;
	v3 =	vadd.s32 $0xFFFEFB00, v8  }
0x12e: {  	v5 =	vadd.s32 $0xFFFE7980, v8;
	vm2 =	vlt.u32 v3, $0x8180  }
0x12f: {  	vm3 =	vgt.s32 v5, $0xFFFFFFFF  }
0x130: {  	v9 =	vld [tilespmem:s26+$0x60]  }
0x131: {  	v0 =	vsel vm0, v1, v0  }
0x132: {  	v0 =	vsel vm1, v2, v0  }
0x133: {  	[tilespmem:s26+$0x145C0] =	vst v0;
	v0 =	vld [tilespmem:s26+$0x145D0]  }
0x134: {  	v1 =	vld.idx.msk [tilespmem:v3+s14+$0x0], vm2  }
0x135: {  	v2 =	vld.idx.msk [tilespmem:v5+s16+$0x0], vm3;
	v3 =	vadd.s32 $0xFFFEFB00, v9  }
0x136: {  	v5 =	vadd.s32 $0xFFFE7980, v9;
	vm0 =	vlt.u32 v3, $0x8180  }
0x137: {  	vm1 =	vgt.s32 v5, $0xFFFFFFFF  }
0x138: {  	v4 =	vld [tilespmem:s26+$0x70]  }
0x139: {  	v0 =	vsel vm2, v1, v0  }
0x13a: {  	v0 =	vsel vm3, v2, v0  }
0x13b: {  	[tilespmem:s26+$0x145D0] =	vst v0;
	v0 =	vld [tilespmem:s26+$0x145E0]  }
0x13c: {  	v1 =	vld.idx.msk [tilespmem:v3+s14+$0x0], vm0  }
0x13d: {  	v2 =	vld.idx.msk [tilespmem:v5+s16+$0x0], vm1;
	v3 =	vadd.s32 $0xFFFEFB00, v4  }
0x13e: {  	v4 =	vadd.s32 $0xFFFE7980, v4;
	vm2 =	vlt.u32 v3, $0x8180  }
0x13f: {  	s29 =	simm.s32 $0x80;
	vm3 =	vgt.s32 v4, $0xFFFFFFFF  }
0x140: {  	v7 =	vld [tilespmem:s29+$0x0]  }
0x141: {  	v9 =	vld [tilespmem:s26+$0x145F0];
	v0 =	vsel vm0, v1, v0  }
0x142: {  	v6 =	vld [tilespmem:s29+$0x10];
	v0 =	vsel vm1, v2, v0  }
0x143: {  	v5 =	vld [tilespmem:s29+$0x20];
	[tilespmem:s26+$0x145E0] =	vst v0  }
0x144: {  	v0 =	vld.idx.msk [tilespmem:v3+s14+$0x0], vm2  }
0x145: {  	v8 =	vadd.s32 $0xFFFEFB00, v7;
	v10 =	vld.idx.msk [tilespmem:v4+s16+$0x0], vm3  }
0x146: {  	v7 =	vadd.s32 $0xFFFE7980, v7;
	vm0 =	vlt.u32 v8, $0x8180;
	v4 =	vld [tilespmem:s29+$0x30]  }
0x147: {  	vm1 =	vgt.s32 v7, $0xFFFFFFFF;
	v3 =	vld [tilespmem:s29+$0x40]  }
0x148: {  	v2 =	vld [tilespmem:s29+$0x50]  }
0x149: {  	v1 =	vld [tilespmem:s29+$0x60];
	v9 =	vsel vm2, v0, v9  }
0x14a: {  	s28 =	simm.s32 $0x400;
	v0 =	vld [tilespmem:s29+$0x70];
	v9 =	vsel vm3, v10, v9  }
.LBB2_6:
0x14b: {  	p0 =	sne.s32 s28, $0xFE00;
	v10 =	vld [tilespmem:s29+$0x14580];
	[tilespmem:s26+$0x145F0] =	vst v9;
	s30 =	smov.u32 s28;
	s28 =	sadd.s32 $0x200, s28  }
0x14c: {  	s26 =	smov.u32 s29;
	v8 =	vld.idx.msk [tilespmem:v8+s14+$0x0], vm0  }
0x14d: {  	v7 =	vld.idx.msk [tilespmem:v7+s16+$0x0], vm1  }
0x14e: {  	v9 =	vadd.s32 $0xFFFEFB00, v6  }
0x14f: {  	v6 =	vadd.s32 $0xFFFE7980, v6;
	vm2 =	vlt.u32 v9, $0x8180  }
0x150: {  	vm3 =	vgt.s32 v6, $0xFFFFFFFF;
	_ =	sdelay $0x1  }
0x151: {  	v8 =	vsel vm0, v8, v10  }
0x152: {  	v7 =	vsel vm1, v7, v8  }
0x153: {  	[tilespmem:s26+$0x14580] =	vst v7;
	v7 =	vld [tilespmem:s26+$0x14590]  }
0x154: {  	v8 =	vld.idx.msk [tilespmem:v9+s14+$0x0], vm2  }
0x155: {  	v6 =	vld.idx.msk [tilespmem:v6+s16+$0x0], vm3  }
0x156: {  	v9 =	vadd.s32 $0xFFFEFB00, v5  }
0x157: {  	v5 =	vadd.s32 $0xFFFE7980, v5;
	vm0 =	vlt.u32 v9, $0x8180  }
0x158: {  	vm1 =	vgt.s32 v5, $0xFFFFFFFF;
	_ =	sdelay $0x1  }
0x159: {  	v7 =	vsel vm2, v8, v7  }
0x15a: {  	v6 =	vsel vm3, v6, v7  }
0x15b: {  	[tilespmem:s26+$0x14590] =	vst v6;
	v6 =	vld [tilespmem:s26+$0x145A0]  }
0x15c: {  	v7 =	vld.idx.msk [tilespmem:v9+s14+$0x0], vm0  }
0x15d: {  	v5 =	vld.idx.msk [tilespmem:v5+s16+$0x0], vm1  }
0x15e: {  	v8 =	vadd.s32 $0xFFFEFB00, v4  }
0x15f: {  	v4 =	vadd.s32 $0xFFFE7980, v4;
	vm2 =	vlt.u32 v8, $0x8180  }
0x160: {  	vm3 =	vgt.s32 v4, $0xFFFFFFFF;
	_ =	sdelay $0x1  }
0x161: {  	v6 =	vsel vm0, v7, v6  }
0x162: {  	v5 =	vsel vm1, v5, v6  }
0x163: {  	[tilespmem:s26+$0x145A0] =	vst v5;
	v5 =	vld [tilespmem:s26+$0x145B0]  }
0x164: {  	v6 =	vld.idx.msk [tilespmem:v8+s14+$0x0], vm2  }
0x165: {  	v4 =	vld.idx.msk [tilespmem:v4+s16+$0x0], vm3  }
0x166: {  	v7 =	vadd.s32 $0xFFFEFB00, v3  }
0x167: {  	v3 =	vadd.s32 $0xFFFE7980, v3;
	vm0 =	vlt.u32 v7, $0x8180  }
0x168: {  	vm1 =	vgt.s32 v3, $0xFFFFFFFF;
	_ =	sdelay $0x1  }
0x169: {  	v5 =	vsel vm2, v6, v5  }
0x16a: {  	v4 =	vsel vm3, v4, v5  }
0x16b: {  	[tilespmem:s26+$0x145B0] =	vst v4;
	v4 =	vld [tilespmem:s26+$0x145C0]  }
0x16c: {  	v5 =	vld.idx.msk [tilespmem:v7+s14+$0x0], vm0  }
0x16d: {  	v3 =	vld.idx.msk [tilespmem:v3+s16+$0x0], vm1  }
0x16e: {  	v6 =	vadd.s32 $0xFFFEFB00, v2  }
0x16f: {  	v2 =	vadd.s32 $0xFFFE7980, v2;
	vm2 =	vlt.u32 v6, $0x8180  }
0x170: {  	vm3 =	vgt.s32 v2, $0xFFFFFFFF;
	_ =	sdelay $0x1  }
0x171: {  	v4 =	vsel vm0, v5, v4  }
0x172: {  	v3 =	vsel vm1, v3, v4  }
0x173: {  	[tilespmem:s26+$0x145C0] =	vst v3;
	v3 =	vld [tilespmem:s26+$0x145D0]  }
0x174: {  	v4 =	vld.idx.msk [tilespmem:v6+s14+$0x0], vm2  }
0x175: {  	v2 =	vld.idx.msk [tilespmem:v2+s16+$0x0], vm3  }
0x176: {  	v5 =	vadd.s32 $0xFFFEFB00, v1  }
0x177: {  	v1 =	vadd.s32 $0xFFFE7980, v1;
	vm0 =	vlt.u32 v5, $0x8180  }
0x178: {  	vm1 =	vgt.s32 v1, $0xFFFFFFFF;
	_ =	sdelay $0x1  }
0x179: {  	v3 =	vsel vm2, v4, v3  }
0x17a: {  	v2 =	vsel vm3, v2, v3  }
0x17b: {  	[tilespmem:s26+$0x145D0] =	vst v2;
	v2 =	vld [tilespmem:s26+$0x145E0]  }
0x17c: {  	v3 =	vld.idx.msk [tilespmem:v5+s14+$0x0], vm0  }
0x17d: {  	v1 =	vld.idx.msk [tilespmem:v1+s16+$0x0], vm1  }
0x17e: {  	v4 =	vadd.s32 $0xFFFEFB00, v0  }
0x17f: {  	v0 =	vadd.s32 $0xFFFE7980, v0;
	vm2 =	vlt.u32 v4, $0x8180  }
0x180: {  	vm3 =	vgt.s32 v0, $0xFFFFFFFF  }
0x181: {  	s29 =	sshra.s32 s30, $0x2;
	v9 =	vld [tilespmem:s26+$0x145F0]  }
0x182: {  	v2 =	vsel vm0, v3, v2;
	v7 =	vld [tilespmem:s29+$0x0]  }
0x183: {  	v1 =	vsel vm1, v1, v2;
	v6 =	vld [tilespmem:s29+$0x10]  }
0x184: {  	v5 =	vld [tilespmem:s29+$0x20];
	[tilespmem:s26+$0x145E0] =	vst v1  }
0x185: {  	v10 =	vld.idx.msk [tilespmem:v4+s14+$0x0], vm2  }
0x186: {  	v11 =	vld.idx.msk [tilespmem:v0+s16+$0x0], vm3  }
0x187: {  	v8 =	vadd.s32 $0xFFFEFB00, v7;
	v7 =	vadd.s32 $0xFFFE7980, v7;
	v4 =	vld [tilespmem:s29+$0x30]  }
.Ltmp2:
0x188: {  	vm0 =	vlt.u32 v8, $0x8180;
	v3 =	vld [tilespmem:s29+$0x40];
	(pc) =	sbr.rel @p0 .LBB2_6-.Ltmp2, $4  }
0x189: {  	vm1 =	vgt.s32 v7, $0xFFFFFFFF;
	v2 =	vld [tilespmem:s29+$0x50]  }
0x18a: {  	v1 =	vld [tilespmem:s29+$0x60]  }
0x18b: {  	v9 =	vsel vm2, v10, v9;
	v0 =	vld [tilespmem:s29+$0x70]  }
0x18c: {  	v9 =	vsel vm3, v11, v9  }
0x18d: {  	_ =	sdelay $0x3  }
0x18e: {  	v10 =	vld [tilespmem:s29+$0x14580];
	[tilespmem:s26+$0x145F0] =	vst v9  }
0x18f: {  	v8 =	vld.idx.msk [tilespmem:v8+s14+$0x0], vm0  }
0x190: {  	v45 =	vadd.s32 $0xFFFEFB00, v6;
	v7 =	vld.idx.msk [tilespmem:v7+s16+$0x0], vm1  }
0x191: {  	v46 =	vadd.s32 $0xFFFE7980, v6;
	vm2 =	vlt.u32 v45, $0x8180  }
0x192: {  	vm3 =	vgt.s32 v46, $0xFFFFFFFF;
	_ =	sdelay $0x1  }
0x193: {  	v8 =	vsel vm0, v8, v10  }
0x194: {  	v7 =	vsel vm1, v7, v8  }
0x195: {  	v47 =	vld [tilespmem:s29+$0x14590];
	[tilespmem:s29+$0x14580] =	vst v7  }
0x196: {  	v48 =	vld.idx.msk [tilespmem:v45+s14+$0x0], vm2  }
0x197: {  	v49 =	vadd.s32 $0xFFFEFB00, v5;
	v6 =	vld.idx.msk [tilespmem:v46+s16+$0x0], vm3  }
0x198: {  	v50 =	vadd.s32 $0xFFFE7980, v5;
	vm0 =	vlt.u32 v49, $0x8180  }
0x199: {  	vm1 =	vgt.s32 v50, $0xFFFFFFFF;
	_ =	sdelay $0x1  }
0x19a: {  	v7 =	vsel vm2, v48, v47  }
0x19b: {  	v6 =	vsel vm3, v6, v7  }
0x19c: {  	v51 =	vld [tilespmem:s29+$0x145A0];
	[tilespmem:s29+$0x14590] =	vst v6  }
0x19d: {  	v52 =	vld.idx.msk [tilespmem:v49+s14+$0x0], vm0  }
0x19e: {  	v53 =	vadd.s32 $0xFFFEFB00, v4;
	v5 =	vld.idx.msk [tilespmem:v50+s16+$0x0], vm1  }
0x19f: {  	v54 =	vadd.s32 $0xFFFE7980, v4;
	vm2 =	vlt.u32 v53, $0x8180  }
0x1a0: {  	vm3 =	vgt.s32 v54, $0xFFFFFFFF;
	_ =	sdelay $0x1  }
0x1a1: {  	v6 =	vsel vm0, v52, v51  }
0x1a2: {  	v5 =	vsel vm1, v5, v6  }
0x1a3: {  	v55 =	vld [tilespmem:s29+$0x145B0];
	[tilespmem:s29+$0x145A0] =	vst v5  }
0x1a4: {  	v56 =	vld.idx.msk [tilespmem:v53+s14+$0x0], vm2  }
0x1a5: {  	v57 =	vadd.s32 $0xFFFEFB00, v3;
	v4 =	vld.idx.msk [tilespmem:v54+s16+$0x0], vm3  }
0x1a6: {  	v3 =	vadd.s32 $0xFFFE7980, v3;
	vm0 =	vlt.u32 v57, $0x8180  }
0x1a7: {  	vm1 =	vgt.s32 v3, $0xFFFFFFFF;
	_ =	sdelay $0x1  }
0x1a8: {  	v5 =	vsel vm2, v56, v55  }
0x1a9: {  	v4 =	vsel vm3, v4, v5  }
0x1aa: {  	v58 =	vld [tilespmem:s29+$0x145C0];
	[tilespmem:s29+$0x145B0] =	vst v4  }
0x1ab: {  	v59 =	vld.idx.msk [tilespmem:v57+s14+$0x0], vm0  }
0x1ac: {  	v60 =	vadd.s32 $0xFFFEFB00, v2;
	v3 =	vld.idx.msk [tilespmem:v3+s16+$0x0], vm1  }
0x1ad: {  	v2 =	vadd.s32 $0xFFFE7980, v2;
	vm2 =	vlt.u32 v60, $0x8180  }
0x1ae: {  	vm3 =	vgt.s32 v2, $0xFFFFFFFF;
	_ =	sdelay $0x1  }
0x1af: {  	v4 =	vsel vm0, v59, v58  }
0x1b0: {  	v3 =	vsel vm1, v3, v4  }
0x1b1: {  	[tilespmem:s29+$0x145C0] =	vst v3;
	v3 =	vld [tilespmem:s29+$0x145D0]  }
0x1b2: {  	v61 =	vld.idx.msk [tilespmem:v60+s14+$0x0], vm2  }
0x1b3: {  	v62 =	vadd.s32 $0xFFFEFB00, v1;
	v2 =	vld.idx.msk [tilespmem:v2+s16+$0x0], vm3  }
0x1b4: {  	v1 =	vadd.s32 $0xFFFE7980, v1;
	vm0 =	vlt.u32 v62, $0x8180  }
0x1b5: {  	vm1 =	vgt.s32 v1, $0xFFFFFFFF;
	_ =	sdelay $0x1  }
0x1b6: {  	v3 =	vsel vm2, v61, v3  }
0x1b7: {  	v2 =	vsel vm3, v2, v3  }
0x1b8: {  	[tilespmem:s29+$0x145D0] =	vst v2;
	v2 =	vld [tilespmem:s29+$0x145E0]  }
0x1b9: {  	v3 =	vld.idx.msk [tilespmem:v62+s14+$0x0], vm0  }
0x1ba: {  	v63 =	vadd.s32 $0xFFFEFB00, v0;
	v1 =	vld.idx.msk [tilespmem:v1+s16+$0x0], vm1  }
0x1bb: {  	v0 =	vadd.s32 $0xFFFE7980, v0;
	vm2 =	vlt.u32 v63, $0x8180  }
0x1bc: {  	vm3 =	vgt.s32 v0, $0xFFFFFFFF;
	_ =	sdelay $0x1  }
0x1bd: {  	v2 =	vsel vm0, v3, v2  }
0x1be: {  	v1 =	vsel vm1, v1, v2  }
0x1bf: {  	v3 =	vld [tilespmem:s29+$0x145F0];
	[tilespmem:s29+$0x145E0] =	vst v1  }
0x1c0: {  	v1 =	vld.idx.msk [tilespmem:v63+s14+$0x0], vm2  }
0x1c1: {  	v0 =	vld.idx.msk [tilespmem:v0+s16+$0x0], vm3;
	_ =	sdelay $0x3  }
0x1c2: {  	v1 =	vsel vm2, v1, v3  }
0x1c3: {  	v0 =	vsel vm3, v0, v1  }
0x1c4: {  	[tilespmem:s29+$0x145F0] =	vst v0  }
0x1c5: {  	[hbm4b:s9+s12] =	stream.strided.scatter [tilespmem:s21], [sflag:$0x4], $0x4000, s13, s12, $0x38;
	[tilespmem:$0x1C580] =	vst v63  }
0x1c6: {  	s30 =	sadd.s32 $0x18680, s8;
	s28 =	simm.s32 $0x0  }
0x1c7: {  	[tilespmem:s16], [sflag:$0x3] =	stream.linear.gather [hbm4b:s30+s28], $0x80, $0x38;
	[tilespmem:$0x1C580] =	vst v63  }
0x1c8: {  	_ =	swait.ge [sflag:s19], $0x8280  }
0x1c9: {  	[sflag:s19] =	ssyncset.done $0x0  }
0x1ca: {  	s31 =	sadd.s32 $0x8280, s8;
	s26 =	simm.s32 $0x0;
	[sflag:s19] =	ssyncadd.s32 $0xFFFF7D80  }
0x1cb: {  	[tilespmem:s14], [sflag:$0x1] =	stream.strided.gather [hbm4b:s31+s12], $0x8280, s13, s12, $0x38;
	[tilespmem:$0x1C580] =	vst v63  }
0x1cc: {  	v0 =	vld [tilespmem:s26+$0x0];
	_ =	sdelay $0x4  }
0x1cd: {  	vm0 =	vlt.s32 v0, $0x8280  }
0x1ce: {  	v1 =	vld [tilespmem:s26+$0x10];
	_ =	sdelay $0x4  }
0x1cf: {  	v0 =	vld.idx.msk [tilespmem:v0+s18+$0x0], vm0;
	vm0 =	vlt.s32 v1, $0x8280  }
0x1d0: {  	v2 =	vld [tilespmem:s26+$0x20];
	_ =	sdelay $0x3  }
0x1d1: {  	[tilespmem:s26+$0x18580] =	vst v0  }
0x1d2: {  	v0 =	vld.idx.msk [tilespmem:v1+s18+$0x0], vm0;
	vm0 =	vlt.s32 v2, $0x8280  }
0x1d3: {  	v1 =	vld [tilespmem:s26+$0x30];
	_ =	sdelay $0x3  }
0x1d4: {  	[tilespmem:s26+$0x18590] =	vst v0  }
0x1d5: {  	v0 =	vld.idx.msk [tilespmem:v2+s18+$0x0], vm0;
	vm0 =	vlt.s32 v1, $0x8280  }
0x1d6: {  	v2 =	vld [tilespmem:s26+$0x40];
	_ =	sdelay $0x3  }
0x1d7: {  	[tilespmem:s26+$0x185A0] =	vst v0  }
0x1d8: {  	v0 =	vld.idx.msk [tilespmem:v1+s18+$0x0], vm0;
	vm0 =	vlt.s32 v2, $0x8280  }
0x1d9: {  	v1 =	vld [tilespmem:s26+$0x50];
	_ =	sdelay $0x3  }
0x1da: {  	[tilespmem:s26+$0x185B0] =	vst v0  }
0x1db: {  	v0 =	vld.idx.msk [tilespmem:v2+s18+$0x0], vm0;
	vm0 =	vlt.s32 v1, $0x8280  }
0x1dc: {  	v2 =	vld [tilespmem:s26+$0x60];
	_ =	sdelay $0x3  }
0x1dd: {  	[tilespmem:s26+$0x185C0] =	vst v0  }
0x1de: {  	v1 =	vld.idx.msk [tilespmem:v1+s18+$0x0], vm0;
	vm0 =	vlt.s32 v2, $0x8280  }
0x1df: {  	v0 =	vld [tilespmem:s26+$0x70];
	_ =	sdelay $0x3  }
0x1e0: {  	[tilespmem:s26+$0x185D0] =	vst v1  }
0x1e1: {  	v1 =	vld.idx.msk [tilespmem:v2+s18+$0x0], vm0;
	vm0 =	vlt.s32 v0, $0x8280  }
0x1e2: {  	s29 =	simm.s32 $0x80;
	s28 =	simm.s32 $0x400  }
.LBB2_8:
0x1e3: {  	p0 =	sne.s32 s28, $0xFE00;
	v2 =	vld [tilespmem:s29+$0x0];
	_ =	sdelay $0x2  }
0x1e4: {  	[tilespmem:s26+$0x185E0] =	vst v1  }
0x1e5: {  	v0 =	vld.idx.msk [tilespmem:v0+s18+$0x0], vm0  }
0x1e6: {  	vm0 =	vlt.s32 v2, $0x8280;
	_ =	sdelay $0x1  }
0x1e7: {  	v1 =	vld [tilespmem:s29+$0x10];
	_ =	sdelay $0x2  }
0x1e8: {  	[tilespmem:s26+$0x185F0] =	vst v0;
	s26 =	smov.u32 s29  }
0x1e9: {  	v0 =	vld.idx.msk [tilespmem:v2+s18+$0x0], vm0  }
0x1ea: {  	vm0 =	vlt.s32 v1, $0x8280;
	_ =	sdelay $0x1  }
0x1eb: {  	v2 =	vld [tilespmem:s26+$0x20];
	_ =	sdelay $0x2  }
0x1ec: {  	[tilespmem:s26+$0x18580] =	vst v0  }
0x1ed: {  	v0 =	vld.idx.msk [tilespmem:v1+s18+$0x0], vm0  }
0x1ee: {  	vm0 =	vlt.s32 v2, $0x8280;
	_ =	sdelay $0x1  }
0x1ef: {  	v1 =	vld [tilespmem:s26+$0x30];
	_ =	sdelay $0x2  }
0x1f0: {  	[tilespmem:s26+$0x18590] =	vst v0  }
0x1f1: {  	v0 =	vld.idx.msk [tilespmem:v2+s18+$0x0], vm0  }
0x1f2: {  	vm0 =	vlt.s32 v1, $0x8280;
	_ =	sdelay $0x1  }
0x1f3: {  	v2 =	vld [tilespmem:s26+$0x40];
	_ =	sdelay $0x2  }
0x1f4: {  	[tilespmem:s26+$0x185A0] =	vst v0  }
0x1f5: {  	v0 =	vld.idx.msk [tilespmem:v1+s18+$0x0], vm0  }
0x1f6: {  	vm0 =	vlt.s32 v2, $0x8280;
	_ =	sdelay $0x1  }
0x1f7: {  	v1 =	vld [tilespmem:s26+$0x50];
	_ =	sdelay $0x2  }
0x1f8: {  	[tilespmem:s26+$0x185B0] =	vst v0  }
0x1f9: {  	v0 =	vld.idx.msk [tilespmem:v2+s18+$0x0], vm0  }
0x1fa: {  	vm0 =	vlt.s32 v1, $0x8280;
	_ =	sdelay $0x1  }
0x1fb: {  	v2 =	vld [tilespmem:s26+$0x60];
	_ =	sdelay $0x2  }
0x1fc: {  	[tilespmem:s26+$0x185C0] =	vst v0  }
0x1fd: {  	v1 =	vld.idx.msk [tilespmem:v1+s18+$0x0], vm0  }
0x1fe: {  	vm0 =	vlt.s32 v2, $0x8280;
	_ =	sdelay $0x1  }
0x1ff: {  	v0 =	vld [tilespmem:s26+$0x70];
	_ =	sdelay $0x1  }
.Ltmp3:
0x200: {  	(pc) =	sbr.rel @p0 .LBB2_8-.Ltmp3, $4  }
0x201: {  	[tilespmem:s26+$0x185D0] =	vst v1  }
0x202: {  	v1 =	vld.idx.msk [tilespmem:v2+s18+$0x0], vm0  }
0x203: {  	vm0 =	vlt.s32 v0, $0x8280  }
0x204: {  	s29 =	sshra.s32 s28, $0x2;
	s28 =	sadd.s32 $0x200, s28  }
0x205: {  	v2 =	vld [tilespmem:s29+$0x0];
	_ =	sdelay $0x3  }
0x206: {  	[tilespmem:s26+$0x185E0] =	vst v1  }
0x207: {  	v0 =	vld.idx.msk [tilespmem:v0+s18+$0x0], vm0;
	vm0 =	vlt.s32 v2, $0x8280  }
0x208: {  	v1 =	vld [tilespmem:s29+$0x10];
	_ =	sdelay $0x3  }
0x209: {  	[tilespmem:s26+$0x185F0] =	vst v0  }
0x20a: {  	v0 =	vld.idx.msk [tilespmem:v2+s18+$0x0], vm0;
	vm0 =	vlt.s32 v1, $0x8280  }
0x20b: {  	v2 =	vld [tilespmem:s29+$0x20];
	_ =	sdelay $0x3  }
0x20c: {  	[tilespmem:s29+$0x18580] =	vst v0  }
0x20d: {  	v0 =	vld.idx.msk [tilespmem:v1+s18+$0x0], vm0;
	vm0 =	vlt.s32 v2, $0x8280  }
0x20e: {  	v1 =	vld [tilespmem:s29+$0x30];
	_ =	sdelay $0x3  }
0x20f: {  	[tilespmem:s29+$0x18590] =	vst v0  }
0x210: {  	v0 =	vld.idx.msk [tilespmem:v2+s18+$0x0], vm0;
	vm0 =	vlt.s32 v1, $0x8280  }
0x211: {  	v2 =	vld [tilespmem:s29+$0x40];
	_ =	sdelay $0x3  }
0x212: {  	[tilespmem:s29+$0x185A0] =	vst v0  }
0x213: {  	v0 =	vld.idx.msk [tilespmem:v1+s18+$0x0], vm0;
	vm0 =	vlt.s32 v2, $0x8280  }
0x214: {  	v1 =	vld [tilespmem:s29+$0x50];
	_ =	sdelay $0x3  }
0x215: {  	[tilespmem:s29+$0x185B0] =	vst v0  }
0x216: {  	v0 =	vld.idx.msk [tilespmem:v2+s18+$0x0], vm0;
	vm0 =	vlt.s32 v1, $0x8280  }
0x217: {  	v2 =	vld [tilespmem:s29+$0x60];
	_ =	sdelay $0x3  }
0x218: {  	[tilespmem:s29+$0x185C0] =	vst v0  }
0x219: {  	v0 =	vld.idx.msk [tilespmem:v1+s18+$0x0], vm0;
	vm0 =	vlt.s32 v2, $0x8280  }
0x21a: {  	v1 =	vld [tilespmem:s29+$0x70];
	_ =	sdelay $0x3  }
0x21b: {  	[tilespmem:s29+$0x185D0] =	vst v0  }
0x21c: {  	v0 =	vld.idx.msk [tilespmem:v2+s18+$0x0], vm0;
	vm0 =	vlt.s32 v1, $0x8280;
	_ =	sdelay $0x4  }
0x21d: {  	[tilespmem:s29+$0x185E0] =	vst v0  }
0x21e: {  	v0 =	vld.idx.msk [tilespmem:v1+s18+$0x0], vm0;
	_ =	sdelay $0x4  }
0x21f: {  	[tilespmem:s29+$0x185F0] =	vst v0  }
0x220: {  	_ =	swait.ge [sflag:s17], $0x8280  }
0x221: {  	[sflag:s17] =	ssyncset.done $0x0  }
0x222: {  	s31 =	sadd.s32 $0x10500, s8;
	s26 =	simm.s32 $0x0;
	[sflag:s17] =	ssyncadd.s32 $0xFFFF7D80  }
0x223: {  	[tilespmem:s18], [sflag:$0x2] =	stream.strided.gather [hbm4b:s31+s12], $0x8180, s13, s12, $0x38;
	[tilespmem:$0x1C580] =	vst v63  }
0x224: {  	v0 =	vld [tilespmem:s26+$0x0];
	_ =	sdelay $0x4  }
0x225: {  	v0 =	vadd.s32 $0xFFFF7D80, v0  }
0x226: {  	vm0 =	vlt.u32 v0, $0x8280  }
0x227: {  	v1 =	vld [tilespmem:s26+$0x10];
	_ =	sdelay $0x3  }
0x228: {  	v2 =	vld [tilespmem:s26+$0x18580]  }
0x229: {  	v1 =	vadd.s32 $0xFFFF7D80, v1;
	v0 =	vld.idx.msk [tilespmem:v0+s14+$0x0], vm0  }
0x22a: {  	vm1 =	vlt.u32 v1, $0x8280;
	_ =	sdelay $0x1  }
0x22b: {  	v3 =	vld [tilespmem:s26+$0x20];
	_ =	sdelay $0x1  }
0x22c: {  	v0 =	vsel vm0, v0, v2  }
0x22d: {  	[tilespmem:s26+$0x18580] =	vst v0  }
0x22e: {  	v0 =	vld.idx.msk [tilespmem:v1+s14+$0x0], vm1  }
0x22f: {  	v2 =	vadd.s32 $0xFFFF7D80, v3;
	v1 =	vld [tilespmem:s26+$0x18590]  }
0x230: {  	vm0 =	vlt.u32 v2, $0x8280  }
0x231: {  	v3 =	vld [tilespmem:s26+$0x30];
	_ =	sdelay $0x2  }
0x232: {  	v0 =	vsel vm1, v0, v1  }
0x233: {  	v1 =	vld [tilespmem:s26+$0x185A0];
	[tilespmem:s26+$0x18590] =	vst v0  }
0x234: {  	v0 =	vld.idx.msk [tilespmem:v2+s14+$0x0], vm0;
	v2 =	vadd.s32 $0xFFFF7D80, v3  }
0x235: {  	vm1 =	vlt.u32 v2, $0x8280  }
0x236: {  	v3 =	vld [tilespmem:s26+$0x40];
	_ =	sdelay $0x2  }
0x237: {  	v0 =	vsel vm0, v0, v1  }
0x238: {  	v1 =	vld [tilespmem:s26+$0x185B0];
	[tilespmem:s26+$0x185A0] =	vst v0  }
0x239: {  	v0 =	vld.idx.msk [tilespmem:v2+s14+$0x0], vm1;
	v2 =	vadd.s32 $0xFFFF7D80, v3  }
0x23a: {  	vm0 =	vlt.u32 v2, $0x8280  }
0x23b: {  	v3 =	vld [tilespmem:s26+$0x50];
	_ =	sdelay $0x2  }
0x23c: {  	v0 =	vsel vm1, v0, v1  }
0x23d: {  	v1 =	vld [tilespmem:s26+$0x185C0];
	[tilespmem:s26+$0x185B0] =	vst v0  }
0x23e: {  	v0 =	vld.idx.msk [tilespmem:v2+s14+$0x0], vm0;
	v2 =	vadd.s32 $0xFFFF7D80, v3  }
0x23f: {  	vm1 =	vlt.u32 v2, $0x8280  }
0x240: {  	v3 =	vld [tilespmem:s26+$0x60];
	_ =	sdelay $0x2  }
0x241: {  	v0 =	vsel vm0, v0, v1  }
0x242: {  	v1 =	vld [tilespmem:s26+$0x185D0];
	[tilespmem:s26+$0x185C0] =	vst v0  }
0x243: {  	v0 =	vld.idx.msk [tilespmem:v2+s14+$0x0], vm1;
	v2 =	vadd.s32 $0xFFFF7D80, v3  }
0x244: {  	vm0 =	vlt.u32 v2, $0x8280;
	_ =	sdelay $0x1  }
0x245: {  	v3 =	vld [tilespmem:s26+$0x70];
	_ =	sdelay $0x1  }
0x246: {  	v0 =	vsel vm1, v0, v1  }
0x247: {  	[tilespmem:s26+$0x185D0] =	vst v0  }
0x248: {  	v1 =	vld.idx.msk [tilespmem:v2+s14+$0x0], vm0  }
0x249: {  	v0 =	vadd.s32 $0xFFFF7D80, v3;
	v2 =	vld [tilespmem:s26+$0x185E0]  }
0x24a: {  	vm1 =	vlt.u32 v0, $0x8280  }
0x24b: {  	s28 =	simm.s32 $0x400;
	s29 =	simm.s32 $0x80  }
.LBB2_10:
0x24c: {  	p0 =	sne.s32 s28, $0xFE00;
	v3 =	vld [tilespmem:s29+$0x0];
	_ =	sdelay $0x1  }
0x24d: {  	v1 =	vsel vm0, v1, v2  }
0x24e: {  	[tilespmem:s26+$0x185E0] =	vst v1  }
0x24f: {  	v0 =	vld.idx.msk [tilespmem:v0+s14+$0x0], vm1  }
0x250: {  	v1 =	vadd.s32 $0xFFFF7D80, v3;
	v2 =	vld [tilespmem:s26+$0x185F0]  }
0x251: {  	vm0 =	vlt.u32 v1, $0x8280;
	_ =	sdelay $0x1  }
0x252: {  	v3 =	vld [tilespmem:s29+$0x10];
	_ =	sdelay $0x1  }
0x253: {  	v0 =	vsel vm1, v0, v2  }
0x254: {  	[tilespmem:s26+$0x185F0] =	vst v0;
	s26 =	smov.u32 s29  }
0x255: {  	v0 =	vld.idx.msk [tilespmem:v1+s14+$0x0], vm0  }
0x256: {  	v1 =	vld [tilespmem:s26+$0x18580];
	v2 =	vadd.s32 $0xFFFF7D80, v3  }
0x257: {  	vm1 =	vlt.u32 v2, $0x8280;
	_ =	sdelay $0x1  }
0x258: {  	v3 =	vld [tilespmem:s26+$0x20];
	_ =	sdelay $0x1  }
0x259: {  	v0 =	vsel vm0, v0, v1  }
0x25a: {  	[tilespmem:s26+$0x18580] =	vst v0  }
0x25b: {  	v0 =	vld.idx.msk [tilespmem:v2+s14+$0x0], vm1  }
0x25c: {  	v1 =	vld [tilespmem:s26+$0x18590];
	v2 =	vadd.s32 $0xFFFF7D80, v3  }
0x25d: {  	vm0 =	vlt.u32 v2, $0x8280;
	_ =	sdelay $0x1  }
0x25e: {  	v3 =	vld [tilespmem:s26+$0x30];
	_ =	sdelay $0x1  }
0x25f: {  	v0 =	vsel vm1, v0, v1  }
0x260: {  	[tilespmem:s26+$0x18590] =	vst v0  }
0x261: {  	v0 =	vld.idx.msk [tilespmem:v2+s14+$0x0], vm0  }
0x262: {  	v1 =	vld [tilespmem:s26+$0x185A0];
	v2 =	vadd.s32 $0xFFFF7D80, v3  }
0x263: {  	vm1 =	vlt.u32 v2, $0x8280;
	_ =	sdelay $0x1  }
0x264: {  	v3 =	vld [tilespmem:s26+$0x40];
	_ =	sdelay $0x1  }
0x265: {  	v0 =	vsel vm0, v0, v1  }
0x266: {  	[tilespmem:s26+$0x185A0] =	vst v0  }
0x267: {  	v0 =	vld.idx.msk [tilespmem:v2+s14+$0x0], vm1  }
0x268: {  	v1 =	vld [tilespmem:s26+$0x185B0];
	v2 =	vadd.s32 $0xFFFF7D80, v3  }
0x269: {  	vm0 =	vlt.u32 v2, $0x8280;
	_ =	sdelay $0x1  }
0x26a: {  	v3 =	vld [tilespmem:s26+$0x50];
	_ =	sdelay $0x1  }
0x26b: {  	v0 =	vsel vm1, v0, v1  }
0x26c: {  	[tilespmem:s26+$0x185B0] =	vst v0  }
0x26d: {  	v0 =	vld.idx.msk [tilespmem:v2+s14+$0x0], vm0  }
0x26e: {  	v1 =	vld [tilespmem:s26+$0x185C0];
	v2 =	vadd.s32 $0xFFFF7D80, v3  }
0x26f: {  	vm1 =	vlt.u32 v2, $0x8280;
	_ =	sdelay $0x1  }
0x270: {  	v3 =	vld [tilespmem:s26+$0x60];
	_ =	sdelay $0x1  }
0x271: {  	v0 =	vsel vm0, v0, v1  }
0x272: {  	[tilespmem:s26+$0x185C0] =	vst v0  }
0x273: {  	v0 =	vld.idx.msk [tilespmem:v2+s14+$0x0], vm1  }
0x274: {  	v1 =	vld [tilespmem:s26+$0x185D0];
	v2 =	vadd.s32 $0xFFFF7D80, v3  }
0x275: {  	vm0 =	vlt.u32 v2, $0x8280;
	_ =	sdelay $0x1  }
0x276: {  	v3 =	vld [tilespmem:s26+$0x70];
	_ =	sdelay $0x1  }
0x277: {  	v0 =	vsel vm1, v0, v1  }
.Ltmp4:
0x278: {  	[tilespmem:s26+$0x185D0] =	vst v0;
	(pc) =	sbr.rel @p0 .LBB2_10-.Ltmp4, $4  }
0x279: {  	v1 =	vld.idx.msk [tilespmem:v2+s14+$0x0], vm0  }
0x27a: {  	v2 =	vld [tilespmem:s26+$0x185E0];
	v0 =	vadd.s32 $0xFFFF7D80, v3  }
0x27b: {  	vm1 =	vlt.u32 v0, $0x8280  }
0x27c: {  	s29 =	sshra.s32 s28, $0x2;
	s28 =	sadd.s32 $0x200, s28  }
0x27d: {  	v3 =	vld [tilespmem:s29+$0x0];
	_ =	sdelay $0x2  }
0x27e: {  	v1 =	vsel vm0, v1, v2  }
0x27f: {  	v2 =	vld [tilespmem:s26+$0x185F0];
	[tilespmem:s26+$0x185E0] =	vst v1  }
0x280: {  	v0 =	vld.idx.msk [tilespmem:v0+s14+$0x0], vm1;
	v1 =	vadd.s32 $0xFFFF7D80, v3  }
0x281: {  	vm0 =	vlt.u32 v1, $0x8280;
	_ =	sdelay $0x1  }
0x282: {  	v3 =	vld [tilespmem:s29+$0x10];
	_ =	sdelay $0x1  }
0x283: {  	v0 =	vsel vm1, v0, v2  }
0x284: {  	[tilespmem:s26+$0x185F0] =	vst v0  }
0x285: {  	v0 =	vld.idx.msk [tilespmem:v1+s14+$0x0], vm0  }
0x286: {  	v2 =	vadd.s32 $0xFFFF7D80, v3;
	v1 =	vld [tilespmem:s29+$0x18580]  }
0x287: {  	vm1 =	vlt.u32 v2, $0x8280  }
0x288: {  	v3 =	vld [tilespmem:s29+$0x20];
	_ =	sdelay $0x2  }
0x289: {  	v0 =	vsel vm0, v0, v1  }
0x28a: {  	v1 =	vld [tilespmem:s29+$0x18590];
	[tilespmem:s29+$0x18580] =	vst v0  }
0x28b: {  	v0 =	vld.idx.msk [tilespmem:v2+s14+$0x0], vm1;
	v2 =	vadd.s32 $0xFFFF7D80, v3  }
0x28c: {  	vm0 =	vlt.u32 v2, $0x8280  }
0x28d: {  	v3 =	vld [tilespmem:s29+$0x30];
	_ =	sdelay $0x2  }
0x28e: {  	v0 =	vsel vm1, v0, v1  }
0x28f: {  	v1 =	vld [tilespmem:s29+$0x185A0];
	[tilespmem:s29+$0x18590] =	vst v0  }
0x290: {  	v0 =	vld.idx.msk [tilespmem:v2+s14+$0x0], vm0;
	v2 =	vadd.s32 $0xFFFF7D80, v3  }
0x291: {  	vm1 =	vlt.u32 v2, $0x8280  }
0x292: {  	v3 =	vld [tilespmem:s29+$0x40];
	_ =	sdelay $0x2  }
0x293: {  	v0 =	vsel vm0, v0, v1  }
0x294: {  	v1 =	vld [tilespmem:s29+$0x185B0];
	[tilespmem:s29+$0x185A0] =	vst v0  }
0x295: {  	v0 =	vld.idx.msk [tilespmem:v2+s14+$0x0], vm1;
	v2 =	vadd.s32 $0xFFFF7D80, v3  }
0x296: {  	vm0 =	vlt.u32 v2, $0x8280  }
0x297: {  	v3 =	vld [tilespmem:s29+$0x50];
	_ =	sdelay $0x2  }
0x298: {  	v0 =	vsel vm1, v0, v1  }
0x299: {  	v1 =	vld [tilespmem:s29+$0x185C0];
	[tilespmem:s29+$0x185B0] =	vst v0  }
0x29a: {  	v0 =	vld.idx.msk [tilespmem:v2+s14+$0x0], vm0;
	v2 =	vadd.s32 $0xFFFF7D80, v3  }
0x29b: {  	vm1 =	vlt.u32 v2, $0x8280  }
0x29c: {  	v3 =	vld [tilespmem:s29+$0x60];
	_ =	sdelay $0x2  }
0x29d: {  	v0 =	vsel vm0, v0, v1  }
0x29e: {  	v1 =	vld [tilespmem:s29+$0x185D0];
	[tilespmem:s29+$0x185C0] =	vst v0  }
0x29f: {  	v0 =	vld.idx.msk [tilespmem:v2+s14+$0x0], vm1;
	v2 =	vadd.s32 $0xFFFF7D80, v3  }
0x2a0: {  	vm0 =	vlt.u32 v2, $0x8280  }
0x2a1: {  	v3 =	vld [tilespmem:s29+$0x70];
	_ =	sdelay $0x2  }
0x2a2: {  	v0 =	vsel vm1, v0, v1  }
0x2a3: {  	v1 =	vld [tilespmem:s29+$0x185E0];
	[tilespmem:s29+$0x185D0] =	vst v0  }
0x2a4: {  	v0 =	vld.idx.msk [tilespmem:v2+s14+$0x0], vm0;
	v2 =	vadd.s32 $0xFFFF7D80, v3  }
0x2a5: {  	vm1 =	vlt.u32 v2, $0x8280;
	_ =	sdelay $0x3  }
0x2a6: {  	v0 =	vsel vm0, v0, v1  }
0x2a7: {  	v1 =	vld [tilespmem:s29+$0x185F0];
	[tilespmem:s29+$0x185E0] =	vst v0  }
0x2a8: {  	v0 =	vld.idx.msk [tilespmem:v2+s14+$0x0], vm1;
	_ =	sdelay $0x4  }
0x2a9: {  	v0 =	vsel vm1, v0, v1  }
0x2aa: {  	[tilespmem:s29+$0x185F0] =	vst v0  }
0x2ab: {  	_ =	swait.ge [sflag:s19], $0x8180  }
0x2ac: {  	[sflag:s19] =	ssyncset.done $0x0  }
0x2ad: {  	[sflag:s19] =	ssyncadd.s32 $0xFFFF7E80  }
0x2ae: {  	_ =	swait.ge [sflag:s20], $0x80  }
0x2af: {  	[sflag:s20] =	ssyncset.done $0x0  }
0x2b0: {  	s26 =	simm.s32 $0x0;
	[sflag:s20] =	ssyncadd.s32 $0xFFFFFF80  }
0x2b1: {  	v0 =	vld [tilespmem:s26+$0x0];
	_ =	sdelay $0x4  }
0x2b2: {  	v1 =	vadd.s32 $0xFFFEFB00, v0  }
0x2b3: {  	v0 =	vadd.s32 $0xFFFE7980, v0;
	vm0 =	vlt.u32 v1, $0x8180  }
0x2b4: {  	vm1 =	vgt.s32 v0, $0xFFFFFFFF  }
0x2b5: {  	v2 =	vld [tilespmem:s26+$0x10];
	_ =	sdelay $0x2  }
0x2b6: {  	v4 =	vld [tilespmem:s26+$0x18580]  }
0x2b7: {  	v1 =	vld.idx.msk [tilespmem:v1+s18+$0x0], vm0  }
0x2b8: {  	v6 =	vadd.s32 $0xFFFEFB00, v2;
	v0 =	vld.idx.msk [tilespmem:v0+s16+$0x0], vm1  }
0x2b9: {  	v2 =	vadd.s32 $0xFFFE7980, v2;
	vm2 =	vlt.u32 v6, $0x8180  }
0x2ba: {  	vm3 =	vgt.s32 v2, $0xFFFFFFFF  }
0x2bb: {  	v3 =	vld [tilespmem:s26+$0x20]  }
0x2bc: {  	v1 =	vsel vm0, v1, v4  }
0x2bd: {  	v0 =	vsel vm1, v0, v1  }
0x2be: {  	[tilespmem:s26+$0x18580] =	vst v0;
	v0 =	vld [tilespmem:s26+$0x18590]  }
0x2bf: {  	v1 =	vld.idx.msk [tilespmem:v6+s18+$0x0], vm2  }
0x2c0: {  	v2 =	vld.idx.msk [tilespmem:v2+s16+$0x0], vm3;
	v6 =	vadd.s32 $0xFFFEFB00, v3  }
0x2c1: {  	v3 =	vadd.s32 $0xFFFE7980, v3;
	vm0 =	vlt.u32 v6, $0x8180  }
0x2c2: {  	vm1 =	vgt.s32 v3, $0xFFFFFFFF  }
0x2c3: {  	v5 =	vld [tilespmem:s26+$0x30]  }
0x2c4: {  	v0 =	vsel vm2, v1, v0  }
0x2c5: {  	v0 =	vsel vm3, v2, v0  }
0x2c6: {  	[tilespmem:s26+$0x18590] =	vst v0;
	v0 =	vld [tilespmem:s26+$0x185A0]  }
0x2c7: {  	v1 =	vld.idx.msk [tilespmem:v6+s18+$0x0], vm0  }
0x2c8: {  	v2 =	vld.idx.msk [tilespmem:v3+s16+$0x0], vm1;
	v3 =	vadd.s32 $0xFFFEFB00, v5  }
0x2c9: {  	v5 =	vadd.s32 $0xFFFE7980, v5;
	vm2 =	vlt.u32 v3, $0x8180  }
0x2ca: {  	vm3 =	vgt.s32 v5, $0xFFFFFFFF  }
0x2cb: {  	v7 =	vld [tilespmem:s26+$0x40]  }
0x2cc: {  	v0 =	vsel vm0, v1, v0  }
0x2cd: {  	v0 =	vsel vm1, v2, v0  }
0x2ce: {  	[tilespmem:s26+$0x185A0] =	vst v0;
	v0 =	vld [tilespmem:s26+$0x185B0]  }
0x2cf: {  	v1 =	vld.idx.msk [tilespmem:v3+s18+$0x0], vm2  }
0x2d0: {  	v2 =	vld.idx.msk [tilespmem:v5+s16+$0x0], vm3;
	v3 =	vadd.s32 $0xFFFEFB00, v7  }
0x2d1: {  	v5 =	vadd.s32 $0xFFFE7980, v7;
	vm0 =	vlt.u32 v3, $0x8180  }
0x2d2: {  	vm1 =	vgt.s32 v5, $0xFFFFFFFF  }
0x2d3: {  	v8 =	vld [tilespmem:s26+$0x50]  }
0x2d4: {  	v0 =	vsel vm2, v1, v0  }
0x2d5: {  	v0 =	vsel vm3, v2, v0  }
0x2d6: {  	[tilespmem:s26+$0x185B0] =	vst v0;
	v0 =	vld [tilespmem:s26+$0x185C0]  }
0x2d7: {  	v1 =	vld.idx.msk [tilespmem:v3+s18+$0x0], vm0  }
0x2d8: {  	v2 =	vld.idx.msk [tilespmem:v5+s16+$0x0], vm1;
	v3 =	vadd.s32 $0xFFFEFB00, v8  }
0x2d9: {  	v5 =	vadd.s32 $0xFFFE7980, v8;
	vm2 =	vlt.u32 v3, $0x8180  }
0x2da: {  	vm3 =	vgt.s32 v5, $0xFFFFFFFF  }
0x2db: {  	v9 =	vld [tilespmem:s26+$0x60]  }
0x2dc: {  	v0 =	vsel vm0, v1, v0  }
0x2dd: {  	v0 =	vsel vm1, v2, v0  }
0x2de: {  	[tilespmem:s26+$0x185C0] =	vst v0;
	v0 =	vld [tilespmem:s26+$0x185D0]  }
0x2df: {  	v1 =	vld.idx.msk [tilespmem:v3+s18+$0x0], vm2  }
0x2e0: {  	v2 =	vld.idx.msk [tilespmem:v5+s16+$0x0], vm3;
	v3 =	vadd.s32 $0xFFFEFB00, v9  }
0x2e1: {  	v5 =	vadd.s32 $0xFFFE7980, v9;
	vm0 =	vlt.u32 v3, $0x8180  }
0x2e2: {  	vm1 =	vgt.s32 v5, $0xFFFFFFFF  }
0x2e3: {  	v4 =	vld [tilespmem:s26+$0x70]  }
0x2e4: {  	v0 =	vsel vm2, v1, v0  }
0x2e5: {  	v0 =	vsel vm3, v2, v0  }
0x2e6: {  	[tilespmem:s26+$0x185D0] =	vst v0;
	v0 =	vld [tilespmem:s26+$0x185E0]  }
0x2e7: {  	v1 =	vld.idx.msk [tilespmem:v3+s18+$0x0], vm0  }
0x2e8: {  	v2 =	vld.idx.msk [tilespmem:v5+s16+$0x0], vm1;
	v3 =	vadd.s32 $0xFFFEFB00, v4  }
0x2e9: {  	v4 =	vadd.s32 $0xFFFE7980, v4;
	vm2 =	vlt.u32 v3, $0x8180  }
0x2ea: {  	s29 =	simm.s32 $0x80;
	vm3 =	vgt.s32 v4, $0xFFFFFFFF  }
0x2eb: {  	v7 =	vld [tilespmem:s29+$0x0]  }
0x2ec: {  	v9 =	vld [tilespmem:s26+$0x185F0];
	v0 =	vsel vm0, v1, v0  }
0x2ed: {  	v6 =	vld [tilespmem:s29+$0x10];
	v0 =	vsel vm1, v2, v0  }
0x2ee: {  	v5 =	vld [tilespmem:s29+$0x20];
	[tilespmem:s26+$0x185E0] =	vst v0  }
0x2ef: {  	v0 =	vld.idx.msk [tilespmem:v3+s18+$0x0], vm2  }
0x2f0: {  	v8 =	vadd.s32 $0xFFFEFB00, v7;
	v10 =	vld.idx.msk [tilespmem:v4+s16+$0x0], vm3  }
0x2f1: {  	v7 =	vadd.s32 $0xFFFE7980, v7;
	vm0 =	vlt.u32 v8, $0x8180;
	v4 =	vld [tilespmem:s29+$0x30]  }
0x2f2: {  	vm1 =	vgt.s32 v7, $0xFFFFFFFF;
	v3 =	vld [tilespmem:s29+$0x40]  }
0x2f3: {  	v2 =	vld [tilespmem:s29+$0x50]  }
0x2f4: {  	v1 =	vld [tilespmem:s29+$0x60];
	v9 =	vsel vm2, v0, v9  }
0x2f5: {  	s28 =	simm.s32 $0x400;
	v0 =	vld [tilespmem:s29+$0x70];
	v9 =	vsel vm3, v10, v9  }
.LBB2_12:
0x2f6: {  	p0 =	sne.s32 s28, $0xFE00;
	v10 =	vld [tilespmem:s29+$0x18580];
	[tilespmem:s26+$0x185F0] =	vst v9;
	s30 =	smov.u32 s28;
	s28 =	sadd.s32 $0x200, s28  }
0x2f7: {  	s26 =	smov.u32 s29;
	v8 =	vld.idx.msk [tilespmem:v8+s18+$0x0], vm0  }
0x2f8: {  	v7 =	vld.idx.msk [tilespmem:v7+s16+$0x0], vm1  }
0x2f9: {  	v9 =	vadd.s32 $0xFFFEFB00, v6  }
0x2fa: {  	v6 =	vadd.s32 $0xFFFE7980, v6;
	vm2 =	vlt.u32 v9, $0x8180  }
0x2fb: {  	vm3 =	vgt.s32 v6, $0xFFFFFFFF;
	_ =	sdelay $0x1  }
0x2fc: {  	v8 =	vsel vm0, v8, v10  }
0x2fd: {  	v7 =	vsel vm1, v7, v8  }
0x2fe: {  	[tilespmem:s26+$0x18580] =	vst v7;
	v7 =	vld [tilespmem:s26+$0x18590]  }
0x2ff: {  	v8 =	vld.idx.msk [tilespmem:v9+s18+$0x0], vm2  }
0x300: {  	v6 =	vld.idx.msk [tilespmem:v6+s16+$0x0], vm3  }
0x301: {  	v9 =	vadd.s32 $0xFFFEFB00, v5  }
0x302: {  	v5 =	vadd.s32 $0xFFFE7980, v5;
	vm0 =	vlt.u32 v9, $0x8180  }
0x303: {  	vm1 =	vgt.s32 v5, $0xFFFFFFFF;
	_ =	sdelay $0x1  }
0x304: {  	v7 =	vsel vm2, v8, v7  }
0x305: {  	v6 =	vsel vm3, v6, v7  }
0x306: {  	[tilespmem:s26+$0x18590] =	vst v6;
	v6 =	vld [tilespmem:s26+$0x185A0]  }
0x307: {  	v7 =	vld.idx.msk [tilespmem:v9+s18+$0x0], vm0  }
0x308: {  	v5 =	vld.idx.msk [tilespmem:v5+s16+$0x0], vm1  }
0x309: {  	v8 =	vadd.s32 $0xFFFEFB00, v4  }
0x30a: {  	v4 =	vadd.s32 $0xFFFE7980, v4;
	vm2 =	vlt.u32 v8, $0x8180  }
0x30b: {  	vm3 =	vgt.s32 v4, $0xFFFFFFFF;
	_ =	sdelay $0x1  }
0x30c: {  	v6 =	vsel vm0, v7, v6  }
0x30d: {  	v5 =	vsel vm1, v5, v6  }
0x30e: {  	[tilespmem:s26+$0x185A0] =	vst v5;
	v5 =	vld [tilespmem:s26+$0x185B0]  }
0x30f: {  	v6 =	vld.idx.msk [tilespmem:v8+s18+$0x0], vm2  }
0x310: {  	v4 =	vld.idx.msk [tilespmem:v4+s16+$0x0], vm3  }
0x311: {  	v7 =	vadd.s32 $0xFFFEFB00, v3  }
0x312: {  	v3 =	vadd.s32 $0xFFFE7980, v3;
	vm0 =	vlt.u32 v7, $0x8180  }
0x313: {  	vm1 =	vgt.s32 v3, $0xFFFFFFFF;
	_ =	sdelay $0x1  }
0x314: {  	v5 =	vsel vm2, v6, v5  }
0x315: {  	v4 =	vsel vm3, v4, v5  }
0x316: {  	[tilespmem:s26+$0x185B0] =	vst v4;
	v4 =	vld [tilespmem:s26+$0x185C0]  }
0x317: {  	v5 =	vld.idx.msk [tilespmem:v7+s18+$0x0], vm0  }
0x318: {  	v3 =	vld.idx.msk [tilespmem:v3+s16+$0x0], vm1  }
0x319: {  	v6 =	vadd.s32 $0xFFFEFB00, v2  }
0x31a: {  	v2 =	vadd.s32 $0xFFFE7980, v2;
	vm2 =	vlt.u32 v6, $0x8180  }
0x31b: {  	vm3 =	vgt.s32 v2, $0xFFFFFFFF;
	_ =	sdelay $0x1  }
0x31c: {  	v4 =	vsel vm0, v5, v4  }
0x31d: {  	v3 =	vsel vm1, v3, v4  }
0x31e: {  	[tilespmem:s26+$0x185C0] =	vst v3;
	v3 =	vld [tilespmem:s26+$0x185D0]  }
0x31f: {  	v4 =	vld.idx.msk [tilespmem:v6+s18+$0x0], vm2  }
0x320: {  	v2 =	vld.idx.msk [tilespmem:v2+s16+$0x0], vm3  }
0x321: {  	v5 =	vadd.s32 $0xFFFEFB00, v1  }
0x322: {  	v1 =	vadd.s32 $0xFFFE7980, v1;
	vm0 =	vlt.u32 v5, $0x8180  }
0x323: {  	vm1 =	vgt.s32 v1, $0xFFFFFFFF;
	_ =	sdelay $0x1  }
0x324: {  	v3 =	vsel vm2, v4, v3  }
0x325: {  	v2 =	vsel vm3, v2, v3  }
0x326: {  	[tilespmem:s26+$0x185D0] =	vst v2;
	v2 =	vld [tilespmem:s26+$0x185E0]  }
0x327: {  	v3 =	vld.idx.msk [tilespmem:v5+s18+$0x0], vm0  }
0x328: {  	v1 =	vld.idx.msk [tilespmem:v1+s16+$0x0], vm1  }
0x329: {  	v4 =	vadd.s32 $0xFFFEFB00, v0  }
0x32a: {  	v0 =	vadd.s32 $0xFFFE7980, v0;
	vm2 =	vlt.u32 v4, $0x8180  }
0x32b: {  	vm3 =	vgt.s32 v0, $0xFFFFFFFF  }
0x32c: {  	s29 =	sshra.s32 s30, $0x2;
	v9 =	vld [tilespmem:s26+$0x185F0]  }
0x32d: {  	v2 =	vsel vm0, v3, v2;
	v7 =	vld [tilespmem:s29+$0x0]  }
0x32e: {  	v1 =	vsel vm1, v1, v2;
	v6 =	vld [tilespmem:s29+$0x10]  }
0x32f: {  	v5 =	vld [tilespmem:s29+$0x20];
	[tilespmem:s26+$0x185E0] =	vst v1  }
0x330: {  	v10 =	vld.idx.msk [tilespmem:v4+s18+$0x0], vm2  }
0x331: {  	v11 =	vld.idx.msk [tilespmem:v0+s16+$0x0], vm3  }
0x332: {  	v8 =	vadd.s32 $0xFFFEFB00, v7;
	v7 =	vadd.s32 $0xFFFE7980, v7;
	v4 =	vld [tilespmem:s29+$0x30]  }
.Ltmp5:
0x333: {  	vm0 =	vlt.u32 v8, $0x8180;
	v3 =	vld [tilespmem:s29+$0x40];
	(pc) =	sbr.rel @p0 .LBB2_12-.Ltmp5, $4  }
0x334: {  	vm1 =	vgt.s32 v7, $0xFFFFFFFF;
	v2 =	vld [tilespmem:s29+$0x50]  }
0x335: {  	v1 =	vld [tilespmem:s29+$0x60]  }
0x336: {  	v9 =	vsel vm2, v10, v9;
	v0 =	vld [tilespmem:s29+$0x70]  }
0x337: {  	v9 =	vsel vm3, v11, v9  }
0x338: {  	_ =	sdelay $0x3  }
0x339: {  	v10 =	vld [tilespmem:s29+$0x18580];
	[tilespmem:s26+$0x185F0] =	vst v9  }
0x33a: {  	v8 =	vld.idx.msk [tilespmem:v8+s18+$0x0], vm0  }
0x33b: {  	v37 =	vadd.s32 $0xFFFEFB00, v6;
	v7 =	vld.idx.msk [tilespmem:v7+s16+$0x0], vm1  }
0x33c: {  	v38 =	vadd.s32 $0xFFFE7980, v6;
	vm2 =	vlt.u32 v37, $0x8180  }
0x33d: {  	vm3 =	vgt.s32 v38, $0xFFFFFFFF;
	_ =	sdelay $0x1  }
0x33e: {  	v8 =	vsel vm0, v8, v10  }
0x33f: {  	v7 =	vsel vm1, v7, v8  }
0x340: {  	v39 =	vld [tilespmem:s29+$0x18590];
	[tilespmem:s29+$0x18580] =	vst v7  }
0x341: {  	v40 =	vld.idx.msk [tilespmem:v37+s18+$0x0], vm2  }
0x342: {  	v41 =	vadd.s32 $0xFFFEFB00, v5;
	v6 =	vld.idx.msk [tilespmem:v38+s16+$0x0], vm3  }
0x343: {  	v42 =	vadd.s32 $0xFFFE7980, v5;
	vm14 =	vlt.u32 v41, $0x8180  }
0x344: {  	vm15 =	vgt.s32 v42, $0xFFFFFFFF;
	_ =	sdelay $0x1  }
0x345: {  	v7 =	vsel vm2, v40, v39  }
0x346: {  	v6 =	vsel vm3, v6, v7  }
0x347: {  	v43 =	vld [tilespmem:s29+$0x185A0];
	[tilespmem:s29+$0x18590] =	vst v6  }
0x348: {  	v44 =	vld.idx.msk [tilespmem:v41+s18+$0x0], vm14  }
0x349: {  	v45 =	vadd.s32 $0xFFFEFB00, v4;
	v5 =	vld.idx.msk [tilespmem:v42+s16+$0x0], vm15  }
0x34a: {  	v46 =	vadd.s32 $0xFFFE7980, v4;
	vm6 =	vlt.u32 v45, $0x8180  }
0x34b: {  	vm7 =	vgt.s32 v46, $0xFFFFFFFF;
	_ =	sdelay $0x1  }
0x34c: {  	v6 =	vsel vm14, v44, v43  }
0x34d: {  	v5 =	vsel vm15, v5, v6  }
0x34e: {  	v47 =	vld [tilespmem:s29+$0x185B0];
	[tilespmem:s29+$0x185A0] =	vst v5  }
0x34f: {  	v48 =	vld.idx.msk [tilespmem:v45+s18+$0x0], vm6  }
0x350: {  	v49 =	vadd.s32 $0xFFFEFB00, v3;
	v4 =	vld.idx.msk [tilespmem:v46+s16+$0x0], vm7  }
0x351: {  	v50 =	vadd.s32 $0xFFFE7980, v3;
	vm8 =	vlt.u32 v49, $0x8180  }
0x352: {  	vm9 =	vgt.s32 v50, $0xFFFFFFFF;
	_ =	sdelay $0x1  }
0x353: {  	v5 =	vsel vm6, v48, v47  }
0x354: {  	v4 =	vsel vm7, v4, v5  }
0x355: {  	v51 =	vld [tilespmem:s29+$0x185C0];
	[tilespmem:s29+$0x185B0] =	vst v4  }
0x356: {  	v52 =	vld.idx.msk [tilespmem:v49+s18+$0x0], vm8  }
0x357: {  	v53 =	vadd.s32 $0xFFFEFB00, v2;
	v3 =	vld.idx.msk [tilespmem:v50+s16+$0x0], vm9  }
0x358: {  	v54 =	vadd.s32 $0xFFFE7980, v2;
	vm10 =	vlt.u32 v53, $0x8180  }
0x359: {  	vm11 =	vgt.s32 v54, $0xFFFFFFFF;
	_ =	sdelay $0x1  }
0x35a: {  	v4 =	vsel vm8, v52, v51  }
0x35b: {  	v3 =	vsel vm9, v3, v4  }
0x35c: {  	v55 =	vld [tilespmem:s29+$0x185D0];
	[tilespmem:s29+$0x185C0] =	vst v3  }
0x35d: {  	v56 =	vld.idx.msk [tilespmem:v53+s18+$0x0], vm10  }
0x35e: {  	v57 =	vadd.s32 $0xFFFEFB00, v1;
	v2 =	vld.idx.msk [tilespmem:v54+s16+$0x0], vm11  }
0x35f: {  	v58 =	vadd.s32 $0xFFFE7980, v1;
	vm12 =	vlt.u32 v57, $0x8180  }
0x360: {  	vm13 =	vgt.s32 v58, $0xFFFFFFFF;
	_ =	sdelay $0x1  }
0x361: {  	v3 =	vsel vm10, v56, v55  }
0x362: {  	v2 =	vsel vm11, v2, v3  }
0x363: {  	v59 =	vld [tilespmem:s29+$0x185E0];
	[tilespmem:s29+$0x185D0] =	vst v2  }
0x364: {  	v60 =	vld.idx.msk [tilespmem:v57+s18+$0x0], vm12  }
0x365: {  	v61 =	vadd.s32 $0xFFFEFB00, v0;
	v1 =	vld.idx.msk [tilespmem:v58+s16+$0x0], vm13  }
0x366: {  	v62 =	vadd.s32 $0xFFFE7980, v0;
	vm14 =	vlt.u32 v61, $0x8180  }
0x367: {  	vm15 =	vgt.s32 v62, $0xFFFFFFFF;
	_ =	sdelay $0x1  }
0x368: {  	v2 =	vsel vm12, v60, v59  }
0x369: {  	v1 =	vsel vm13, v1, v2  }
0x36a: {  	v63 =	vld [tilespmem:s29+$0x185F0];
	[tilespmem:s29+$0x185E0] =	vst v1  }
0x36b: {  	v1 =	vld.idx.msk [tilespmem:v61+s18+$0x0], vm14  }
0x36c: {  	v0 =	vld.idx.msk [tilespmem:v62+s16+$0x0], vm15;
	_ =	sdelay $0x3  }
0x36d: {  	v1 =	vsel vm14, v1, v63  }
0x36e: {  	v0 =	vsel vm15, v0, v1  }
0x36f: {  	s25 =	sadd.s32 $0x1, s25;
	[tilespmem:s29+$0x185F0] =	vst v0  }
0x370: {  	[hbm4b:s10+s12] =	stream.strided.scatter [tilespmem:s22], [sflag:$0x5], $0x4000, s13, s12, $0x38;
	[tilespmem:$0x1C580] =	vst v63  }
0x371: {  	p0 =	sne.s32 s25, s11;
	_ =	swait.ge [sflag:s23], $0x4000  }
.Ltmp6:
0x372: {  	[sflag:s23] =	ssyncset.done $0x0;
	(pc) =	sbr.rel @p0 .LBB2_1-.Ltmp6, $4  }
0x373: {  	[sflag:s23] =	ssyncadd.s32 $0xFFFFC000  }
0x374: {  	_ =	swait.ge [sflag:s24], $0x4000  }
0x375: {  	[sflag:s24] =	ssyncset.done $0x0  }
0x376: {  	[sflag:s24] =	ssyncadd.s32 $0xFFFFC000  }
0x377: {  	_ =	sfence.sel $0x180000  }
0x378: {  	[bflag:$0x0] =	sbarrier.arrive $0xFFFF  }
0x379: {  	p0 =	sne.s32 s0, $0x0;
	_ =	strace $0x9000004A  }
0x37a: {  	s0 =	sadd.s32 @!p0 $0x100000, s1;
	[bflag:$0x2] =	sbarrier.arrive $0xFFFF  }
0x37b: {  	[sflag:s0] =	ssyncadd.tile.s32 @!p0 $0x1;
	_ =	shalt  }
.Lfunc_end2:
_tile_overlayer_lowered:
.L_overlay_start_2:
0x37c: {  	(tag) =	ssettag $0x2  }
0x37d: {  	s0 =	rddreg [dreg:$0x0];
	s2 =	stileid.u32  }
0x37e: {  	s1 =	rddreg [dreg:$0x1];
	p0 =	sne.s32 s2, $0x0  }
0x37f: {  	s3 =	rddreg [dreg:$0x2];
	[bflag:$0x3] =	sbarrier.arrive $0xFFFF;
	s2 =	simm.s32 @!p0 $0x1C06  }
0x380: {  	[timem:s3], [sflag:s2] =	dma.local @!p0 [hbm:s0], s1  }
0x381: {  	s0 =	simm.s32 @!p0 $0x6  }
0x382: {  	_ =	swait.ge @!p0 [sflag:s0], s1  }
0x383: {  	s1 =	ssub.s32 @!p0 $0x0, s1;
	[sflag:s0] =	ssyncset.done @!p0 $0x0  }
0x384: {  	[sflag:s0] =	ssyncadd.s32 @!p0 s1  }
0x385: {  	[bflag:$0x3] =	sbarrier.arrive $0xFFFF  }
0x386: {  	_ =	shalt  }

</sc_bundles>
